<compile_context>
chip_gen: v7x
topology: tpu7x:2x2x1
jax: 0.10.2.dev20260603
libtpu: 0.0.44.dev20260713+nightly
codegen_flags: <defaults>
</compile_context>

<pallas_src>
import jax
import jax.numpy as jnp
from jax import lax
from jax.experimental import pallas as pl
from jax.experimental.pallas import tpu as pltpu
from jax.experimental.pallas import tpu_sc as plsc

_R = 256
_K = 6
_LANES = 16
_SUBCORES = 32
_N_SC = 3584


def _topk_mask(d2, N, self_idx):
    it = lax.broadcasted_iota(jnp.int32, d2.shape, 1)
    sel0 = it == self_idx
    M = sel0.astype(jnp.float32)
    d2 = jnp.where(sel0, jnp.inf, d2)
    for _ in range(_K - 1):
        m = jnp.min(d2, axis=1, keepdims=True)
        idx = jnp.min(jnp.where(d2 == m, it, N), axis=1, keepdims=True)
        sel = it == idx
        M = M + sel.astype(jnp.float32)
        d2 = jnp.where(sel, jnp.inf, d2)
    return M


def _mlp(xr, S, Wi_ref, bi_ref, Wn_ref, bn_ref, Wf_ref, bf_ref):
    F0 = jnp.dot(xr, Wi_ref[...], preferred_element_type=jnp.float32) + bi_ref[...]
    G = F0 + jnp.dot(S - 6.0 * xr, Wn_ref[...],
                     preferred_element_type=jnp.float32) + 6.0 * bn_ref[...]
    return jnp.dot(G, Wf_ref[...], preferred_element_type=jnp.float32) + 7.0 * bf_ref[...]


def _tc_main_body(xq3_ref, xy_ref, x0_ref, depot_ref,
                  Wi_ref, bi_ref, Wn_ref, bn_ref, Wf_ref, bf_ref,
                  Wd_ref, bd_ref,
                  F_ref, dep_ref, sm_ref):
    j = pl.program_id(0)
    N = xy_ref.shape[1]
    nb_per_batch = N // _R
    xr = xq3_ref[...]
    xi = xr[:, 0:2]
    xj = xy_ref[0]
    dx = xi[:, 0:1] - xj[:, 0][None, :]
    dy = xi[:, 1:2] - xj[:, 1][None, :]
    self_idx = ((j % nb_per_batch) * _R
                + lax.broadcasted_iota(jnp.int32, (_R, 1), 0))
    M = _topk_mask(dx * dx + dy * dy, N, self_idx)
    S = jnp.dot(M, x0_ref[...], preferred_element_type=jnp.float32)
    F = _mlp(xr, S, Wi_ref, bi_ref, Wn_ref, bn_ref, Wf_ref, bf_ref)
    F_ref[...] = F
    rowsum = jnp.sum(F, axis=0, keepdims=True)
    bmask = lax.broadcasted_iota(jnp.int32, (2, 1), 0) == j // nb_per_batch
    contrib = jnp.where(bmask, rowsum, 0.0)

    @pl.when(j == 0)
    def _():
        dep_ref[...] = jnp.dot(depot_ref[...], Wd_ref[...],
                               preferred_element_type=jnp.float32) + bd_ref[...]
        sm_ref[...] = contrib

    @pl.when(j != 0)
    def _():
        sm_ref[...] += contrib


def _tc_tail_body(xq3_ref, S_ref,
                  Wi_ref, bi_ref, Wn_ref, bn_ref, Wf_ref, bf_ref,
                  F_ref, sm_ref):
    j = pl.program_id(0)
    F = _mlp(xq3_ref[...], S_ref[...],
             Wi_ref, bi_ref, Wn_ref, bn_ref, Wf_ref, bf_ref)
    F_ref[...] = F
    rowsum = jnp.sum(F, axis=0, keepdims=True)

    @pl.when(j == 0)
    def _():
        sm_ref[...] = rowsum

    @pl.when(j != 0)
    def _():
        sm_ref[...] += rowsum


def _sc_select_kernel(n_rows, self_off):
    rows_per_tile = n_rows // _SUBCORES
    groups = rows_per_tile // _LANES
    mesh = plsc.VectorSubcoreMesh(core_axis_name="c", subcore_axis_name="s")

    def body(qx_hbm, qy_hbm, cx_hbm, cy_hbm, p0_hbm, p1_hbm, p2_hbm,
             s0_hbm, s1_hbm, s2_hbm,
             qx_v, qy_v, cx_v, cy_v, p0_v, p1_v, p2_v, s0_v, s1_v, s2_v):
        N = cx_hbm.shape[0]
        w = lax.axis_index("s") * 2 + lax.axis_index("c")
        base = w * rows_per_tile
        pltpu.sync_copy(qx_hbm.at[pl.ds(base, rows_per_tile)], qx_v)
        pltpu.sync_copy(qy_hbm.at[pl.ds(base, rows_per_tile)], qy_v)
        pltpu.sync_copy(cx_hbm, cx_v)
        pltpu.sync_copy(cy_hbm, cy_v)
        pltpu.sync_copy(p0_hbm, p0_v)
        pltpu.sync_copy(p1_hbm, p1_v)
        pltpu.sync_copy(p2_hbm, p2_v)
        for gs in [(g,) for g in range(groups)]:
            xis = [qx_v[pl.ds(g * _LANES, _LANES)] for g in gs]
            yis = [qy_v[pl.ds(g * _LANES, _LANES)] for g in gs]
            self_is = [(jnp.full((_LANES,), self_off + base + g * _LANES,
                                 jnp.int32) + lax.iota(jnp.int32, 16))
                       for g in gs]
            inf = jnp.full((_LANES,), jnp.inf, jnp.float32)
            zero = jnp.zeros((_LANES,), jnp.int32)
            carry = (inf, inf, inf, inf, inf,
                     zero, zero, zero, zero, zero) * len(gs)

            def step(c, cr, xis=xis, yis=yis, self_is=self_is):
                jv = jnp.full((_LANES,), c, jnp.int32)
                bx = plsc.load_gather(cx_v, [jv])
                by = plsc.load_gather(cy_v, [jv])
                out = ()
                for k in range(len(xis)):
                    b1, b2, b3, b4, b5, i1, i2, i3, i4, i5 = \
                        cr[10 * k:10 * k + 10]
                    dx = bx - xis[k]
                    dy = by - yis[k]
                    d2 = dx * dx + dy * dy
                    d2 = jnp.where(jv == self_is[k], jnp.inf, d2)
                    c1 = d2 < b1
                    c2 = d2 < b2
                    c3 = d2 < b3
                    c4 = d2 < b4
                    c5 = d2 < b5
                    nb5 = jnp.where(c5, jnp.where(c4, b4, d2), b5)
                    ni5 = jnp.where(c5, jnp.where(c4, i4, jv), i5)
                    nb4 = jnp.where(c4, jnp.where(c3, b3, d2), b4)
                    ni4 = jnp.where(c4, jnp.where(c3, i3, jv), i4)
                    nb3 = jnp.where(c3, jnp.where(c2, b2, d2), b3)
                    ni3 = jnp.where(c3, jnp.where(c2, i2, jv), i3)
                    nb2 = jnp.where(c2, jnp.where(c1, b1, d2), b2)
                    ni2 = jnp.where(c2, jnp.where(c1, i1, jv), i2)
                    nb1 = jnp.where(c1, d2, b1)
                    ni1 = jnp.where(c1, jv, i1)
                    out += (nb1, nb2, nb3, nb4, nb5,
                            ni1, ni2, ni3, ni4, ni5)
                return out

            carry = lax.fori_loop(0, N, step, carry, unroll=4)
            for k, g in enumerate(gs):
                idxs = (self_is[k],) + carry[10 * k + 5:10 * k + 10]
                s0 = jnp.zeros((_LANES,), jnp.float32)
                s1 = jnp.zeros((_LANES,), jnp.float32)
                s2 = jnp.zeros((_LANES,), jnp.float32)
                for ik in idxs:
                    s0 = s0 + plsc.load_gather(p0_v, [ik])
                    s1 = s1 + plsc.load_gather(p1_v, [ik])
                    s2 = s2 + plsc.load_gather(p2_v, [ik])
                s0_v[pl.ds(g * _LANES, _LANES)] = s0
                s1_v[pl.ds(g * _LANES, _LANES)] = s1
                s2_v[pl.ds(g * _LANES, _LANES)] = s2
        pltpu.sync_copy(s0_v, s0_hbm.at[pl.ds(base, rows_per_tile)])
        pltpu.sync_copy(s1_v, s1_hbm.at[pl.ds(base, rows_per_tile)])
        pltpu.sync_copy(s2_v, s2_hbm.at[pl.ds(base, rows_per_tile)])

    out = jax.ShapeDtypeStruct((n_rows,), jnp.float32)
    vec = lambda n: pltpu.VMEM((n,), jnp.float32)
    return pl.kernel(
        body,
        mesh=mesh,
        compiler_params=pltpu.CompilerParams(needs_layout_passes=False),
        out_type=[out, out, out],
        scratch_types=[
            vec(rows_per_tile), vec(rows_per_tile),
            vec(4096), vec(4096), vec(4096), vec(4096), vec(4096),
            vec(rows_per_tile), vec(rows_per_tile), vec(rows_per_tile),
        ],
    )


def kernel(loc, deadline, depot, Wi, bi, Wn, bn, Wf, bf, Wd, bd):
    B, N, _ = loc.shape
    E = Wi.shape[1]
    x = jnp.concatenate([loc, deadline[:, :, None]], axis=2)
    x0 = x[0]
    bi2, bn2, bf2, bd2 = (v.reshape(1, E) for v in (bi, bn, bf, bd))
    n_tc = B * N - _N_SC
    xq3 = x.reshape(B * N, 3)
    wspecs = [
        pl.BlockSpec((3, E), lambda j: (0, 0)),
        pl.BlockSpec((1, E), lambda j: (0, 0)),
        pl.BlockSpec((3, E), lambda j: (0, 0)),
        pl.BlockSpec((1, E), lambda j: (0, 0)),
        pl.BlockSpec((E, E), lambda j: (0, 0)),
        pl.BlockSpec((1, E), lambda j: (0, 0)),
    ]

    tail = N - _N_SC
    s0, s1, s2 = _sc_select_kernel(_N_SC, tail)(
        loc[1, tail:, 0], loc[1, tail:, 1], loc[1, :, 0], loc[1, :, 1],
        x0[:, 0], x0[:, 1], x0[:, 2])
    S_sc = jnp.stack([s0, s1, s2], axis=-1)

    F_tc, dep, sm_tc = pl.pallas_call(
        _tc_main_body,
        grid=(n_tc // _R,),
        in_specs=[
            pl.BlockSpec((_R, 3), lambda j: (j, 0)),
            pl.BlockSpec((1, N, 2), lambda j: (j // (N // _R), 0, 0)),
            pl.BlockSpec((N, 3), lambda j: (0, 0)),
            pl.BlockSpec((2, 2), lambda j: (0, 0)),
        ] + wspecs + [
            pl.BlockSpec((2, E), lambda j: (0, 0)),
            pl.BlockSpec((1, E), lambda j: (0, 0)),
        ],
        out_specs=[
            pl.BlockSpec((_R, E), lambda j: (j, 0)),
            pl.BlockSpec((2, E), lambda j: (0, 0)),
            pl.BlockSpec((2, E), lambda j: (0, 0)),
        ],
        out_shape=[
            jax.ShapeDtypeStruct((n_tc, E), jnp.float32),
            jax.ShapeDtypeStruct((2, E), jnp.float32),
            jax.ShapeDtypeStruct((2, E), jnp.float32),
        ],
    )(xq3[:n_tc], loc, x0, depot, Wi, bi2, Wn, bn2, Wf, bf2, Wd, bd2)

    F_sc, sm_sc = pl.pallas_call(
        _tc_tail_body,
        grid=(_N_SC // _R,),
        in_specs=[
            pl.BlockSpec((_R, 3), lambda j: (j, 0)),
            pl.BlockSpec((_R, 3), lambda j: (j, 0)),
        ] + wspecs,
        out_specs=[
            pl.BlockSpec((_R, E), lambda j: (j, 0)),
            pl.BlockSpec((1, E), lambda j: (0, 0)),
        ],
        out_shape=[
            jax.ShapeDtypeStruct((_N_SC, E), jnp.float32),
            jax.ShapeDtypeStruct((1, E), jnp.float32),
        ],
    )(xq3[n_tc:], S_sc, Wi, bi2, Wn, bn2, Wf, bf2)

    F = jnp.concatenate([F_tc, F_sc], axis=0).reshape(B, N, E)
    h = jnp.concatenate([dep[:, None, :], F], axis=1)
    sm = sm_tc + jnp.concatenate(
        [jnp.zeros((1, E), jnp.float32), sm_sc], axis=0)
    mean = (dep + sm) / (N + 1)
    return (h, mean)

# --- scband reference (transcript-rebuilt; emitter-appended) ---
"""Pipeline reference for scband-ccn3-12275016532630 (READ-ONLY COPY).

The authoritative reference and input builder live on the scoring server;
editing this copy changes nothing except your own understanding.
"""

import jax, jax.numpy as jnp
import numpy as np


def _linear_params(key, fan_in, fan_out):
    kw, kb = jax.random.split(key)
    bound = 1.0 / np.sqrt(fan_in)
    W = jax.random.uniform(kw, (fan_in, fan_out), minval=-bound, maxval=bound, dtype=jnp.float32)
    b = jax.random.uniform(kb, (fan_out,), minval=-bound, maxval=bound, dtype=jnp.float32)
    return W, b


def setup_inputs(seed: int = 0) -> dict:
    key = jax.random.key(seed)
    ks = jax.random.split(key, 8)
    B, N, E = 2, 4096, 128
    loc = jax.random.uniform(ks[0], (B, N, 2), dtype=jnp.float32)
    deadline = jax.random.uniform(ks[1], (B, N), dtype=jnp.float32)
    depot = jax.random.uniform(ks[2], (B, 2), dtype=jnp.float32)
    Wi, bi = _linear_params(ks[3], 3, E)   # init_embed
    Wn, bn = _linear_params(ks[4], 3, E)   # neighbour_encode
    Wf, bf = _linear_params(ks[5], E, E)   # final_embedding
    Wd, bd = _linear_params(ks[6], 2, E)   # init_embed_depot
    return {"loc": loc, "deadline": deadline, "depot": depot,
            "Wi": Wi, "bi": bi, "Wn": Wn, "bn": bn,
            "Wf": Wf, "bf": bf, "Wd": Wd, "bd": bd}


def reference(loc, deadline, depot, Wi, bi, Wn, bn, Wf, bf, Wd, bd):
    # x = cat(loc, deadline[:,:,None]) -> [B, N, 3]
    x = jnp.concatenate([loc, deadline[:, :, None]], axis=2)
    x2 = x[:, :, 0:2]
    # init_embed
    F0 = x @ Wi + bi  # [B, N, E]
    # pairwise euclidean distances: dist_mat[b, i, j] = ||x2[b, j] - x2[b, i]||
    diff = x2[:, None, :, :] - x2[:, :, None, :]
    dist_mat = jnp.linalg.norm(diff, axis=-1)  # [B, N, N]
    # kNN via full sort (torch: dist_mat.sort().indices[:, :, :6])
    neighbors = jnp.argsort(dist_mat, axis=-1)[:, :, :6]  # [B, N, 6]
    # torch quirk: x[:, neighbors][0] == x[0][neighbors] (batch-0 coords for all batches)
    neighbour = jnp.take(x[0], neighbors, axis=0)  # [B, N, 6, 3]
    neighbour_delta = neighbour - x[:, :, None, :]  # [B, N, 6, 3]
    nde = neighbour_delta @ Wn + bn  # [B, N, 6, E]
    concat = jnp.concatenate([F0[:, :, None, :], nde], axis=2)  # [B, N, 7, E]
    F_final = (concat @ Wf + bf).sum(axis=2)  # [B, N, E]
    depot_e = (depot @ Wd + bd)[:, None, :]  # [B, 1, E]
    h = jnp.concatenate([depot_e, F_final], axis=-2)  # [B, N+1, E]
    return (h, h.mean(axis=1))

if __name__ == "__main__":
    import jax
    _d = setup_inputs()
    print(jax.jit(kernel)(*tuple(_d.values())))

</pallas_src>

<mosaic_0001>
#map = affine_map<(d0, d1) -> (0)>
module attributes {stable_mosaic.version = 14 : i64} {
  func.func @body(%arg0: i32, %arg1: i32, %arg2: memref<3584xf32, #tpu.memory_space<hbm>>, %arg3: memref<3584xf32, #tpu.memory_space<hbm>>, %arg4: memref<4096xf32, #tpu.memory_space<hbm>>, %arg5: memref<4096xf32, #tpu.memory_space<hbm>>, %arg6: memref<4096xf32, #tpu.memory_space<hbm>>, %arg7: memref<4096xf32, #tpu.memory_space<hbm>>, %arg8: memref<4096xf32, #tpu.memory_space<hbm>>, %arg9: memref<3584xf32, #tpu.memory_space<hbm>>, %arg10: memref<3584xf32, #tpu.memory_space<hbm>>, %arg11: memref<3584xf32, #tpu.memory_space<hbm>>, %arg12: memref<112xf32, #tpu.memory_space<vmem>>, %arg13: memref<112xf32, #tpu.memory_space<vmem>>, %arg14: memref<4096xf32, #tpu.memory_space<vmem>>, %arg15: memref<4096xf32, #tpu.memory_space<vmem>>, %arg16: memref<4096xf32, #tpu.memory_space<vmem>>, %arg17: memref<4096xf32, #tpu.memory_space<vmem>>, %arg18: memref<4096xf32, #tpu.memory_space<vmem>>, %arg19: memref<112xf32, #tpu.memory_space<vmem>>, %arg20: memref<112xf32, #tpu.memory_space<vmem>>, %arg21: memref<112xf32, #tpu.memory_space<vmem>>) attributes {dimension_semantics = [#tpu.dimension_semantics<core_parallel>, #tpu.dimension_semantics<subcore_parallel>], iteration_bounds = array<i64: 2, 16>, scalar_prefetch = 0 : i64, scratch_operands = 10 : i64, tpu.core_type = #tpu.core_type<sc_vector_subcore>, window_params = [{transform_indices = #map}, {transform_indices = #map}, {transform_indices = #map}, {transform_indices = #map}, {transform_indices = #map}, {transform_indices = #map}, {transform_indices = #map}, {transform_indices = #map}, {transform_indices = #map}, {transform_indices = #map}]} {
    %mul3A = arith.constant 2 : i32
    %mul3A_0 = arith.muli %arg1, %mul3A : i32
    %add3A = arith.addi %mul3A_0, %arg0 : i32
    %mul3A_1 = arith.constant 112 : i32
    %mul3A_2 = arith.muli %add3A, %mul3A_1 : i32
    "tpu.region"() ({
      %run_scoped3A = tpu.sem_alloc : memref<!tpu.dma_semaphore, #tpu.memory_space<semaphore_mem>>
      %dma_start3A = tpu.memref_slice %arg2[%mul3A_2] : memref<3584xf32, #tpu.memory_space<hbm>> -> memref<112xf32, #tpu.memory_space<hbm>>
      %dma_start3A_480 = tpu.memref_slice %arg2[%mul3A_2] : memref<3584xf32, #tpu.memory_space<hbm>> -> memref<112xf32, #tpu.memory_space<hbm>>
      tpu.enqueue_dma source(%dma_start3A_480 : memref<112xf32, #tpu.memory_space<hbm>>) target(%arg12 : memref<112xf32, #tpu.memory_space<vmem>>) target_semaphore(%run_scoped3A : memref<!tpu.dma_semaphore, #tpu.memory_space<semaphore_mem>>)
      %dma_wait3A = tpu.memref_slice %arg2[%mul3A_2] : memref<3584xf32, #tpu.memory_space<hbm>> -> memref<112xf32, #tpu.memory_space<hbm>>
      %dma_wait3A_481 = tpu.memref_slice %arg2[%mul3A_2] : memref<3584xf32, #tpu.memory_space<hbm>> -> memref<112xf32, #tpu.memory_space<hbm>>
      tpu.wait_dma2 semaphore(%run_scoped3A : memref<!tpu.dma_semaphore, #tpu.memory_space<semaphore_mem>>) src(%dma_wait3A_481 : memref<112xf32, #tpu.memory_space<hbm>>) dst(%arg12 : memref<112xf32, #tpu.memory_space<vmem>>)
      tpu.yield
    }) : () -> ()
    "tpu.region"() ({
      %run_scoped3A = tpu.sem_alloc : memref<!tpu.dma_semaphore, #tpu.memory_space<semaphore_mem>>
      %dma_start3A = tpu.memref_slice %arg3[%mul3A_2] : memref<3584xf32, #tpu.memory_space<hbm>> -> memref<112xf32, #tpu.memory_space<hbm>>
      %dma_start3A_480 = tpu.memref_slice %arg3[%mul3A_2] : memref<3584xf32, #tpu.memory_space<hbm>> -> memref<112xf32, #tpu.memory_space<hbm>>
      tpu.enqueue_dma source(%dma_start3A_480 : memref<112xf32, #tpu.memory_space<hbm>>) target(%arg13 : memref<112xf32, #tpu.memory_space<vmem>>) target_semaphore(%run_scoped3A : memref<!tpu.dma_semaphore, #tpu.memory_space<semaphore_mem>>)
      %dma_wait3A = tpu.memref_slice %arg3[%mul3A_2] : memref<3584xf32, #tpu.memory_space<hbm>> -> memref<112xf32, #tpu.memory_space<hbm>>
      %dma_wait3A_481 = tpu.memref_slice %arg3[%mul3A_2] : memref<3584xf32, #tpu.memory_space<hbm>> -> memref<112xf32, #tpu.memory_space<hbm>>
      tpu.wait_dma2 semaphore(%run_scoped3A : memref<!tpu.dma_semaphore, #tpu.memory_space<semaphore_mem>>) src(%dma_wait3A_481 : memref<112xf32, #tpu.memory_space<hbm>>) dst(%arg13 : memref<112xf32, #tpu.memory_space<vmem>>)
      tpu.yield
    }) : () -> ()
    "tpu.region"() ({
      %run_scoped3A = tpu.sem_alloc : memref<!tpu.dma_semaphore, #tpu.memory_space<semaphore_mem>>
      tpu.enqueue_dma source(%arg4 : memref<4096xf32, #tpu.memory_space<hbm>>) target(%arg14 : memref<4096xf32, #tpu.memory_space<vmem>>) target_semaphore(%run_scoped3A : memref<!tpu.dma_semaphore, #tpu.memory_space<semaphore_mem>>)
      tpu.wait_dma2 semaphore(%run_scoped3A : memref<!tpu.dma_semaphore, #tpu.memory_space<semaphore_mem>>) src(%arg4 : memref<4096xf32, #tpu.memory_space<hbm>>) dst(%arg14 : memref<4096xf32, #tpu.memory_space<vmem>>)
      tpu.yield
    }) : () -> ()
    "tpu.region"() ({
      %run_scoped3A = tpu.sem_alloc : memref<!tpu.dma_semaphore, #tpu.memory_space<semaphore_mem>>
      tpu.enqueue_dma source(%arg5 : memref<4096xf32, #tpu.memory_space<hbm>>) target(%arg15 : memref<4096xf32, #tpu.memory_space<vmem>>) target_semaphore(%run_scoped3A : memref<!tpu.dma_semaphore, #tpu.memory_space<semaphore_mem>>)
      tpu.wait_dma2 semaphore(%run_scoped3A : memref<!tpu.dma_semaphore, #tpu.memory_space<semaphore_mem>>) src(%arg5 : memref<4096xf32, #tpu.memory_space<hbm>>) dst(%arg15 : memref<4096xf32, #tpu.memory_space<vmem>>)
      tpu.yield
    }) : () -> ()
    "tpu.region"() ({
      %run_scoped3A = tpu.sem_alloc : memref<!tpu.dma_semaphore, #tpu.memory_space<semaphore_mem>>
      tpu.enqueue_dma source(%arg6 : memref<4096xf32, #tpu.memory_space<hbm>>) target(%arg16 : memref<4096xf32, #tpu.memory_space<vmem>>) target_semaphore(%run_scoped3A : memref<!tpu.dma_semaphore, #tpu.memory_space<semaphore_mem>>)
      tpu.wait_dma2 semaphore(%run_scoped3A : memref<!tpu.dma_semaphore, #tpu.memory_space<semaphore_mem>>) src(%arg6 : memref<4096xf32, #tpu.memory_space<hbm>>) dst(%arg16 : memref<4096xf32, #tpu.memory_space<vmem>>)
      tpu.yield
    }) : () -> ()
    "tpu.region"() ({
      %run_scoped3A = tpu.sem_alloc : memref<!tpu.dma_semaphore, #tpu.memory_space<semaphore_mem>>
      tpu.enqueue_dma source(%arg7 : memref<4096xf32, #tpu.memory_space<hbm>>) target(%arg17 : memref<4096xf32, #tpu.memory_space<vmem>>) target_semaphore(%run_scoped3A : memref<!tpu.dma_semaphore, #tpu.memory_space<semaphore_mem>>)
      tpu.wait_dma2 semaphore(%run_scoped3A : memref<!tpu.dma_semaphore, #tpu.memory_space<semaphore_mem>>) src(%arg7 : memref<4096xf32, #tpu.memory_space<hbm>>) dst(%arg17 : memref<4096xf32, #tpu.memory_space<vmem>>)
      tpu.yield
    }) : () -> ()
    "tpu.region"() ({
      %run_scoped3A = tpu.sem_alloc : memref<!tpu.dma_semaphore, #tpu.memory_space<semaphore_mem>>
      tpu.enqueue_dma source(%arg8 : memref<4096xf32, #tpu.memory_space<hbm>>) target(%arg18 : memref<4096xf32, #tpu.memory_space<vmem>>) target_semaphore(%run_scoped3A : memref<!tpu.dma_semaphore, #tpu.memory_space<semaphore_mem>>)
      tpu.wait_dma2 semaphore(%run_scoped3A : memref<!tpu.dma_semaphore, #tpu.memory_space<semaphore_mem>>) src(%arg8 : memref<4096xf32, #tpu.memory_space<hbm>>) dst(%arg18 : memref<4096xf32, #tpu.memory_space<vmem>>)
      tpu.yield
    }) : () -> ()
    %get3A = arith.constant 0 : index
    %get3A_3 = tpu.vector_load %arg12[%get3A] {strides = array<i32>} : memref<112xf32, #tpu.memory_space<vmem>>, vector<16xf32>,
    %get3A_4 = arith.constant 0 : index
    %get3A_5 = tpu.vector_load %arg13[%get3A_4] {strides = array<i32>} : memref<112xf32, #tpu.memory_space<vmem>>, vector<16xf32>,
    %add3A_6 = arith.constant 512 : i32
    %add3A_7 = arith.addi %add3A_6, %mul3A_2 : i32
    %add3A_8 = arith.constant 0 : i32
    %add3A_9 = arith.addi %add3A_7, %add3A_8 : i32
    %broadcast_in_dim3A = vector.broadcast %add3A_9 : i32 to vector<16xi32>
    %iota3A = tpu.iota {dimensions = array<i32: 0>} : vector<16xi32>
    %add3A_10 = arith.addi %broadcast_in_dim3A, %iota3A : vector<16xi32>
    %broadcast_in_dim3A_11 = arith.constant 0x7F800000 : f32
    %broadcast_in_dim3A_12 = vector.broadcast %broadcast_in_dim3A_11 : f32 to vector<16xf32>
    %broadcast_in_dim3A_13 = arith.constant 0 : i32
    %broadcast_in_dim3A_14 = vector.broadcast %broadcast_in_dim3A_13 : i32 to vector<16xi32>
    %scan3A = arith.constant 0 : i32
    %scan3A_15 = arith.constant 4096 : i32
    %scan3A_16 = arith.addi %scan3A, %scan3A_15 : i32
    %scan3A_17 = arith.constant 4 : i32
    %scan3A_18:10 = scf.for %scan3A_480 = %scan3A to %scan3A_16 step %scan3A_17 iter_args(%scan3A_481 = %broadcast_in_dim3A_12, %scan3A_482 = %broadcast_in_dim3A_12, %scan3A_483 = %broadcast_in_dim3A_12, %scan3A_484 = %broadcast_in_dim3A_12, %scan3A_485 = %broadcast_in_dim3A_12, %scan3A_486 = %broadcast_in_dim3A_14, %scan3A_487 = %broadcast_in_dim3A_14, %scan3A_488 = %broadcast_in_dim3A_14, %scan3A_489 = %broadcast_in_dim3A_14, %scan3A_490 = %broadcast_in_dim3A_14) -> (vector<16xf32>, vector<16xf32>, vector<16xf32>, vector<16xf32>, vector<16xf32>, vector<16xi32>, vector<16xi32>, vector<16xi32>, vector<16xi32>, vector<16xi32>)  : i32 {
      %broadcast_in_dim3A_491 = vector.broadcast %scan3A_480 : i32 to vector<16xi32>
      %gather3A_492 = tpu.vector_load_idx %arg14[%broadcast_in_dim3A_491] : memref<4096xf32, #tpu.memory_space<vmem>>[vector<16xi32>], vector<16xf32>,
      %gather3A_493 = tpu.vector_load_idx %arg15[%broadcast_in_dim3A_491] : memref<4096xf32, #tpu.memory_space<vmem>>[vector<16xi32>], vector<16xf32>,
      %sub3A = arith.subf %gather3A_492, %get3A_3 : vector<16xf32>
      %sub3A_494 = arith.subf %gather3A_493, %get3A_5 : vector<16xf32>
      %mul3A_495 = arith.mulf %sub3A, %sub3A : vector<16xf32>
      %mul3A_496 = arith.mulf %sub3A_494, %sub3A_494 : vector<16xf32>
      %add3A_497 = arith.addf %mul3A_495, %mul3A_496 : vector<16xf32>
      %eq3A = arith.cmpi eq, %broadcast_in_dim3A_491, %add3A_10 : vector<16xi32>
      %jit3A = arith.constant 0x7F800000 : f32
      %broadcast_in_dim3A_498 = vector.broadcast %jit3A : f32 to vector<16xf32>
      %select_n3A = arith.select %eq3A, %broadcast_in_dim3A_498, %add3A_497 : vector<16xi1>, vector<16xf32>
      %lt3A = arith.cmpf olt, %select_n3A, %scan3A_481 : vector<16xf32>
      %lt3A_499 = arith.cmpf olt, %select_n3A, %scan3A_482 : vector<16xf32>
      %lt3A_500 = arith.cmpf olt, %select_n3A, %scan3A_483 : vector<16xf32>
      %lt3A_501 = arith.cmpf olt, %select_n3A, %scan3A_484 : vector<16xf32>
      %lt3A_502 = arith.cmpf olt, %select_n3A, %scan3A_485 : vector<16xf32>
      %select_n3A_503 = arith.select %lt3A_501, %scan3A_484, %select_n3A : vector<16xi1>, vector<16xf32>
      %select_n3A_504 = arith.select %lt3A_502, %select_n3A_503, %scan3A_485 : vector<16xi1>, vector<16xf32>
      %select_n3A_505 = arith.select %lt3A_501, %scan3A_489, %broadcast_in_dim3A_491 : vector<16xi1>, vector<16xi32>
      %select_n3A_506 = arith.select %lt3A_502, %select_n3A_505, %scan3A_490 : vector<16xi1>, vector<16xi32>
      %select_n3A_507 = arith.select %lt3A_500, %scan3A_483, %select_n3A : vector<16xi1>, vector<16xf32>
      %select_n3A_508 = arith.select %lt3A_501, %select_n3A_507, %scan3A_484 : vector<16xi1>, vector<16xf32>
      %select_n3A_509 = arith.select %lt3A_500, %scan3A_488, %broadcast_in_dim3A_491 : vector<16xi1>, vector<16xi32>
      %select_n3A_510 = arith.select %lt3A_501, %select_n3A_509, %scan3A_489 : vector<16xi1>, vector<16xi32>
      %select_n3A_511 = arith.select %lt3A_499, %scan3A_482, %select_n3A : vector<16xi1>, vector<16xf32>
      %select_n3A_512 = arith.select %lt3A_500, %select_n3A_511, %scan3A_483 : vector<16xi1>, vector<16xf32>
      %select_n3A_513 = arith.select %lt3A_499, %scan3A_487, %broadcast_in_dim3A_491 : vector<16xi1>, vector<16xi32>
      %select_n3A_514 = arith.select %lt3A_500, %select_n3A_513, %scan3A_488 : vector<16xi1>, vector<16xi32>
      %select_n3A_515 = arith.select %lt3A, %scan3A_481, %select_n3A : vector<16xi1>, vector<16xf32>
      %select_n3A_516 = arith.select %lt3A_499, %select_n3A_515, %scan3A_482 : vector<16xi1>, vector<16xf32>
      %select_n3A_517 = arith.select %lt3A, %scan3A_486, %broadcast_in_dim3A_491 : vector<16xi1>, vector<16xi32>
      %select_n3A_518 = arith.select %lt3A_499, %select_n3A_517, %scan3A_487 : vector<16xi1>, vector<16xi32>
      %select_n3A_519 = arith.select %lt3A, %select_n3A, %scan3A_481 : vector<16xi1>, vector<16xf32>
      %select_n3A_520 = arith.select %lt3A, %broadcast_in_dim3A_491, %scan3A_486 : vector<16xi1>, vector<16xi32>
      %scan3A_521 = arith.constant 1 : i32
      %scan3A_522 = arith.addi %scan3A_480, %scan3A_521 : i32
      %broadcast_in_dim3A_523 = vector.broadcast %scan3A_522 : i32 to vector<16xi32>
      %gather3A_524 = tpu.vector_load_idx %arg14[%broadcast_in_dim3A_523] : memref<4096xf32, #tpu.memory_space<vmem>>[vector<16xi32>], vector<16xf32>,
      %gather3A_525 = tpu.vector_load_idx %arg15[%broadcast_in_dim3A_523] : memref<4096xf32, #tpu.memory_space<vmem>>[vector<16xi32>], vector<16xf32>,
      %sub3A_526 = arith.subf %gather3A_524, %get3A_3 : vector<16xf32>
      %sub3A_527 = arith.subf %gather3A_525, %get3A_5 : vector<16xf32>
      %mul3A_528 = arith.mulf %sub3A_526, %sub3A_526 : vector<16xf32>
      %mul3A_529 = arith.mulf %sub3A_527, %sub3A_527 : vector<16xf32>
      %add3A_530 = arith.addf %mul3A_528, %mul3A_529 : vector<16xf32>
      %eq3A_531 = arith.cmpi eq, %broadcast_in_dim3A_523, %add3A_10 : vector<16xi32>
      %jit3A_532 = arith.constant 0x7F800000 : f32
      %broadcast_in_dim3A_533 = vector.broadcast %jit3A_532 : f32 to vector<16xf32>
      %select_n3A_534 = arith.select %eq3A_531, %broadcast_in_dim3A_533, %add3A_530 : vector<16xi1>, vector<16xf32>
      %lt3A_535 = arith.cmpf olt, %select_n3A_534, %select_n3A_519 : vector<16xf32>
      %lt3A_536 = arith.cmpf olt, %select_n3A_534, %select_n3A_516 : vector<16xf32>
      %lt3A_537 = arith.cmpf olt, %select_n3A_534, %select_n3A_512 : vector<16xf32>
      %lt3A_538 = arith.cmpf olt, %select_n3A_534, %select_n3A_508 : vector<16xf32>
      %lt3A_539 = arith.cmpf olt, %select_n3A_534, %select_n3A_504 : vector<16xf32>
      %select_n3A_540 = arith.select %lt3A_538, %select_n3A_508, %select_n3A_534 : vector<16xi1>, vector<16xf32>
      %select_n3A_541 = arith.select %lt3A_539, %select_n3A_540, %select_n3A_504 : vector<16xi1>, vector<16xf32>
      %select_n3A_542 = arith.select %lt3A_538, %select_n3A_510, %broadcast_in_dim3A_523 : vector<16xi1>, vector<16xi32>
      %select_n3A_543 = arith.select %lt3A_539, %select_n3A_542, %select_n3A_506 : vector<16xi1>, vector<16xi32>
      %select_n3A_544 = arith.select %lt3A_537, %select_n3A_512, %select_n3A_534 : vector<16xi1>, vector<16xf32>
      %select_n3A_545 = arith.select %lt3A_538, %select_n3A_544, %select_n3A_508 : vector<16xi1>, vector<16xf32>
      %select_n3A_546 = arith.select %lt3A_537, %select_n3A_514, %broadcast_in_dim3A_523 : vector<16xi1>, vector<16xi32>
      %select_n3A_547 = arith.select %lt3A_538, %select_n3A_546, %select_n3A_510 : vector<16xi1>, vector<16xi32>
      %select_n3A_548 = arith.select %lt3A_536, %select_n3A_516, %select_n3A_534 : vector<16xi1>, vector<16xf32>
      %select_n3A_549 = arith.select %lt3A_537, %select_n3A_548, %select_n3A_512 : vector<16xi1>, vector<16xf32>
      %select_n3A_550 = arith.select %lt3A_536, %select_n3A_518, %broadcast_in_dim3A_523 : vector<16xi1>, vector<16xi32>
      %select_n3A_551 = arith.select %lt3A_537, %select_n3A_550, %select_n3A_514 : vector<16xi1>, vector<16xi32>
      %select_n3A_552 = arith.select %lt3A_535, %select_n3A_519, %select_n3A_534 : vector<16xi1>, vector<16xf32>
      %select_n3A_553 = arith.select %lt3A_536, %select_n3A_552, %select_n3A_516 : vector<16xi1>, vector<16xf32>
      %select_n3A_554 = arith.select %lt3A_535, %select_n3A_520, %broadcast_in_dim3A_523 : vector<16xi1>, vector<16xi32>
      %select_n3A_555 = arith.select %lt3A_536, %select_n3A_554, %select_n3A_518 : vector<16xi1>, vector<16xi32>
      %select_n3A_556 = arith.select %lt3A_535, %select_n3A_534, %select_n3A_519 : vector<16xi1>, vector<16xf32>
      %select_n3A_557 = arith.select %lt3A_535, %broadcast_in_dim3A_523, %select_n3A_520 : vector<16xi1>, vector<16xi32>
      %scan3A_558 = arith.constant 2 : i32
      %scan3A_559 = arith.addi %scan3A_480, %scan3A_558 : i32
      %broadcast_in_dim3A_560 = vector.broadcast %scan3A_559 : i32 to vector<16xi32>
      %gather3A_561 = tpu.vector_load_idx %arg14[%broadcast_in_dim3A_560] : memref<4096xf32, #tpu.memory_space<vmem>>[vector<16xi32>], vector<16xf32>,
      %gather3A_562 = tpu.vector_load_idx %arg15[%broadcast_in_dim3A_560] : memref<4096xf32, #tpu.memory_space<vmem>>[vector<16xi32>], vector<16xf32>,
      %sub3A_563 = arith.subf %gather3A_561, %get3A_3 : vector<16xf32>
      %sub3A_564 = arith.subf %gather3A_562, %get3A_5 : vector<16xf32>
      %mul3A_565 = arith.mulf %sub3A_563, %sub3A_563 : vector<16xf32>
      %mul3A_566 = arith.mulf %sub3A_564, %sub3A_564 : vector<16xf32>
      %add3A_567 = arith.addf %mul3A_565, %mul3A_566 : vector<16xf32>
      %eq3A_568 = arith.cmpi eq, %broadcast_in_dim3A_560, %add3A_10 : vector<16xi32>
      %jit3A_569 = arith.constant 0x7F800000 : f32
      %broadcast_in_dim3A_570 = vector.broadcast %jit3A_569 : f32 to vector<16xf32>
      %select_n3A_571 = arith.select %eq3A_568, %broadcast_in_dim3A_570, %add3A_567 : vector<16xi1>, vector<16xf32>
      %lt3A_572 = arith.cmpf olt, %select_n3A_571, %select_n3A_556 : vector<16xf32>
      %lt3A_573 = arith.cmpf olt, %select_n3A_571, %select_n3A_553 : vector<16xf32>
      %lt3A_574 = arith.cmpf olt, %select_n3A_571, %select_n3A_549 : vector<16xf32>
      %lt3A_575 = arith.cmpf olt, %select_n3A_571, %select_n3A_545 : vector<16xf32>
      %lt3A_576 = arith.cmpf olt, %select_n3A_571, %select_n3A_541 : vector<16xf32>
      %select_n3A_577 = arith.select %lt3A_575, %select_n3A_545, %select_n3A_571 : vector<16xi1>, vector<16xf32>
      %select_n3A_578 = arith.select %lt3A_576, %select_n3A_577, %select_n3A_541 : vector<16xi1>, vector<16xf32>
      %select_n3A_579 = arith.select %lt3A_575, %select_n3A_547, %broadcast_in_dim3A_560 : vector<16xi1>, vector<16xi32>
      %select_n3A_580 = arith.select %lt3A_576, %select_n3A_579, %select_n3A_543 : vector<16xi1>, vector<16xi32>
      %select_n3A_581 = arith.select %lt3A_574, %select_n3A_549, %select_n3A_571 : vector<16xi1>, vector<16xf32>
      %select_n3A_582 = arith.select %lt3A_575, %select_n3A_581, %select_n3A_545 : vector<16xi1>, vector<16xf32>
      %select_n3A_583 = arith.select %lt3A_574, %select_n3A_551, %broadcast_in_dim3A_560 : vector<16xi1>, vector<16xi32>
      %select_n3A_584 = arith.select %lt3A_575, %select_n3A_583, %select_n3A_547 : vector<16xi1>, vector<16xi32>
      %select_n3A_585 = arith.select %lt3A_573, %select_n3A_553, %select_n3A_571 : vector<16xi1>, vector<16xf32>
      %select_n3A_586 = arith.select %lt3A_574, %select_n3A_585, %select_n3A_549 : vector<16xi1>, vector<16xf32>
      %select_n3A_587 = arith.select %lt3A_573, %select_n3A_555, %broadcast_in_dim3A_560 : vector<16xi1>, vector<16xi32>
      %select_n3A_588 = arith.select %lt3A_574, %select_n3A_587, %select_n3A_551 : vector<16xi1>, vector<16xi32>
      %select_n3A_589 = arith.select %lt3A_572, %select_n3A_556, %select_n3A_571 : vector<16xi1>, vector<16xf32>
      %select_n3A_590 = arith.select %lt3A_573, %select_n3A_589, %select_n3A_553 : vector<16xi1>, vector<16xf32>
      %select_n3A_591 = arith.select %lt3A_572, %select_n3A_557, %broadcast_in_dim3A_560 : vector<16xi1>, vector<16xi32>
      %select_n3A_592 = arith.select %lt3A_573, %select_n3A_591, %select_n3A_555 : vector<16xi1>, vector<16xi32>
      %select_n3A_593 = arith.select %lt3A_572, %select_n3A_571, %select_n3A_556 : vector<16xi1>, vector<16xf32>
      %select_n3A_594 = arith.select %lt3A_572, %broadcast_in_dim3A_560, %select_n3A_557 : vector<16xi1>, vector<16xi32>
      %scan3A_595 = arith.constant 3 : i32
      %scan3A_596 = arith.addi %scan3A_480, %scan3A_595 : i32
      %broadcast_in_dim3A_597 = vector.broadcast %scan3A_596 : i32 to vector<16xi32>
      %gather3A_598 = tpu.vector_load_idx %arg14[%broadcast_in_dim3A_597] : memref<4096xf32, #tpu.memory_space<vmem>>[vector<16xi32>], vector<16xf32>,
      %gather3A_599 = tpu.vector_load_idx %arg15[%broadcast_in_dim3A_597] : memref<4096xf32, #tpu.memory_space<vmem>>[vector<16xi32>], vector<16xf32>,
      %sub3A_600 = arith.subf %gather3A_598, %get3A_3 : vector<16xf32>
      %sub3A_601 = arith.subf %gather3A_599, %get3A_5 : vector<16xf32>
      %mul3A_602 = arith.mulf %sub3A_600, %sub3A_600 : vector<16xf32>
      %mul3A_603 = arith.mulf %sub3A_601, %sub3A_601 : vector<16xf32>
      %add3A_604 = arith.addf %mul3A_602, %mul3A_603 : vector<16xf32>
      %eq3A_605 = arith.cmpi eq, %broadcast_in_dim3A_597, %add3A_10 : vector<16xi32>
      %jit3A_606 = arith.constant 0x7F800000 : f32
      %broadcast_in_dim3A_607 = vector.broadcast %jit3A_606 : f32 to vector<16xf32>
      %select_n3A_608 = arith.select %eq3A_605, %broadcast_in_dim3A_607, %add3A_604 : vector<16xi1>, vector<16xf32>
      %lt3A_609 = arith.cmpf olt, %select_n3A_608, %select_n3A_593 : vector<16xf32>
      %lt3A_610 = arith.cmpf olt, %select_n3A_608, %select_n3A_590 : vector<16xf32>
      %lt3A_611 = arith.cmpf olt, %select_n3A_608, %select_n3A_586 : vector<16xf32>
      %lt3A_612 = arith.cmpf olt, %select_n3A_608, %select_n3A_582 : vector<16xf32>
      %lt3A_613 = arith.cmpf olt, %select_n3A_608, %select_n3A_578 : vector<16xf32>
      %select_n3A_614 = arith.select %lt3A_612, %select_n3A_582, %select_n3A_608 : vector<16xi1>, vector<16xf32>
      %select_n3A_615 = arith.select %lt3A_613, %select_n3A_614, %select_n3A_578 : vector<16xi1>, vector<16xf32>
      %select_n3A_616 = arith.select %lt3A_612, %select_n3A_584, %broadcast_in_dim3A_597 : vector<16xi1>, vector<16xi32>
      %select_n3A_617 = arith.select %lt3A_613, %select_n3A_616, %select_n3A_580 : vector<16xi1>, vector<16xi32>
      %select_n3A_618 = arith.select %lt3A_611, %select_n3A_586, %select_n3A_608 : vector<16xi1>, vector<16xf32>
      %select_n3A_619 = arith.select %lt3A_612, %select_n3A_618, %select_n3A_582 : vector<16xi1>, vector<16xf32>
      %select_n3A_620 = arith.select %lt3A_611, %select_n3A_588, %broadcast_in_dim3A_597 : vector<16xi1>, vector<16xi32>
      %select_n3A_621 = arith.select %lt3A_612, %select_n3A_620, %select_n3A_584 : vector<16xi1>, vector<16xi32>
      %select_n3A_622 = arith.select %lt3A_610, %select_n3A_590, %select_n3A_608 : vector<16xi1>, vector<16xf32>
      %select_n3A_623 = arith.select %lt3A_611, %select_n3A_622, %select_n3A_586 : vector<16xi1>, vector<16xf32>
      %select_n3A_624 = arith.select %lt3A_610, %select_n3A_592, %broadcast_in_dim3A_597 : vector<16xi1>, vector<16xi32>
      %select_n3A_625 = arith.select %lt3A_611, %select_n3A_624, %select_n3A_588 : vector<16xi1>, vector<16xi32>
      %select_n3A_626 = arith.select %lt3A_609, %select_n3A_593, %select_n3A_608 : vector<16xi1>, vector<16xf32>
      %select_n3A_627 = arith.select %lt3A_610, %select_n3A_626, %select_n3A_590 : vector<16xi1>, vector<16xf32>
      %select_n3A_628 = arith.select %lt3A_609, %select_n3A_594, %broadcast_in_dim3A_597 : vector<16xi1>, vector<16xi32>
      %select_n3A_629 = arith.select %lt3A_610, %select_n3A_628, %select_n3A_592 : vector<16xi1>, vector<16xi32>
      %select_n3A_630 = arith.select %lt3A_609, %select_n3A_608, %select_n3A_593 : vector<16xi1>, vector<16xf32>
      %select_n3A_631 = arith.select %lt3A_609, %broadcast_in_dim3A_597, %select_n3A_594 : vector<16xi1>, vector<16xi32>
      scf.yield %select_n3A_630, %select_n3A_627, %select_n3A_623, %select_n3A_619, %select_n3A_615, %select_n3A_631, %select_n3A_629, %select_n3A_625, %select_n3A_621, %select_n3A_617 : vector<16xf32>, vector<16xf32>, vector<16xf32>, vector<16xf32>, vector<16xf32>, vector<16xi32>, vector<16xi32>, vector<16xi32>, vector<16xi32>, vector<16xi32>
    }
    %scan3A_19 = arith.constant 4096 : i32
    %broadcast_in_dim3A_20 = arith.constant 0.000000e+00 : f32
    %broadcast_in_dim3A_21 = vector.broadcast %broadcast_in_dim3A_20 : f32 to vector<16xf32>
    %broadcast_in_dim3A_22 = arith.constant 0.000000e+00 : f32
    %broadcast_in_dim3A_23 = vector.broadcast %broadcast_in_dim3A_22 : f32 to vector<16xf32>
    %broadcast_in_dim3A_24 = arith.constant 0.000000e+00 : f32
    %broadcast_in_dim3A_25 = vector.broadcast %broadcast_in_dim3A_24 : f32 to vector<16xf32>
    %gather3A = tpu.vector_load_idx %arg16[%add3A_10] : memref<4096xf32, #tpu.memory_space<vmem>>[vector<16xi32>], vector<16xf32>,
    %add3A_26 = arith.addf %broadcast_in_dim3A_21, %gather3A : vector<16xf32>
    %gather3A_27 = tpu.vector_load_idx %arg17[%add3A_10] : memref<4096xf32, #tpu.memory_space<vmem>>[vector<16xi32>], vector<16xf32>,
    %add3A_28 = arith.addf %broadcast_in_dim3A_23, %gather3A_27 : vector<16xf32>
    %gather3A_29 = tpu.vector_load_idx %arg18[%add3A_10] : memref<4096xf32, #tpu.memory_space<vmem>>[vector<16xi32>], vector<16xf32>,
    %add3A_30 = arith.addf %broadcast_in_dim3A_25, %gather3A_29 : vector<16xf32>
    %gather3A_31 = tpu.vector_load_idx %arg16[%scan3A_18#5] : memref<4096xf32, #tpu.memory_space<vmem>>[vector<16xi32>], vector<16xf32>,
    %add3A_32 = arith.addf %add3A_26, %gather3A_31 : vector<16xf32>
    %gather3A_33 = tpu.vector_load_idx %arg17[%scan3A_18#5] : memref<4096xf32, #tpu.memory_space<vmem>>[vector<16xi32>], vector<16xf32>,
    %add3A_34 = arith.addf %add3A_28, %gather3A_33 : vector<16xf32>
    %gather3A_35 = tpu.vector_load_idx %arg18[%scan3A_18#5] : memref<4096xf32, #tpu.memory_space<vmem>>[vector<16xi32>], vector<16xf32>,
    %add3A_36 = arith.addf %add3A_30, %gather3A_35 : vector<16xf32>
    %gather3A_37 = tpu.vector_load_idx %arg16[%scan3A_18#6] : memref<4096xf32, #tpu.memory_space<vmem>>[vector<16xi32>], vector<16xf32>,
    %add3A_38 = arith.addf %add3A_32, %gather3A_37 : vector<16xf32>
    %gather3A_39 = tpu.vector_load_idx %arg17[%scan3A_18#6] : memref<4096xf32, #tpu.memory_space<vmem>>[vector<16xi32>], vector<16xf32>,
    %add3A_40 = arith.addf %add3A_34, %gather3A_39 : vector<16xf32>
    %gather3A_41 = tpu.vector_load_idx %arg18[%scan3A_18#6] : memref<4096xf32, #tpu.memory_space<vmem>>[vector<16xi32>], vector<16xf32>,
    %add3A_42 = arith.addf %add3A_36, %gather3A_41 : vector<16xf32>
    %gather3A_43 = tpu.vector_load_idx %arg16[%scan3A_18#7] : memref<4096xf32, #tpu.memory_space<vmem>>[vector<16xi32>], vector<16xf32>,
    %add3A_44 = arith.addf %add3A_38, %gather3A_43 : vector<16xf32>
    %gather3A_45 = tpu.vector_load_idx %arg17[%scan3A_18#7] : memref<4096xf32, #tpu.memory_space<vmem>>[vector<16xi32>], vector<16xf32>,
    %add3A_46 = arith.addf %add3A_40, %gather3A_45 : vector<16xf32>
    %gather3A_47 = tpu.vector_load_idx %arg18[%scan3A_18#7] : memref<4096xf32, #tpu.memory_space<vmem>>[vector<16xi32>], vector<16xf32>,
    %add3A_48 = arith.addf %add3A_42, %gather3A_47 : vector<16xf32>
    %gather3A_49 = tpu.vector_load_idx %arg16[%scan3A_18#8] : memref<4096xf32, #tpu.memory_space<vmem>>[vector<16xi32>], vector<16xf32>,
    %add3A_50 = arith.addf %add3A_44, %gather3A_49 : vector<16xf32>
    %gather3A_51 = tpu.vector_load_idx %arg17[%scan3A_18#8] : memref<4096xf32, #tpu.memory_space<vmem>>[vector<16xi32>], vector<16xf32>,
    %add3A_52 = arith.addf %add3A_46, %gather3A_51 : vector<16xf32>
    %gather3A_53 = tpu.vector_load_idx %arg18[%scan3A_18#8] : memref<4096xf32, #tpu.memory_space<vmem>>[vector<16xi32>], vector<16xf32>,
    %add3A_54 = arith.addf %add3A_48, %gather3A_53 : vector<16xf32>
    %gather3A_55 = tpu.vector_load_idx %arg16[%scan3A_18#9] : memref<4096xf32, #tpu.memory_space<vmem>>[vector<16xi32>], vector<16xf32>,
    %add3A_56 = arith.addf %add3A_50, %gather3A_55 : vector<16xf32>
    %gather3A_57 = tpu.vector_load_idx %arg17[%scan3A_18#9] : memref<4096xf32, #tpu.memory_space<vmem>>[vector<16xi32>], vector<16xf32>,
    %add3A_58 = arith.addf %add3A_52, %gather3A_57 : vector<16xf32>
    %gather3A_59 = tpu.vector_load_idx %arg18[%scan3A_18#9] : memref<4096xf32, #tpu.memory_space<vmem>>[vector<16xi32>], vector<16xf32>,
    %add3A_60 = arith.addf %add3A_54, %gather3A_59 : vector<16xf32>
    %swap3A = arith.constant 0 : index
    %swap3A_61 = tpu.vector_load %arg19[%swap3A] {strides = array<i32>} : memref<112xf32, #tpu.memory_space<vmem>>, vector<16xf32>,
    tpu.vector_store %arg19[%swap3A], %add3A_56 {strides = array<i32>} : memref<112xf32, #tpu.memory_space<vmem>>, vector<16xf32>,
    %swap3A_62 = arith.constant 0 : index
    %swap3A_63 = tpu.vector_load %arg20[%swap3A_62] {strides = array<i32>} : memref<112xf32, #tpu.memory_space<vmem>>, vector<16xf32>,
    tpu.vector_store %arg20[%swap3A_62], %add3A_58 {strides = array<i32>} : memref<112xf32, #tpu.memory_space<vmem>>, vector<16xf32>,
    %swap3A_64 = arith.constant 0 : index
    %swap3A_65 = tpu.vector_load %arg21[%swap3A_64] {strides = array<i32>} : memref<112xf32, #tpu.memory_space<vmem>>, vector<16xf32>,
    tpu.vector_store %arg21[%swap3A_64], %add3A_60 {strides = array<i32>} : memref<112xf32, #tpu.memory_space<vmem>>, vector<16xf32>,
    %get3A_66 = arith.constant 16 : index
    %get3A_67 = tpu.vector_load %arg12[%get3A_66] {strides = array<i32>} : memref<112xf32, #tpu.memory_space<vmem>>, vector<16xf32>,
    %get3A_68 = arith.constant 16 : index
    %get3A_69 = tpu.vector_load %arg13[%get3A_68] {strides = array<i32>} : memref<112xf32, #tpu.memory_space<vmem>>, vector<16xf32>,
    %add3A_70 = arith.constant 512 : i32
    %add3A_71 = arith.addi %add3A_70, %mul3A_2 : i32
    %add3A_72 = arith.constant 16 : i32
    %add3A_73 = arith.addi %add3A_71, %add3A_72 : i32
    %broadcast_in_dim3A_74 = vector.broadcast %add3A_73 : i32 to vector<16xi32>
    %iota3A_75 = tpu.iota {dimensions = array<i32: 0>} : vector<16xi32>
    %add3A_76 = arith.addi %broadcast_in_dim3A_74, %iota3A_75 : vector<16xi32>
    %broadcast_in_dim3A_77 = arith.constant 0x7F800000 : f32
    %broadcast_in_dim3A_78 = vector.broadcast %broadcast_in_dim3A_77 : f32 to vector<16xf32>
    %broadcast_in_dim3A_79 = arith.constant 0 : i32
    %broadcast_in_dim3A_80 = vector.broadcast %broadcast_in_dim3A_79 : i32 to vector<16xi32>
    %scan3A_81 = arith.constant 0 : i32
    %scan3A_82 = arith.constant 4096 : i32
    %scan3A_83 = arith.addi %scan3A_81, %scan3A_82 : i32
    %scan3A_84 = arith.constant 4 : i32
    %scan3A_85:10 = scf.for %scan3A_480 = %scan3A_81 to %scan3A_83 step %scan3A_84 iter_args(%scan3A_481 = %broadcast_in_dim3A_78, %scan3A_482 = %broadcast_in_dim3A_78, %scan3A_483 = %broadcast_in_dim3A_78, %scan3A_484 = %broadcast_in_dim3A_78, %scan3A_485 = %broadcast_in_dim3A_78, %scan3A_486 = %broadcast_in_dim3A_80, %scan3A_487 = %broadcast_in_dim3A_80, %scan3A_488 = %broadcast_in_dim3A_80, %scan3A_489 = %broadcast_in_dim3A_80, %scan3A_490 = %broadcast_in_dim3A_80) -> (vector<16xf32>, vector<16xf32>, vector<16xf32>, vector<16xf32>, vector<16xf32>, vector<16xi32>, vector<16xi32>, vector<16xi32>, vector<16xi32>, vector<16xi32>)  : i32 {
      %broadcast_in_dim3A_491 = vector.broadcast %scan3A_480 : i32 to vector<16xi32>
      %gather3A_492 = tpu.vector_load_idx %arg14[%broadcast_in_dim3A_491] : memref<4096xf32, #tpu.memory_space<vmem>>[vector<16xi32>], vector<16xf32>,
      %gather3A_493 = tpu.vector_load_idx %arg15[%broadcast_in_dim3A_491] : memref<4096xf32, #tpu.memory_space<vmem>>[vector<16xi32>], vector<16xf32>,
      %sub3A = arith.subf %gather3A_492, %get3A_67 : vector<16xf32>
      %sub3A_494 = arith.subf %gather3A_493, %get3A_69 : vector<16xf32>
      %mul3A_495 = arith.mulf %sub3A, %sub3A : vector<16xf32>
      %mul3A_496 = arith.mulf %sub3A_494, %sub3A_494 : vector<16xf32>
      %add3A_497 = arith.addf %mul3A_495, %mul3A_496 : vector<16xf32>
      %eq3A = arith.cmpi eq, %broadcast_in_dim3A_491, %add3A_76 : vector<16xi32>
      %jit3A = arith.constant 0x7F800000 : f32
      %broadcast_in_dim3A_498 = vector.broadcast %jit3A : f32 to vector<16xf32>
      %select_n3A = arith.select %eq3A, %broadcast_in_dim3A_498, %add3A_497 : vector<16xi1>, vector<16xf32>
      %lt3A = arith.cmpf olt, %select_n3A, %scan3A_481 : vector<16xf32>
      %lt3A_499 = arith.cmpf olt, %select_n3A, %scan3A_482 : vector<16xf32>
      %lt3A_500 = arith.cmpf olt, %select_n3A, %scan3A_483 : vector<16xf32>
      %lt3A_501 = arith.cmpf olt, %select_n3A, %scan3A_484 : vector<16xf32>
      %lt3A_502 = arith.cmpf olt, %select_n3A, %scan3A_485 : vector<16xf32>
      %select_n3A_503 = arith.select %lt3A_501, %scan3A_484, %select_n3A : vector<16xi1>, vector<16xf32>
      %select_n3A_504 = arith.select %lt3A_502, %select_n3A_503, %scan3A_485 : vector<16xi1>, vector<16xf32>
      %select_n3A_505 = arith.select %lt3A_501, %scan3A_489, %broadcast_in_dim3A_491 : vector<16xi1>, vector<16xi32>
      %select_n3A_506 = arith.select %lt3A_502, %select_n3A_505, %scan3A_490 : vector<16xi1>, vector<16xi32>
      %select_n3A_507 = arith.select %lt3A_500, %scan3A_483, %select_n3A : vector<16xi1>, vector<16xf32>
      %select_n3A_508 = arith.select %lt3A_501, %select_n3A_507, %scan3A_484 : vector<16xi1>, vector<16xf32>
      %select_n3A_509 = arith.select %lt3A_500, %scan3A_488, %broadcast_in_dim3A_491 : vector<16xi1>, vector<16xi32>
      %select_n3A_510 = arith.select %lt3A_501, %select_n3A_509, %scan3A_489 : vector<16xi1>, vector<16xi32>
      %select_n3A_511 = arith.select %lt3A_499, %scan3A_482, %select_n3A : vector<16xi1>, vector<16xf32>
      %select_n3A_512 = arith.select %lt3A_500, %select_n3A_511, %scan3A_483 : vector<16xi1>, vector<16xf32>
      %select_n3A_513 = arith.select %lt3A_499, %scan3A_487, %broadcast_in_dim3A_491 : vector<16xi1>, vector<16xi32>
      %select_n3A_514 = arith.select %lt3A_500, %select_n3A_513, %scan3A_488 : vector<16xi1>, vector<16xi32>
      %select_n3A_515 = arith.select %lt3A, %scan3A_481, %select_n3A : vector<16xi1>, vector<16xf32>
      %select_n3A_516 = arith.select %lt3A_499, %select_n3A_515, %scan3A_482 : vector<16xi1>, vector<16xf32>
      %select_n3A_517 = arith.select %lt3A, %scan3A_486, %broadcast_in_dim3A_491 : vector<16xi1>, vector<16xi32>
      %select_n3A_518 = arith.select %lt3A_499, %select_n3A_517, %scan3A_487 : vector<16xi1>, vector<16xi32>
      %select_n3A_519 = arith.select %lt3A, %select_n3A, %scan3A_481 : vector<16xi1>, vector<16xf32>
      %select_n3A_520 = arith.select %lt3A, %broadcast_in_dim3A_491, %scan3A_486 : vector<16xi1>, vector<16xi32>
      %scan3A_521 = arith.constant 1 : i32
      %scan3A_522 = arith.addi %scan3A_480, %scan3A_521 : i32
      %broadcast_in_dim3A_523 = vector.broadcast %scan3A_522 : i32 to vector<16xi32>
      %gather3A_524 = tpu.vector_load_idx %arg14[%broadcast_in_dim3A_523] : memref<4096xf32, #tpu.memory_space<vmem>>[vector<16xi32>], vector<16xf32>,
      %gather3A_525 = tpu.vector_load_idx %arg15[%broadcast_in_dim3A_523] : memref<4096xf32, #tpu.memory_space<vmem>>[vector<16xi32>], vector<16xf32>,
      %sub3A_526 = arith.subf %gather3A_524, %get3A_67 : vector<16xf32>
      %sub3A_527 = arith.subf %gather3A_525, %get3A_69 : vector<16xf32>
      %mul3A_528 = arith.mulf %sub3A_526, %sub3A_526 : vector<16xf32>
      %mul3A_529 = arith.mulf %sub3A_527, %sub3A_527 : vector<16xf32>
      %add3A_530 = arith.addf %mul3A_528, %mul3A_529 : vector<16xf32>
      %eq3A_531 = arith.cmpi eq, %broadcast_in_dim3A_523, %add3A_76 : vector<16xi32>
      %jit3A_532 = arith.constant 0x7F800000 : f32
      %broadcast_in_dim3A_533 = vector.broadcast %jit3A_532 : f32 to vector<16xf32>
      %select_n3A_534 = arith.select %eq3A_531, %broadcast_in_dim3A_533, %add3A_530 : vector<16xi1>, vector<16xf32>
      %lt3A_535 = arith.cmpf olt, %select_n3A_534, %select_n3A_519 : vector<16xf32>
      %lt3A_536 = arith.cmpf olt, %select_n3A_534, %select_n3A_516 : vector<16xf32>
      %lt3A_537 = arith.cmpf olt, %select_n3A_534, %select_n3A_512 : vector<16xf32>
      %lt3A_538 = arith.cmpf olt, %select_n3A_534, %select_n3A_508 : vector<16xf32>
      %lt3A_539 = arith.cmpf olt, %select_n3A_534, %select_n3A_504 : vector<16xf32>
      %select_n3A_540 = arith.select %lt3A_538, %select_n3A_508, %select_n3A_534 : vector<16xi1>, vector<16xf32>
      %select_n3A_541 = arith.select %lt3A_539, %select_n3A_540, %select_n3A_504 : vector<16xi1>, vector<16xf32>
      %select_n3A_542 = arith.select %lt3A_538, %select_n3A_510, %broadcast_in_dim3A_523 : vector<16xi1>, vector<16xi32>
      %select_n3A_543 = arith.select %lt3A_539, %select_n3A_542, %select_n3A_506 : vector<16xi1>, vector<16xi32>
      %select_n3A_544 = arith.select %lt3A_537, %select_n3A_512, %select_n3A_534 : vector<16xi1>, vector<16xf32>
      %select_n3A_545 = arith.select %lt3A_538, %select_n3A_544, %select_n3A_508 : vector<16xi1>, vector<16xf32>
      %select_n3A_546 = arith.select %lt3A_537, %select_n3A_514, %broadcast_in_dim3A_523 : vector<16xi1>, vector<16xi32>
      %select_n3A_547 = arith.select %lt3A_538, %select_n3A_546, %select_n3A_510 : vector<16xi1>, vector<16xi32>
      %select_n3A_548 = arith.select %lt3A_536, %select_n3A_516, %select_n3A_534 : vector<16xi1>, vector<16xf32>
      %select_n3A_549 = arith.select %lt3A_537, %select_n3A_548, %select_n3A_512 : vector<16xi1>, vector<16xf32>
      %select_n3A_550 = arith.select %lt3A_536, %select_n3A_518, %broadcast_in_dim3A_523 : vector<16xi1>, vector<16xi32>
      %select_n3A_551 = arith.select %lt3A_537, %select_n3A_550, %select_n3A_514 : vector<16xi1>, vector<16xi32>
      %select_n3A_552 = arith.select %lt3A_535, %select_n3A_519, %select_n3A_534 : vector<16xi1>, vector<16xf32>
      %select_n3A_553 = arith.select %lt3A_536, %select_n3A_552, %select_n3A_516 : vector<16xi1>, vector<16xf32>
      %select_n3A_554 = arith.select %lt3A_535, %select_n3A_520, %broadcast_in_dim3A_523 : vector<16xi1>, vector<16xi32>
      %select_n3A_555 = arith.select %lt3A_536, %select_n3A_554, %select_n3A_518 : vector<16xi1>, vector<16xi32>
      %select_n3A_556 = arith.select %lt3A_535, %select_n3A_534, %select_n3A_519 : vector<16xi1>, vector<16xf32>
      %select_n3A_557 = arith.select %lt3A_535, %broadcast_in_dim3A_523, %select_n3A_520 : vector<16xi1>, vector<16xi32>
      %scan3A_558 = arith.constant 2 : i32
      %scan3A_559 = arith.addi %scan3A_480, %scan3A_558 : i32
      %broadcast_in_dim3A_560 = vector.broadcast %scan3A_559 : i32 to vector<16xi32>
      %gather3A_561 = tpu.vector_load_idx %arg14[%broadcast_in_dim3A_560] : memref<4096xf32, #tpu.memory_space<vmem>>[vector<16xi32>], vector<16xf32>,
      %gather3A_562 = tpu.vector_load_idx %arg15[%broadcast_in_dim3A_560] : memref<4096xf32, #tpu.memory_space<vmem>>[vector<16xi32>], vector<16xf32>,
      %sub3A_563 = arith.subf %gather3A_561, %get3A_67 : vector<16xf32>
      %sub3A_564 = arith.subf %gather3A_562, %get3A_69 : vector<16xf32>
      %mul3A_565 = arith.mulf %sub3A_563, %sub3A_563 : vector<16xf32>
      %mul3A_566 = arith.mulf %sub3A_564, %sub3A_564 : vector<16xf32>
      %add3A_567 = arith.addf %mul3A_565, %mul3A_566 : vector<16xf32>
      %eq3A_568 = arith.cmpi eq, %broadcast_in_dim3A_560, %add3A_76 : vector<16xi32>
      %jit3A_569 = arith.constant 0x7F800000 : f32
      %broadcast_in_dim3A_570 = vector.broadcast %jit3A_569 : f32 to vector<16xf32>
      %select_n3A_571 = arith.select %eq3A_568, %broadcast_in_dim3A_570, %add3A_567 : vector<16xi1>, vector<16xf32>
      %lt3A_572 = arith.cmpf olt, %select_n3A_571, %select_n3A_556 : vector<16xf32>
      %lt3A_573 = arith.cmpf olt, %select_n3A_571, %select_n3A_553 : vector<16xf32>
      %lt3A_574 = arith.cmpf olt, %select_n3A_571, %select_n3A_549 : vector<16xf32>
      %lt3A_575 = arith.cmpf olt, %select_n3A_571, %select_n3A_545 : vector<16xf32>
      %lt3A_576 = arith.cmpf olt, %select_n3A_571, %select_n3A_541 : vector<16xf32>
      %select_n3A_577 = arith.select %lt3A_575, %select_n3A_545, %select_n3A_571 : vector<16xi1>, vector<16xf32>
      %select_n3A_578 = arith.select %lt3A_576, %select_n3A_577, %select_n3A_541 : vector<16xi1>, vector<16xf32>
      %select_n3A_579 = arith.select %lt3A_575, %select_n3A_547, %broadcast_in_dim3A_560 : vector<16xi1>, vector<16xi32>
      %select_n3A_580 = arith.select %lt3A_576, %select_n3A_579, %select_n3A_543 : vector<16xi1>, vector<16xi32>
      %select_n3A_581 = arith.select %lt3A_574, %select_n3A_549, %select_n3A_571 : vector<16xi1>, vector<16xf32>
      %select_n3A_582 = arith.select %lt3A_575, %select_n3A_581, %select_n3A_545 : vector<16xi1>, vector<16xf32>
      %select_n3A_583 = arith.select %lt3A_574, %select_n3A_551, %broadcast_in_dim3A_560 : vector<16xi1>, vector<16xi32>
      %select_n3A_584 = arith.select %lt3A_575, %select_n3A_583, %select_n3A_547 : vector<16xi1>, vector<16xi32>
      %select_n3A_585 = arith.select %lt3A_573, %select_n3A_553, %select_n3A_571 : vector<16xi1>, vector<16xf32>
      %select_n3A_586 = arith.select %lt3A_574, %select_n3A_585, %select_n3A_549 : vector<16xi1>, vector<16xf32>
      %select_n3A_587 = arith.select %lt3A_573, %select_n3A_555, %broadcast_in_dim3A_560 : vector<16xi1>, vector<16xi32>
      %select_n3A_588 = arith.select %lt3A_574, %select_n3A_587, %select_n3A_551 : vector<16xi1>, vector<16xi32>
      %select_n3A_589 = arith.select %lt3A_572, %select_n3A_556, %select_n3A_571 : vector<16xi1>, vector<16xf32>
      %select_n3A_590 = arith.select %lt3A_573, %select_n3A_589, %select_n3A_553 : vector<16xi1>, vector<16xf32>
      %select_n3A_591 = arith.select %lt3A_572, %select_n3A_557, %broadcast_in_dim3A_560 : vector<16xi1>, vector<16xi32>
      %select_n3A_592 = arith.select %lt3A_573, %select_n3A_591, %select_n3A_555 : vector<16xi1>, vector<16xi32>
      %select_n3A_593 = arith.select %lt3A_572, %select_n3A_571, %select_n3A_556 : vector<16xi1>, vector<16xf32>
      %select_n3A_594 = arith.select %lt3A_572, %broadcast_in_dim3A_560, %select_n3A_557 : vector<16xi1>, vector<16xi32>
      %scan3A_595 = arith.constant 3 : i32
      %scan3A_596 = arith.addi %scan3A_480, %scan3A_595 : i32
      %broadcast_in_dim3A_597 = vector.broadcast %scan3A_596 : i32 to vector<16xi32>
      %gather3A_598 = tpu.vector_load_idx %arg14[%broadcast_in_dim3A_597] : memref<4096xf32, #tpu.memory_space<vmem>>[vector<16xi32>], vector<16xf32>,
      %gather3A_599 = tpu.vector_load_idx %arg15[%broadcast_in_dim3A_597] : memref<4096xf32, #tpu.memory_space<vmem>>[vector<16xi32>], vector<16xf32>,
      %sub3A_600 = arith.subf %gather3A_598, %get3A_67 : vector<16xf32>
      %sub3A_601 = arith.subf %gather3A_599, %get3A_69 : vector<16xf32>
      %mul3A_602 = arith.mulf %sub3A_600, %sub3A_600 : vector<16xf32>
      %mul3A_603 = arith.mulf %sub3A_601, %sub3A_601 : vector<16xf32>
      %add3A_604 = arith.addf %mul3A_602, %mul3A_603 : vector<16xf32>
      %eq3A_605 = arith.cmpi eq, %broadcast_in_dim3A_597, %add3A_76 : vector<16xi32>
      %jit3A_606 = arith.constant 0x7F800000 : f32
      %broadcast_in_dim3A_607 = vector.broadcast %jit3A_606 : f32 to vector<16xf32>
      %select_n3A_608 = arith.select %eq3A_605, %broadcast_in_dim3A_607, %add3A_604 : vector<16xi1>, vector<16xf32>
      %lt3A_609 = arith.cmpf olt, %select_n3A_608, %select_n3A_593 : vector<16xf32>
      %lt3A_610 = arith.cmpf olt, %select_n3A_608, %select_n3A_590 : vector<16xf32>
      %lt3A_611 = arith.cmpf olt, %select_n3A_608, %select_n3A_586 : vector<16xf32>
      %lt3A_612 = arith.cmpf olt, %select_n3A_608, %select_n3A_582 : vector<16xf32>
      %lt3A_613 = arith.cmpf olt, %select_n3A_608, %select_n3A_578 : vector<16xf32>
      %select_n3A_614 = arith.select %lt3A_612, %select_n3A_582, %select_n3A_608 : vector<16xi1>, vector<16xf32>
      %select_n3A_615 = arith.select %lt3A_613, %select_n3A_614, %select_n3A_578 : vector<16xi1>, vector<16xf32>
      %select_n3A_616 = arith.select %lt3A_612, %select_n3A_584, %broadcast_in_dim3A_597 : vector<16xi1>, vector<16xi32>
      %select_n3A_617 = arith.select %lt3A_613, %select_n3A_616, %select_n3A_580 : vector<16xi1>, vector<16xi32>
      %select_n3A_618 = arith.select %lt3A_611, %select_n3A_586, %select_n3A_608 : vector<16xi1>, vector<16xf32>
      %select_n3A_619 = arith.select %lt3A_612, %select_n3A_618, %select_n3A_582 : vector<16xi1>, vector<16xf32>
      %select_n3A_620 = arith.select %lt3A_611, %select_n3A_588, %broadcast_in_dim3A_597 : vector<16xi1>, vector<16xi32>
      %select_n3A_621 = arith.select %lt3A_612, %select_n3A_620, %select_n3A_584 : vector<16xi1>, vector<16xi32>
      %select_n3A_622 = arith.select %lt3A_610, %select_n3A_590, %select_n3A_608 : vector<16xi1>, vector<16xf32>
      %select_n3A_623 = arith.select %lt3A_611, %select_n3A_622, %select_n3A_586 : vector<16xi1>, vector<16xf32>
      %select_n3A_624 = arith.select %lt3A_610, %select_n3A_592, %broadcast_in_dim3A_597 : vector<16xi1>, vector<16xi32>
      %select_n3A_625 = arith.select %lt3A_611, %select_n3A_624, %select_n3A_588 : vector<16xi1>, vector<16xi32>
      %select_n3A_626 = arith.select %lt3A_609, %select_n3A_593, %select_n3A_608 : vector<16xi1>, vector<16xf32>
      %select_n3A_627 = arith.select %lt3A_610, %select_n3A_626, %select_n3A_590 : vector<16xi1>, vector<16xf32>
      %select_n3A_628 = arith.select %lt3A_609, %select_n3A_594, %broadcast_in_dim3A_597 : vector<16xi1>, vector<16xi32>
      %select_n3A_629 = arith.select %lt3A_610, %select_n3A_628, %select_n3A_592 : vector<16xi1>, vector<16xi32>
      %select_n3A_630 = arith.select %lt3A_609, %select_n3A_608, %select_n3A_593 : vector<16xi1>, vector<16xf32>
      %select_n3A_631 = arith.select %lt3A_609, %broadcast_in_dim3A_597, %select_n3A_594 : vector<16xi1>, vector<16xi32>
      scf.yield %select_n3A_630, %select_n3A_627, %select_n3A_623, %select_n3A_619, %select_n3A_615, %select_n3A_631, %select_n3A_629, %select_n3A_625, %select_n3A_621, %select_n3A_617 : vector<16xf32>, vector<16xf32>, vector<16xf32>, vector<16xf32>, vector<16xf32>, vector<16xi32>, vector<16xi32>, vector<16xi32>, vector<16xi32>, vector<16xi32>
    }
    %scan3A_86 = arith.constant 4096 : i32
    %broadcast_in_dim3A_87 = arith.constant 0.000000e+00 : f32
    %broadcast_in_dim3A_88 = vector.broadcast %broadcast_in_dim3A_87 : f32 to vector<16xf32>
    %broadcast_in_dim3A_89 = arith.constant 0.000000e+00 : f32
    %broadcast_in_dim3A_90 = vector.broadcast %broadcast_in_dim3A_89 : f32 to vector<16xf32>
    %broadcast_in_dim3A_91 = arith.constant 0.000000e+00 : f32
    %broadcast_in_dim3A_92 = vector.broadcast %broadcast_in_dim3A_91 : f32 to vector<16xf32>
    %gather3A_93 = tpu.vector_load_idx %arg16[%add3A_76] : memref<4096xf32, #tpu.memory_space<vmem>>[vector<16xi32>], vector<16xf32>,
    %add3A_94 = arith.addf %broadcast_in_dim3A_88, %gather3A_93 : vector<16xf32>
    %gather3A_95 = tpu.vector_load_idx %arg17[%add3A_76] : memref<4096xf32, #tpu.memory_space<vmem>>[vector<16xi32>], vector<16xf32>,
    %add3A_96 = arith.addf %broadcast_in_dim3A_90, %gather3A_95 : vector<16xf32>
    %gather3A_97 = tpu.vector_load_idx %arg18[%add3A_76] : memref<4096xf32, #tpu.memory_space<vmem>>[vector<16xi32>], vector<16xf32>,
    %add3A_98 = arith.addf %broadcast_in_dim3A_92, %gather3A_97 : vector<16xf32>
    %gather3A_99 = tpu.vector_load_idx %arg16[%scan3A_85#5] : memref<4096xf32, #tpu.memory_space<vmem>>[vector<16xi32>], vector<16xf32>,
    %add3A_100 = arith.addf %add3A_94, %gather3A_99 : vector<16xf32>
    %gather3A_101 = tpu.vector_load_idx %arg17[%scan3A_85#5] : memref<4096xf32, #tpu.memory_space<vmem>>[vector<16xi32>], vector<16xf32>,
    %add3A_102 = arith.addf %add3A_96, %gather3A_101 : vector<16xf32>
    %gather3A_103 = tpu.vector_load_idx %arg18[%scan3A_85#5] : memref<4096xf32, #tpu.memory_space<vmem>>[vector<16xi32>], vector<16xf32>,
    %add3A_104 = arith.addf %add3A_98, %gather3A_103 : vector<16xf32>
    %gather3A_105 = tpu.vector_load_idx %arg16[%scan3A_85#6] : memref<4096xf32, #tpu.memory_space<vmem>>[vector<16xi32>], vector<16xf32>,
    %add3A_106 = arith.addf %add3A_100, %gather3A_105 : vector<16xf32>
    %gather3A_107 = tpu.vector_load_idx %arg17[%scan3A_85#6] : memref<4096xf32, #tpu.memory_space<vmem>>[vector<16xi32>], vector<16xf32>,
    %add3A_108 = arith.addf %add3A_102, %gather3A_107 : vector<16xf32>
    %gather3A_109 = tpu.vector_load_idx %arg18[%scan3A_85#6] : memref<4096xf32, #tpu.memory_space<vmem>>[vector<16xi32>], vector<16xf32>,
    %add3A_110 = arith.addf %add3A_104, %gather3A_109 : vector<16xf32>
    %gather3A_111 = tpu.vector_load_idx %arg16[%scan3A_85#7] : memref<4096xf32, #tpu.memory_space<vmem>>[vector<16xi32>], vector<16xf32>,
    %add3A_112 = arith.addf %add3A_106, %gather3A_111 : vector<16xf32>
    %gather3A_113 = tpu.vector_load_idx %arg17[%scan3A_85#7] : memref<4096xf32, #tpu.memory_space<vmem>>[vector<16xi32>], vector<16xf32>,
    %add3A_114 = arith.addf %add3A_108, %gather3A_113 : vector<16xf32>
    %gather3A_115 = tpu.vector_load_idx %arg18[%scan3A_85#7] : memref<4096xf32, #tpu.memory_space<vmem>>[vector<16xi32>], vector<16xf32>,
    %add3A_116 = arith.addf %add3A_110, %gather3A_115 : vector<16xf32>
    %gather3A_117 = tpu.vector_load_idx %arg16[%scan3A_85#8] : memref<4096xf32, #tpu.memory_space<vmem>>[vector<16xi32>], vector<16xf32>,
    %add3A_118 = arith.addf %add3A_112, %gather3A_117 : vector<16xf32>
    %gather3A_119 = tpu.vector_load_idx %arg17[%scan3A_85#8] : memref<4096xf32, #tpu.memory_space<vmem>>[vector<16xi32>], vector<16xf32>,
    %add3A_120 = arith.addf %add3A_114, %gather3A_119 : vector<16xf32>
    %gather3A_121 = tpu.vector_load_idx %arg18[%scan3A_85#8] : memref<4096xf32, #tpu.memory_space<vmem>>[vector<16xi32>], vector<16xf32>,
    %add3A_122 = arith.addf %add3A_116, %gather3A_121 : vector<16xf32>
    %gather3A_123 = tpu.vector_load_idx %arg16[%scan3A_85#9] : memref<4096xf32, #tpu.memory_space<vmem>>[vector<16xi32>], vector<16xf32>,
    %add3A_124 = arith.addf %add3A_118, %gather3A_123 : vector<16xf32>
    %gather3A_125 = tpu.vector_load_idx %arg17[%scan3A_85#9] : memref<4096xf32, #tpu.memory_space<vmem>>[vector<16xi32>], vector<16xf32>,
    %add3A_126 = arith.addf %add3A_120, %gather3A_125 : vector<16xf32>
    %gather3A_127 = tpu.vector_load_idx %arg18[%scan3A_85#9] : memref<4096xf32, #tpu.memory_space<vmem>>[vector<16xi32>], vector<16xf32>,
    %add3A_128 = arith.addf %add3A_122, %gather3A_127 : vector<16xf32>
    %swap3A_129 = arith.constant 16 : index
    %swap3A_130 = tpu.vector_load %arg19[%swap3A_129] {strides = array<i32>} : memref<112xf32, #tpu.memory_space<vmem>>, vector<16xf32>,
    tpu.vector_store %arg19[%swap3A_129], %add3A_124 {strides = array<i32>} : memref<112xf32, #tpu.memory_space<vmem>>, vector<16xf32>,
    %swap3A_131 = arith.constant 16 : index
    %swap3A_132 = tpu.vector_load %arg20[%swap3A_131] {strides = array<i32>} : memref<112xf32, #tpu.memory_space<vmem>>, vector<16xf32>,
    tpu.vector_store %arg20[%swap3A_131], %add3A_126 {strides = array<i32>} : memref<112xf32, #tpu.memory_space<vmem>>, vector<16xf32>,
    %swap3A_133 = arith.constant 16 : index
    %swap3A_134 = tpu.vector_load %arg21[%swap3A_133] {strides = array<i32>} : memref<112xf32, #tpu.memory_space<vmem>>, vector<16xf32>,
    tpu.vector_store %arg21[%swap3A_133], %add3A_128 {strides = array<i32>} : memref<112xf32, #tpu.memory_space<vmem>>, vector<16xf32>,
    %get3A_135 = arith.constant 32 : index
    %get3A_136 = tpu.vector_load %arg12[%get3A_135] {strides = array<i32>} : memref<112xf32, #tpu.memory_space<vmem>>, vector<16xf32>,
    %get3A_137 = arith.constant 32 : index
    %get3A_138 = tpu.vector_load %arg13[%get3A_137] {strides = array<i32>} : memref<112xf32, #tpu.memory_space<vmem>>, vector<16xf32>,
    %add3A_139 = arith.constant 512 : i32
    %add3A_140 = arith.addi %add3A_139, %mul3A_2 : i32
    %add3A_141 = arith.constant 32 : i32
    %add3A_142 = arith.addi %add3A_140, %add3A_141 : i32
    %broadcast_in_dim3A_143 = vector.broadcast %add3A_142 : i32 to vector<16xi32>
    %iota3A_144 = tpu.iota {dimensions = array<i32: 0>} : vector<16xi32>
    %add3A_145 = arith.addi %broadcast_in_dim3A_143, %iota3A_144 : vector<16xi32>
    %broadcast_in_dim3A_146 = arith.constant 0x7F800000 : f32
    %broadcast_in_dim3A_147 = vector.broadcast %broadcast_in_dim3A_146 : f32 to vector<16xf32>
    %broadcast_in_dim3A_148 = arith.constant 0 : i32
    %broadcast_in_dim3A_149 = vector.broadcast %broadcast_in_dim3A_148 : i32 to vector<16xi32>
    %scan3A_150 = arith.constant 0 : i32
    %scan3A_151 = arith.constant 4096 : i32
    %scan3A_152 = arith.addi %scan3A_150, %scan3A_151 : i32
    %scan3A_153 = arith.constant 4 : i32
    %scan3A_154:10 = scf.for %scan3A_480 = %scan3A_150 to %scan3A_152 step %scan3A_153 iter_args(%scan3A_481 = %broadcast_in_dim3A_147, %scan3A_482 = %broadcast_in_dim3A_147, %scan3A_483 = %broadcast_in_dim3A_147, %scan3A_484 = %broadcast_in_dim3A_147, %scan3A_485 = %broadcast_in_dim3A_147, %scan3A_486 = %broadcast_in_dim3A_149, %scan3A_487 = %broadcast_in_dim3A_149, %scan3A_488 = %broadcast_in_dim3A_149, %scan3A_489 = %broadcast_in_dim3A_149, %scan3A_490 = %broadcast_in_dim3A_149) -> (vector<16xf32>, vector<16xf32>, vector<16xf32>, vector<16xf32>, vector<16xf32>, vector<16xi32>, vector<16xi32>, vector<16xi32>, vector<16xi32>, vector<16xi32>)  : i32 {
      %broadcast_in_dim3A_491 = vector.broadcast %scan3A_480 : i32 to vector<16xi32>
      %gather3A_492 = tpu.vector_load_idx %arg14[%broadcast_in_dim3A_491] : memref<4096xf32, #tpu.memory_space<vmem>>[vector<16xi32>], vector<16xf32>,
      %gather3A_493 = tpu.vector_load_idx %arg15[%broadcast_in_dim3A_491] : memref<4096xf32, #tpu.memory_space<vmem>>[vector<16xi32>], vector<16xf32>,
      %sub3A = arith.subf %gather3A_492, %get3A_136 : vector<16xf32>
      %sub3A_494 = arith.subf %gather3A_493, %get3A_138 : vector<16xf32>
      %mul3A_495 = arith.mulf %sub3A, %sub3A : vector<16xf32>
      %mul3A_496 = arith.mulf %sub3A_494, %sub3A_494 : vector<16xf32>
      %add3A_497 = arith.addf %mul3A_495, %mul3A_496 : vector<16xf32>
      %eq3A = arith.cmpi eq, %broadcast_in_dim3A_491, %add3A_145 : vector<16xi32>
      %jit3A = arith.constant 0x7F800000 : f32
      %broadcast_in_dim3A_498 = vector.broadcast %jit3A : f32 to vector<16xf32>
      %select_n3A = arith.select %eq3A, %broadcast_in_dim3A_498, %add3A_497 : vector<16xi1>, vector<16xf32>
      %lt3A = arith.cmpf olt, %select_n3A, %scan3A_481 : vector<16xf32>
      %lt3A_499 = arith.cmpf olt, %select_n3A, %scan3A_482 : vector<16xf32>
      %lt3A_500 = arith.cmpf olt, %select_n3A, %scan3A_483 : vector<16xf32>
      %lt3A_501 = arith.cmpf olt, %select_n3A, %scan3A_484 : vector<16xf32>
      %lt3A_502 = arith.cmpf olt, %select_n3A, %scan3A_485 : vector<16xf32>
      %select_n3A_503 = arith.select %lt3A_501, %scan3A_484, %select_n3A : vector<16xi1>, vector<16xf32>
      %select_n3A_504 = arith.select %lt3A_502, %select_n3A_503, %scan3A_485 : vector<16xi1>, vector<16xf32>
      %select_n3A_505 = arith.select %lt3A_501, %scan3A_489, %broadcast_in_dim3A_491 : vector<16xi1>, vector<16xi32>
      %select_n3A_506 = arith.select %lt3A_502, %select_n3A_505, %scan3A_490 : vector<16xi1>, vector<16xi32>
      %select_n3A_507 = arith.select %lt3A_500, %scan3A_483, %select_n3A : vector<16xi1>, vector<16xf32>
      %select_n3A_508 = arith.select %lt3A_501, %select_n3A_507, %scan3A_484 : vector<16xi1>, vector<16xf32>
      %select_n3A_509 = arith.select %lt3A_500, %scan3A_488, %broadcast_in_dim3A_491 : vector<16xi1>, vector<16xi32>
      %select_n3A_510 = arith.select %lt3A_501, %select_n3A_509, %scan3A_489 : vector<16xi1>, vector<16xi32>
      %select_n3A_511 = arith.select %lt3A_499, %scan3A_482, %select_n3A : vector<16xi1>, vector<16xf32>
      %select_n3A_512 = arith.select %lt3A_500, %select_n3A_511, %scan3A_483 : vector<16xi1>, vector<16xf32>
      %select_n3A_513 = arith.select %lt3A_499, %scan3A_487, %broadcast_in_dim3A_491 : vector<16xi1>, vector<16xi32>
      %select_n3A_514 = arith.select %lt3A_500, %select_n3A_513, %scan3A_488 : vector<16xi1>, vector<16xi32>
      %select_n3A_515 = arith.select %lt3A, %scan3A_481, %select_n3A : vector<16xi1>, vector<16xf32>
      %select_n3A_516 = arith.select %lt3A_499, %select_n3A_515, %scan3A_482 : vector<16xi1>, vector<16xf32>
      %select_n3A_517 = arith.select %lt3A, %scan3A_486, %broadcast_in_dim3A_491 : vector<16xi1>, vector<16xi32>
      %select_n3A_518 = arith.select %lt3A_499, %select_n3A_517, %scan3A_487 : vector<16xi1>, vector<16xi32>
      %select_n3A_519 = arith.select %lt3A, %select_n3A, %scan3A_481 : vector<16xi1>, vector<16xf32>
      %select_n3A_520 = arith.select %lt3A, %broadcast_in_dim3A_491, %scan3A_486 : vector<16xi1>, vector<16xi32>
      %scan3A_521 = arith.constant 1 : i32
      %scan3A_522 = arith.addi %scan3A_480, %scan3A_521 : i32
      %broadcast_in_dim3A_523 = vector.broadcast %scan3A_522 : i32 to vector<16xi32>
      %gather3A_524 = tpu.vector_load_idx %arg14[%broadcast_in_dim3A_523] : memref<4096xf32, #tpu.memory_space<vmem>>[vector<16xi32>], vector<16xf32>,
      %gather3A_525 = tpu.vector_load_idx %arg15[%broadcast_in_dim3A_523] : memref<4096xf32, #tpu.memory_space<vmem>>[vector<16xi32>], vector<16xf32>,
      %sub3A_526 = arith.subf %gather3A_524, %get3A_136 : vector<16xf32>
      %sub3A_527 = arith.subf %gather3A_525, %get3A_138 : vector<16xf32>
      %mul3A_528 = arith.mulf %sub3A_526, %sub3A_526 : vector<16xf32>
      %mul3A_529 = arith.mulf %sub3A_527, %sub3A_527 : vector<16xf32>
      %add3A_530 = arith.addf %mul3A_528, %mul3A_529 : vector<16xf32>
      %eq3A_531 = arith.cmpi eq, %broadcast_in_dim3A_523, %add3A_145 : vector<16xi32>
      %jit3A_532 = arith.constant 0x7F800000 : f32
      %broadcast_in_dim3A_533 = vector.broadcast %jit3A_532 : f32 to vector<16xf32>
      %select_n3A_534 = arith.select %eq3A_531, %broadcast_in_dim3A_533, %add3A_530 : vector<16xi1>, vector<16xf32>
      %lt3A_535 = arith.cmpf olt, %select_n3A_534, %select_n3A_519 : vector<16xf32>
      %lt3A_536 = arith.cmpf olt, %select_n3A_534, %select_n3A_516 : vector<16xf32>
      %lt3A_537 = arith.cmpf olt, %select_n3A_534, %select_n3A_512 : vector<16xf32>
      %lt3A_538 = arith.cmpf olt, %select_n3A_534, %select_n3A_508 : vector<16xf32>
      %lt3A_539 = arith.cmpf olt, %select_n3A_534, %select_n3A_504 : vector<16xf32>
      %select_n3A_540 = arith.select %lt3A_538, %select_n3A_508, %select_n3A_534 : vector<16xi1>, vector<16xf32>
      %select_n3A_541 = arith.select %lt3A_539, %select_n3A_540, %select_n3A_504 : vector<16xi1>, vector<16xf32>
      %select_n3A_542 = arith.select %lt3A_538, %select_n3A_510, %broadcast_in_dim3A_523 : vector<16xi1>, vector<16xi32>
      %select_n3A_543 = arith.select %lt3A_539, %select_n3A_542, %select_n3A_506 : vector<16xi1>, vector<16xi32>
      %select_n3A_544 = arith.select %lt3A_537, %select_n3A_512, %select_n3A_534 : vector<16xi1>, vector<16xf32>
      %select_n3A_545 = arith.select %lt3A_538, %select_n3A_544, %select_n3A_508 : vector<16xi1>, vector<16xf32>
      %select_n3A_546 = arith.select %lt3A_537, %select_n3A_514, %broadcast_in_dim3A_523 : vector<16xi1>, vector<16xi32>
      %select_n3A_547 = arith.select %lt3A_538, %select_n3A_546, %select_n3A_510 : vector<16xi1>, vector<16xi32>
      %select_n3A_548 = arith.select %lt3A_536, %select_n3A_516, %select_n3A_534 : vector<16xi1>, vector<16xf32>
      %select_n3A_549 = arith.select %lt3A_537, %select_n3A_548, %select_n3A_512 : vector<16xi1>, vector<16xf32>
      %select_n3A_550 = arith.select %lt3A_536, %select_n3A_518, %broadcast_in_dim3A_523 : vector<16xi1>, vector<16xi32>
      %select_n3A_551 = arith.select %lt3A_537, %select_n3A_550, %select_n3A_514 : vector<16xi1>, vector<16xi32>
      %select_n3A_552 = arith.select %lt3A_535, %select_n3A_519, %select_n3A_534 : vector<16xi1>, vector<16xf32>
      %select_n3A_553 = arith.select %lt3A_536, %select_n3A_552, %select_n3A_516 : vector<16xi1>, vector<16xf32>
      %select_n3A_554 = arith.select %lt3A_535, %select_n3A_520, %broadcast_in_dim3A_523 : vector<16xi1>, vector<16xi32>
      %select_n3A_555 = arith.select %lt3A_536, %select_n3A_554, %select_n3A_518 : vector<16xi1>, vector<16xi32>
      %select_n3A_556 = arith.select %lt3A_535, %select_n3A_534, %select_n3A_519 : vector<16xi1>, vector<16xf32>
      %select_n3A_557 = arith.select %lt3A_535, %broadcast_in_dim3A_523, %select_n3A_520 : vector<16xi1>, vector<16xi32>
      %scan3A_558 = arith.constant 2 : i32
      %scan3A_559 = arith.addi %scan3A_480, %scan3A_558 : i32
      %broadcast_in_dim3A_560 = vector.broadcast %scan3A_559 : i32 to vector<16xi32>
      %gather3A_561 = tpu.vector_load_idx %arg14[%broadcast_in_dim3A_560] : memref<4096xf32, #tpu.memory_space<vmem>>[vector<16xi32>], vector<16xf32>,
      %gather3A_562 = tpu.vector_load_idx %arg15[%broadcast_in_dim3A_560] : memref<4096xf32, #tpu.memory_space<vmem>>[vector<16xi32>], vector<16xf32>,
      %sub3A_563 = arith.subf %gather3A_561, %get3A_136 : vector<16xf32>
      %sub3A_564 = arith.subf %gather3A_562, %get3A_138 : vector<16xf32>
      %mul3A_565 = arith.mulf %sub3A_563, %sub3A_563 : vector<16xf32>
      %mul3A_566 = arith.mulf %sub3A_564, %sub3A_564 : vector<16xf32>
      %add3A_567 = arith.addf %mul3A_565, %mul3A_566 : vector<16xf32>
      %eq3A_568 = arith.cmpi eq, %broadcast_in_dim3A_560, %add3A_145 : vector<16xi32>
      %jit3A_569 = arith.constant 0x7F800000 : f32
      %broadcast_in_dim3A_570 = vector.broadcast %jit3A_569 : f32 to vector<16xf32>
      %select_n3A_571 = arith.select %eq3A_568, %broadcast_in_dim3A_570, %add3A_567 : vector<16xi1>, vector<16xf32>
      %lt3A_572 = arith.cmpf olt, %select_n3A_571, %select_n3A_556 : vector<16xf32>
      %lt3A_573 = arith.cmpf olt, %select_n3A_571, %select_n3A_553 : vector<16xf32>
      %lt3A_574 = arith.cmpf olt, %select_n3A_571, %select_n3A_549 : vector<16xf32>
      %lt3A_575 = arith.cmpf olt, %select_n3A_571, %select_n3A_545 : vector<16xf32>
      %lt3A_576 = arith.cmpf olt, %select_n3A_571, %select_n3A_541 : vector<16xf32>
      %select_n3A_577 = arith.select %lt3A_575, %select_n3A_545, %select_n3A_571 : vector<16xi1>, vector<16xf32>
      %select_n3A_578 = arith.select %lt3A_576, %select_n3A_577, %select_n3A_541 : vector<16xi1>, vector<16xf32>
      %select_n3A_579 = arith.select %lt3A_575, %select_n3A_547, %broadcast_in_dim3A_560 : vector<16xi1>, vector<16xi32>
      %select_n3A_580 = arith.select %lt3A_576, %select_n3A_579, %select_n3A_543 : vector<16xi1>, vector<16xi32>
      %select_n3A_581 = arith.select %lt3A_574, %select_n3A_549, %select_n3A_571 : vector<16xi1>, vector<16xf32>
      %select_n3A_582 = arith.select %lt3A_575, %select_n3A_581, %select_n3A_545 : vector<16xi1>, vector<16xf32>
      %select_n3A_583 = arith.select %lt3A_574, %select_n3A_551, %broadcast_in_dim3A_560 : vector<16xi1>, vector<16xi32>
      %select_n3A_584 = arith.select %lt3A_575, %select_n3A_583, %select_n3A_547 : vector<16xi1>, vector<16xi32>
      %select_n3A_585 = arith.select %lt3A_573, %select_n3A_553, %select_n3A_571 : vector<16xi1>, vector<16xf32>
      %select_n3A_586 = arith.select %lt3A_574, %select_n3A_585, %select_n3A_549 : vector<16xi1>, vector<16xf32>
      %select_n3A_587 = arith.select %lt3A_573, %select_n3A_555, %broadcast_in_dim3A_560 : vector<16xi1>, vector<16xi32>
      %select_n3A_588 = arith.select %lt3A_574, %select_n3A_587, %select_n3A_551 : vector<16xi1>, vector<16xi32>
      %select_n3A_589 = arith.select %lt3A_572, %select_n3A_556, %select_n3A_571 : vector<16xi1>, vector<16xf32>
      %select_n3A_590 = arith.select %lt3A_573, %select_n3A_589, %select_n3A_553 : vector<16xi1>, vector<16xf32>
      %select_n3A_591 = arith.select %lt3A_572, %select_n3A_557, %broadcast_in_dim3A_560 : vector<16xi1>, vector<16xi32>
      %select_n3A_592 = arith.select %lt3A_573, %select_n3A_591, %select_n3A_555 : vector<16xi1>, vector<16xi32>
      %select_n3A_593 = arith.select %lt3A_572, %select_n3A_571, %select_n3A_556 : vector<16xi1>, vector<16xf32>
      %select_n3A_594 = arith.select %lt3A_572, %broadcast_in_dim3A_560, %select_n3A_557 : vector<16xi1>, vector<16xi32>
      %scan3A_595 = arith.constant 3 : i32
      %scan3A_596 = arith.addi %scan3A_480, %scan3A_595 : i32
      %broadcast_in_dim3A_597 = vector.broadcast %scan3A_596 : i32 to vector<16xi32>
      %gather3A_598 = tpu.vector_load_idx %arg14[%broadcast_in_dim3A_597] : memref<4096xf32, #tpu.memory_space<vmem>>[vector<16xi32>], vector<16xf32>,
      %gather3A_599 = tpu.vector_load_idx %arg15[%broadcast_in_dim3A_597] : memref<4096xf32, #tpu.memory_space<vmem>>[vector<16xi32>], vector<16xf32>,
      %sub3A_600 = arith.subf %gather3A_598, %get3A_136 : vector<16xf32>
      %sub3A_601 = arith.subf %gather3A_599, %get3A_138 : vector<16xf32>
      %mul3A_602 = arith.mulf %sub3A_600, %sub3A_600 : vector<16xf32>
      %mul3A_603 = arith.mulf %sub3A_601, %sub3A_601 : vector<16xf32>
      %add3A_604 = arith.addf %mul3A_602, %mul3A_603 : vector<16xf32>
      %eq3A_605 = arith.cmpi eq, %broadcast_in_dim3A_597, %add3A_145 : vector<16xi32>
      %jit3A_606 = arith.constant 0x7F800000 : f32
      %broadcast_in_dim3A_607 = vector.broadcast %jit3A_606 : f32 to vector<16xf32>
      %select_n3A_608 = arith.select %eq3A_605, %broadcast_in_dim3A_607, %add3A_604 : vector<16xi1>, vector<16xf32>
      %lt3A_609 = arith.cmpf olt, %select_n3A_608, %select_n3A_593 : vector<16xf32>
      %lt3A_610 = arith.cmpf olt, %select_n3A_608, %select_n3A_590 : vector<16xf32>
      %lt3A_611 = arith.cmpf olt, %select_n3A_608, %select_n3A_586 : vector<16xf32>
      %lt3A_612 = arith.cmpf olt, %select_n3A_608, %select_n3A_582 : vector<16xf32>
      %lt3A_613 = arith.cmpf olt, %select_n3A_608, %select_n3A_578 : vector<16xf32>
      %select_n3A_614 = arith.select %lt3A_612, %select_n3A_582, %select_n3A_608 : vector<16xi1>, vector<16xf32>
      %select_n3A_615 = arith.select %lt3A_613, %select_n3A_614, %select_n3A_578 : vector<16xi1>, vector<16xf32>
      %select_n3A_616 = arith.select %lt3A_612, %select_n3A_584, %broadcast_in_dim3A_597 : vector<16xi1>, vector<16xi32>
      %select_n3A_617 = arith.select %lt3A_613, %select_n3A_616, %select_n3A_580 : vector<16xi1>, vector<16xi32>
      %select_n3A_618 = arith.select %lt3A_611, %select_n3A_586, %select_n3A_608 : vector<16xi1>, vector<16xf32>
      %select_n3A_619 = arith.select %lt3A_612, %select_n3A_618, %select_n3A_582 : vector<16xi1>, vector<16xf32>
      %select_n3A_620 = arith.select %lt3A_611, %select_n3A_588, %broadcast_in_dim3A_597 : vector<16xi1>, vector<16xi32>
      %select_n3A_621 = arith.select %lt3A_612, %select_n3A_620, %select_n3A_584 : vector<16xi1>, vector<16xi32>
      %select_n3A_622 = arith.select %lt3A_610, %select_n3A_590, %select_n3A_608 : vector<16xi1>, vector<16xf32>
      %select_n3A_623 = arith.select %lt3A_611, %select_n3A_622, %select_n3A_586 : vector<16xi1>, vector<16xf32>
      %select_n3A_624 = arith.select %lt3A_610, %select_n3A_592, %broadcast_in_dim3A_597 : vector<16xi1>, vector<16xi32>
      %select_n3A_625 = arith.select %lt3A_611, %select_n3A_624, %select_n3A_588 : vector<16xi1>, vector<16xi32>
      %select_n3A_626 = arith.select %lt3A_609, %select_n3A_593, %select_n3A_608 : vector<16xi1>, vector<16xf32>
      %select_n3A_627 = arith.select %lt3A_610, %select_n3A_626, %select_n3A_590 : vector<16xi1>, vector<16xf32>
      %select_n3A_628 = arith.select %lt3A_609, %select_n3A_594, %broadcast_in_dim3A_597 : vector<16xi1>, vector<16xi32>
      %select_n3A_629 = arith.select %lt3A_610, %select_n3A_628, %select_n3A_592 : vector<16xi1>, vector<16xi32>
      %select_n3A_630 = arith.select %lt3A_609, %select_n3A_608, %select_n3A_593 : vector<16xi1>, vector<16xf32>
      %select_n3A_631 = arith.select %lt3A_609, %broadcast_in_dim3A_597, %select_n3A_594 : vector<16xi1>, vector<16xi32>
      scf.yield %select_n3A_630, %select_n3A_627, %select_n3A_623, %select_n3A_619, %select_n3A_615, %select_n3A_631, %select_n3A_629, %select_n3A_625, %select_n3A_621, %select_n3A_617 : vector<16xf32>, vector<16xf32>, vector<16xf32>, vector<16xf32>, vector<16xf32>, vector<16xi32>, vector<16xi32>, vector<16xi32>, vector<16xi32>, vector<16xi32>
    }
    %scan3A_155 = arith.constant 4096 : i32
    %broadcast_in_dim3A_156 = arith.constant 0.000000e+00 : f32
    %broadcast_in_dim3A_157 = vector.broadcast %broadcast_in_dim3A_156 : f32 to vector<16xf32>
    %broadcast_in_dim3A_158 = arith.constant 0.000000e+00 : f32
    %broadcast_in_dim3A_159 = vector.broadcast %broadcast_in_dim3A_158 : f32 to vector<16xf32>
    %broadcast_in_dim3A_160 = arith.constant 0.000000e+00 : f32
    %broadcast_in_dim3A_161 = vector.broadcast %broadcast_in_dim3A_160 : f32 to vector<16xf32>
    %gather3A_162 = tpu.vector_load_idx %arg16[%add3A_145] : memref<4096xf32, #tpu.memory_space<vmem>>[vector<16xi32>], vector<16xf32>,
    %add3A_163 = arith.addf %broadcast_in_dim3A_157, %gather3A_162 : vector<16xf32>
    %gather3A_164 = tpu.vector_load_idx %arg17[%add3A_145] : memref<4096xf32, #tpu.memory_space<vmem>>[vector<16xi32>], vector<16xf32>,
    %add3A_165 = arith.addf %broadcast_in_dim3A_159, %gather3A_164 : vector<16xf32>
    %gather3A_166 = tpu.vector_load_idx %arg18[%add3A_145] : memref<4096xf32, #tpu.memory_space<vmem>>[vector<16xi32>], vector<16xf32>,
    %add3A_167 = arith.addf %broadcast_in_dim3A_161, %gather3A_166 : vector<16xf32>
    %gather3A_168 = tpu.vector_load_idx %arg16[%scan3A_154#5] : memref<4096xf32, #tpu.memory_space<vmem>>[vector<16xi32>], vector<16xf32>,
    %add3A_169 = arith.addf %add3A_163, %gather3A_168 : vector<16xf32>
    %gather3A_170 = tpu.vector_load_idx %arg17[%scan3A_154#5] : memref<4096xf32, #tpu.memory_space<vmem>>[vector<16xi32>], vector<16xf32>,
    %add3A_171 = arith.addf %add3A_165, %gather3A_170 : vector<16xf32>
    %gather3A_172 = tpu.vector_load_idx %arg18[%scan3A_154#5] : memref<4096xf32, #tpu.memory_space<vmem>>[vector<16xi32>], vector<16xf32>,
    %add3A_173 = arith.addf %add3A_167, %gather3A_172 : vector<16xf32>
    %gather3A_174 = tpu.vector_load_idx %arg16[%scan3A_154#6] : memref<4096xf32, #tpu.memory_space<vmem>>[vector<16xi32>], vector<16xf32>,
    %add3A_175 = arith.addf %add3A_169, %gather3A_174 : vector<16xf32>
    %gather3A_176 = tpu.vector_load_idx %arg17[%scan3A_154#6] : memref<4096xf32, #tpu.memory_space<vmem>>[vector<16xi32>], vector<16xf32>,
    %add3A_177 = arith.addf %add3A_171, %gather3A_176 : vector<16xf32>
    %gather3A_178 = tpu.vector_load_idx %arg18[%scan3A_154#6] : memref<4096xf32, #tpu.memory_space<vmem>>[vector<16xi32>], vector<16xf32>,
    %add3A_179 = arith.addf %add3A_173, %gather3A_178 : vector<16xf32>
    %gather3A_180 = tpu.vector_load_idx %arg16[%scan3A_154#7] : memref<4096xf32, #tpu.memory_space<vmem>>[vector<16xi32>], vector<16xf32>,
    %add3A_181 = arith.addf %add3A_175, %gather3A_180 : vector<16xf32>
    %gather3A_182 = tpu.vector_load_idx %arg17[%scan3A_154#7] : memref<4096xf32, #tpu.memory_space<vmem>>[vector<16xi32>], vector<16xf32>,
    %add3A_183 = arith.addf %add3A_177, %gather3A_182 : vector<16xf32>
    %gather3A_184 = tpu.vector_load_idx %arg18[%scan3A_154#7] : memref<4096xf32, #tpu.memory_space<vmem>>[vector<16xi32>], vector<16xf32>,
    %add3A_185 = arith.addf %add3A_179, %gather3A_184 : vector<16xf32>
    %gather3A_186 = tpu.vector_load_idx %arg16[%scan3A_154#8] : memref<4096xf32, #tpu.memory_space<vmem>>[vector<16xi32>], vector<16xf32>,
    %add3A_187 = arith.addf %add3A_181, %gather3A_186 : vector<16xf32>
    %gather3A_188 = tpu.vector_load_idx %arg17[%scan3A_154#8] : memref<4096xf32, #tpu.memory_space<vmem>>[vector<16xi32>], vector<16xf32>,
    %add3A_189 = arith.addf %add3A_183, %gather3A_188 : vector<16xf32>
    %gather3A_190 = tpu.vector_load_idx %arg18[%scan3A_154#8] : memref<4096xf32, #tpu.memory_space<vmem>>[vector<16xi32>], vector<16xf32>,
    %add3A_191 = arith.addf %add3A_185, %gather3A_190 : vector<16xf32>
    %gather3A_192 = tpu.vector_load_idx %arg16[%scan3A_154#9] : memref<4096xf32, #tpu.memory_space<vmem>>[vector<16xi32>], vector<16xf32>,
    %add3A_193 = arith.addf %add3A_187, %gather3A_192 : vector<16xf32>
    %gather3A_194 = tpu.vector_load_idx %arg17[%scan3A_154#9] : memref<4096xf32, #tpu.memory_space<vmem>>[vector<16xi32>], vector<16xf32>,
    %add3A_195 = arith.addf %add3A_189, %gather3A_194 : vector<16xf32>
    %gather3A_196 = tpu.vector_load_idx %arg18[%scan3A_154#9] : memref<4096xf32, #tpu.memory_space<vmem>>[vector<16xi32>], vector<16xf32>,
    %add3A_197 = arith.addf %add3A_191, %gather3A_196 : vector<16xf32>
    %swap3A_198 = arith.constant 32 : index
    %swap3A_199 = tpu.vector_load %arg19[%swap3A_198] {strides = array<i32>} : memref<112xf32, #tpu.memory_space<vmem>>, vector<16xf32>,
    tpu.vector_store %arg19[%swap3A_198], %add3A_193 {strides = array<i32>} : memref<112xf32, #tpu.memory_space<vmem>>, vector<16xf32>,
    %swap3A_200 = arith.constant 32 : index
    %swap3A_201 = tpu.vector_load %arg20[%swap3A_200] {strides = array<i32>} : memref<112xf32, #tpu.memory_space<vmem>>, vector<16xf32>,
    tpu.vector_store %arg20[%swap3A_200], %add3A_195 {strides = array<i32>} : memref<112xf32, #tpu.memory_space<vmem>>, vector<16xf32>,
    %swap3A_202 = arith.constant 32 : index
    %swap3A_203 = tpu.vector_load %arg21[%swap3A_202] {strides = array<i32>} : memref<112xf32, #tpu.memory_space<vmem>>, vector<16xf32>,
    tpu.vector_store %arg21[%swap3A_202], %add3A_197 {strides = array<i32>} : memref<112xf32, #tpu.memory_space<vmem>>, vector<16xf32>,
    %get3A_204 = arith.constant 48 : index
    %get3A_205 = tpu.vector_load %arg12[%get3A_204] {strides = array<i32>} : memref<112xf32, #tpu.memory_space<vmem>>, vector<16xf32>,
    %get3A_206 = arith.constant 48 : index
    %get3A_207 = tpu.vector_load %arg13[%get3A_206] {strides = array<i32>} : memref<112xf32, #tpu.memory_space<vmem>>, vector<16xf32>,
    %add3A_208 = arith.constant 512 : i32
    %add3A_209 = arith.addi %add3A_208, %mul3A_2 : i32
    %add3A_210 = arith.constant 48 : i32
    %add3A_211 = arith.addi %add3A_209, %add3A_210 : i32
    %broadcast_in_dim3A_212 = vector.broadcast %add3A_211 : i32 to vector<16xi32>
    %iota3A_213 = tpu.iota {dimensions = array<i32: 0>} : vector<16xi32>
    %add3A_214 = arith.addi %broadcast_in_dim3A_212, %iota3A_213 : vector<16xi32>
    %broadcast_in_dim3A_215 = arith.constant 0x7F800000 : f32
    %broadcast_in_dim3A_216 = vector.broadcast %broadcast_in_dim3A_215 : f32 to vector<16xf32>
    %broadcast_in_dim3A_217 = arith.constant 0 : i32
    %broadcast_in_dim3A_218 = vector.broadcast %broadcast_in_dim3A_217 : i32 to vector<16xi32>
    %scan3A_219 = arith.constant 0 : i32
    %scan3A_220 = arith.constant 4096 : i32
    %scan3A_221 = arith.addi %scan3A_219, %scan3A_220 : i32
    %scan3A_222 = arith.constant 4 : i32
    %scan3A_223:10 = scf.for %scan3A_480 = %scan3A_219 to %scan3A_221 step %scan3A_222 iter_args(%scan3A_481 = %broadcast_in_dim3A_216, %scan3A_482 = %broadcast_in_dim3A_216, %scan3A_483 = %broadcast_in_dim3A_216, %scan3A_484 = %broadcast_in_dim3A_216, %scan3A_485 = %broadcast_in_dim3A_216, %scan3A_486 = %broadcast_in_dim3A_218, %scan3A_487 = %broadcast_in_dim3A_218, %scan3A_488 = %broadcast_in_dim3A_218, %scan3A_489 = %broadcast_in_dim3A_218, %scan3A_490 = %broadcast_in_dim3A_218) -> (vector<16xf32>, vector<16xf32>, vector<16xf32>, vector<16xf32>, vector<16xf32>, vector<16xi32>, vector<16xi32>, vector<16xi32>, vector<16xi32>, vector<16xi32>)  : i32 {
      %broadcast_in_dim3A_491 = vector.broadcast %scan3A_480 : i32 to vector<16xi32>
      %gather3A_492 = tpu.vector_load_idx %arg14[%broadcast_in_dim3A_491] : memref<4096xf32, #tpu.memory_space<vmem>>[vector<16xi32>], vector<16xf32>,
      %gather3A_493 = tpu.vector_load_idx %arg15[%broadcast_in_dim3A_491] : memref<4096xf32, #tpu.memory_space<vmem>>[vector<16xi32>], vector<16xf32>,
      %sub3A = arith.subf %gather3A_492, %get3A_205 : vector<16xf32>
      %sub3A_494 = arith.subf %gather3A_493, %get3A_207 : vector<16xf32>
      %mul3A_495 = arith.mulf %sub3A, %sub3A : vector<16xf32>
      %mul3A_496 = arith.mulf %sub3A_494, %sub3A_494 : vector<16xf32>
      %add3A_497 = arith.addf %mul3A_495, %mul3A_496 : vector<16xf32>
      %eq3A = arith.cmpi eq, %broadcast_in_dim3A_491, %add3A_214 : vector<16xi32>
      %jit3A = arith.constant 0x7F800000 : f32
      %broadcast_in_dim3A_498 = vector.broadcast %jit3A : f32 to vector<16xf32>
      %select_n3A = arith.select %eq3A, %broadcast_in_dim3A_498, %add3A_497 : vector<16xi1>, vector<16xf32>
      %lt3A = arith.cmpf olt, %select_n3A, %scan3A_481 : vector<16xf32>
      %lt3A_499 = arith.cmpf olt, %select_n3A, %scan3A_482 : vector<16xf32>
      %lt3A_500 = arith.cmpf olt, %select_n3A, %scan3A_483 : vector<16xf32>
      %lt3A_501 = arith.cmpf olt, %select_n3A, %scan3A_484 : vector<16xf32>
      %lt3A_502 = arith.cmpf olt, %select_n3A, %scan3A_485 : vector<16xf32>
      %select_n3A_503 = arith.select %lt3A_501, %scan3A_484, %select_n3A : vector<16xi1>, vector<16xf32>
      %select_n3A_504 = arith.select %lt3A_502, %select_n3A_503, %scan3A_485 : vector<16xi1>, vector<16xf32>
      %select_n3A_505 = arith.select %lt3A_501, %scan3A_489, %broadcast_in_dim3A_491 : vector<16xi1>, vector<16xi32>
      %select_n3A_506 = arith.select %lt3A_502, %select_n3A_505, %scan3A_490 : vector<16xi1>, vector<16xi32>
      %select_n3A_507 = arith.select %lt3A_500, %scan3A_483, %select_n3A : vector<16xi1>, vector<16xf32>
      %select_n3A_508 = arith.select %lt3A_501, %select_n3A_507, %scan3A_484 : vector<16xi1>, vector<16xf32>
      %select_n3A_509 = arith.select %lt3A_500, %scan3A_488, %broadcast_in_dim3A_491 : vector<16xi1>, vector<16xi32>
      %select_n3A_510 = arith.select %lt3A_501, %select_n3A_509, %scan3A_489 : vector<16xi1>, vector<16xi32>
      %select_n3A_511 = arith.select %lt3A_499, %scan3A_482, %select_n3A : vector<16xi1>, vector<16xf32>
      %select_n3A_512 = arith.select %lt3A_500, %select_n3A_511, %scan3A_483 : vector<16xi1>, vector<16xf32>
      %select_n3A_513 = arith.select %lt3A_499, %scan3A_487, %broadcast_in_dim3A_491 : vector<16xi1>, vector<16xi32>
      %select_n3A_514 = arith.select %lt3A_500, %select_n3A_513, %scan3A_488 : vector<16xi1>, vector<16xi32>
      %select_n3A_515 = arith.select %lt3A, %scan3A_481, %select_n3A : vector<16xi1>, vector<16xf32>
      %select_n3A_516 = arith.select %lt3A_499, %select_n3A_515, %scan3A_482 : vector<16xi1>, vector<16xf32>
      %select_n3A_517 = arith.select %lt3A, %scan3A_486, %broadcast_in_dim3A_491 : vector<16xi1>, vector<16xi32>
      %select_n3A_518 = arith.select %lt3A_499, %select_n3A_517, %scan3A_487 : vector<16xi1>, vector<16xi32>
      %select_n3A_519 = arith.select %lt3A, %select_n3A, %scan3A_481 : vector<16xi1>, vector<16xf32>
      %select_n3A_520 = arith.select %lt3A, %broadcast_in_dim3A_491, %scan3A_486 : vector<16xi1>, vector<16xi32>
      %scan3A_521 = arith.constant 1 : i32
      %scan3A_522 = arith.addi %scan3A_480, %scan3A_521 : i32
      %broadcast_in_dim3A_523 = vector.broadcast %scan3A_522 : i32 to vector<16xi32>
      %gather3A_524 = tpu.vector_load_idx %arg14[%broadcast_in_dim3A_523] : memref<4096xf32, #tpu.memory_space<vmem>>[vector<16xi32>], vector<16xf32>,
      %gather3A_525 = tpu.vector_load_idx %arg15[%broadcast_in_dim3A_523] : memref<4096xf32, #tpu.memory_space<vmem>>[vector<16xi32>], vector<16xf32>,
      %sub3A_526 = arith.subf %gather3A_524, %get3A_205 : vector<16xf32>
      %sub3A_527 = arith.subf %gather3A_525, %get3A_207 : vector<16xf32>
      %mul3A_528 = arith.mulf %sub3A_526, %sub3A_526 : vector<16xf32>
      %mul3A_529 = arith.mulf %sub3A_527, %sub3A_527 : vector<16xf32>
      %add3A_530 = arith.addf %mul3A_528, %mul3A_529 : vector<16xf32>
      %eq3A_531 = arith.cmpi eq, %broadcast_in_dim3A_523, %add3A_214 : vector<16xi32>
      %jit3A_532 = arith.constant 0x7F800000 : f32
      %broadcast_in_dim3A_533 = vector.broadcast %jit3A_532 : f32 to vector<16xf32>
      %select_n3A_534 = arith.select %eq3A_531, %broadcast_in_dim3A_533, %add3A_530 : vector<16xi1>, vector<16xf32>
      %lt3A_535 = arith.cmpf olt, %select_n3A_534, %select_n3A_519 : vector<16xf32>
      %lt3A_536 = arith.cmpf olt, %select_n3A_534, %select_n3A_516 : vector<16xf32>
      %lt3A_537 = arith.cmpf olt, %select_n3A_534, %select_n3A_512 : vector<16xf32>
      %lt3A_538 = arith.cmpf olt, %select_n3A_534, %select_n3A_508 : vector<16xf32>
      %lt3A_539 = arith.cmpf olt, %select_n3A_534, %select_n3A_504 : vector<16xf32>
      %select_n3A_540 = arith.select %lt3A_538, %select_n3A_508, %select_n3A_534 : vector<16xi1>, vector<16xf32>
      %select_n3A_541 = arith.select %lt3A_539, %select_n3A_540, %select_n3A_504 : vector<16xi1>, vector<16xf32>
      %select_n3A_542 = arith.select %lt3A_538, %select_n3A_510, %broadcast_in_dim3A_523 : vector<16xi1>, vector<16xi32>
      %select_n3A_543 = arith.select %lt3A_539, %select_n3A_542, %select_n3A_506 : vector<16xi1>, vector<16xi32>
      %select_n3A_544 = arith.select %lt3A_537, %select_n3A_512, %select_n3A_534 : vector<16xi1>, vector<16xf32>
      %select_n3A_545 = arith.select %lt3A_538, %select_n3A_544, %select_n3A_508 : vector<16xi1>, vector<16xf32>
      %select_n3A_546 = arith.select %lt3A_537, %select_n3A_514, %broadcast_in_dim3A_523 : vector<16xi1>, vector<16xi32>
      %select_n3A_547 = arith.select %lt3A_538, %select_n3A_546, %select_n3A_510 : vector<16xi1>, vector<16xi32>
      %select_n3A_548 = arith.select %lt3A_536, %select_n3A_516, %select_n3A_534 : vector<16xi1>, vector<16xf32>
      %select_n3A_549 = arith.select %lt3A_537, %select_n3A_548, %select_n3A_512 : vector<16xi1>, vector<16xf32>
      %select_n3A_550 = arith.select %lt3A_536, %select_n3A_518, %broadcast_in_dim3A_523 : vector<16xi1>, vector<16xi32>
      %select_n3A_551 = arith.select %lt3A_537, %select_n3A_550, %select_n3A_514 : vector<16xi1>, vector<16xi32>
      %select_n3A_552 = arith.select %lt3A_535, %select_n3A_519, %select_n3A_534 : vector<16xi1>, vector<16xf32>
      %select_n3A_553 = arith.select %lt3A_536, %select_n3A_552, %select_n3A_516 : vector<16xi1>, vector<16xf32>
      %select_n3A_554 = arith.select %lt3A_535, %select_n3A_520, %broadcast_in_dim3A_523 : vector<16xi1>, vector<16xi32>
      %select_n3A_555 = arith.select %lt3A_536, %select_n3A_554, %select_n3A_518 : vector<16xi1>, vector<16xi32>
      %select_n3A_556 = arith.select %lt3A_535, %select_n3A_534, %select_n3A_519 : vector<16xi1>, vector<16xf32>
      %select_n3A_557 = arith.select %lt3A_535, %broadcast_in_dim3A_523, %select_n3A_520 : vector<16xi1>, vector<16xi32>
      %scan3A_558 = arith.constant 2 : i32
      %scan3A_559 = arith.addi %scan3A_480, %scan3A_558 : i32
      %broadcast_in_dim3A_560 = vector.broadcast %scan3A_559 : i32 to vector<16xi32>
      %gather3A_561 = tpu.vector_load_idx %arg14[%broadcast_in_dim3A_560] : memref<4096xf32, #tpu.memory_space<vmem>>[vector<16xi32>], vector<16xf32>,
      %gather3A_562 = tpu.vector_load_idx %arg15[%broadcast_in_dim3A_560] : memref<4096xf32, #tpu.memory_space<vmem>>[vector<16xi32>], vector<16xf32>,
      %sub3A_563 = arith.subf %gather3A_561, %get3A_205 : vector<16xf32>
      %sub3A_564 = arith.subf %gather3A_562, %get3A_207 : vector<16xf32>
      %mul3A_565 = arith.mulf %sub3A_563, %sub3A_563 : vector<16xf32>
      %mul3A_566 = arith.mulf %sub3A_564, %sub3A_564 : vector<16xf32>
      %add3A_567 = arith.addf %mul3A_565, %mul3A_566 : vector<16xf32>
      %eq3A_568 = arith.cmpi eq, %broadcast_in_dim3A_560, %add3A_214 : vector<16xi32>
      %jit3A_569 = arith.constant 0x7F800000 : f32
      %broadcast_in_dim3A_570 = vector.broadcast %jit3A_569 : f32 to vector<16xf32>
      %select_n3A_571 = arith.select %eq3A_568, %broadcast_in_dim3A_570, %add3A_567 : vector<16xi1>, vector<16xf32>
      %lt3A_572 = arith.cmpf olt, %select_n3A_571, %select_n3A_556 : vector<16xf32>
      %lt3A_573 = arith.cmpf olt, %select_n3A_571, %select_n3A_553 : vector<16xf32>
      %lt3A_574 = arith.cmpf olt, %select_n3A_571, %select_n3A_549 : vector<16xf32>
      %lt3A_575 = arith.cmpf olt, %select_n3A_571, %select_n3A_545 : vector<16xf32>
      %lt3A_576 = arith.cmpf olt, %select_n3A_571, %select_n3A_541 : vector<16xf32>
      %select_n3A_577 = arith.select %lt3A_575, %select_n3A_545, %select_n3A_571 : vector<16xi1>, vector<16xf32>
      %select_n3A_578 = arith.select %lt3A_576, %select_n3A_577, %select_n3A_541 : vector<16xi1>, vector<16xf32>
      %select_n3A_579 = arith.select %lt3A_575, %select_n3A_547, %broadcast_in_dim3A_560 : vector<16xi1>, vector<16xi32>
      %select_n3A_580 = arith.select %lt3A_576, %select_n3A_579, %select_n3A_543 : vector<16xi1>, vector<16xi32>
      %select_n3A_581 = arith.select %lt3A_574, %select_n3A_549, %select_n3A_571 : vector<16xi1>, vector<16xf32>
      %select_n3A_582 = arith.select %lt3A_575, %select_n3A_581, %select_n3A_545 : vector<16xi1>, vector<16xf32>
      %select_n3A_583 = arith.select %lt3A_574, %select_n3A_551, %broadcast_in_dim3A_560 : vector<16xi1>, vector<16xi32>
      %select_n3A_584 = arith.select %lt3A_575, %select_n3A_583, %select_n3A_547 : vector<16xi1>, vector<16xi32>
      %select_n3A_585 = arith.select %lt3A_573, %select_n3A_553, %select_n3A_571 : vector<16xi1>, vector<16xf32>
      %select_n3A_586 = arith.select %lt3A_574, %select_n3A_585, %select_n3A_549 : vector<16xi1>, vector<16xf32>
      %select_n3A_587 = arith.select %lt3A_573, %select_n3A_555, %broadcast_in_dim3A_560 : vector<16xi1>, vector<16xi32>
      %select_n3A_588 = arith.select %lt3A_574, %select_n3A_587, %select_n3A_551 : vector<16xi1>, vector<16xi32>
      %select_n3A_589 = arith.select %lt3A_572, %select_n3A_556, %select_n3A_571 : vector<16xi1>, vector<16xf32>
      %select_n3A_590 = arith.select %lt3A_573, %select_n3A_589, %select_n3A_553 : vector<16xi1>, vector<16xf32>
      %select_n3A_591 = arith.select %lt3A_572, %select_n3A_557, %broadcast_in_dim3A_560 : vector<16xi1>, vector<16xi32>
      %select_n3A_592 = arith.select %lt3A_573, %select_n3A_591, %select_n3A_555 : vector<16xi1>, vector<16xi32>
      %select_n3A_593 = arith.select %lt3A_572, %select_n3A_571, %select_n3A_556 : vector<16xi1>, vector<16xf32>
      %select_n3A_594 = arith.select %lt3A_572, %broadcast_in_dim3A_560, %select_n3A_557 : vector<16xi1>, vector<16xi32>
      %scan3A_595 = arith.constant 3 : i32
      %scan3A_596 = arith.addi %scan3A_480, %scan3A_595 : i32
      %broadcast_in_dim3A_597 = vector.broadcast %scan3A_596 : i32 to vector<16xi32>
      %gather3A_598 = tpu.vector_load_idx %arg14[%broadcast_in_dim3A_597] : memref<4096xf32, #tpu.memory_space<vmem>>[vector<16xi32>], vector<16xf32>,
      %gather3A_599 = tpu.vector_load_idx %arg15[%broadcast_in_dim3A_597] : memref<4096xf32, #tpu.memory_space<vmem>>[vector<16xi32>], vector<16xf32>,
      %sub3A_600 = arith.subf %gather3A_598, %get3A_205 : vector<16xf32>
      %sub3A_601 = arith.subf %gather3A_599, %get3A_207 : vector<16xf32>
      %mul3A_602 = arith.mulf %sub3A_600, %sub3A_600 : vector<16xf32>
      %mul3A_603 = arith.mulf %sub3A_601, %sub3A_601 : vector<16xf32>
      %add3A_604 = arith.addf %mul3A_602, %mul3A_603 : vector<16xf32>
      %eq3A_605 = arith.cmpi eq, %broadcast_in_dim3A_597, %add3A_214 : vector<16xi32>
      %jit3A_606 = arith.constant 0x7F800000 : f32
      %broadcast_in_dim3A_607 = vector.broadcast %jit3A_606 : f32 to vector<16xf32>
      %select_n3A_608 = arith.select %eq3A_605, %broadcast_in_dim3A_607, %add3A_604 : vector<16xi1>, vector<16xf32>
      %lt3A_609 = arith.cmpf olt, %select_n3A_608, %select_n3A_593 : vector<16xf32>
      %lt3A_610 = arith.cmpf olt, %select_n3A_608, %select_n3A_590 : vector<16xf32>
      %lt3A_611 = arith.cmpf olt, %select_n3A_608, %select_n3A_586 : vector<16xf32>
      %lt3A_612 = arith.cmpf olt, %select_n3A_608, %select_n3A_582 : vector<16xf32>
      %lt3A_613 = arith.cmpf olt, %select_n3A_608, %select_n3A_578 : vector<16xf32>
      %select_n3A_614 = arith.select %lt3A_612, %select_n3A_582, %select_n3A_608 : vector<16xi1>, vector<16xf32>
      %select_n3A_615 = arith.select %lt3A_613, %select_n3A_614, %select_n3A_578 : vector<16xi1>, vector<16xf32>
      %select_n3A_616 = arith.select %lt3A_612, %select_n3A_584, %broadcast_in_dim3A_597 : vector<16xi1>, vector<16xi32>
      %select_n3A_617 = arith.select %lt3A_613, %select_n3A_616, %select_n3A_580 : vector<16xi1>, vector<16xi32>
      %select_n3A_618 = arith.select %lt3A_611, %select_n3A_586, %select_n3A_608 : vector<16xi1>, vector<16xf32>
      %select_n3A_619 = arith.select %lt3A_612, %select_n3A_618, %select_n3A_582 : vector<16xi1>, vector<16xf32>
      %select_n3A_620 = arith.select %lt3A_611, %select_n3A_588, %broadcast_in_dim3A_597 : vector<16xi1>, vector<16xi32>
      %select_n3A_621 = arith.select %lt3A_612, %select_n3A_620, %select_n3A_584 : vector<16xi1>, vector<16xi32>
      %select_n3A_622 = arith.select %lt3A_610, %select_n3A_590, %select_n3A_608 : vector<16xi1>, vector<16xf32>
      %select_n3A_623 = arith.select %lt3A_611, %select_n3A_622, %select_n3A_586 : vector<16xi1>, vector<16xf32>
      %select_n3A_624 = arith.select %lt3A_610, %select_n3A_592, %broadcast_in_dim3A_597 : vector<16xi1>, vector<16xi32>
      %select_n3A_625 = arith.select %lt3A_611, %select_n3A_624, %select_n3A_588 : vector<16xi1>, vector<16xi32>
      %select_n3A_626 = arith.select %lt3A_609, %select_n3A_593, %select_n3A_608 : vector<16xi1>, vector<16xf32>
      %select_n3A_627 = arith.select %lt3A_610, %select_n3A_626, %select_n3A_590 : vector<16xi1>, vector<16xf32>
      %select_n3A_628 = arith.select %lt3A_609, %select_n3A_594, %broadcast_in_dim3A_597 : vector<16xi1>, vector<16xi32>
      %select_n3A_629 = arith.select %lt3A_610, %select_n3A_628, %select_n3A_592 : vector<16xi1>, vector<16xi32>
      %select_n3A_630 = arith.select %lt3A_609, %select_n3A_608, %select_n3A_593 : vector<16xi1>, vector<16xf32>
      %select_n3A_631 = arith.select %lt3A_609, %broadcast_in_dim3A_597, %select_n3A_594 : vector<16xi1>, vector<16xi32>
      scf.yield %select_n3A_630, %select_n3A_627, %select_n3A_623, %select_n3A_619, %select_n3A_615, %select_n3A_631, %select_n3A_629, %select_n3A_625, %select_n3A_621, %select_n3A_617 : vector<16xf32>, vector<16xf32>, vector<16xf32>, vector<16xf32>, vector<16xf32>, vector<16xi32>, vector<16xi32>, vector<16xi32>, vector<16xi32>, vector<16xi32>
    }
    %scan3A_224 = arith.constant 4096 : i32
    %broadcast_in_dim3A_225 = arith.constant 0.000000e+00 : f32
    %broadcast_in_dim3A_226 = vector.broadcast %broadcast_in_dim3A_225 : f32 to vector<16xf32>
    %broadcast_in_dim3A_227 = arith.constant 0.000000e+00 : f32
    %broadcast_in_dim3A_228 = vector.broadcast %broadcast_in_dim3A_227 : f32 to vector<16xf32>
    %broadcast_in_dim3A_229 = arith.constant 0.000000e+00 : f32
    %broadcast_in_dim3A_230 = vector.broadcast %broadcast_in_dim3A_229 : f32 to vector<16xf32>
    %gather3A_231 = tpu.vector_load_idx %arg16[%add3A_214] : memref<4096xf32, #tpu.memory_space<vmem>>[vector<16xi32>], vector<16xf32>,
    %add3A_232 = arith.addf %broadcast_in_dim3A_226, %gather3A_231 : vector<16xf32>
    %gather3A_233 = tpu.vector_load_idx %arg17[%add3A_214] : memref<4096xf32, #tpu.memory_space<vmem>>[vector<16xi32>], vector<16xf32>,
    %add3A_234 = arith.addf %broadcast_in_dim3A_228, %gather3A_233 : vector<16xf32>
    %gather3A_235 = tpu.vector_load_idx %arg18[%add3A_214] : memref<4096xf32, #tpu.memory_space<vmem>>[vector<16xi32>], vector<16xf32>,
    %add3A_236 = arith.addf %broadcast_in_dim3A_230, %gather3A_235 : vector<16xf32>
    %gather3A_237 = tpu.vector_load_idx %arg16[%scan3A_223#5] : memref<4096xf32, #tpu.memory_space<vmem>>[vector<16xi32>], vector<16xf32>,
    %add3A_238 = arith.addf %add3A_232, %gather3A_237 : vector<16xf32>
    %gather3A_239 = tpu.vector_load_idx %arg17[%scan3A_223#5] : memref<4096xf32, #tpu.memory_space<vmem>>[vector<16xi32>], vector<16xf32>,
    %add3A_240 = arith.addf %add3A_234, %gather3A_239 : vector<16xf32>
    %gather3A_241 = tpu.vector_load_idx %arg18[%scan3A_223#5] : memref<4096xf32, #tpu.memory_space<vmem>>[vector<16xi32>], vector<16xf32>,
    %add3A_242 = arith.addf %add3A_236, %gather3A_241 : vector<16xf32>
    %gather3A_243 = tpu.vector_load_idx %arg16[%scan3A_223#6] : memref<4096xf32, #tpu.memory_space<vmem>>[vector<16xi32>], vector<16xf32>,
    %add3A_244 = arith.addf %add3A_238, %gather3A_243 : vector<16xf32>
    %gather3A_245 = tpu.vector_load_idx %arg17[%scan3A_223#6] : memref<4096xf32, #tpu.memory_space<vmem>>[vector<16xi32>], vector<16xf32>,
    %add3A_246 = arith.addf %add3A_240, %gather3A_245 : vector<16xf32>
    %gather3A_247 = tpu.vector_load_idx %arg18[%scan3A_223#6] : memref<4096xf32, #tpu.memory_space<vmem>>[vector<16xi32>], vector<16xf32>,
    %add3A_248 = arith.addf %add3A_242, %gather3A_247 : vector<16xf32>
    %gather3A_249 = tpu.vector_load_idx %arg16[%scan3A_223#7] : memref<4096xf32, #tpu.memory_space<vmem>>[vector<16xi32>], vector<16xf32>,
    %add3A_250 = arith.addf %add3A_244, %gather3A_249 : vector<16xf32>
    %gather3A_251 = tpu.vector_load_idx %arg17[%scan3A_223#7] : memref<4096xf32, #tpu.memory_space<vmem>>[vector<16xi32>], vector<16xf32>,
    %add3A_252 = arith.addf %add3A_246, %gather3A_251 : vector<16xf32>
    %gather3A_253 = tpu.vector_load_idx %arg18[%scan3A_223#7] : memref<4096xf32, #tpu.memory_space<vmem>>[vector<16xi32>], vector<16xf32>,
    %add3A_254 = arith.addf %add3A_248, %gather3A_253 : vector<16xf32>
    %gather3A_255 = tpu.vector_load_idx %arg16[%scan3A_223#8] : memref<4096xf32, #tpu.memory_space<vmem>>[vector<16xi32>], vector<16xf32>,
    %add3A_256 = arith.addf %add3A_250, %gather3A_255 : vector<16xf32>
    %gather3A_257 = tpu.vector_load_idx %arg17[%scan3A_223#8] : memref<4096xf32, #tpu.memory_space<vmem>>[vector<16xi32>], vector<16xf32>,
    %add3A_258 = arith.addf %add3A_252, %gather3A_257 : vector<16xf32>
    %gather3A_259 = tpu.vector_load_idx %arg18[%scan3A_223#8] : memref<4096xf32, #tpu.memory_space<vmem>>[vector<16xi32>], vector<16xf32>,
    %add3A_260 = arith.addf %add3A_254, %gather3A_259 : vector<16xf32>
    %gather3A_261 = tpu.vector_load_idx %arg16[%scan3A_223#9] : memref<4096xf32, #tpu.memory_space<vmem>>[vector<16xi32>], vector<16xf32>,
    %add3A_262 = arith.addf %add3A_256, %gather3A_261 : vector<16xf32>
    %gather3A_263 = tpu.vector_load_idx %arg17[%scan3A_223#9] : memref<4096xf32, #tpu.memory_space<vmem>>[vector<16xi32>], vector<16xf32>,
    %add3A_264 = arith.addf %add3A_258, %gather3A_263 : vector<16xf32>
    %gather3A_265 = tpu.vector_load_idx %arg18[%scan3A_223#9] : memref<4096xf32, #tpu.memory_space<vmem>>[vector<16xi32>], vector<16xf32>,
    %add3A_266 = arith.addf %add3A_260, %gather3A_265 : vector<16xf32>
    %swap3A_267 = arith.constant 48 : index
    %swap3A_268 = tpu.vector_load %arg19[%swap3A_267] {strides = array<i32>} : memref<112xf32, #tpu.memory_space<vmem>>, vector<16xf32>,
    tpu.vector_store %arg19[%swap3A_267], %add3A_262 {strides = array<i32>} : memref<112xf32, #tpu.memory_space<vmem>>, vector<16xf32>,
    %swap3A_269 = arith.constant 48 : index
    %swap3A_270 = tpu.vector_load %arg20[%swap3A_269] {strides = array<i32>} : memref<112xf32, #tpu.memory_space<vmem>>, vector<16xf32>,
    tpu.vector_store %arg20[%swap3A_269], %add3A_264 {strides = array<i32>} : memref<112xf32, #tpu.memory_space<vmem>>, vector<16xf32>,
    %swap3A_271 = arith.constant 48 : index
    %swap3A_272 = tpu.vector_load %arg21[%swap3A_271] {strides = array<i32>} : memref<112xf32, #tpu.memory_space<vmem>>, vector<16xf32>,
    tpu.vector_store %arg21[%swap3A_271], %add3A_266 {strides = array<i32>} : memref<112xf32, #tpu.memory_space<vmem>>, vector<16xf32>,
    %get3A_273 = arith.constant 64 : index
    %get3A_274 = tpu.vector_load %arg12[%get3A_273] {strides = array<i32>} : memref<112xf32, #tpu.memory_space<vmem>>, vector<16xf32>,
    %get3A_275 = arith.constant 64 : index
    %get3A_276 = tpu.vector_load %arg13[%get3A_275] {strides = array<i32>} : memref<112xf32, #tpu.memory_space<vmem>>, vector<16xf32>,
    %add3A_277 = arith.constant 512 : i32
    %add3A_278 = arith.addi %add3A_277, %mul3A_2 : i32
    %add3A_279 = arith.constant 64 : i32
    %add3A_280 = arith.addi %add3A_278, %add3A_279 : i32
    %broadcast_in_dim3A_281 = vector.broadcast %add3A_280 : i32 to vector<16xi32>
    %iota3A_282 = tpu.iota {dimensions = array<i32: 0>} : vector<16xi32>
    %add3A_283 = arith.addi %broadcast_in_dim3A_281, %iota3A_282 : vector<16xi32>
    %broadcast_in_dim3A_284 = arith.constant 0x7F800000 : f32
    %broadcast_in_dim3A_285 = vector.broadcast %broadcast_in_dim3A_284 : f32 to vector<16xf32>
    %broadcast_in_dim3A_286 = arith.constant 0 : i32
    %broadcast_in_dim3A_287 = vector.broadcast %broadcast_in_dim3A_286 : i32 to vector<16xi32>
    %scan3A_288 = arith.constant 0 : i32
    %scan3A_289 = arith.constant 4096 : i32
    %scan3A_290 = arith.addi %scan3A_288, %scan3A_289 : i32
    %scan3A_291 = arith.constant 4 : i32
    %scan3A_292:10 = scf.for %scan3A_480 = %scan3A_288 to %scan3A_290 step %scan3A_291 iter_args(%scan3A_481 = %broadcast_in_dim3A_285, %scan3A_482 = %broadcast_in_dim3A_285, %scan3A_483 = %broadcast_in_dim3A_285, %scan3A_484 = %broadcast_in_dim3A_285, %scan3A_485 = %broadcast_in_dim3A_285, %scan3A_486 = %broadcast_in_dim3A_287, %scan3A_487 = %broadcast_in_dim3A_287, %scan3A_488 = %broadcast_in_dim3A_287, %scan3A_489 = %broadcast_in_dim3A_287, %scan3A_490 = %broadcast_in_dim3A_287) -> (vector<16xf32>, vector<16xf32>, vector<16xf32>, vector<16xf32>, vector<16xf32>, vector<16xi32>, vector<16xi32>, vector<16xi32>, vector<16xi32>, vector<16xi32>)  : i32 {
      %broadcast_in_dim3A_491 = vector.broadcast %scan3A_480 : i32 to vector<16xi32>
      %gather3A_492 = tpu.vector_load_idx %arg14[%broadcast_in_dim3A_491] : memref<4096xf32, #tpu.memory_space<vmem>>[vector<16xi32>], vector<16xf32>,
      %gather3A_493 = tpu.vector_load_idx %arg15[%broadcast_in_dim3A_491] : memref<4096xf32, #tpu.memory_space<vmem>>[vector<16xi32>], vector<16xf32>,
      %sub3A = arith.subf %gather3A_492, %get3A_274 : vector<16xf32>
      %sub3A_494 = arith.subf %gather3A_493, %get3A_276 : vector<16xf32>
      %mul3A_495 = arith.mulf %sub3A, %sub3A : vector<16xf32>
      %mul3A_496 = arith.mulf %sub3A_494, %sub3A_494 : vector<16xf32>
      %add3A_497 = arith.addf %mul3A_495, %mul3A_496 : vector<16xf32>
      %eq3A = arith.cmpi eq, %broadcast_in_dim3A_491, %add3A_283 : vector<16xi32>
      %jit3A = arith.constant 0x7F800000 : f32
      %broadcast_in_dim3A_498 = vector.broadcast %jit3A : f32 to vector<16xf32>
      %select_n3A = arith.select %eq3A, %broadcast_in_dim3A_498, %add3A_497 : vector<16xi1>, vector<16xf32>
      %lt3A = arith.cmpf olt, %select_n3A, %scan3A_481 : vector<16xf32>
      %lt3A_499 = arith.cmpf olt, %select_n3A, %scan3A_482 : vector<16xf32>
      %lt3A_500 = arith.cmpf olt, %select_n3A, %scan3A_483 : vector<16xf32>
      %lt3A_501 = arith.cmpf olt, %select_n3A, %scan3A_484 : vector<16xf32>
      %lt3A_502 = arith.cmpf olt, %select_n3A, %scan3A_485 : vector<16xf32>
      %select_n3A_503 = arith.select %lt3A_501, %scan3A_484, %select_n3A : vector<16xi1>, vector<16xf32>
      %select_n3A_504 = arith.select %lt3A_502, %select_n3A_503, %scan3A_485 : vector<16xi1>, vector<16xf32>
      %select_n3A_505 = arith.select %lt3A_501, %scan3A_489, %broadcast_in_dim3A_491 : vector<16xi1>, vector<16xi32>
      %select_n3A_506 = arith.select %lt3A_502, %select_n3A_505, %scan3A_490 : vector<16xi1>, vector<16xi32>
      %select_n3A_507 = arith.select %lt3A_500, %scan3A_483, %select_n3A : vector<16xi1>, vector<16xf32>
      %select_n3A_508 = arith.select %lt3A_501, %select_n3A_507, %scan3A_484 : vector<16xi1>, vector<16xf32>
      %select_n3A_509 = arith.select %lt3A_500, %scan3A_488, %broadcast_in_dim3A_491 : vector<16xi1>, vector<16xi32>
      %select_n3A_510 = arith.select %lt3A_501, %select_n3A_509, %scan3A_489 : vector<16xi1>, vector<16xi32>
      %select_n3A_511 = arith.select %lt3A_499, %scan3A_482, %select_n3A : vector<16xi1>, vector<16xf32>
      %select_n3A_512 = arith.select %lt3A_500, %select_n3A_511, %scan3A_483 : vector<16xi1>, vector<16xf32>
      %select_n3A_513 = arith.select %lt3A_499, %scan3A_487, %broadcast_in_dim3A_491 : vector<16xi1>, vector<16xi32>
      %select_n3A_514 = arith.select %lt3A_500, %select_n3A_513, %scan3A_488 : vector<16xi1>, vector<16xi32>
      %select_n3A_515 = arith.select %lt3A, %scan3A_481, %select_n3A : vector<16xi1>, vector<16xf32>
      %select_n3A_516 = arith.select %lt3A_499, %select_n3A_515, %scan3A_482 : vector<16xi1>, vector<16xf32>
      %select_n3A_517 = arith.select %lt3A, %scan3A_486, %broadcast_in_dim3A_491 : vector<16xi1>, vector<16xi32>
      %select_n3A_518 = arith.select %lt3A_499, %select_n3A_517, %scan3A_487 : vector<16xi1>, vector<16xi32>
      %select_n3A_519 = arith.select %lt3A, %select_n3A, %scan3A_481 : vector<16xi1>, vector<16xf32>
      %select_n3A_520 = arith.select %lt3A, %broadcast_in_dim3A_491, %scan3A_486 : vector<16xi1>, vector<16xi32>
      %scan3A_521 = arith.constant 1 : i32
      %scan3A_522 = arith.addi %scan3A_480, %scan3A_521 : i32
      %broadcast_in_dim3A_523 = vector.broadcast %scan3A_522 : i32 to vector<16xi32>
      %gather3A_524 = tpu.vector_load_idx %arg14[%broadcast_in_dim3A_523] : memref<4096xf32, #tpu.memory_space<vmem>>[vector<16xi32>], vector<16xf32>,
      %gather3A_525 = tpu.vector_load_idx %arg15[%broadcast_in_dim3A_523] : memref<4096xf32, #tpu.memory_space<vmem>>[vector<16xi32>], vector<16xf32>,
      %sub3A_526 = arith.subf %gather3A_524, %get3A_274 : vector<16xf32>
      %sub3A_527 = arith.subf %gather3A_525, %get3A_276 : vector<16xf32>
      %mul3A_528 = arith.mulf %sub3A_526, %sub3A_526 : vector<16xf32>
      %mul3A_529 = arith.mulf %sub3A_527, %sub3A_527 : vector<16xf32>
      %add3A_530 = arith.addf %mul3A_528, %mul3A_529 : vector<16xf32>
      %eq3A_531 = arith.cmpi eq, %broadcast_in_dim3A_523, %add3A_283 : vector<16xi32>
      %jit3A_532 = arith.constant 0x7F800000 : f32
      %broadcast_in_dim3A_533 = vector.broadcast %jit3A_532 : f32 to vector<16xf32>
      %select_n3A_534 = arith.select %eq3A_531, %broadcast_in_dim3A_533, %add3A_530 : vector<16xi1>, vector<16xf32>
      %lt3A_535 = arith.cmpf olt, %select_n3A_534, %select_n3A_519 : vector<16xf32>
      %lt3A_536 = arith.cmpf olt, %select_n3A_534, %select_n3A_516 : vector<16xf32>
      %lt3A_537 = arith.cmpf olt, %select_n3A_534, %select_n3A_512 : vector<16xf32>
      %lt3A_538 = arith.cmpf olt, %select_n3A_534, %select_n3A_508 : vector<16xf32>
      %lt3A_539 = arith.cmpf olt, %select_n3A_534, %select_n3A_504 : vector<16xf32>
      %select_n3A_540 = arith.select %lt3A_538, %select_n3A_508, %select_n3A_534 : vector<16xi1>, vector<16xf32>
      %select_n3A_541 = arith.select %lt3A_539, %select_n3A_540, %select_n3A_504 : vector<16xi1>, vector<16xf32>
      %select_n3A_542 = arith.select %lt3A_538, %select_n3A_510, %broadcast_in_dim3A_523 : vector<16xi1>, vector<16xi32>
      %select_n3A_543 = arith.select %lt3A_539, %select_n3A_542, %select_n3A_506 : vector<16xi1>, vector<16xi32>
      %select_n3A_544 = arith.select %lt3A_537, %select_n3A_512, %select_n3A_534 : vector<16xi1>, vector<16xf32>
      %select_n3A_545 = arith.select %lt3A_538, %select_n3A_544, %select_n3A_508 : vector<16xi1>, vector<16xf32>
      %select_n3A_546 = arith.select %lt3A_537, %select_n3A_514, %broadcast_in_dim3A_523 : vector<16xi1>, vector<16xi32>
      %select_n3A_547 = arith.select %lt3A_538, %select_n3A_546, %select_n3A_510 : vector<16xi1>, vector<16xi32>
      %select_n3A_548 = arith.select %lt3A_536, %select_n3A_516, %select_n3A_534 : vector<16xi1>, vector<16xf32>
      %select_n3A_549 = arith.select %lt3A_537, %select_n3A_548, %select_n3A_512 : vector<16xi1>, vector<16xf32>
      %select_n3A_550 = arith.select %lt3A_536, %select_n3A_518, %broadcast_in_dim3A_523 : vector<16xi1>, vector<16xi32>
      %select_n3A_551 = arith.select %lt3A_537, %select_n3A_550, %select_n3A_514 : vector<16xi1>, vector<16xi32>
      %select_n3A_552 = arith.select %lt3A_535, %select_n3A_519, %select_n3A_534 : vector<16xi1>, vector<16xf32>
      %select_n3A_553 = arith.select %lt3A_536, %select_n3A_552, %select_n3A_516 : vector<16xi1>, vector<16xf32>
      %select_n3A_554 = arith.select %lt3A_535, %select_n3A_520, %broadcast_in_dim3A_523 : vector<16xi1>, vector<16xi32>
      %select_n3A_555 = arith.select %lt3A_536, %select_n3A_554, %select_n3A_518 : vector<16xi1>, vector<16xi32>
      %select_n3A_556 = arith.select %lt3A_535, %select_n3A_534, %select_n3A_519 : vector<16xi1>, vector<16xf32>
      %select_n3A_557 = arith.select %lt3A_535, %broadcast_in_dim3A_523, %select_n3A_520 : vector<16xi1>, vector<16xi32>
      %scan3A_558 = arith.constant 2 : i32
      %scan3A_559 = arith.addi %scan3A_480, %scan3A_558 : i32
      %broadcast_in_dim3A_560 = vector.broadcast %scan3A_559 : i32 to vector<16xi32>
      %gather3A_561 = tpu.vector_load_idx %arg14[%broadcast_in_dim3A_560] : memref<4096xf32, #tpu.memory_space<vmem>>[vector<16xi32>], vector<16xf32>,
      %gather3A_562 = tpu.vector_load_idx %arg15[%broadcast_in_dim3A_560] : memref<4096xf32, #tpu.memory_space<vmem>>[vector<16xi32>], vector<16xf32>,
      %sub3A_563 = arith.subf %gather3A_561, %get3A_274 : vector<16xf32>
      %sub3A_564 = arith.subf %gather3A_562, %get3A_276 : vector<16xf32>
      %mul3A_565 = arith.mulf %sub3A_563, %sub3A_563 : vector<16xf32>
      %mul3A_566 = arith.mulf %sub3A_564, %sub3A_564 : vector<16xf32>
      %add3A_567 = arith.addf %mul3A_565, %mul3A_566 : vector<16xf32>
      %eq3A_568 = arith.cmpi eq, %broadcast_in_dim3A_560, %add3A_283 : vector<16xi32>
      %jit3A_569 = arith.constant 0x7F800000 : f32
      %broadcast_in_dim3A_570 = vector.broadcast %jit3A_569 : f32 to vector<16xf32>
      %select_n3A_571 = arith.select %eq3A_568, %broadcast_in_dim3A_570, %add3A_567 : vector<16xi1>, vector<16xf32>
      %lt3A_572 = arith.cmpf olt, %select_n3A_571, %select_n3A_556 : vector<16xf32>
      %lt3A_573 = arith.cmpf olt, %select_n3A_571, %select_n3A_553 : vector<16xf32>
      %lt3A_574 = arith.cmpf olt, %select_n3A_571, %select_n3A_549 : vector<16xf32>
      %lt3A_575 = arith.cmpf olt, %select_n3A_571, %select_n3A_545 : vector<16xf32>
      %lt3A_576 = arith.cmpf olt, %select_n3A_571, %select_n3A_541 : vector<16xf32>
      %select_n3A_577 = arith.select %lt3A_575, %select_n3A_545, %select_n3A_571 : vector<16xi1>, vector<16xf32>
      %select_n3A_578 = arith.select %lt3A_576, %select_n3A_577, %select_n3A_541 : vector<16xi1>, vector<16xf32>
      %select_n3A_579 = arith.select %lt3A_575, %select_n3A_547, %broadcast_in_dim3A_560 : vector<16xi1>, vector<16xi32>
      %select_n3A_580 = arith.select %lt3A_576, %select_n3A_579, %select_n3A_543 : vector<16xi1>, vector<16xi32>
      %select_n3A_581 = arith.select %lt3A_574, %select_n3A_549, %select_n3A_571 : vector<16xi1>, vector<16xf32>
      %select_n3A_582 = arith.select %lt3A_575, %select_n3A_581, %select_n3A_545 : vector<16xi1>, vector<16xf32>
      %select_n3A_583 = arith.select %lt3A_574, %select_n3A_551, %broadcast_in_dim3A_560 : vector<16xi1>, vector<16xi32>
      %select_n3A_584 = arith.select %lt3A_575, %select_n3A_583, %select_n3A_547 : vector<16xi1>, vector<16xi32>
      %select_n3A_585 = arith.select %lt3A_573, %select_n3A_553, %select_n3A_571 : vector<16xi1>, vector<16xf32>
      %select_n3A_586 = arith.select %lt3A_574, %select_n3A_585, %select_n3A_549 : vector<16xi1>, vector<16xf32>
      %select_n3A_587 = arith.select %lt3A_573, %select_n3A_555, %broadcast_in_dim3A_560 : vector<16xi1>, vector<16xi32>
      %select_n3A_588 = arith.select %lt3A_574, %select_n3A_587, %select_n3A_551 : vector<16xi1>, vector<16xi32>
      %select_n3A_589 = arith.select %lt3A_572, %select_n3A_556, %select_n3A_571 : vector<16xi1>, vector<16xf32>
      %select_n3A_590 = arith.select %lt3A_573, %select_n3A_589, %select_n3A_553 : vector<16xi1>, vector<16xf32>
      %select_n3A_591 = arith.select %lt3A_572, %select_n3A_557, %broadcast_in_dim3A_560 : vector<16xi1>, vector<16xi32>
      %select_n3A_592 = arith.select %lt3A_573, %select_n3A_591, %select_n3A_555 : vector<16xi1>, vector<16xi32>
      %select_n3A_593 = arith.select %lt3A_572, %select_n3A_571, %select_n3A_556 : vector<16xi1>, vector<16xf32>
      %select_n3A_594 = arith.select %lt3A_572, %broadcast_in_dim3A_560, %select_n3A_557 : vector<16xi1>, vector<16xi32>
      %scan3A_595 = arith.constant 3 : i32
      %scan3A_596 = arith.addi %scan3A_480, %scan3A_595 : i32
      %broadcast_in_dim3A_597 = vector.broadcast %scan3A_596 : i32 to vector<16xi32>
      %gather3A_598 = tpu.vector_load_idx %arg14[%broadcast_in_dim3A_597] : memref<4096xf32, #tpu.memory_space<vmem>>[vector<16xi32>], vector<16xf32>,
      %gather3A_599 = tpu.vector_load_idx %arg15[%broadcast_in_dim3A_597] : memref<4096xf32, #tpu.memory_space<vmem>>[vector<16xi32>], vector<16xf32>,
      %sub3A_600 = arith.subf %gather3A_598, %get3A_274 : vector<16xf32>
      %sub3A_601 = arith.subf %gather3A_599, %get3A_276 : vector<16xf32>
      %mul3A_602 = arith.mulf %sub3A_600, %sub3A_600 : vector<16xf32>
      %mul3A_603 = arith.mulf %sub3A_601, %sub3A_601 : vector<16xf32>
      %add3A_604 = arith.addf %mul3A_602, %mul3A_603 : vector<16xf32>
      %eq3A_605 = arith.cmpi eq, %broadcast_in_dim3A_597, %add3A_283 : vector<16xi32>
      %jit3A_606 = arith.constant 0x7F800000 : f32
      %broadcast_in_dim3A_607 = vector.broadcast %jit3A_606 : f32 to vector<16xf32>
      %select_n3A_608 = arith.select %eq3A_605, %broadcast_in_dim3A_607, %add3A_604 : vector<16xi1>, vector<16xf32>
      %lt3A_609 = arith.cmpf olt, %select_n3A_608, %select_n3A_593 : vector<16xf32>
      %lt3A_610 = arith.cmpf olt, %select_n3A_608, %select_n3A_590 : vector<16xf32>
      %lt3A_611 = arith.cmpf olt, %select_n3A_608, %select_n3A_586 : vector<16xf32>
      %lt3A_612 = arith.cmpf olt, %select_n3A_608, %select_n3A_582 : vector<16xf32>
      %lt3A_613 = arith.cmpf olt, %select_n3A_608, %select_n3A_578 : vector<16xf32>
      %select_n3A_614 = arith.select %lt3A_612, %select_n3A_582, %select_n3A_608 : vector<16xi1>, vector<16xf32>
      %select_n3A_615 = arith.select %lt3A_613, %select_n3A_614, %select_n3A_578 : vector<16xi1>, vector<16xf32>
      %select_n3A_616 = arith.select %lt3A_612, %select_n3A_584, %broadcast_in_dim3A_597 : vector<16xi1>, vector<16xi32>
      %select_n3A_617 = arith.select %lt3A_613, %select_n3A_616, %select_n3A_580 : vector<16xi1>, vector<16xi32>
      %select_n3A_618 = arith.select %lt3A_611, %select_n3A_586, %select_n3A_608 : vector<16xi1>, vector<16xf32>
      %select_n3A_619 = arith.select %lt3A_612, %select_n3A_618, %select_n3A_582 : vector<16xi1>, vector<16xf32>
      %select_n3A_620 = arith.select %lt3A_611, %select_n3A_588, %broadcast_in_dim3A_597 : vector<16xi1>, vector<16xi32>
      %select_n3A_621 = arith.select %lt3A_612, %select_n3A_620, %select_n3A_584 : vector<16xi1>, vector<16xi32>
      %select_n3A_622 = arith.select %lt3A_610, %select_n3A_590, %select_n3A_608 : vector<16xi1>, vector<16xf32>
      %select_n3A_623 = arith.select %lt3A_611, %select_n3A_622, %select_n3A_586 : vector<16xi1>, vector<16xf32>
      %select_n3A_624 = arith.select %lt3A_610, %select_n3A_592, %broadcast_in_dim3A_597 : vector<16xi1>, vector<16xi32>
      %select_n3A_625 = arith.select %lt3A_611, %select_n3A_624, %select_n3A_588 : vector<16xi1>, vector<16xi32>
      %select_n3A_626 = arith.select %lt3A_609, %select_n3A_593, %select_n3A_608 : vector<16xi1>, vector<16xf32>
      %select_n3A_627 = arith.select %lt3A_610, %select_n3A_626, %select_n3A_590 : vector<16xi1>, vector<16xf32>
      %select_n3A_628 = arith.select %lt3A_609, %select_n3A_594, %broadcast_in_dim3A_597 : vector<16xi1>, vector<16xi32>
      %select_n3A_629 = arith.select %lt3A_610, %select_n3A_628, %select_n3A_592 : vector<16xi1>, vector<16xi32>
      %select_n3A_630 = arith.select %lt3A_609, %select_n3A_608, %select_n3A_593 : vector<16xi1>, vector<16xf32>
      %select_n3A_631 = arith.select %lt3A_609, %broadcast_in_dim3A_597, %select_n3A_594 : vector<16xi1>, vector<16xi32>
      scf.yield %select_n3A_630, %select_n3A_627, %select_n3A_623, %select_n3A_619, %select_n3A_615, %select_n3A_631, %select_n3A_629, %select_n3A_625, %select_n3A_621, %select_n3A_617 : vector<16xf32>, vector<16xf32>, vector<16xf32>, vector<16xf32>, vector<16xf32>, vector<16xi32>, vector<16xi32>, vector<16xi32>, vector<16xi32>, vector<16xi32>
    }
    %scan3A_293 = arith.constant 4096 : i32
    %broadcast_in_dim3A_294 = arith.constant 0.000000e+00 : f32
    %broadcast_in_dim3A_295 = vector.broadcast %broadcast_in_dim3A_294 : f32 to vector<16xf32>
    %broadcast_in_dim3A_296 = arith.constant 0.000000e+00 : f32
    %broadcast_in_dim3A_297 = vector.broadcast %broadcast_in_dim3A_296 : f32 to vector<16xf32>
    %broadcast_in_dim3A_298 = arith.constant 0.000000e+00 : f32
    %broadcast_in_dim3A_299 = vector.broadcast %broadcast_in_dim3A_298 : f32 to vector<16xf32>
    %gather3A_300 = tpu.vector_load_idx %arg16[%add3A_283] : memref<4096xf32, #tpu.memory_space<vmem>>[vector<16xi32>], vector<16xf32>,
    %add3A_301 = arith.addf %broadcast_in_dim3A_295, %gather3A_300 : vector<16xf32>
    %gather3A_302 = tpu.vector_load_idx %arg17[%add3A_283] : memref<4096xf32, #tpu.memory_space<vmem>>[vector<16xi32>], vector<16xf32>,
    %add3A_303 = arith.addf %broadcast_in_dim3A_297, %gather3A_302 : vector<16xf32>
    %gather3A_304 = tpu.vector_load_idx %arg18[%add3A_283] : memref<4096xf32, #tpu.memory_space<vmem>>[vector<16xi32>], vector<16xf32>,
    %add3A_305 = arith.addf %broadcast_in_dim3A_299, %gather3A_304 : vector<16xf32>
    %gather3A_306 = tpu.vector_load_idx %arg16[%scan3A_292#5] : memref<4096xf32, #tpu.memory_space<vmem>>[vector<16xi32>], vector<16xf32>,
    %add3A_307 = arith.addf %add3A_301, %gather3A_306 : vector<16xf32>
    %gather3A_308 = tpu.vector_load_idx %arg17[%scan3A_292#5] : memref<4096xf32, #tpu.memory_space<vmem>>[vector<16xi32>], vector<16xf32>,
    %add3A_309 = arith.addf %add3A_303, %gather3A_308 : vector<16xf32>
    %gather3A_310 = tpu.vector_load_idx %arg18[%scan3A_292#5] : memref<4096xf32, #tpu.memory_space<vmem>>[vector<16xi32>], vector<16xf32>,
    %add3A_311 = arith.addf %add3A_305, %gather3A_310 : vector<16xf32>
    %gather3A_312 = tpu.vector_load_idx %arg16[%scan3A_292#6] : memref<4096xf32, #tpu.memory_space<vmem>>[vector<16xi32>], vector<16xf32>,
    %add3A_313 = arith.addf %add3A_307, %gather3A_312 : vector<16xf32>
    %gather3A_314 = tpu.vector_load_idx %arg17[%scan3A_292#6] : memref<4096xf32, #tpu.memory_space<vmem>>[vector<16xi32>], vector<16xf32>,
    %add3A_315 = arith.addf %add3A_309, %gather3A_314 : vector<16xf32>
    %gather3A_316 = tpu.vector_load_idx %arg18[%scan3A_292#6] : memref<4096xf32, #tpu.memory_space<vmem>>[vector<16xi32>], vector<16xf32>,
    %add3A_317 = arith.addf %add3A_311, %gather3A_316 : vector<16xf32>
    %gather3A_318 = tpu.vector_load_idx %arg16[%scan3A_292#7] : memref<4096xf32, #tpu.memory_space<vmem>>[vector<16xi32>], vector<16xf32>,
    %add3A_319 = arith.addf %add3A_313, %gather3A_318 : vector<16xf32>
    %gather3A_320 = tpu.vector_load_idx %arg17[%scan3A_292#7] : memref<4096xf32, #tpu.memory_space<vmem>>[vector<16xi32>], vector<16xf32>,
    %add3A_321 = arith.addf %add3A_315, %gather3A_320 : vector<16xf32>
    %gather3A_322 = tpu.vector_load_idx %arg18[%scan3A_292#7] : memref<4096xf32, #tpu.memory_space<vmem>>[vector<16xi32>], vector<16xf32>,
    %add3A_323 = arith.addf %add3A_317, %gather3A_322 : vector<16xf32>
    %gather3A_324 = tpu.vector_load_idx %arg16[%scan3A_292#8] : memref<4096xf32, #tpu.memory_space<vmem>>[vector<16xi32>], vector<16xf32>,
    %add3A_325 = arith.addf %add3A_319, %gather3A_324 : vector<16xf32>
    %gather3A_326 = tpu.vector_load_idx %arg17[%scan3A_292#8] : memref<4096xf32, #tpu.memory_space<vmem>>[vector<16xi32>], vector<16xf32>,
    %add3A_327 = arith.addf %add3A_321, %gather3A_326 : vector<16xf32>
    %gather3A_328 = tpu.vector_load_idx %arg18[%scan3A_292#8] : memref<4096xf32, #tpu.memory_space<vmem>>[vector<16xi32>], vector<16xf32>,
    %add3A_329 = arith.addf %add3A_323, %gather3A_328 : vector<16xf32>
    %gather3A_330 = tpu.vector_load_idx %arg16[%scan3A_292#9] : memref<4096xf32, #tpu.memory_space<vmem>>[vector<16xi32>], vector<16xf32>,
    %add3A_331 = arith.addf %add3A_325, %gather3A_330 : vector<16xf32>
    %gather3A_332 = tpu.vector_load_idx %arg17[%scan3A_292#9] : memref<4096xf32, #tpu.memory_space<vmem>>[vector<16xi32>], vector<16xf32>,
    %add3A_333 = arith.addf %add3A_327, %gather3A_332 : vector<16xf32>
    %gather3A_334 = tpu.vector_load_idx %arg18[%scan3A_292#9] : memref<4096xf32, #tpu.memory_space<vmem>>[vector<16xi32>], vector<16xf32>,
    %add3A_335 = arith.addf %add3A_329, %gather3A_334 : vector<16xf32>
    %swap3A_336 = arith.constant 64 : index
    %swap3A_337 = tpu.vector_load %arg19[%swap3A_336] {strides = array<i32>} : memref<112xf32, #tpu.memory_space<vmem>>, vector<16xf32>,
    tpu.vector_store %arg19[%swap3A_336], %add3A_331 {strides = array<i32>} : memref<112xf32, #tpu.memory_space<vmem>>, vector<16xf32>,
    %swap3A_338 = arith.constant 64 : index
    %swap3A_339 = tpu.vector_load %arg20[%swap3A_338] {strides = array<i32>} : memref<112xf32, #tpu.memory_space<vmem>>, vector<16xf32>,
    tpu.vector_store %arg20[%swap3A_338], %add3A_333 {strides = array<i32>} : memref<112xf32, #tpu.memory_space<vmem>>, vector<16xf32>,
    %swap3A_340 = arith.constant 64 : index
    %swap3A_341 = tpu.vector_load %arg21[%swap3A_340] {strides = array<i32>} : memref<112xf32, #tpu.memory_space<vmem>>, vector<16xf32>,
    tpu.vector_store %arg21[%swap3A_340], %add3A_335 {strides = array<i32>} : memref<112xf32, #tpu.memory_space<vmem>>, vector<16xf32>,
    %get3A_342 = arith.constant 80 : index
    %get3A_343 = tpu.vector_load %arg12[%get3A_342] {strides = array<i32>} : memref<112xf32, #tpu.memory_space<vmem>>, vector<16xf32>,
    %get3A_344 = arith.constant 80 : index
    %get3A_345 = tpu.vector_load %arg13[%get3A_344] {strides = array<i32>} : memref<112xf32, #tpu.memory_space<vmem>>, vector<16xf32>,
    %add3A_346 = arith.constant 512 : i32
    %add3A_347 = arith.addi %add3A_346, %mul3A_2 : i32
    %add3A_348 = arith.constant 80 : i32
    %add3A_349 = arith.addi %add3A_347, %add3A_348 : i32
    %broadcast_in_dim3A_350 = vector.broadcast %add3A_349 : i32 to vector<16xi32>
    %iota3A_351 = tpu.iota {dimensions = array<i32: 0>} : vector<16xi32>
    %add3A_352 = arith.addi %broadcast_in_dim3A_350, %iota3A_351 : vector<16xi32>
    %broadcast_in_dim3A_353 = arith.constant 0x7F800000 : f32
    %broadcast_in_dim3A_354 = vector.broadcast %broadcast_in_dim3A_353 : f32 to vector<16xf32>
    %broadcast_in_dim3A_355 = arith.constant 0 : i32
    %broadcast_in_dim3A_356 = vector.broadcast %broadcast_in_dim3A_355 : i32 to vector<16xi32>
    %scan3A_357 = arith.constant 0 : i32
    %scan3A_358 = arith.constant 4096 : i32
    %scan3A_359 = arith.addi %scan3A_357, %scan3A_358 : i32
    %scan3A_360 = arith.constant 4 : i32
    %scan3A_361:10 = scf.for %scan3A_480 = %scan3A_357 to %scan3A_359 step %scan3A_360 iter_args(%scan3A_481 = %broadcast_in_dim3A_354, %scan3A_482 = %broadcast_in_dim3A_354, %scan3A_483 = %broadcast_in_dim3A_354, %scan3A_484 = %broadcast_in_dim3A_354, %scan3A_485 = %broadcast_in_dim3A_354, %scan3A_486 = %broadcast_in_dim3A_356, %scan3A_487 = %broadcast_in_dim3A_356, %scan3A_488 = %broadcast_in_dim3A_356, %scan3A_489 = %broadcast_in_dim3A_356, %scan3A_490 = %broadcast_in_dim3A_356) -> (vector<16xf32>, vector<16xf32>, vector<16xf32>, vector<16xf32>, vector<16xf32>, vector<16xi32>, vector<16xi32>, vector<16xi32>, vector<16xi32>, vector<16xi32>)  : i32 {
      %broadcast_in_dim3A_491 = vector.broadcast %scan3A_480 : i32 to vector<16xi32>
      %gather3A_492 = tpu.vector_load_idx %arg14[%broadcast_in_dim3A_491] : memref<4096xf32, #tpu.memory_space<vmem>>[vector<16xi32>], vector<16xf32>,
      %gather3A_493 = tpu.vector_load_idx %arg15[%broadcast_in_dim3A_491] : memref<4096xf32, #tpu.memory_space<vmem>>[vector<16xi32>], vector<16xf32>,
      %sub3A = arith.subf %gather3A_492, %get3A_343 : vector<16xf32>
      %sub3A_494 = arith.subf %gather3A_493, %get3A_345 : vector<16xf32>
      %mul3A_495 = arith.mulf %sub3A, %sub3A : vector<16xf32>
      %mul3A_496 = arith.mulf %sub3A_494, %sub3A_494 : vector<16xf32>
      %add3A_497 = arith.addf %mul3A_495, %mul3A_496 : vector<16xf32>
      %eq3A = arith.cmpi eq, %broadcast_in_dim3A_491, %add3A_352 : vector<16xi32>
      %jit3A = arith.constant 0x7F800000 : f32
      %broadcast_in_dim3A_498 = vector.broadcast %jit3A : f32 to vector<16xf32>
      %select_n3A = arith.select %eq3A, %broadcast_in_dim3A_498, %add3A_497 : vector<16xi1>, vector<16xf32>
      %lt3A = arith.cmpf olt, %select_n3A, %scan3A_481 : vector<16xf32>
      %lt3A_499 = arith.cmpf olt, %select_n3A, %scan3A_482 : vector<16xf32>
      %lt3A_500 = arith.cmpf olt, %select_n3A, %scan3A_483 : vector<16xf32>
      %lt3A_501 = arith.cmpf olt, %select_n3A, %scan3A_484 : vector<16xf32>
      %lt3A_502 = arith.cmpf olt, %select_n3A, %scan3A_485 : vector<16xf32>
      %select_n3A_503 = arith.select %lt3A_501, %scan3A_484, %select_n3A : vector<16xi1>, vector<16xf32>
      %select_n3A_504 = arith.select %lt3A_502, %select_n3A_503, %scan3A_485 : vector<16xi1>, vector<16xf32>
      %select_n3A_505 = arith.select %lt3A_501, %scan3A_489, %broadcast_in_dim3A_491 : vector<16xi1>, vector<16xi32>
      %select_n3A_506 = arith.select %lt3A_502, %select_n3A_505, %scan3A_490 : vector<16xi1>, vector<16xi32>
      %select_n3A_507 = arith.select %lt3A_500, %scan3A_483, %select_n3A : vector<16xi1>, vector<16xf32>
      %select_n3A_508 = arith.select %lt3A_501, %select_n3A_507, %scan3A_484 : vector<16xi1>, vector<16xf32>
      %select_n3A_509 = arith.select %lt3A_500, %scan3A_488, %broadcast_in_dim3A_491 : vector<16xi1>, vector<16xi32>
      %select_n3A_510 = arith.select %lt3A_501, %select_n3A_509, %scan3A_489 : vector<16xi1>, vector<16xi32>
      %select_n3A_511 = arith.select %lt3A_499, %scan3A_482, %select_n3A : vector<16xi1>, vector<16xf32>
      %select_n3A_512 = arith.select %lt3A_500, %select_n3A_511, %scan3A_483 : vector<16xi1>, vector<16xf32>
      %select_n3A_513 = arith.select %lt3A_499, %scan3A_487, %broadcast_in_dim3A_491 : vector<16xi1>, vector<16xi32>
      %select_n3A_514 = arith.select %lt3A_500, %select_n3A_513, %scan3A_488 : vector<16xi1>, vector<16xi32>
      %select_n3A_515 = arith.select %lt3A, %scan3A_481, %select_n3A : vector<16xi1>, vector<16xf32>
      %select_n3A_516 = arith.select %lt3A_499, %select_n3A_515, %scan3A_482 : vector<16xi1>, vector<16xf32>
      %select_n3A_517 = arith.select %lt3A, %scan3A_486, %broadcast_in_dim3A_491 : vector<16xi1>, vector<16xi32>
      %select_n3A_518 = arith.select %lt3A_499, %select_n3A_517, %scan3A_487 : vector<16xi1>, vector<16xi32>
      %select_n3A_519 = arith.select %lt3A, %select_n3A, %scan3A_481 : vector<16xi1>, vector<16xf32>
      %select_n3A_520 = arith.select %lt3A, %broadcast_in_dim3A_491, %scan3A_486 : vector<16xi1>, vector<16xi32>
      %scan3A_521 = arith.constant 1 : i32
      %scan3A_522 = arith.addi %scan3A_480, %scan3A_521 : i32
      %broadcast_in_dim3A_523 = vector.broadcast %scan3A_522 : i32 to vector<16xi32>
      %gather3A_524 = tpu.vector_load_idx %arg14[%broadcast_in_dim3A_523] : memref<4096xf32, #tpu.memory_space<vmem>>[vector<16xi32>], vector<16xf32>,
      %gather3A_525 = tpu.vector_load_idx %arg15[%broadcast_in_dim3A_523] : memref<4096xf32, #tpu.memory_space<vmem>>[vector<16xi32>], vector<16xf32>,
      %sub3A_526 = arith.subf %gather3A_524, %get3A_343 : vector<16xf32>
      %sub3A_527 = arith.subf %gather3A_525, %get3A_345 : vector<16xf32>
      %mul3A_528 = arith.mulf %sub3A_526, %sub3A_526 : vector<16xf32>
      %mul3A_529 = arith.mulf %sub3A_527, %sub3A_527 : vector<16xf32>
      %add3A_530 = arith.addf %mul3A_528, %mul3A_529 : vector<16xf32>
      %eq3A_531 = arith.cmpi eq, %broadcast_in_dim3A_523, %add3A_352 : vector<16xi32>
      %jit3A_532 = arith.constant 0x7F800000 : f32
      %broadcast_in_dim3A_533 = vector.broadcast %jit3A_532 : f32 to vector<16xf32>
      %select_n3A_534 = arith.select %eq3A_531, %broadcast_in_dim3A_533, %add3A_530 : vector<16xi1>, vector<16xf32>
      %lt3A_535 = arith.cmpf olt, %select_n3A_534, %select_n3A_519 : vector<16xf32>
      %lt3A_536 = arith.cmpf olt, %select_n3A_534, %select_n3A_516 : vector<16xf32>
      %lt3A_537 = arith.cmpf olt, %select_n3A_534, %select_n3A_512 : vector<16xf32>
      %lt3A_538 = arith.cmpf olt, %select_n3A_534, %select_n3A_508 : vector<16xf32>
      %lt3A_539 = arith.cmpf olt, %select_n3A_534, %select_n3A_504 : vector<16xf32>
      %select_n3A_540 = arith.select %lt3A_538, %select_n3A_508, %select_n3A_534 : vector<16xi1>, vector<16xf32>
      %select_n3A_541 = arith.select %lt3A_539, %select_n3A_540, %select_n3A_504 : vector<16xi1>, vector<16xf32>
      %select_n3A_542 = arith.select %lt3A_538, %select_n3A_510, %broadcast_in_dim3A_523 : vector<16xi1>, vector<16xi32>
      %select_n3A_543 = arith.select %lt3A_539, %select_n3A_542, %select_n3A_506 : vector<16xi1>, vector<16xi32>
      %select_n3A_544 = arith.select %lt3A_537, %select_n3A_512, %select_n3A_534 : vector<16xi1>, vector<16xf32>
      %select_n3A_545 = arith.select %lt3A_538, %select_n3A_544, %select_n3A_508 : vector<16xi1>, vector<16xf32>
      %select_n3A_546 = arith.select %lt3A_537, %select_n3A_514, %broadcast_in_dim3A_523 : vector<16xi1>, vector<16xi32>
      %select_n3A_547 = arith.select %lt3A_538, %select_n3A_546, %select_n3A_510 : vector<16xi1>, vector<16xi32>
      %select_n3A_548 = arith.select %lt3A_536, %select_n3A_516, %select_n3A_534 : vector<16xi1>, vector<16xf32>
      %select_n3A_549 = arith.select %lt3A_537, %select_n3A_548, %select_n3A_512 : vector<16xi1>, vector<16xf32>
      %select_n3A_550 = arith.select %lt3A_536, %select_n3A_518, %broadcast_in_dim3A_523 : vector<16xi1>, vector<16xi32>
      %select_n3A_551 = arith.select %lt3A_537, %select_n3A_550, %select_n3A_514 : vector<16xi1>, vector<16xi32>
      %select_n3A_552 = arith.select %lt3A_535, %select_n3A_519, %select_n3A_534 : vector<16xi1>, vector<16xf32>
      %select_n3A_553 = arith.select %lt3A_536, %select_n3A_552, %select_n3A_516 : vector<16xi1>, vector<16xf32>
      %select_n3A_554 = arith.select %lt3A_535, %select_n3A_520, %broadcast_in_dim3A_523 : vector<16xi1>, vector<16xi32>
      %select_n3A_555 = arith.select %lt3A_536, %select_n3A_554, %select_n3A_518 : vector<16xi1>, vector<16xi32>
      %select_n3A_556 = arith.select %lt3A_535, %select_n3A_534, %select_n3A_519 : vector<16xi1>, vector<16xf32>
      %select_n3A_557 = arith.select %lt3A_535, %broadcast_in_dim3A_523, %select_n3A_520 : vector<16xi1>, vector<16xi32>
      %scan3A_558 = arith.constant 2 : i32
      %scan3A_559 = arith.addi %scan3A_480, %scan3A_558 : i32
      %broadcast_in_dim3A_560 = vector.broadcast %scan3A_559 : i32 to vector<16xi32>
      %gather3A_561 = tpu.vector_load_idx %arg14[%broadcast_in_dim3A_560] : memref<4096xf32, #tpu.memory_space<vmem>>[vector<16xi32>], vector<16xf32>,
      %gather3A_562 = tpu.vector_load_idx %arg15[%broadcast_in_dim3A_560] : memref<4096xf32, #tpu.memory_space<vmem>>[vector<16xi32>], vector<16xf32>,
      %sub3A_563 = arith.subf %gather3A_561, %get3A_343 : vector<16xf32>
      %sub3A_564 = arith.subf %gather3A_562, %get3A_345 : vector<16xf32>
      %mul3A_565 = arith.mulf %sub3A_563, %sub3A_563 : vector<16xf32>
      %mul3A_566 = arith.mulf %sub3A_564, %sub3A_564 : vector<16xf32>
      %add3A_567 = arith.addf %mul3A_565, %mul3A_566 : vector<16xf32>
      %eq3A_568 = arith.cmpi eq, %broadcast_in_dim3A_560, %add3A_352 : vector<16xi32>
      %jit3A_569 = arith.constant 0x7F800000 : f32
      %broadcast_in_dim3A_570 = vector.broadcast %jit3A_569 : f32 to vector<16xf32>
      %select_n3A_571 = arith.select %eq3A_568, %broadcast_in_dim3A_570, %add3A_567 : vector<16xi1>, vector<16xf32>
      %lt3A_572 = arith.cmpf olt, %select_n3A_571, %select_n3A_556 : vector<16xf32>
      %lt3A_573 = arith.cmpf olt, %select_n3A_571, %select_n3A_553 : vector<16xf32>
      %lt3A_574 = arith.cmpf olt, %select_n3A_571, %select_n3A_549 : vector<16xf32>
      %lt3A_575 = arith.cmpf olt, %select_n3A_571, %select_n3A_545 : vector<16xf32>
      %lt3A_576 = arith.cmpf olt, %select_n3A_571, %select_n3A_541 : vector<16xf32>
      %select_n3A_577 = arith.select %lt3A_575, %select_n3A_545, %select_n3A_571 : vector<16xi1>, vector<16xf32>
      %select_n3A_578 = arith.select %lt3A_576, %select_n3A_577, %select_n3A_541 : vector<16xi1>, vector<16xf32>
      %select_n3A_579 = arith.select %lt3A_575, %select_n3A_547, %broadcast_in_dim3A_560 : vector<16xi1>, vector<16xi32>
      %select_n3A_580 = arith.select %lt3A_576, %select_n3A_579, %select_n3A_543 : vector<16xi1>, vector<16xi32>
      %select_n3A_581 = arith.select %lt3A_574, %select_n3A_549, %select_n3A_571 : vector<16xi1>, vector<16xf32>
      %select_n3A_582 = arith.select %lt3A_575, %select_n3A_581, %select_n3A_545 : vector<16xi1>, vector<16xf32>
      %select_n3A_583 = arith.select %lt3A_574, %select_n3A_551, %broadcast_in_dim3A_560 : vector<16xi1>, vector<16xi32>
      %select_n3A_584 = arith.select %lt3A_575, %select_n3A_583, %select_n3A_547 : vector<16xi1>, vector<16xi32>
      %select_n3A_585 = arith.select %lt3A_573, %select_n3A_553, %select_n3A_571 : vector<16xi1>, vector<16xf32>
      %select_n3A_586 = arith.select %lt3A_574, %select_n3A_585, %select_n3A_549 : vector<16xi1>, vector<16xf32>
      %select_n3A_587 = arith.select %lt3A_573, %select_n3A_555, %broadcast_in_dim3A_560 : vector<16xi1>, vector<16xi32>
      %select_n3A_588 = arith.select %lt3A_574, %select_n3A_587, %select_n3A_551 : vector<16xi1>, vector<16xi32>
      %select_n3A_589 = arith.select %lt3A_572, %select_n3A_556, %select_n3A_571 : vector<16xi1>, vector<16xf32>
      %select_n3A_590 = arith.select %lt3A_573, %select_n3A_589, %select_n3A_553 : vector<16xi1>, vector<16xf32>
      %select_n3A_591 = arith.select %lt3A_572, %select_n3A_557, %broadcast_in_dim3A_560 : vector<16xi1>, vector<16xi32>
      %select_n3A_592 = arith.select %lt3A_573, %select_n3A_591, %select_n3A_555 : vector<16xi1>, vector<16xi32>
      %select_n3A_593 = arith.select %lt3A_572, %select_n3A_571, %select_n3A_556 : vector<16xi1>, vector<16xf32>
      %select_n3A_594 = arith.select %lt3A_572, %broadcast_in_dim3A_560, %select_n3A_557 : vector<16xi1>, vector<16xi32>
      %scan3A_595 = arith.constant 3 : i32
      %scan3A_596 = arith.addi %scan3A_480, %scan3A_595 : i32
      %broadcast_in_dim3A_597 = vector.broadcast %scan3A_596 : i32 to vector<16xi32>
      %gather3A_598 = tpu.vector_load_idx %arg14[%broadcast_in_dim3A_597] : memref<4096xf32, #tpu.memory_space<vmem>>[vector<16xi32>], vector<16xf32>,
      %gather3A_599 = tpu.vector_load_idx %arg15[%broadcast_in_dim3A_597] : memref<4096xf32, #tpu.memory_space<vmem>>[vector<16xi32>], vector<16xf32>,
      %sub3A_600 = arith.subf %gather3A_598, %get3A_343 : vector<16xf32>
      %sub3A_601 = arith.subf %gather3A_599, %get3A_345 : vector<16xf32>
      %mul3A_602 = arith.mulf %sub3A_600, %sub3A_600 : vector<16xf32>
      %mul3A_603 = arith.mulf %sub3A_601, %sub3A_601 : vector<16xf32>
      %add3A_604 = arith.addf %mul3A_602, %mul3A_603 : vector<16xf32>
      %eq3A_605 = arith.cmpi eq, %broadcast_in_dim3A_597, %add3A_352 : vector<16xi32>
      %jit3A_606 = arith.constant 0x7F800000 : f32
      %broadcast_in_dim3A_607 = vector.broadcast %jit3A_606 : f32 to vector<16xf32>
      %select_n3A_608 = arith.select %eq3A_605, %broadcast_in_dim3A_607, %add3A_604 : vector<16xi1>, vector<16xf32>
      %lt3A_609 = arith.cmpf olt, %select_n3A_608, %select_n3A_593 : vector<16xf32>
      %lt3A_610 = arith.cmpf olt, %select_n3A_608, %select_n3A_590 : vector<16xf32>
      %lt3A_611 = arith.cmpf olt, %select_n3A_608, %select_n3A_586 : vector<16xf32>
      %lt3A_612 = arith.cmpf olt, %select_n3A_608, %select_n3A_582 : vector<16xf32>
      %lt3A_613 = arith.cmpf olt, %select_n3A_608, %select_n3A_578 : vector<16xf32>
      %select_n3A_614 = arith.select %lt3A_612, %select_n3A_582, %select_n3A_608 : vector<16xi1>, vector<16xf32>
      %select_n3A_615 = arith.select %lt3A_613, %select_n3A_614, %select_n3A_578 : vector<16xi1>, vector<16xf32>
      %select_n3A_616 = arith.select %lt3A_612, %select_n3A_584, %broadcast_in_dim3A_597 : vector<16xi1>, vector<16xi32>
      %select_n3A_617 = arith.select %lt3A_613, %select_n3A_616, %select_n3A_580 : vector<16xi1>, vector<16xi32>
      %select_n3A_618 = arith.select %lt3A_611, %select_n3A_586, %select_n3A_608 : vector<16xi1>, vector<16xf32>
      %select_n3A_619 = arith.select %lt3A_612, %select_n3A_618, %select_n3A_582 : vector<16xi1>, vector<16xf32>
      %select_n3A_620 = arith.select %lt3A_611, %select_n3A_588, %broadcast_in_dim3A_597 : vector<16xi1>, vector<16xi32>
      %select_n3A_621 = arith.select %lt3A_612, %select_n3A_620, %select_n3A_584 : vector<16xi1>, vector<16xi32>
      %select_n3A_622 = arith.select %lt3A_610, %select_n3A_590, %select_n3A_608 : vector<16xi1>, vector<16xf32>
      %select_n3A_623 = arith.select %lt3A_611, %select_n3A_622, %select_n3A_586 : vector<16xi1>, vector<16xf32>
      %select_n3A_624 = arith.select %lt3A_610, %select_n3A_592, %broadcast_in_dim3A_597 : vector<16xi1>, vector<16xi32>
      %select_n3A_625 = arith.select %lt3A_611, %select_n3A_624, %select_n3A_588 : vector<16xi1>, vector<16xi32>
      %select_n3A_626 = arith.select %lt3A_609, %select_n3A_593, %select_n3A_608 : vector<16xi1>, vector<16xf32>
      %select_n3A_627 = arith.select %lt3A_610, %select_n3A_626, %select_n3A_590 : vector<16xi1>, vector<16xf32>
      %select_n3A_628 = arith.select %lt3A_609, %select_n3A_594, %broadcast_in_dim3A_597 : vector<16xi1>, vector<16xi32>
      %select_n3A_629 = arith.select %lt3A_610, %select_n3A_628, %select_n3A_592 : vector<16xi1>, vector<16xi32>
      %select_n3A_630 = arith.select %lt3A_609, %select_n3A_608, %select_n3A_593 : vector<16xi1>, vector<16xf32>
      %select_n3A_631 = arith.select %lt3A_609, %broadcast_in_dim3A_597, %select_n3A_594 : vector<16xi1>, vector<16xi32>
      scf.yield %select_n3A_630, %select_n3A_627, %select_n3A_623, %select_n3A_619, %select_n3A_615, %select_n3A_631, %select_n3A_629, %select_n3A_625, %select_n3A_621, %select_n3A_617 : vector<16xf32>, vector<16xf32>, vector<16xf32>, vector<16xf32>, vector<16xf32>, vector<16xi32>, vector<16xi32>, vector<16xi32>, vector<16xi32>, vector<16xi32>
    }
    %scan3A_362 = arith.constant 4096 : i32
    %broadcast_in_dim3A_363 = arith.constant 0.000000e+00 : f32
    %broadcast_in_dim3A_364 = vector.broadcast %broadcast_in_dim3A_363 : f32 to vector<16xf32>
    %broadcast_in_dim3A_365 = arith.constant 0.000000e+00 : f32
    %broadcast_in_dim3A_366 = vector.broadcast %broadcast_in_dim3A_365 : f32 to vector<16xf32>
    %broadcast_in_dim3A_367 = arith.constant 0.000000e+00 : f32
    %broadcast_in_dim3A_368 = vector.broadcast %broadcast_in_dim3A_367 : f32 to vector<16xf32>
    %gather3A_369 = tpu.vector_load_idx %arg16[%add3A_352] : memref<4096xf32, #tpu.memory_space<vmem>>[vector<16xi32>], vector<16xf32>,
    %add3A_370 = arith.addf %broadcast_in_dim3A_364, %gather3A_369 : vector<16xf32>
    %gather3A_371 = tpu.vector_load_idx %arg17[%add3A_352] : memref<4096xf32, #tpu.memory_space<vmem>>[vector<16xi32>], vector<16xf32>,
    %add3A_372 = arith.addf %broadcast_in_dim3A_366, %gather3A_371 : vector<16xf32>
    %gather3A_373 = tpu.vector_load_idx %arg18[%add3A_352] : memref<4096xf32, #tpu.memory_space<vmem>>[vector<16xi32>], vector<16xf32>,
    %add3A_374 = arith.addf %broadcast_in_dim3A_368, %gather3A_373 : vector<16xf32>
    %gather3A_375 = tpu.vector_load_idx %arg16[%scan3A_361#5] : memref<4096xf32, #tpu.memory_space<vmem>>[vector<16xi32>], vector<16xf32>,
    %add3A_376 = arith.addf %add3A_370, %gather3A_375 : vector<16xf32>
    %gather3A_377 = tpu.vector_load_idx %arg17[%scan3A_361#5] : memref<4096xf32, #tpu.memory_space<vmem>>[vector<16xi32>], vector<16xf32>,
    %add3A_378 = arith.addf %add3A_372, %gather3A_377 : vector<16xf32>
    %gather3A_379 = tpu.vector_load_idx %arg18[%scan3A_361#5] : memref<4096xf32, #tpu.memory_space<vmem>>[vector<16xi32>], vector<16xf32>,
    %add3A_380 = arith.addf %add3A_374, %gather3A_379 : vector<16xf32>
    %gather3A_381 = tpu.vector_load_idx %arg16[%scan3A_361#6] : memref<4096xf32, #tpu.memory_space<vmem>>[vector<16xi32>], vector<16xf32>,
    %add3A_382 = arith.addf %add3A_376, %gather3A_381 : vector<16xf32>
    %gather3A_383 = tpu.vector_load_idx %arg17[%scan3A_361#6] : memref<4096xf32, #tpu.memory_space<vmem>>[vector<16xi32>], vector<16xf32>,
    %add3A_384 = arith.addf %add3A_378, %gather3A_383 : vector<16xf32>
    %gather3A_385 = tpu.vector_load_idx %arg18[%scan3A_361#6] : memref<4096xf32, #tpu.memory_space<vmem>>[vector<16xi32>], vector<16xf32>,
    %add3A_386 = arith.addf %add3A_380, %gather3A_385 : vector<16xf32>
    %gather3A_387 = tpu.vector_load_idx %arg16[%scan3A_361#7] : memref<4096xf32, #tpu.memory_space<vmem>>[vector<16xi32>], vector<16xf32>,
    %add3A_388 = arith.addf %add3A_382, %gather3A_387 : vector<16xf32>
    %gather3A_389 = tpu.vector_load_idx %arg17[%scan3A_361#7] : memref<4096xf32, #tpu.memory_space<vmem>>[vector<16xi32>], vector<16xf32>,
    %add3A_390 = arith.addf %add3A_384, %gather3A_389 : vector<16xf32>
    %gather3A_391 = tpu.vector_load_idx %arg18[%scan3A_361#7] : memref<4096xf32, #tpu.memory_space<vmem>>[vector<16xi32>], vector<16xf32>,
    %add3A_392 = arith.addf %add3A_386, %gather3A_391 : vector<16xf32>
    %gather3A_393 = tpu.vector_load_idx %arg16[%scan3A_361#8] : memref<4096xf32, #tpu.memory_space<vmem>>[vector<16xi32>], vector<16xf32>,
    %add3A_394 = arith.addf %add3A_388, %gather3A_393 : vector<16xf32>
    %gather3A_395 = tpu.vector_load_idx %arg17[%scan3A_361#8] : memref<4096xf32, #tpu.memory_space<vmem>>[vector<16xi32>], vector<16xf32>,
    %add3A_396 = arith.addf %add3A_390, %gather3A_395 : vector<16xf32>
    %gather3A_397 = tpu.vector_load_idx %arg18[%scan3A_361#8] : memref<4096xf32, #tpu.memory_space<vmem>>[vector<16xi32>], vector<16xf32>,
    %add3A_398 = arith.addf %add3A_392, %gather3A_397 : vector<16xf32>
    %gather3A_399 = tpu.vector_load_idx %arg16[%scan3A_361#9] : memref<4096xf32, #tpu.memory_space<vmem>>[vector<16xi32>], vector<16xf32>,
    %add3A_400 = arith.addf %add3A_394, %gather3A_399 : vector<16xf32>
    %gather3A_401 = tpu.vector_load_idx %arg17[%scan3A_361#9] : memref<4096xf32, #tpu.memory_space<vmem>>[vector<16xi32>], vector<16xf32>,
    %add3A_402 = arith.addf %add3A_396, %gather3A_401 : vector<16xf32>
    %gather3A_403 = tpu.vector_load_idx %arg18[%scan3A_361#9] : memref<4096xf32, #tpu.memory_space<vmem>>[vector<16xi32>], vector<16xf32>,
    %add3A_404 = arith.addf %add3A_398, %gather3A_403 : vector<16xf32>
    %swap3A_405 = arith.constant 80 : index
    %swap3A_406 = tpu.vector_load %arg19[%swap3A_405] {strides = array<i32>} : memref<112xf32, #tpu.memory_space<vmem>>, vector<16xf32>,
    tpu.vector_store %arg19[%swap3A_405], %add3A_400 {strides = array<i32>} : memref<112xf32, #tpu.memory_space<vmem>>, vector<16xf32>,
    %swap3A_407 = arith.constant 80 : index
    %swap3A_408 = tpu.vector_load %arg20[%swap3A_407] {strides = array<i32>} : memref<112xf32, #tpu.memory_space<vmem>>, vector<16xf32>,
    tpu.vector_store %arg20[%swap3A_407], %add3A_402 {strides = array<i32>} : memref<112xf32, #tpu.memory_space<vmem>>, vector<16xf32>,
    %swap3A_409 = arith.constant 80 : index
    %swap3A_410 = tpu.vector_load %arg21[%swap3A_409] {strides = array<i32>} : memref<112xf32, #tpu.memory_space<vmem>>, vector<16xf32>,
    tpu.vector_store %arg21[%swap3A_409], %add3A_404 {strides = array<i32>} : memref<112xf32, #tpu.memory_space<vmem>>, vector<16xf32>,
    %get3A_411 = arith.constant 96 : index
    %get3A_412 = tpu.vector_load %arg12[%get3A_411] {strides = array<i32>} : memref<112xf32, #tpu.memory_space<vmem>>, vector<16xf32>,
    %get3A_413 = arith.constant 96 : index
    %get3A_414 = tpu.vector_load %arg13[%get3A_413] {strides = array<i32>} : memref<112xf32, #tpu.memory_space<vmem>>, vector<16xf32>,
    %add3A_415 = arith.constant 512 : i32
    %add3A_416 = arith.addi %add3A_415, %mul3A_2 : i32
    %add3A_417 = arith.constant 96 : i32
    %add3A_418 = arith.addi %add3A_416, %add3A_417 : i32
    %broadcast_in_dim3A_419 = vector.broadcast %add3A_418 : i32 to vector<16xi32>
    %iota3A_420 = tpu.iota {dimensions = array<i32: 0>} : vector<16xi32>
    %add3A_421 = arith.addi %broadcast_in_dim3A_419, %iota3A_420 : vector<16xi32>
    %broadcast_in_dim3A_422 = arith.constant 0x7F800000 : f32
    %broadcast_in_dim3A_423 = vector.broadcast %broadcast_in_dim3A_422 : f32 to vector<16xf32>
    %broadcast_in_dim3A_424 = arith.constant 0 : i32
    %broadcast_in_dim3A_425 = vector.broadcast %broadcast_in_dim3A_424 : i32 to vector<16xi32>
    %scan3A_426 = arith.constant 0 : i32
    %scan3A_427 = arith.constant 4096 : i32
    %scan3A_428 = arith.addi %scan3A_426, %scan3A_427 : i32
    %scan3A_429 = arith.constant 4 : i32
    %scan3A_430:10 = scf.for %scan3A_480 = %scan3A_426 to %scan3A_428 step %scan3A_429 iter_args(%scan3A_481 = %broadcast_in_dim3A_423, %scan3A_482 = %broadcast_in_dim3A_423, %scan3A_483 = %broadcast_in_dim3A_423, %scan3A_484 = %broadcast_in_dim3A_423, %scan3A_485 = %broadcast_in_dim3A_423, %scan3A_486 = %broadcast_in_dim3A_425, %scan3A_487 = %broadcast_in_dim3A_425, %scan3A_488 = %broadcast_in_dim3A_425, %scan3A_489 = %broadcast_in_dim3A_425, %scan3A_490 = %broadcast_in_dim3A_425) -> (vector<16xf32>, vector<16xf32>, vector<16xf32>, vector<16xf32>, vector<16xf32>, vector<16xi32>, vector<16xi32>, vector<16xi32>, vector<16xi32>, vector<16xi32>)  : i32 {
      %broadcast_in_dim3A_491 = vector.broadcast %scan3A_480 : i32 to vector<16xi32>
      %gather3A_492 = tpu.vector_load_idx %arg14[%broadcast_in_dim3A_491] : memref<4096xf32, #tpu.memory_space<vmem>>[vector<16xi32>], vector<16xf32>,
      %gather3A_493 = tpu.vector_load_idx %arg15[%broadcast_in_dim3A_491] : memref<4096xf32, #tpu.memory_space<vmem>>[vector<16xi32>], vector<16xf32>,
      %sub3A = arith.subf %gather3A_492, %get3A_412 : vector<16xf32>
      %sub3A_494 = arith.subf %gather3A_493, %get3A_414 : vector<16xf32>
      %mul3A_495 = arith.mulf %sub3A, %sub3A : vector<16xf32>
      %mul3A_496 = arith.mulf %sub3A_494, %sub3A_494 : vector<16xf32>
      %add3A_497 = arith.addf %mul3A_495, %mul3A_496 : vector<16xf32>
      %eq3A = arith.cmpi eq, %broadcast_in_dim3A_491, %add3A_421 : vector<16xi32>
      %jit3A = arith.constant 0x7F800000 : f32
      %broadcast_in_dim3A_498 = vector.broadcast %jit3A : f32 to vector<16xf32>
      %select_n3A = arith.select %eq3A, %broadcast_in_dim3A_498, %add3A_497 : vector<16xi1>, vector<16xf32>
      %lt3A = arith.cmpf olt, %select_n3A, %scan3A_481 : vector<16xf32>
      %lt3A_499 = arith.cmpf olt, %select_n3A, %scan3A_482 : vector<16xf32>
      %lt3A_500 = arith.cmpf olt, %select_n3A, %scan3A_483 : vector<16xf32>
      %lt3A_501 = arith.cmpf olt, %select_n3A, %scan3A_484 : vector<16xf32>
      %lt3A_502 = arith.cmpf olt, %select_n3A, %scan3A_485 : vector<16xf32>
      %select_n3A_503 = arith.select %lt3A_501, %scan3A_484, %select_n3A : vector<16xi1>, vector<16xf32>
      %select_n3A_504 = arith.select %lt3A_502, %select_n3A_503, %scan3A_485 : vector<16xi1>, vector<16xf32>
      %select_n3A_505 = arith.select %lt3A_501, %scan3A_489, %broadcast_in_dim3A_491 : vector<16xi1>, vector<16xi32>
      %select_n3A_506 = arith.select %lt3A_502, %select_n3A_505, %scan3A_490 : vector<16xi1>, vector<16xi32>
      %select_n3A_507 = arith.select %lt3A_500, %scan3A_483, %select_n3A : vector<16xi1>, vector<16xf32>
      %select_n3A_508 = arith.select %lt3A_501, %select_n3A_507, %scan3A_484 : vector<16xi1>, vector<16xf32>
      %select_n3A_509 = arith.select %lt3A_500, %scan3A_488, %broadcast_in_dim3A_491 : vector<16xi1>, vector<16xi32>
      %select_n3A_510 = arith.select %lt3A_501, %select_n3A_509, %scan3A_489 : vector<16xi1>, vector<16xi32>
      %select_n3A_511 = arith.select %lt3A_499, %scan3A_482, %select_n3A : vector<16xi1>, vector<16xf32>
      %select_n3A_512 = arith.select %lt3A_500, %select_n3A_511, %scan3A_483 : vector<16xi1>, vector<16xf32>
      %select_n3A_513 = arith.select %lt3A_499, %scan3A_487, %broadcast_in_dim3A_491 : vector<16xi1>, vector<16xi32>
      %select_n3A_514 = arith.select %lt3A_500, %select_n3A_513, %scan3A_488 : vector<16xi1>, vector<16xi32>
      %select_n3A_515 = arith.select %lt3A, %scan3A_481, %select_n3A : vector<16xi1>, vector<16xf32>
      %select_n3A_516 = arith.select %lt3A_499, %select_n3A_515, %scan3A_482 : vector<16xi1>, vector<16xf32>
      %select_n3A_517 = arith.select %lt3A, %scan3A_486, %broadcast_in_dim3A_491 : vector<16xi1>, vector<16xi32>
      %select_n3A_518 = arith.select %lt3A_499, %select_n3A_517, %scan3A_487 : vector<16xi1>, vector<16xi32>
      %select_n3A_519 = arith.select %lt3A, %select_n3A, %scan3A_481 : vector<16xi1>, vector<16xf32>
      %select_n3A_520 = arith.select %lt3A, %broadcast_in_dim3A_491, %scan3A_486 : vector<16xi1>, vector<16xi32>
      %scan3A_521 = arith.constant 1 : i32
      %scan3A_522 = arith.addi %scan3A_480, %scan3A_521 : i32
      %broadcast_in_dim3A_523 = vector.broadcast %scan3A_522 : i32 to vector<16xi32>
      %gather3A_524 = tpu.vector_load_idx %arg14[%broadcast_in_dim3A_523] : memref<4096xf32, #tpu.memory_space<vmem>>[vector<16xi32>], vector<16xf32>,
      %gather3A_525 = tpu.vector_load_idx %arg15[%broadcast_in_dim3A_523] : memref<4096xf32, #tpu.memory_space<vmem>>[vector<16xi32>], vector<16xf32>,
      %sub3A_526 = arith.subf %gather3A_524, %get3A_412 : vector<16xf32>
      %sub3A_527 = arith.subf %gather3A_525, %get3A_414 : vector<16xf32>
      %mul3A_528 = arith.mulf %sub3A_526, %sub3A_526 : vector<16xf32>
      %mul3A_529 = arith.mulf %sub3A_527, %sub3A_527 : vector<16xf32>
      %add3A_530 = arith.addf %mul3A_528, %mul3A_529 : vector<16xf32>
      %eq3A_531 = arith.cmpi eq, %broadcast_in_dim3A_523, %add3A_421 : vector<16xi32>
      %jit3A_532 = arith.constant 0x7F800000 : f32
      %broadcast_in_dim3A_533 = vector.broadcast %jit3A_532 : f32 to vector<16xf32>
      %select_n3A_534 = arith.select %eq3A_531, %broadcast_in_dim3A_533, %add3A_530 : vector<16xi1>, vector<16xf32>
      %lt3A_535 = arith.cmpf olt, %select_n3A_534, %select_n3A_519 : vector<16xf32>
      %lt3A_536 = arith.cmpf olt, %select_n3A_534, %select_n3A_516 : vector<16xf32>
      %lt3A_537 = arith.cmpf olt, %select_n3A_534, %select_n3A_512 : vector<16xf32>
      %lt3A_538 = arith.cmpf olt, %select_n3A_534, %select_n3A_508 : vector<16xf32>
      %lt3A_539 = arith.cmpf olt, %select_n3A_534, %select_n3A_504 : vector<16xf32>
      %select_n3A_540 = arith.select %lt3A_538, %select_n3A_508, %select_n3A_534 : vector<16xi1>, vector<16xf32>
      %select_n3A_541 = arith.select %lt3A_539, %select_n3A_540, %select_n3A_504 : vector<16xi1>, vector<16xf32>
      %select_n3A_542 = arith.select %lt3A_538, %select_n3A_510, %broadcast_in_dim3A_523 : vector<16xi1>, vector<16xi32>
      %select_n3A_543 = arith.select %lt3A_539, %select_n3A_542, %select_n3A_506 : vector<16xi1>, vector<16xi32>
      %select_n3A_544 = arith.select %lt3A_537, %select_n3A_512, %select_n3A_534 : vector<16xi1>, vector<16xf32>
      %select_n3A_545 = arith.select %lt3A_538, %select_n3A_544, %select_n3A_508 : vector<16xi1>, vector<16xf32>
      %select_n3A_546 = arith.select %lt3A_537, %select_n3A_514, %broadcast_in_dim3A_523 : vector<16xi1>, vector<16xi32>
      %select_n3A_547 = arith.select %lt3A_538, %select_n3A_546, %select_n3A_510 : vector<16xi1>, vector<16xi32>
      %select_n3A_548 = arith.select %lt3A_536, %select_n3A_516, %select_n3A_534 : vector<16xi1>, vector<16xf32>
      %select_n3A_549 = arith.select %lt3A_537, %select_n3A_548, %select_n3A_512 : vector<16xi1>, vector<16xf32>
      %select_n3A_550 = arith.select %lt3A_536, %select_n3A_518, %broadcast_in_dim3A_523 : vector<16xi1>, vector<16xi32>
      %select_n3A_551 = arith.select %lt3A_537, %select_n3A_550, %select_n3A_514 : vector<16xi1>, vector<16xi32>
      %select_n3A_552 = arith.select %lt3A_535, %select_n3A_519, %select_n3A_534 : vector<16xi1>, vector<16xf32>
      %select_n3A_553 = arith.select %lt3A_536, %select_n3A_552, %select_n3A_516 : vector<16xi1>, vector<16xf32>
      %select_n3A_554 = arith.select %lt3A_535, %select_n3A_520, %broadcast_in_dim3A_523 : vector<16xi1>, vector<16xi32>
      %select_n3A_555 = arith.select %lt3A_536, %select_n3A_554, %select_n3A_518 : vector<16xi1>, vector<16xi32>
      %select_n3A_556 = arith.select %lt3A_535, %select_n3A_534, %select_n3A_519 : vector<16xi1>, vector<16xf32>
      %select_n3A_557 = arith.select %lt3A_535, %broadcast_in_dim3A_523, %select_n3A_520 : vector<16xi1>, vector<16xi32>
      %scan3A_558 = arith.constant 2 : i32
      %scan3A_559 = arith.addi %scan3A_480, %scan3A_558 : i32
      %broadcast_in_dim3A_560 = vector.broadcast %scan3A_559 : i32 to vector<16xi32>
      %gather3A_561 = tpu.vector_load_idx %arg14[%broadcast_in_dim3A_560] : memref<4096xf32, #tpu.memory_space<vmem>>[vector<16xi32>], vector<16xf32>,
      %gather3A_562 = tpu.vector_load_idx %arg15[%broadcast_in_dim3A_560] : memref<4096xf32, #tpu.memory_space<vmem>>[vector<16xi32>], vector<16xf32>,
      %sub3A_563 = arith.subf %gather3A_561, %get3A_412 : vector<16xf32>
      %sub3A_564 = arith.subf %gather3A_562, %get3A_414 : vector<16xf32>
      %mul3A_565 = arith.mulf %sub3A_563, %sub3A_563 : vector<16xf32>
      %mul3A_566 = arith.mulf %sub3A_564, %sub3A_564 : vector<16xf32>
      %add3A_567 = arith.addf %mul3A_565, %mul3A_566 : vector<16xf32>
      %eq3A_568 = arith.cmpi eq, %broadcast_in_dim3A_560, %add3A_421 : vector<16xi32>
      %jit3A_569 = arith.constant 0x7F800000 : f32
      %broadcast_in_dim3A_570 = vector.broadcast %jit3A_569 : f32 to vector<16xf32>
      %select_n3A_571 = arith.select %eq3A_568, %broadcast_in_dim3A_570, %add3A_567 : vector<16xi1>, vector<16xf32>
      %lt3A_572 = arith.cmpf olt, %select_n3A_571, %select_n3A_556 : vector<16xf32>
      %lt3A_573 = arith.cmpf olt, %select_n3A_571, %select_n3A_553 : vector<16xf32>
      %lt3A_574 = arith.cmpf olt, %select_n3A_571, %select_n3A_549 : vector<16xf32>
      %lt3A_575 = arith.cmpf olt, %select_n3A_571, %select_n3A_545 : vector<16xf32>
      %lt3A_576 = arith.cmpf olt, %select_n3A_571, %select_n3A_541 : vector<16xf32>
      %select_n3A_577 = arith.select %lt3A_575, %select_n3A_545, %select_n3A_571 : vector<16xi1>, vector<16xf32>
      %select_n3A_578 = arith.select %lt3A_576, %select_n3A_577, %select_n3A_541 : vector<16xi1>, vector<16xf32>
      %select_n3A_579 = arith.select %lt3A_575, %select_n3A_547, %broadcast_in_dim3A_560 : vector<16xi1>, vector<16xi32>
      %select_n3A_580 = arith.select %lt3A_576, %select_n3A_579, %select_n3A_543 : vector<16xi1>, vector<16xi32>
      %select_n3A_581 = arith.select %lt3A_574, %select_n3A_549, %select_n3A_571 : vector<16xi1>, vector<16xf32>
      %select_n3A_582 = arith.select %lt3A_575, %select_n3A_581, %select_n3A_545 : vector<16xi1>, vector<16xf32>
      %select_n3A_583 = arith.select %lt3A_574, %select_n3A_551, %broadcast_in_dim3A_560 : vector<16xi1>, vector<16xi32>
      %select_n3A_584 = arith.select %lt3A_575, %select_n3A_583, %select_n3A_547 : vector<16xi1>, vector<16xi32>
      %select_n3A_585 = arith.select %lt3A_573, %select_n3A_553, %select_n3A_571 : vector<16xi1>, vector<16xf32>
      %select_n3A_586 = arith.select %lt3A_574, %select_n3A_585, %select_n3A_549 : vector<16xi1>, vector<16xf32>
      %select_n3A_587 = arith.select %lt3A_573, %select_n3A_555, %broadcast_in_dim3A_560 : vector<16xi1>, vector<16xi32>
      %select_n3A_588 = arith.select %lt3A_574, %select_n3A_587, %select_n3A_551 : vector<16xi1>, vector<16xi32>
      %select_n3A_589 = arith.select %lt3A_572, %select_n3A_556, %select_n3A_571 : vector<16xi1>, vector<16xf32>
      %select_n3A_590 = arith.select %lt3A_573, %select_n3A_589, %select_n3A_553 : vector<16xi1>, vector<16xf32>
      %select_n3A_591 = arith.select %lt3A_572, %select_n3A_557, %broadcast_in_dim3A_560 : vector<16xi1>, vector<16xi32>
      %select_n3A_592 = arith.select %lt3A_573, %select_n3A_591, %select_n3A_555 : vector<16xi1>, vector<16xi32>
      %select_n3A_593 = arith.select %lt3A_572, %select_n3A_571, %select_n3A_556 : vector<16xi1>, vector<16xf32>
      %select_n3A_594 = arith.select %lt3A_572, %broadcast_in_dim3A_560, %select_n3A_557 : vector<16xi1>, vector<16xi32>
      %scan3A_595 = arith.constant 3 : i32
      %scan3A_596 = arith.addi %scan3A_480, %scan3A_595 : i32
      %broadcast_in_dim3A_597 = vector.broadcast %scan3A_596 : i32 to vector<16xi32>
      %gather3A_598 = tpu.vector_load_idx %arg14[%broadcast_in_dim3A_597] : memref<4096xf32, #tpu.memory_space<vmem>>[vector<16xi32>], vector<16xf32>,
      %gather3A_599 = tpu.vector_load_idx %arg15[%broadcast_in_dim3A_597] : memref<4096xf32, #tpu.memory_space<vmem>>[vector<16xi32>], vector<16xf32>,
      %sub3A_600 = arith.subf %gather3A_598, %get3A_412 : vector<16xf32>
      %sub3A_601 = arith.subf %gather3A_599, %get3A_414 : vector<16xf32>
      %mul3A_602 = arith.mulf %sub3A_600, %sub3A_600 : vector<16xf32>
      %mul3A_603 = arith.mulf %sub3A_601, %sub3A_601 : vector<16xf32>
      %add3A_604 = arith.addf %mul3A_602, %mul3A_603 : vector<16xf32>
      %eq3A_605 = arith.cmpi eq, %broadcast_in_dim3A_597, %add3A_421 : vector<16xi32>
      %jit3A_606 = arith.constant 0x7F800000 : f32
      %broadcast_in_dim3A_607 = vector.broadcast %jit3A_606 : f32 to vector<16xf32>
      %select_n3A_608 = arith.select %eq3A_605, %broadcast_in_dim3A_607, %add3A_604 : vector<16xi1>, vector<16xf32>
      %lt3A_609 = arith.cmpf olt, %select_n3A_608, %select_n3A_593 : vector<16xf32>
      %lt3A_610 = arith.cmpf olt, %select_n3A_608, %select_n3A_590 : vector<16xf32>
      %lt3A_611 = arith.cmpf olt, %select_n3A_608, %select_n3A_586 : vector<16xf32>
      %lt3A_612 = arith.cmpf olt, %select_n3A_608, %select_n3A_582 : vector<16xf32>
      %lt3A_613 = arith.cmpf olt, %select_n3A_608, %select_n3A_578 : vector<16xf32>
      %select_n3A_614 = arith.select %lt3A_612, %select_n3A_582, %select_n3A_608 : vector<16xi1>, vector<16xf32>
      %select_n3A_615 = arith.select %lt3A_613, %select_n3A_614, %select_n3A_578 : vector<16xi1>, vector<16xf32>
      %select_n3A_616 = arith.select %lt3A_612, %select_n3A_584, %broadcast_in_dim3A_597 : vector<16xi1>, vector<16xi32>
      %select_n3A_617 = arith.select %lt3A_613, %select_n3A_616, %select_n3A_580 : vector<16xi1>, vector<16xi32>
      %select_n3A_618 = arith.select %lt3A_611, %select_n3A_586, %select_n3A_608 : vector<16xi1>, vector<16xf32>
      %select_n3A_619 = arith.select %lt3A_612, %select_n3A_618, %select_n3A_582 : vector<16xi1>, vector<16xf32>
      %select_n3A_620 = arith.select %lt3A_611, %select_n3A_588, %broadcast_in_dim3A_597 : vector<16xi1>, vector<16xi32>
      %select_n3A_621 = arith.select %lt3A_612, %select_n3A_620, %select_n3A_584 : vector<16xi1>, vector<16xi32>
      %select_n3A_622 = arith.select %lt3A_610, %select_n3A_590, %select_n3A_608 : vector<16xi1>, vector<16xf32>
      %select_n3A_623 = arith.select %lt3A_611, %select_n3A_622, %select_n3A_586 : vector<16xi1>, vector<16xf32>
      %select_n3A_624 = arith.select %lt3A_610, %select_n3A_592, %broadcast_in_dim3A_597 : vector<16xi1>, vector<16xi32>
      %select_n3A_625 = arith.select %lt3A_611, %select_n3A_624, %select_n3A_588 : vector<16xi1>, vector<16xi32>
      %select_n3A_626 = arith.select %lt3A_609, %select_n3A_593, %select_n3A_608 : vector<16xi1>, vector<16xf32>
      %select_n3A_627 = arith.select %lt3A_610, %select_n3A_626, %select_n3A_590 : vector<16xi1>, vector<16xf32>
      %select_n3A_628 = arith.select %lt3A_609, %select_n3A_594, %broadcast_in_dim3A_597 : vector<16xi1>, vector<16xi32>
      %select_n3A_629 = arith.select %lt3A_610, %select_n3A_628, %select_n3A_592 : vector<16xi1>, vector<16xi32>
      %select_n3A_630 = arith.select %lt3A_609, %select_n3A_608, %select_n3A_593 : vector<16xi1>, vector<16xf32>
      %select_n3A_631 = arith.select %lt3A_609, %broadcast_in_dim3A_597, %select_n3A_594 : vector<16xi1>, vector<16xi32>
      scf.yield %select_n3A_630, %select_n3A_627, %select_n3A_623, %select_n3A_619, %select_n3A_615, %select_n3A_631, %select_n3A_629, %select_n3A_625, %select_n3A_621, %select_n3A_617 : vector<16xf32>, vector<16xf32>, vector<16xf32>, vector<16xf32>, vector<16xf32>, vector<16xi32>, vector<16xi32>, vector<16xi32>, vector<16xi32>, vector<16xi32>
    }
    %scan3A_431 = arith.constant 4096 : i32
    %broadcast_in_dim3A_432 = arith.constant 0.000000e+00 : f32
    %broadcast_in_dim3A_433 = vector.broadcast %broadcast_in_dim3A_432 : f32 to vector<16xf32>
    %broadcast_in_dim3A_434 = arith.constant 0.000000e+00 : f32
    %broadcast_in_dim3A_435 = vector.broadcast %broadcast_in_dim3A_434 : f32 to vector<16xf32>
    %broadcast_in_dim3A_436 = arith.constant 0.000000e+00 : f32
    %broadcast_in_dim3A_437 = vector.broadcast %broadcast_in_dim3A_436 : f32 to vector<16xf32>
    %gather3A_438 = tpu.vector_load_idx %arg16[%add3A_421] : memref<4096xf32, #tpu.memory_space<vmem>>[vector<16xi32>], vector<16xf32>,
    %add3A_439 = arith.addf %broadcast_in_dim3A_433, %gather3A_438 : vector<16xf32>
    %gather3A_440 = tpu.vector_load_idx %arg17[%add3A_421] : memref<4096xf32, #tpu.memory_space<vmem>>[vector<16xi32>], vector<16xf32>,
    %add3A_441 = arith.addf %broadcast_in_dim3A_435, %gather3A_440 : vector<16xf32>
    %gather3A_442 = tpu.vector_load_idx %arg18[%add3A_421] : memref<4096xf32, #tpu.memory_space<vmem>>[vector<16xi32>], vector<16xf32>,
    %add3A_443 = arith.addf %broadcast_in_dim3A_437, %gather3A_442 : vector<16xf32>
    %gather3A_444 = tpu.vector_load_idx %arg16[%scan3A_430#5] : memref<4096xf32, #tpu.memory_space<vmem>>[vector<16xi32>], vector<16xf32>,
    %add3A_445 = arith.addf %add3A_439, %gather3A_444 : vector<16xf32>
    %gather3A_446 = tpu.vector_load_idx %arg17[%scan3A_430#5] : memref<4096xf32, #tpu.memory_space<vmem>>[vector<16xi32>], vector<16xf32>,
    %add3A_447 = arith.addf %add3A_441, %gather3A_446 : vector<16xf32>
    %gather3A_448 = tpu.vector_load_idx %arg18[%scan3A_430#5] : memref<4096xf32, #tpu.memory_space<vmem>>[vector<16xi32>], vector<16xf32>,
    %add3A_449 = arith.addf %add3A_443, %gather3A_448 : vector<16xf32>
    %gather3A_450 = tpu.vector_load_idx %arg16[%scan3A_430#6] : memref<4096xf32, #tpu.memory_space<vmem>>[vector<16xi32>], vector<16xf32>,
    %add3A_451 = arith.addf %add3A_445, %gather3A_450 : vector<16xf32>
    %gather3A_452 = tpu.vector_load_idx %arg17[%scan3A_430#6] : memref<4096xf32, #tpu.memory_space<vmem>>[vector<16xi32>], vector<16xf32>,
    %add3A_453 = arith.addf %add3A_447, %gather3A_452 : vector<16xf32>
    %gather3A_454 = tpu.vector_load_idx %arg18[%scan3A_430#6] : memref<4096xf32, #tpu.memory_space<vmem>>[vector<16xi32>], vector<16xf32>,
    %add3A_455 = arith.addf %add3A_449, %gather3A_454 : vector<16xf32>
    %gather3A_456 = tpu.vector_load_idx %arg16[%scan3A_430#7] : memref<4096xf32, #tpu.memory_space<vmem>>[vector<16xi32>], vector<16xf32>,
    %add3A_457 = arith.addf %add3A_451, %gather3A_456 : vector<16xf32>
    %gather3A_458 = tpu.vector_load_idx %arg17[%scan3A_430#7] : memref<4096xf32, #tpu.memory_space<vmem>>[vector<16xi32>], vector<16xf32>,
    %add3A_459 = arith.addf %add3A_453, %gather3A_458 : vector<16xf32>
    %gather3A_460 = tpu.vector_load_idx %arg18[%scan3A_430#7] : memref<4096xf32, #tpu.memory_space<vmem>>[vector<16xi32>], vector<16xf32>,
    %add3A_461 = arith.addf %add3A_455, %gather3A_460 : vector<16xf32>
    %gather3A_462 = tpu.vector_load_idx %arg16[%scan3A_430#8] : memref<4096xf32, #tpu.memory_space<vmem>>[vector<16xi32>], vector<16xf32>,
    %add3A_463 = arith.addf %add3A_457, %gather3A_462 : vector<16xf32>
    %gather3A_464 = tpu.vector_load_idx %arg17[%scan3A_430#8] : memref<4096xf32, #tpu.memory_space<vmem>>[vector<16xi32>], vector<16xf32>,
    %add3A_465 = arith.addf %add3A_459, %gather3A_464 : vector<16xf32>
    %gather3A_466 = tpu.vector_load_idx %arg18[%scan3A_430#8] : memref<4096xf32, #tpu.memory_space<vmem>>[vector<16xi32>], vector<16xf32>,
    %add3A_467 = arith.addf %add3A_461, %gather3A_466 : vector<16xf32>
    %gather3A_468 = tpu.vector_load_idx %arg16[%scan3A_430#9] : memref<4096xf32, #tpu.memory_space<vmem>>[vector<16xi32>], vector<16xf32>,
    %add3A_469 = arith.addf %add3A_463, %gather3A_468 : vector<16xf32>
    %gather3A_470 = tpu.vector_load_idx %arg17[%scan3A_430#9] : memref<4096xf32, #tpu.memory_space<vmem>>[vector<16xi32>], vector<16xf32>,
    %add3A_471 = arith.addf %add3A_465, %gather3A_470 : vector<16xf32>
    %gather3A_472 = tpu.vector_load_idx %arg18[%scan3A_430#9] : memref<4096xf32, #tpu.memory_space<vmem>>[vector<16xi32>], vector<16xf32>,
    %add3A_473 = arith.addf %add3A_467, %gather3A_472 : vector<16xf32>
    %swap3A_474 = arith.constant 96 : index
    %swap3A_475 = tpu.vector_load %arg19[%swap3A_474] {strides = array<i32>} : memref<112xf32, #tpu.memory_space<vmem>>, vector<16xf32>,
    tpu.vector_store %arg19[%swap3A_474], %add3A_469 {strides = array<i32>} : memref<112xf32, #tpu.memory_space<vmem>>, vector<16xf32>,
    %swap3A_476 = arith.constant 96 : index
    %swap3A_477 = tpu.vector_load %arg20[%swap3A_476] {strides = array<i32>} : memref<112xf32, #tpu.memory_space<vmem>>, vector<16xf32>,
    tpu.vector_store %arg20[%swap3A_476], %add3A_471 {strides = array<i32>} : memref<112xf32, #tpu.memory_space<vmem>>, vector<16xf32>,
    %swap3A_478 = arith.constant 96 : index
    %swap3A_479 = tpu.vector_load %arg21[%swap3A_478] {strides = array<i32>} : memref<112xf32, #tpu.memory_space<vmem>>, vector<16xf32>,
    tpu.vector_store %arg21[%swap3A_478], %add3A_473 {strides = array<i32>} : memref<112xf32, #tpu.memory_space<vmem>>, vector<16xf32>,
    "tpu.region"() ({
      %run_scoped3A = tpu.sem_alloc : memref<!tpu.dma_semaphore, #tpu.memory_space<semaphore_mem>>
      %dma_start3A = tpu.memref_slice %arg9[%mul3A_2] : memref<3584xf32, #tpu.memory_space<hbm>> -> memref<112xf32, #tpu.memory_space<hbm>>
      %dma_start3A_480 = tpu.memref_slice %arg9[%mul3A_2] : memref<3584xf32, #tpu.memory_space<hbm>> -> memref<112xf32, #tpu.memory_space<hbm>>
      tpu.enqueue_dma source(%arg19 : memref<112xf32, #tpu.memory_space<vmem>>) target(%dma_start3A_480 : memref<112xf32, #tpu.memory_space<hbm>>) target_semaphore(%run_scoped3A : memref<!tpu.dma_semaphore, #tpu.memory_space<semaphore_mem>>)
      %dma_wait3A = tpu.memref_slice %arg9[%mul3A_2] : memref<3584xf32, #tpu.memory_space<hbm>> -> memref<112xf32, #tpu.memory_space<hbm>>
      %dma_wait3A_481 = tpu.memref_slice %arg9[%mul3A_2] : memref<3584xf32, #tpu.memory_space<hbm>> -> memref<112xf32, #tpu.memory_space<hbm>>
      tpu.wait_dma2 semaphore(%run_scoped3A : memref<!tpu.dma_semaphore, #tpu.memory_space<semaphore_mem>>) src(%arg19 : memref<112xf32, #tpu.memory_space<vmem>>) dst(%dma_wait3A_481 : memref<112xf32, #tpu.memory_space<hbm>>)
      tpu.yield
    }) : () -> ()
    "tpu.region"() ({
      %run_scoped3A = tpu.sem_alloc : memref<!tpu.dma_semaphore, #tpu.memory_space<semaphore_mem>>
      %dma_start3A = tpu.memref_slice %arg10[%mul3A_2] : memref<3584xf32, #tpu.memory_space<hbm>> -> memref<112xf32, #tpu.memory_space<hbm>>
      %dma_start3A_480 = tpu.memref_slice %arg10[%mul3A_2] : memref<3584xf32, #tpu.memory_space<hbm>> -> memref<112xf32, #tpu.memory_space<hbm>>
      tpu.enqueue_dma source(%arg20 : memref<112xf32, #tpu.memory_space<vmem>>) target(%dma_start3A_480 : memref<112xf32, #tpu.memory_space<hbm>>) target_semaphore(%run_scoped3A : memref<!tpu.dma_semaphore, #tpu.memory_space<semaphore_mem>>)
      %dma_wait3A = tpu.memref_slice %arg10[%mul3A_2] : memref<3584xf32, #tpu.memory_space<hbm>> -> memref<112xf32, #tpu.memory_space<hbm>>
      %dma_wait3A_481 = tpu.memref_slice %arg10[%mul3A_2] : memref<3584xf32, #tpu.memory_space<hbm>> -> memref<112xf32, #tpu.memory_space<hbm>>
      tpu.wait_dma2 semaphore(%run_scoped3A : memref<!tpu.dma_semaphore, #tpu.memory_space<semaphore_mem>>) src(%arg20 : memref<112xf32, #tpu.memory_space<vmem>>) dst(%dma_wait3A_481 : memref<112xf32, #tpu.memory_space<hbm>>)
      tpu.yield
    }) : () -> ()
    "tpu.region"() ({
      %run_scoped3A = tpu.sem_alloc : memref<!tpu.dma_semaphore, #tpu.memory_space<semaphore_mem>>
      %dma_start3A = tpu.memref_slice %arg11[%mul3A_2] : memref<3584xf32, #tpu.memory_space<hbm>> -> memref<112xf32, #tpu.memory_space<hbm>>
      %dma_start3A_480 = tpu.memref_slice %arg11[%mul3A_2] : memref<3584xf32, #tpu.memory_space<hbm>> -> memref<112xf32, #tpu.memory_space<hbm>>
      tpu.enqueue_dma source(%arg21 : memref<112xf32, #tpu.memory_space<vmem>>) target(%dma_start3A_480 : memref<112xf32, #tpu.memory_space<hbm>>) target_semaphore(%run_scoped3A : memref<!tpu.dma_semaphore, #tpu.memory_space<semaphore_mem>>)
      %dma_wait3A = tpu.memref_slice %arg11[%mul3A_2] : memref<3584xf32, #tpu.memory_space<hbm>> -> memref<112xf32, #tpu.memory_space<hbm>>
      %dma_wait3A_481 = tpu.memref_slice %arg11[%mul3A_2] : memref<3584xf32, #tpu.memory_space<hbm>> -> memref<112xf32, #tpu.memory_space<hbm>>
      tpu.wait_dma2 semaphore(%run_scoped3A : memref<!tpu.dma_semaphore, #tpu.memory_space<semaphore_mem>>) src(%arg21 : memref<112xf32, #tpu.memory_space<vmem>>) dst(%dma_wait3A_481 : memref<112xf32, #tpu.memory_space<hbm>>)
      tpu.yield
    }) : () -> ()
    return
  }
}

module attributes {stable_mosaic.version = 14 : i64} {
  func.func @_tc_main_body(%arg0: i32, %arg1: memref<256x3xf32, #tpu.memory_space<vmem>>, %arg2: memref<1x4096x2xf32, #tpu.memory_space<vmem>>, %arg3: memref<4096x3xf32, #tpu.memory_space<vmem>>, %arg4: memref<2x2xf32, #tpu.memory_space<vmem>>, %arg5: memref<3x128xf32, #tpu.memory_space<vmem>>, %arg6: memref<1x128xf32, #tpu.memory_space<vmem>>, %arg7: memref<3x128xf32, #tpu.memory_space<vmem>>, %arg8: memref<1x128xf32, #tpu.memory_space<vmem>>, %arg9: memref<128x128xf32, #tpu.memory_space<vmem>>, %arg10: memref<1x128xf32, #tpu.memory_space<vmem>>, %arg11: memref<2x128xf32, #tpu.memory_space<vmem>>, %arg12: memref<1x128xf32, #tpu.memory_space<vmem>>, %arg13: memref<256x128xf32, #tpu.memory_space<vmem>>, %arg14: memref<2x128xf32, #tpu.memory_space<vmem>>, %arg15: memref<2x128xf32, #tpu.memory_space<vmem>>) attributes {dimension_semantics = [#tpu.dimension_semantics<arbitrary>], iteration_bounds = array<i64: 18>, scalar_prefetch = 0 : i64, scratch_operands = 0 : i64, tpu.core_type = #tpu.core_type<tc>, window_params = [{transform_indices = @transform_0, window_bounds = array<i64: 256, 3>}, {transform_indices = @transform_1, window_bounds = array<i64: 1, 4096, 2>}, {pipeline_mode = #tpu.pipeline_mode<synchronous>, transform_indices = @transform_2, window_bounds = array<i64: 4096, 3>}, {pipeline_mode = #tpu.pipeline_mode<synchronous>, transform_indices = @transform_3, window_bounds = array<i64: 2, 2>}, {pipeline_mode = #tpu.pipeline_mode<synchronous>, transform_indices = @transform_4, window_bounds = array<i64: 3, 128>}, {pipeline_mode = #tpu.pipeline_mode<synchronous>, transform_indices = @transform_5, window_bounds = array<i64: 1, 128>}, {pipeline_mode = #tpu.pipeline_mode<synchronous>, transform_indices = @transform_6, window_bounds = array<i64: 3, 128>}, {pipeline_mode = #tpu.pipeline_mode<synchronous>, transform_indices = @transform_7, window_bounds = array<i64: 1, 128>}, {pipeline_mode = #tpu.pipeline_mode<synchronous>, transform_indices = @transform_8, window_bounds = array<i64: 128, 128>}, {pipeline_mode = #tpu.pipeline_mode<synchronous>, transform_indices = @transform_9, window_bounds = array<i64: 1, 128>}, {pipeline_mode = #tpu.pipeline_mode<synchronous>, transform_indices = @transform_10, window_bounds = array<i64: 2, 128>}, {pipeline_mode = #tpu.pipeline_mode<synchronous>, transform_indices = @transform_11, window_bounds = array<i64: 1, 128>}, {transform_indices = @transform_12, window_bounds = array<i64: 256, 128>}, {pipeline_mode = #tpu.pipeline_mode<synchronous>, transform_indices = @transform_13, window_bounds = array<i64: 2, 128>}, {pipeline_mode = #tpu.pipeline_mode<synchronous>, transform_indices = @transform_14, window_bounds = array<i64: 2, 128>}]} {
    %get3A = arith.constant 0 : index
    %get3A_0 = arith.constant 0 : index
    %get3A_1 = vector.load %arg1[%get3A, %get3A_0] : memref<256x3xf32, #tpu.memory_space<vmem>>, vector<256x3xf32>
    %slice3A = vector.extract_strided_slice %get3A_1 {offsets = [0, 0], sizes = [256, 2], strides = [1, 1]} : vector<256x3xf32> to vector<256x2xf32>
    %get3A_2 = arith.constant 0 : index
    %get3A_3 = arith.constant 0 : index
    %get3A_4 = arith.constant 0 : index
    %get3A_5 = vector.load %arg2[%get3A_2, %get3A_3, %get3A_4] : memref<1x4096x2xf32, #tpu.memory_space<vmem>>, vector<1x4096x2xf32>
    %get3A_6 = vector.shape_cast %get3A_5 : vector<1x4096x2xf32> to vector<4096x2xf32>
    %slice3A_7 = vector.extract_strided_slice %slice3A {offsets = [0, 0], sizes = [256, 1], strides = [1, 1]} : vector<256x2xf32> to vector<256x1xf32>
    %slice3A_8 = vector.extract_strided_slice %get3A_6 {offsets = [0, 0], sizes = [4096, 1], strides = [1, 1]} : vector<4096x2xf32> to vector<4096x1xf32>
    %squeeze3A = vector.shape_cast %slice3A_8 : vector<4096x1xf32> to vector<4096xf32>
    %broadcast_in_dim3A = vector.shape_cast %squeeze3A : vector<4096xf32> to vector<1x4096xf32>
    %sub3A = vector.broadcast %slice3A_7 : vector<256x1xf32> to vector<256x4096xf32>
    %sub3A_9 = vector.broadcast %broadcast_in_dim3A : vector<1x4096xf32> to vector<256x4096xf32>
    %sub3A_10 = arith.subf %sub3A, %sub3A_9 : vector<256x4096xf32>
    %slice3A_11 = vector.extract_strided_slice %slice3A {offsets = [0, 1], sizes = [256, 1], strides = [1, 1]} : vector<256x2xf32> to vector<256x1xf32>
    %slice3A_12 = vector.extract_strided_slice %get3A_6 {offsets = [0, 1], sizes = [4096, 1], strides = [1, 1]} : vector<4096x2xf32> to vector<4096x1xf32>
    %squeeze3A_13 = vector.shape_cast %slice3A_12 : vector<4096x1xf32> to vector<4096xf32>
    %broadcast_in_dim3A_14 = vector.shape_cast %squeeze3A_13 : vector<4096xf32> to vector<1x4096xf32>
    %sub3A_15 = vector.broadcast %slice3A_11 : vector<256x1xf32> to vector<256x4096xf32>
    %sub3A_16 = vector.broadcast %broadcast_in_dim3A_14 : vector<1x4096xf32> to vector<256x4096xf32>
    %sub3A_17 = arith.subf %sub3A_15, %sub3A_16 : vector<256x4096xf32>
    %jit3A = arith.constant 16 : i32
    %eq3A = arith.constant 0 : i32
    %eq3A_18 = arith.cmpi eq, %jit3A, %eq3A : i32
    %jit3A_19 = arith.constant 1 : i32
    %select_n3A = arith.select %eq3A_18, %jit3A_19, %jit3A : i32
    %rem3A = arith.remsi %arg0, %select_n3A : i32
    %ne3A = arith.constant 0 : i32
    %ne3A_20 = arith.cmpi ne, %rem3A, %ne3A : i32
    %lt3A = arith.constant 0 : i32
    %lt3A_21 = arith.cmpi slt, %rem3A, %lt3A : i32
    %lt3A_22 = arith.constant 0 : i32
    %lt3A_23 = arith.cmpi slt, %select_n3A, %lt3A_22 : i32
    %ne3A_24 = arith.xori %lt3A_21, %lt3A_23 : i1
    %and3A = arith.andi %ne3A_24, %ne3A_20 : i1
    %add3A = arith.addi %rem3A, %select_n3A : i32
    %select_n3A_25 = arith.select %and3A, %add3A, %rem3A : i32
    %mul3A = arith.constant 256 : i32
    %mul3A_26 = arith.muli %select_n3A_25, %mul3A : i32
    %iota3A = tpu.iota {dimensions = array<i32: 0>} : vector<256x1xi32>
    %add3A_27 = vector.broadcast %mul3A_26 : i32 to vector<256x1xi32>
    %add3A_28 = arith.addi %add3A_27, %iota3A : vector<256x1xi32>
    %mul3A_29 = arith.mulf %sub3A_10, %sub3A_10 : vector<256x4096xf32>
    %mul3A_30 = arith.mulf %sub3A_17, %sub3A_17 : vector<256x4096xf32>
    %add3A_31 = arith.addf %mul3A_29, %mul3A_30 : vector<256x4096xf32>
    %iota3A_32 = tpu.iota {dimensions = array<i32: 1>} : vector<256x4096xi32>
    %eq3A_33 = vector.broadcast %add3A_28 : vector<256x1xi32> to vector<256x4096xi32>
    %eq3A_34 = arith.cmpi eq, %iota3A_32, %eq3A_33 : vector<256x4096xi32>
    %convert_element_type3A = arith.extui %eq3A_34 : vector<256x4096xi1> to vector<256x4096xi32>
    %convert_element_type3A_35 = arith.sitofp %convert_element_type3A : vector<256x4096xi32> to vector<256x4096xf32>
    %jit3A_36 = arith.constant 0x7F800000 : f32
    %broadcast_in_dim3A_37 = vector.broadcast %jit3A_36 : f32 to vector<256x4096xf32>
    %select_n3A_38 = arith.select %eq3A_34, %broadcast_in_dim3A_37, %add3A_31 : vector<256x4096xi1>, vector<256x4096xf32>
    %reduce_min3A = arith.constant dense<0x7F800000> : vector<256xf32>
    %reduce_min3A_39 = vector.multi_reduction <minimumf>, %select_n3A_38, %reduce_min3A [1] : vector<256x4096xf32> to vector<256xf32>
    %broadcast_in_dim3A_40 = vector.shape_cast %reduce_min3A_39 : vector<256xf32> to vector<256x1xf32>
    %eq3A_41 = vector.broadcast %broadcast_in_dim3A_40 : vector<256x1xf32> to vector<256x4096xf32>
    %eq3A_42 = arith.cmpf oeq, %select_n3A_38, %eq3A_41 : vector<256x4096xf32>
    %jit3A_43 = arith.constant 4096 : i32
    %broadcast_in_dim3A_44 = vector.broadcast %jit3A_43 : i32 to vector<256x4096xi32>
    %select_n3A_45 = arith.select %eq3A_42, %iota3A_32, %broadcast_in_dim3A_44 : vector<256x4096xi1>, vector<256x4096xi32>
    %reduce_min3A_46 = arith.constant dense<2147483647> : vector<256xi32>
    %reduce_min3A_47 = vector.multi_reduction <minsi>, %select_n3A_45, %reduce_min3A_46 [1] : vector<256x4096xi32> to vector<256xi32>
    %broadcast_in_dim3A_48 = vector.shape_cast %reduce_min3A_47 : vector<256xi32> to vector<256x1xi32>
    %eq3A_49 = vector.broadcast %broadcast_in_dim3A_48 : vector<256x1xi32> to vector<256x4096xi32>
    %eq3A_50 = arith.cmpi eq, %iota3A_32, %eq3A_49 : vector<256x4096xi32>
    %convert_element_type3A_51 = arith.extui %eq3A_50 : vector<256x4096xi1> to vector<256x4096xi32>
    %convert_element_type3A_52 = arith.sitofp %convert_element_type3A_51 : vector<256x4096xi32> to vector<256x4096xf32>
    %add3A_53 = arith.addf %convert_element_type3A_35, %convert_element_type3A_52 : vector<256x4096xf32>
    %jit3A_54 = arith.constant 0x7F800000 : f32
    %broadcast_in_dim3A_55 = vector.broadcast %jit3A_54 : f32 to vector<256x4096xf32>
    %select_n3A_56 = arith.select %eq3A_50, %broadcast_in_dim3A_55, %select_n3A_38 : vector<256x4096xi1>, vector<256x4096xf32>
    %reduce_min3A_57 = arith.constant dense<0x7F800000> : vector<256xf32>
    %reduce_min3A_58 = vector.multi_reduction <minimumf>, %select_n3A_56, %reduce_min3A_57 [1] : vector<256x4096xf32> to vector<256xf32>
    %broadcast_in_dim3A_59 = vector.shape_cast %reduce_min3A_58 : vector<256xf32> to vector<256x1xf32>
    %eq3A_60 = vector.broadcast %broadcast_in_dim3A_59 : vector<256x1xf32> to vector<256x4096xf32>
    %eq3A_61 = arith.cmpf oeq, %select_n3A_56, %eq3A_60 : vector<256x4096xf32>
    %jit3A_62 = arith.constant 4096 : i32
    %broadcast_in_dim3A_63 = vector.broadcast %jit3A_62 : i32 to vector<256x4096xi32>
    %select_n3A_64 = arith.select %eq3A_61, %iota3A_32, %broadcast_in_dim3A_63 : vector<256x4096xi1>, vector<256x4096xi32>
    %reduce_min3A_65 = arith.constant dense<2147483647> : vector<256xi32>
    %reduce_min3A_66 = vector.multi_reduction <minsi>, %select_n3A_64, %reduce_min3A_65 [1] : vector<256x4096xi32> to vector<256xi32>
    %broadcast_in_dim3A_67 = vector.shape_cast %reduce_min3A_66 : vector<256xi32> to vector<256x1xi32>
    %eq3A_68 = vector.broadcast %broadcast_in_dim3A_67 : vector<256x1xi32> to vector<256x4096xi32>
    %eq3A_69 = arith.cmpi eq, %iota3A_32, %eq3A_68 : vector<256x4096xi32>
    %convert_element_type3A_70 = arith.extui %eq3A_69 : vector<256x4096xi1> to vector<256x4096xi32>
    %convert_element_type3A_71 = arith.sitofp %convert_element_type3A_70 : vector<256x4096xi32> to vector<256x4096xf32>
    %add3A_72 = arith.addf %add3A_53, %convert_element_type3A_71 : vector<256x4096xf32>
    %jit3A_73 = arith.constant 0x7F800000 : f32
    %broadcast_in_dim3A_74 = vector.broadcast %jit3A_73 : f32 to vector<256x4096xf32>
    %select_n3A_75 = arith.select %eq3A_69, %broadcast_in_dim3A_74, %select_n3A_56 : vector<256x4096xi1>, vector<256x4096xf32>
    %reduce_min3A_76 = arith.constant dense<0x7F800000> : vector<256xf32>
    %reduce_min3A_77 = vector.multi_reduction <minimumf>, %select_n3A_75, %reduce_min3A_76 [1] : vector<256x4096xf32> to vector<256xf32>
    %broadcast_in_dim3A_78 = vector.shape_cast %reduce_min3A_77 : vector<256xf32> to vector<256x1xf32>
    %eq3A_79 = vector.broadcast %broadcast_in_dim3A_78 : vector<256x1xf32> to vector<256x4096xf32>
    %eq3A_80 = arith.cmpf oeq, %select_n3A_75, %eq3A_79 : vector<256x4096xf32>
    %jit3A_81 = arith.constant 4096 : i32
    %broadcast_in_dim3A_82 = vector.broadcast %jit3A_81 : i32 to vector<256x4096xi32>
    %select_n3A_83 = arith.select %eq3A_80, %iota3A_32, %broadcast_in_dim3A_82 : vector<256x4096xi1>, vector<256x4096xi32>
    %reduce_min3A_84 = arith.constant dense<2147483647> : vector<256xi32>
    %reduce_min3A_85 = vector.multi_reduction <minsi>, %select_n3A_83, %reduce_min3A_84 [1] : vector<256x4096xi32> to vector<256xi32>
    %broadcast_in_dim3A_86 = vector.shape_cast %reduce_min3A_85 : vector<256xi32> to vector<256x1xi32>
    %eq3A_87 = vector.broadcast %broadcast_in_dim3A_86 : vector<256x1xi32> to vector<256x4096xi32>
    %eq3A_88 = arith.cmpi eq, %iota3A_32, %eq3A_87 : vector<256x4096xi32>
    %convert_element_type3A_89 = arith.extui %eq3A_88 : vector<256x4096xi1> to vector<256x4096xi32>
    %convert_element_type3A_90 = arith.sitofp %convert_element_type3A_89 : vector<256x4096xi32> to vector<256x4096xf32>
    %add3A_91 = arith.addf %add3A_72, %convert_element_type3A_90 : vector<256x4096xf32>
    %jit3A_92 = arith.constant 0x7F800000 : f32
    %broadcast_in_dim3A_93 = vector.broadcast %jit3A_92 : f32 to vector<256x4096xf32>
    %select_n3A_94 = arith.select %eq3A_88, %broadcast_in_dim3A_93, %select_n3A_75 : vector<256x4096xi1>, vector<256x4096xf32>
    %reduce_min3A_95 = arith.constant dense<0x7F800000> : vector<256xf32>
    %reduce_min3A_96 = vector.multi_reduction <minimumf>, %select_n3A_94, %reduce_min3A_95 [1] : vector<256x4096xf32> to vector<256xf32>
    %broadcast_in_dim3A_97 = vector.shape_cast %reduce_min3A_96 : vector<256xf32> to vector<256x1xf32>
    %eq3A_98 = vector.broadcast %broadcast_in_dim3A_97 : vector<256x1xf32> to vector<256x4096xf32>
    %eq3A_99 = arith.cmpf oeq, %select_n3A_94, %eq3A_98 : vector<256x4096xf32>
    %jit3A_100 = arith.constant 4096 : i32
    %broadcast_in_dim3A_101 = vector.broadcast %jit3A_100 : i32 to vector<256x4096xi32>
    %select_n3A_102 = arith.select %eq3A_99, %iota3A_32, %broadcast_in_dim3A_101 : vector<256x4096xi1>, vector<256x4096xi32>
    %reduce_min3A_103 = arith.constant dense<2147483647> : vector<256xi32>
    %reduce_min3A_104 = vector.multi_reduction <minsi>, %select_n3A_102, %reduce_min3A_103 [1] : vector<256x4096xi32> to vector<256xi32>
    %broadcast_in_dim3A_105 = vector.shape_cast %reduce_min3A_104 : vector<256xi32> to vector<256x1xi32>
    %eq3A_106 = vector.broadcast %broadcast_in_dim3A_105 : vector<256x1xi32> to vector<256x4096xi32>
    %eq3A_107 = arith.cmpi eq, %iota3A_32, %eq3A_106 : vector<256x4096xi32>
    %convert_element_type3A_108 = arith.extui %eq3A_107 : vector<256x4096xi1> to vector<256x4096xi32>
    %convert_element_type3A_109 = arith.sitofp %convert_element_type3A_108 : vector<256x4096xi32> to vector<256x4096xf32>
    %add3A_110 = arith.addf %add3A_91, %convert_element_type3A_109 : vector<256x4096xf32>
    %jit3A_111 = arith.constant 0x7F800000 : f32
    %broadcast_in_dim3A_112 = vector.broadcast %jit3A_111 : f32 to vector<256x4096xf32>
    %select_n3A_113 = arith.select %eq3A_107, %broadcast_in_dim3A_112, %select_n3A_94 : vector<256x4096xi1>, vector<256x4096xf32>
    %reduce_min3A_114 = arith.constant dense<0x7F800000> : vector<256xf32>
    %reduce_min3A_115 = vector.multi_reduction <minimumf>, %select_n3A_113, %reduce_min3A_114 [1] : vector<256x4096xf32> to vector<256xf32>
    %broadcast_in_dim3A_116 = vector.shape_cast %reduce_min3A_115 : vector<256xf32> to vector<256x1xf32>
    %eq3A_117 = vector.broadcast %broadcast_in_dim3A_116 : vector<256x1xf32> to vector<256x4096xf32>
    %eq3A_118 = arith.cmpf oeq, %select_n3A_113, %eq3A_117 : vector<256x4096xf32>
    %jit3A_119 = arith.constant 4096 : i32
    %broadcast_in_dim3A_120 = vector.broadcast %jit3A_119 : i32 to vector<256x4096xi32>
    %select_n3A_121 = arith.select %eq3A_118, %iota3A_32, %broadcast_in_dim3A_120 : vector<256x4096xi1>, vector<256x4096xi32>
    %reduce_min3A_122 = arith.constant dense<2147483647> : vector<256xi32>
    %reduce_min3A_123 = vector.multi_reduction <minsi>, %select_n3A_121, %reduce_min3A_122 [1] : vector<256x4096xi32> to vector<256xi32>
    %broadcast_in_dim3A_124 = vector.shape_cast %reduce_min3A_123 : vector<256xi32> to vector<256x1xi32>
    %eq3A_125 = vector.broadcast %broadcast_in_dim3A_124 : vector<256x1xi32> to vector<256x4096xi32>
    %eq3A_126 = arith.cmpi eq, %iota3A_32, %eq3A_125 : vector<256x4096xi32>
    %convert_element_type3A_127 = arith.extui %eq3A_126 : vector<256x4096xi1> to vector<256x4096xi32>
    %convert_element_type3A_128 = arith.sitofp %convert_element_type3A_127 : vector<256x4096xi32> to vector<256x4096xf32>
    %add3A_129 = arith.addf %add3A_110, %convert_element_type3A_128 : vector<256x4096xf32>
    %get3A_130 = arith.constant 0 : index
    %get3A_131 = arith.constant 0 : index
    %get3A_132 = vector.load %arg3[%get3A_130, %get3A_131] : memref<4096x3xf32, #tpu.memory_space<vmem>>, vector<4096x3xf32>
    %dot_general3A = arith.constant dense<0.000000e+00> : vector<256x3xf32>
    %dot_general3A_133 = tpu.matmul %add3A_129, %get3A_132, %dot_general3A {dimension_numbers = #tpu.dot_dimension_numbers<[1], [0], [0], [1], [0, 0, 1, 1], [], []>, transpose_lhs_hint = false} : vector<256x4096xf32>, vector<4096x3xf32>, vector<256x3xf32> -> vector<256x3xf32>
    %get3A_134 = arith.constant 0 : index
    %get3A_135 = arith.constant 0 : index
    %get3A_136 = vector.load %arg5[%get3A_134, %get3A_135] : memref<3x128xf32, #tpu.memory_space<vmem>>, vector<3x128xf32>
    %dot_general3A_137 = arith.constant dense<0.000000e+00> : vector<256x128xf32>
    %dot_general3A_138 = tpu.matmul %get3A_1, %get3A_136, %dot_general3A_137 {dimension_numbers = #tpu.dot_dimension_numbers<[1], [0], [0], [1], [0, 0, 1, 1], [], []>, transpose_lhs_hint = false} : vector<256x3xf32>, vector<3x128xf32>, vector<256x128xf32> -> vector<256x128xf32>
    %get3A_139 = arith.constant 0 : index
    %get3A_140 = arith.constant 0 : index
    %get3A_141 = vector.load %arg6[%get3A_139, %get3A_140] : memref<1x128xf32, #tpu.memory_space<vmem>>, vector<1x128xf32>
    %add3A_142 = vector.broadcast %get3A_141 : vector<1x128xf32> to vector<256x128xf32>
    %add3A_143 = arith.addf %dot_general3A_138, %add3A_142 : vector<256x128xf32>
    %mul3A_144 = arith.constant 6.000000e+00 : f32
    %mul3A_145 = vector.broadcast %mul3A_144 : f32 to vector<256x3xf32>
    %mul3A_146 = arith.mulf %mul3A_145, %get3A_1 : vector<256x3xf32>
    %sub3A_147 = arith.subf %dot_general3A_133, %mul3A_146 : vector<256x3xf32>
    %get3A_148 = arith.constant 0 : index
    %get3A_149 = arith.constant 0 : index
    %get3A_150 = vector.load %arg7[%get3A_148, %get3A_149] : memref<3x128xf32, #tpu.memory_space<vmem>>, vector<3x128xf32>
    %dot_general3A_151 = arith.constant dense<0.000000e+00> : vector<256x128xf32>
    %dot_general3A_152 = tpu.matmul %sub3A_147, %get3A_150, %dot_general3A_151 {dimension_numbers = #tpu.dot_dimension_numbers<[1], [0], [0], [1], [0, 0, 1, 1], [], []>, transpose_lhs_hint = false} : vector<256x3xf32>, vector<3x128xf32>, vector<256x128xf32> -> vector<256x128xf32>
    %add3A_153 = arith.addf %add3A_143, %dot_general3A_152 : vector<256x128xf32>
    %get3A_154 = arith.constant 0 : index
    %get3A_155 = arith.constant 0 : index
    %get3A_156 = vector.load %arg8[%get3A_154, %get3A_155] : memref<1x128xf32, #tpu.memory_space<vmem>>, vector<1x128xf32>
    %mul3A_157 = arith.constant 6.000000e+00 : f32
    %mul3A_158 = vector.broadcast %mul3A_157 : f32 to vector<1x128xf32>
    %mul3A_159 = arith.mulf %mul3A_158, %get3A_156 : vector<1x128xf32>
    %add3A_160 = vector.broadcast %mul3A_159 : vector<1x128xf32> to vector<256x128xf32>
    %add3A_161 = arith.addf %add3A_153, %add3A_160 : vector<256x128xf32>
    %get3A_162 = arith.constant 0 : index
    %get3A_163 = arith.constant 0 : index
    %get3A_164 = vector.load %arg9[%get3A_162, %get3A_163] : memref<128x128xf32, #tpu.memory_space<vmem>>, vector<128x128xf32>
    %dot_general3A_165 = arith.constant dense<0.000000e+00> : vector<256x128xf32>
    %dot_general3A_166 = tpu.matmul %add3A_161, %get3A_164, %dot_general3A_165 {dimension_numbers = #tpu.dot_dimension_numbers<[1], [0], [0], [1], [0, 0, 1, 1], [], []>, transpose_lhs_hint = false} : vector<256x128xf32>, vector<128x128xf32>, vector<256x128xf32> -> vector<256x128xf32>
    %get3A_167 = arith.constant 0 : index
    %get3A_168 = arith.constant 0 : index
    %get3A_169 = vector.load %arg10[%get3A_167, %get3A_168] : memref<1x128xf32, #tpu.memory_space<vmem>>, vector<1x128xf32>
    %mul3A_170 = arith.constant 7.000000e+00 : f32
    %mul3A_171 = vector.broadcast %mul3A_170 : f32 to vector<1x128xf32>
    %mul3A_172 = arith.mulf %mul3A_171, %get3A_169 : vector<1x128xf32>
    %add3A_173 = vector.broadcast %mul3A_172 : vector<1x128xf32> to vector<256x128xf32>
    %add3A_174 = arith.addf %dot_general3A_166, %add3A_173 : vector<256x128xf32>
    %swap3A = arith.constant 0 : index
    %swap3A_175 = arith.constant 0 : index
    %swap3A_176 = vector.load %arg13[%swap3A, %swap3A_175] : memref<256x128xf32, #tpu.memory_space<vmem>>, vector<256x128xf32>
    tpu.vector_store %arg13[%swap3A, %swap3A_175], %add3A_174 {strides = array<i32>} : memref<256x128xf32, #tpu.memory_space<vmem>>, vector<256x128xf32>,
    %reduce_sum3A = arith.constant dense<0.000000e+00> : vector<128xf32>
    %reduce_sum3A_177 = vector.multi_reduction <add>, %add3A_174, %reduce_sum3A [0] : vector<256x128xf32> to vector<128xf32>
    %broadcast_in_dim3A_178 = vector.shape_cast %reduce_sum3A_177 : vector<128xf32> to vector<1x128xf32>
    %iota3A_179 = tpu.iota {dimensions = array<i32: 0>} : vector<2x1xi32>
    %jit3A_180 = arith.constant 16 : i32
    %div3A = arith.divsi %arg0, %jit3A_180 : i32
    %sign3A = arith.constant 0 : i32
    %sign3A_181 = arith.cmpi sgt, %arg0, %sign3A : i32
    %sign3A_182 = arith.extui %sign3A_181 : i1 to i32
    %sign3A_183 = arith.constant 0 : i32
    %sign3A_184 = arith.cmpi slt, %arg0, %sign3A_183 : i32
    %sign3A_185 = arith.extui %sign3A_184 : i1 to i32
    %sign3A_186 = arith.subi %sign3A_182, %sign3A_185 : i32
    %sign3A_187 = arith.constant 0 : i32
    %sign3A_188 = arith.cmpi sgt, %jit3A_180, %sign3A_187 : i32
    %sign3A_189 = arith.extui %sign3A_188 : i1 to i32
    %sign3A_190 = arith.constant 0 : i32
    %sign3A_191 = arith.cmpi slt, %jit3A_180, %sign3A_190 : i32
    %sign3A_192 = arith.extui %sign3A_191 : i1 to i32
    %sign3A_193 = arith.subi %sign3A_189, %sign3A_192 : i32
    %ne3A_194 = arith.cmpi ne, %sign3A_186, %sign3A_193 : i32
    %rem3A_195 = arith.remsi %arg0, %jit3A_180 : i32
    %ne3A_196 = arith.constant 0 : i32
    %ne3A_197 = arith.cmpi ne, %rem3A_195, %ne3A_196 : i32
    %and3A_198 = arith.andi %ne3A_194, %ne3A_197 : i1
    %sub3A_199 = arith.constant 1 : i32
    %sub3A_200 = arith.subi %div3A, %sub3A_199 : i32
    %select_n3A_201 = arith.select %and3A_198, %sub3A_200, %div3A : i32
    %eq3A_202 = vector.broadcast %select_n3A_201 : i32 to vector<2x1xi32>
    %eq3A_203 = arith.cmpi eq, %iota3A_179, %eq3A_202 : vector<2x1xi32>
    %jit3A_204 = arith.constant 0.000000e+00 : f32
    %broadcast_in_dim3A_205 = vector.shape_cast %eq3A_203 : vector<2x1xi1> to vector<2x1xi1>
    %broadcast_in_dim3A_206 = vector.broadcast %broadcast_in_dim3A_205 : vector<2x1xi1> to vector<2x128xi1>
    %broadcast_in_dim3A_207 = vector.shape_cast %broadcast_in_dim3A_178 : vector<1x128xf32> to vector<1x128xf32>
    %broadcast_in_dim3A_208 = vector.broadcast %broadcast_in_dim3A_207 : vector<1x128xf32> to vector<2x128xf32>
    %broadcast_in_dim3A_209 = vector.broadcast %jit3A_204 : f32 to vector<2x128xf32>
    %select_n3A_210 = arith.select %broadcast_in_dim3A_206, %broadcast_in_dim3A_208, %broadcast_in_dim3A_209 : vector<2x128xi1>, vector<2x128xf32>
    %eq3A_211 = arith.constant 0 : i32
    %eq3A_212 = arith.cmpi eq, %arg0, %eq3A_211 : i32
    %convert_element_type3A_213 = arith.extui %eq3A_212 : i1 to i32
    %cond3A = arith.constant 0 : i32
    %cond3A_214 = arith.cmpi ne, %convert_element_type3A_213, %cond3A : i32
    scf.if %cond3A_214 {
      %get3A_220 = arith.constant 0 : index
      %get3A_221 = arith.constant 0 : index
      %get3A_222 = vector.load %arg4[%get3A_220, %get3A_221] : memref<2x2xf32, #tpu.memory_space<vmem>>, vector<2x2xf32>
      %get3A_223 = arith.constant 0 : index
      %get3A_224 = arith.constant 0 : index
      %get3A_225 = vector.load %arg11[%get3A_223, %get3A_224] : memref<2x128xf32, #tpu.memory_space<vmem>>, vector<2x128xf32>
      %dot_general3A_226 = arith.constant dense<0.000000e+00> : vector<2x128xf32>
      %dot_general3A_227 = tpu.matmul %get3A_222, %get3A_225, %dot_general3A_226 {dimension_numbers = #tpu.dot_dimension_numbers<[1], [0], [0], [1], [0, 0, 1, 1], [], []>, transpose_lhs_hint = false} : vector<2x2xf32>, vector<2x128xf32>, vector<2x128xf32> -> vector<2x128xf32>
      %get3A_228 = arith.constant 0 : index
      %get3A_229 = arith.constant 0 : index
      %get3A_230 = vector.load %arg12[%get3A_228, %get3A_229] : memref<1x128xf32, #tpu.memory_space<vmem>>, vector<1x128xf32>
      %add3A_231 = vector.broadcast %get3A_230 : vector<1x128xf32> to vector<2x128xf32>
      %add3A_232 = arith.addf %dot_general3A_227, %add3A_231 : vector<2x128xf32>
      %swap3A_233 = arith.constant 0 : index
      %swap3A_234 = arith.constant 0 : index
      %swap3A_235 = vector.load %arg14[%swap3A_233, %swap3A_234] : memref<2x128xf32, #tpu.memory_space<vmem>>, vector<2x128xf32>
      tpu.vector_store %arg14[%swap3A_233, %swap3A_234], %add3A_232 {strides = array<i32>} : memref<2x128xf32, #tpu.memory_space<vmem>>, vector<2x128xf32>,
      %swap3A_236 = arith.constant 0 : index
      %swap3A_237 = arith.constant 0 : index
      %swap3A_238 = vector.load %arg15[%swap3A_236, %swap3A_237] : memref<2x128xf32, #tpu.memory_space<vmem>>, vector<2x128xf32>
      tpu.vector_store %arg15[%swap3A_236, %swap3A_237], %select_n3A_210 {strides = array<i32>} : memref<2x128xf32, #tpu.memory_space<vmem>>, vector<2x128xf32>,
    } else {
    }
    %ne3A_215 = arith.constant 0 : i32
    %ne3A_216 = arith.cmpi ne, %arg0, %ne3A_215 : i32
    %convert_element_type3A_217 = arith.extui %ne3A_216 : i1 to i32
    %cond3A_218 = arith.constant 0 : i32
    %cond3A_219 = arith.cmpi ne, %convert_element_type3A_217, %cond3A_218 : i32
    scf.if %cond3A_219 {
      %get3A_220 = arith.constant 0 : index
      %get3A_221 = arith.constant 0 : index
      %get3A_222 = vector.load %arg15[%get3A_220, %get3A_221] : memref<2x128xf32, #tpu.memory_space<vmem>>, vector<2x128xf32>
      %add3A_223 = arith.addf %get3A_222, %select_n3A_210 : vector<2x128xf32>
      %swap3A_224 = arith.constant 0 : index
      %swap3A_225 = arith.constant 0 : index
      %swap3A_226 = vector.load %arg15[%swap3A_224, %swap3A_225] : memref<2x128xf32, #tpu.memory_space<vmem>>, vector<2x128xf32>
      tpu.vector_store %arg15[%swap3A_224, %swap3A_225], %add3A_223 {strides = array<i32>} : memref<2x128xf32, #tpu.memory_space<vmem>>, vector<2x128xf32>,
    } else {
    }
    return
  }
  func.func @transform_0(%arg0: i32) -> (i32, i32) {
    %c0_i32 = arith.constant 0 : i32
    %c0_i32_0 = arith.constant 0 : i32
    return %arg0, %c0_i32 : i32, i32
  }
  func.func @transform_1(%arg0: i32) -> (i32, i32, i32) {
    %jit3A = arith.constant 16 : i32
    %div3A = arith.divsi %arg0, %jit3A : i32
    %sign3A = arith.constant 0 : i32
    %sign3A_0 = arith.cmpi sgt, %arg0, %sign3A : i32
    %sign3A_1 = arith.extui %sign3A_0 : i1 to i32
    %sign3A_2 = arith.constant 0 : i32
    %sign3A_3 = arith.cmpi slt, %arg0, %sign3A_2 : i32
    %sign3A_4 = arith.extui %sign3A_3 : i1 to i32
    %sign3A_5 = arith.subi %sign3A_1, %sign3A_4 : i32
    %sign3A_6 = arith.constant 0 : i32
    %sign3A_7 = arith.cmpi sgt, %jit3A, %sign3A_6 : i32
    %sign3A_8 = arith.extui %sign3A_7 : i1 to i32
    %sign3A_9 = arith.constant 0 : i32
    %sign3A_10 = arith.cmpi slt, %jit3A, %sign3A_9 : i32
    %sign3A_11 = arith.extui %sign3A_10 : i1 to i32
    %sign3A_12 = arith.subi %sign3A_8, %sign3A_11 : i32
    %ne3A = arith.cmpi ne, %sign3A_5, %sign3A_12 : i32
    %rem3A = arith.remsi %arg0, %jit3A : i32
    %ne3A_13 = arith.constant 0 : i32
    %ne3A_14 = arith.cmpi ne, %rem3A, %ne3A_13 : i32
    %and3A = arith.andi %ne3A, %ne3A_14 : i1
    %sub3A = arith.constant 1 : i32
    %sub3A_15 = arith.subi %div3A, %sub3A : i32
    %select_n3A = arith.select %and3A, %sub3A_15, %div3A : i32
    %c0_i32 = arith.constant 0 : i32
    %c0_i32_16 = arith.constant 0 : i32
    %c0_i32_17 = arith.constant 0 : i32
    return %select_n3A, %c0_i32, %c0_i32_16 : i32, i32, i32
  }
  func.func @transform_2(%arg0: i32) -> (i32, i32) {
    %c0_i32 = arith.constant 0 : i32
    %c0_i32_0 = arith.constant 0 : i32
    %c0_i32_1 = arith.constant 0 : i32
    return %c0_i32, %c0_i32_0 : i32, i32
  }
  func.func @transform_3(%arg0: i32) -> (i32, i32) {
    %c0_i32 = arith.constant 0 : i32
    %c0_i32_0 = arith.constant 0 : i32
    %c0_i32_1 = arith.constant 0 : i32
    return %c0_i32, %c0_i32_0 : i32, i32
  }
  func.func @transform_4(%arg0: i32) -> (i32, i32) {
    %c0_i32 = arith.constant 0 : i32
    %c0_i32_0 = arith.constant 0 : i32
    %c0_i32_1 = arith.constant 0 : i32
    return %c0_i32, %c0_i32_0 : i32, i32
  }
  func.func @transform_5(%arg0: i32) -> (i32, i32) {
    %c0_i32 = arith.constant 0 : i32
    %c0_i32_0 = arith.constant 0 : i32
    %c0_i32_1 = arith.constant 0 : i32
    return %c0_i32, %c0_i32_0 : i32, i32
  }
  func.func @transform_6(%arg0: i32) -> (i32, i32) {
    %c0_i32 = arith.constant 0 : i32
    %c0_i32_0 = arith.constant 0 : i32
    %c0_i32_1 = arith.constant 0 : i32
    return %c0_i32, %c0_i32_0 : i32, i32
  }
  func.func @transform_7(%arg0: i32) -> (i32, i32) {
    %c0_i32 = arith.constant 0 : i32
    %c0_i32_0 = arith.constant 0 : i32
    %c0_i32_1 = arith.constant 0 : i32
    return %c0_i32, %c0_i32_0 : i32, i32
  }
  func.func @transform_8(%arg0: i32) -> (i32, i32) {
    %c0_i32 = arith.constant 0 : i32
    %c0_i32_0 = arith.constant 0 : i32
    %c0_i32_1 = arith.constant 0 : i32
    return %c0_i32, %c0_i32_0 : i32, i32
  }
  func.func @transform_9(%arg0: i32) -> (i32, i32) {
    %c0_i32 = arith.constant 0 : i32
    %c0_i32_0 = arith.constant 0 : i32
    %c0_i32_1 = arith.constant 0 : i32
    return %c0_i32, %c0_i32_0 : i32, i32
  }
  func.func @transform_10(%arg0: i32) -> (i32, i32) {
    %c0_i32 = arith.constant 0 : i32
    %c0_i32_0 = arith.constant 0 : i32
    %c0_i32_1 = arith.constant 0 : i32
    return %c0_i32, %c0_i32_0 : i32, i32
  }
  func.func @transform_11(%arg0: i32) -> (i32, i32) {
    %c0_i32 = arith.constant 0 : i32
    %c0_i32_0 = arith.constant 0 : i32
    %c0_i32_1 = arith.constant 0 : i32
    return %c0_i32, %c0_i32_0 : i32, i32
  }
  func.func @transform_12(%arg0: i32) -> (i32, i32) {
    %c0_i32 = arith.constant 0 : i32
    %c0_i32_0 = arith.constant 0 : i32
    return %arg0, %c0_i32 : i32, i32
  }
  func.func @transform_13(%arg0: i32) -> (i32, i32) {
    %c0_i32 = arith.constant 0 : i32
    %c0_i32_0 = arith.constant 0 : i32
    %c0_i32_1 = arith.constant 0 : i32
    return %c0_i32, %c0_i32_0 : i32, i32
  }
  func.func @transform_14(%arg0: i32) -> (i32, i32) {
    %c0_i32 = arith.constant 0 : i32
    %c0_i32_0 = arith.constant 0 : i32
    %c0_i32_1 = arith.constant 0 : i32
    return %c0_i32, %c0_i32_0 : i32, i32
  }
}

module attributes {stable_mosaic.version = 14 : i64} {
  func.func @_tc_tail_body(%arg0: i32, %arg1: memref<256x3xf32, #tpu.memory_space<vmem>>, %arg2: memref<256x3xf32, #tpu.memory_space<vmem>>, %arg3: memref<3x128xf32, #tpu.memory_space<vmem>>, %arg4: memref<1x128xf32, #tpu.memory_space<vmem>>, %arg5: memref<3x128xf32, #tpu.memory_space<vmem>>, %arg6: memref<1x128xf32, #tpu.memory_space<vmem>>, %arg7: memref<128x128xf32, #tpu.memory_space<vmem>>, %arg8: memref<1x128xf32, #tpu.memory_space<vmem>>, %arg9: memref<256x128xf32, #tpu.memory_space<vmem>>, %arg10: memref<1x128xf32, #tpu.memory_space<vmem>>) attributes {dimension_semantics = [#tpu.dimension_semantics<arbitrary>], iteration_bounds = array<i64: 14>, scalar_prefetch = 0 : i64, scratch_operands = 0 : i64, tpu.core_type = #tpu.core_type<tc>, window_params = [{transform_indices = @transform_0, window_bounds = array<i64: 256, 3>}, {transform_indices = @transform_1, window_bounds = array<i64: 256, 3>}, {pipeline_mode = #tpu.pipeline_mode<synchronous>, transform_indices = @transform_2, window_bounds = array<i64: 3, 128>}, {pipeline_mode = #tpu.pipeline_mode<synchronous>, transform_indices = @transform_3, window_bounds = array<i64: 1, 128>}, {pipeline_mode = #tpu.pipeline_mode<synchronous>, transform_indices = @transform_4, window_bounds = array<i64: 3, 128>}, {pipeline_mode = #tpu.pipeline_mode<synchronous>, transform_indices = @transform_5, window_bounds = array<i64: 1, 128>}, {pipeline_mode = #tpu.pipeline_mode<synchronous>, transform_indices = @transform_6, window_bounds = array<i64: 128, 128>}, {pipeline_mode = #tpu.pipeline_mode<synchronous>, transform_indices = @transform_7, window_bounds = array<i64: 1, 128>}, {transform_indices = @transform_8, window_bounds = array<i64: 256, 128>}, {pipeline_mode = #tpu.pipeline_mode<synchronous>, transform_indices = @transform_9, window_bounds = array<i64: 1, 128>}]} {
    %get3A = arith.constant 0 : index
    %get3A_0 = arith.constant 0 : index
    %get3A_1 = vector.load %arg1[%get3A, %get3A_0] : memref<256x3xf32, #tpu.memory_space<vmem>>, vector<256x3xf32>
    %get3A_2 = arith.constant 0 : index
    %get3A_3 = arith.constant 0 : index
    %get3A_4 = vector.load %arg2[%get3A_2, %get3A_3] : memref<256x3xf32, #tpu.memory_space<vmem>>, vector<256x3xf32>
    %get3A_5 = arith.constant 0 : index
    %get3A_6 = arith.constant 0 : index
    %get3A_7 = vector.load %arg3[%get3A_5, %get3A_6] : memref<3x128xf32, #tpu.memory_space<vmem>>, vector<3x128xf32>
    %dot_general3A = arith.constant dense<0.000000e+00> : vector<256x128xf32>
    %dot_general3A_8 = tpu.matmul %get3A_1, %get3A_7, %dot_general3A {dimension_numbers = #tpu.dot_dimension_numbers<[1], [0], [0], [1], [0, 0, 1, 1], [], []>, transpose_lhs_hint = false} : vector<256x3xf32>, vector<3x128xf32>, vector<256x128xf32> -> vector<256x128xf32>
    %get3A_9 = arith.constant 0 : index
    %get3A_10 = arith.constant 0 : index
    %get3A_11 = vector.load %arg4[%get3A_9, %get3A_10] : memref<1x128xf32, #tpu.memory_space<vmem>>, vector<1x128xf32>
    %add3A = vector.broadcast %get3A_11 : vector<1x128xf32> to vector<256x128xf32>
    %add3A_12 = arith.addf %dot_general3A_8, %add3A : vector<256x128xf32>
    %mul3A = arith.constant 6.000000e+00 : f32
    %mul3A_13 = vector.broadcast %mul3A : f32 to vector<256x3xf32>
    %mul3A_14 = arith.mulf %mul3A_13, %get3A_1 : vector<256x3xf32>
    %sub3A = arith.subf %get3A_4, %mul3A_14 : vector<256x3xf32>
    %get3A_15 = arith.constant 0 : index
    %get3A_16 = arith.constant 0 : index
    %get3A_17 = vector.load %arg5[%get3A_15, %get3A_16] : memref<3x128xf32, #tpu.memory_space<vmem>>, vector<3x128xf32>
    %dot_general3A_18 = arith.constant dense<0.000000e+00> : vector<256x128xf32>
    %dot_general3A_19 = tpu.matmul %sub3A, %get3A_17, %dot_general3A_18 {dimension_numbers = #tpu.dot_dimension_numbers<[1], [0], [0], [1], [0, 0, 1, 1], [], []>, transpose_lhs_hint = false} : vector<256x3xf32>, vector<3x128xf32>, vector<256x128xf32> -> vector<256x128xf32>
    %add3A_20 = arith.addf %add3A_12, %dot_general3A_19 : vector<256x128xf32>
    %get3A_21 = arith.constant 0 : index
    %get3A_22 = arith.constant 0 : index
    %get3A_23 = vector.load %arg6[%get3A_21, %get3A_22] : memref<1x128xf32, #tpu.memory_space<vmem>>, vector<1x128xf32>
    %mul3A_24 = arith.constant 6.000000e+00 : f32
    %mul3A_25 = vector.broadcast %mul3A_24 : f32 to vector<1x128xf32>
    %mul3A_26 = arith.mulf %mul3A_25, %get3A_23 : vector<1x128xf32>
    %add3A_27 = vector.broadcast %mul3A_26 : vector<1x128xf32> to vector<256x128xf32>
    %add3A_28 = arith.addf %add3A_20, %add3A_27 : vector<256x128xf32>
    %get3A_29 = arith.constant 0 : index
    %get3A_30 = arith.constant 0 : index
    %get3A_31 = vector.load %arg7[%get3A_29, %get3A_30] : memref<128x128xf32, #tpu.memory_space<vmem>>, vector<128x128xf32>
    %dot_general3A_32 = arith.constant dense<0.000000e+00> : vector<256x128xf32>
    %dot_general3A_33 = tpu.matmul %add3A_28, %get3A_31, %dot_general3A_32 {dimension_numbers = #tpu.dot_dimension_numbers<[1], [0], [0], [1], [0, 0, 1, 1], [], []>, transpose_lhs_hint = false} : vector<256x128xf32>, vector<128x128xf32>, vector<256x128xf32> -> vector<256x128xf32>
    %get3A_34 = arith.constant 0 : index
    %get3A_35 = arith.constant 0 : index
    %get3A_36 = vector.load %arg8[%get3A_34, %get3A_35] : memref<1x128xf32, #tpu.memory_space<vmem>>, vector<1x128xf32>
    %mul3A_37 = arith.constant 7.000000e+00 : f32
    %mul3A_38 = vector.broadcast %mul3A_37 : f32 to vector<1x128xf32>
    %mul3A_39 = arith.mulf %mul3A_38, %get3A_36 : vector<1x128xf32>
    %add3A_40 = vector.broadcast %mul3A_39 : vector<1x128xf32> to vector<256x128xf32>
    %add3A_41 = arith.addf %dot_general3A_33, %add3A_40 : vector<256x128xf32>
    %swap3A = arith.constant 0 : index
    %swap3A_42 = arith.constant 0 : index
    %swap3A_43 = vector.load %arg9[%swap3A, %swap3A_42] : memref<256x128xf32, #tpu.memory_space<vmem>>, vector<256x128xf32>
    tpu.vector_store %arg9[%swap3A, %swap3A_42], %add3A_41 {strides = array<i32>} : memref<256x128xf32, #tpu.memory_space<vmem>>, vector<256x128xf32>,
    %reduce_sum3A = arith.constant dense<0.000000e+00> : vector<128xf32>
    %reduce_sum3A_44 = vector.multi_reduction <add>, %add3A_41, %reduce_sum3A [0] : vector<256x128xf32> to vector<128xf32>
    %broadcast_in_dim3A = vector.shape_cast %reduce_sum3A_44 : vector<128xf32> to vector<1x128xf32>
    %eq3A = arith.constant 0 : i32
    %eq3A_45 = arith.cmpi eq, %arg0, %eq3A : i32
    %convert_element_type3A = arith.extui %eq3A_45 : i1 to i32
    %cond3A = arith.constant 0 : i32
    %cond3A_46 = arith.cmpi ne, %convert_element_type3A, %cond3A : i32
    scf.if %cond3A_46 {
      %swap3A_51 = arith.constant 0 : index
      %swap3A_52 = arith.constant 0 : index
      %swap3A_53 = vector.load %arg10[%swap3A_51, %swap3A_52] : memref<1x128xf32, #tpu.memory_space<vmem>>, vector<1x128xf32>
      tpu.vector_store %arg10[%swap3A_51, %swap3A_52], %broadcast_in_dim3A {strides = array<i32>} : memref<1x128xf32, #tpu.memory_space<vmem>>, vector<1x128xf32>,
    } else {
    }
    %ne3A = arith.constant 0 : i32
    %ne3A_47 = arith.cmpi ne, %arg0, %ne3A : i32
    %convert_element_type3A_48 = arith.extui %ne3A_47 : i1 to i32
    %cond3A_49 = arith.constant 0 : i32
    %cond3A_50 = arith.cmpi ne, %convert_element_type3A_48, %cond3A_49 : i32
    scf.if %cond3A_50 {
      %get3A_51 = arith.constant 0 : index
      %get3A_52 = arith.constant 0 : index
      %get3A_53 = vector.load %arg10[%get3A_51, %get3A_52] : memref<1x128xf32, #tpu.memory_space<vmem>>, vector<1x128xf32>
      %add3A_54 = arith.addf %get3A_53, %broadcast_in_dim3A : vector<1x128xf32>
      %swap3A_55 = arith.constant 0 : index
      %swap3A_56 = arith.constant 0 : index
      %swap3A_57 = vector.load %arg10[%swap3A_55, %swap3A_56] : memref<1x128xf32, #tpu.memory_space<vmem>>, vector<1x128xf32>
      tpu.vector_store %arg10[%swap3A_55, %swap3A_56], %add3A_54 {strides = array<i32>} : memref<1x128xf32, #tpu.memory_space<vmem>>, vector<1x128xf32>,
    } else {
    }
    return
  }
  func.func @transform_0(%arg0: i32) -> (i32, i32) {
    %c0_i32 = arith.constant 0 : i32
    %c0_i32_0 = arith.constant 0 : i32
    return %arg0, %c0_i32 : i32, i32
  }
  func.func @transform_1(%arg0: i32) -> (i32, i32) {
    %c0_i32 = arith.constant 0 : i32
    %c0_i32_0 = arith.constant 0 : i32
    return %arg0, %c0_i32 : i32, i32
  }
  func.func @transform_2(%arg0: i32) -> (i32, i32) {
    %c0_i32 = arith.constant 0 : i32
    %c0_i32_0 = arith.constant 0 : i32
    %c0_i32_1 = arith.constant 0 : i32
    return %c0_i32, %c0_i32_0 : i32, i32
  }
  func.func @transform_3(%arg0: i32) -> (i32, i32) {
    %c0_i32 = arith.constant 0 : i32
    %c0_i32_0 = arith.constant 0 : i32
    %c0_i32_1 = arith.constant 0 : i32
    return %c0_i32, %c0_i32_0 : i32, i32
  }
  func.func @transform_4(%arg0: i32) -> (i32, i32) {
    %c0_i32 = arith.constant 0 : i32
    %c0_i32_0 = arith.constant 0 : i32
    %c0_i32_1 = arith.constant 0 : i32
    return %c0_i32, %c0_i32_0 : i32, i32
  }
  func.func @transform_5(%arg0: i32) -> (i32, i32) {
    %c0_i32 = arith.constant 0 : i32
    %c0_i32_0 = arith.constant 0 : i32
    %c0_i32_1 = arith.constant 0 : i32
    return %c0_i32, %c0_i32_0 : i32, i32
  }
  func.func @transform_6(%arg0: i32) -> (i32, i32) {
    %c0_i32 = arith.constant 0 : i32
    %c0_i32_0 = arith.constant 0 : i32
    %c0_i32_1 = arith.constant 0 : i32
    return %c0_i32, %c0_i32_0 : i32, i32
  }
  func.func @transform_7(%arg0: i32) -> (i32, i32) {
    %c0_i32 = arith.constant 0 : i32
    %c0_i32_0 = arith.constant 0 : i32
    %c0_i32_1 = arith.constant 0 : i32
    return %c0_i32, %c0_i32_0 : i32, i32
  }
  func.func @transform_8(%arg0: i32) -> (i32, i32) {
    %c0_i32 = arith.constant 0 : i32
    %c0_i32_0 = arith.constant 0 : i32
    return %arg0, %c0_i32 : i32, i32
  }
  func.func @transform_9(%arg0: i32) -> (i32, i32) {
    %c0_i32 = arith.constant 0 : i32
    %c0_i32_0 = arith.constant 0 : i32
    %c0_i32_1 = arith.constant 0 : i32
    return %c0_i32, %c0_i32_0 : i32, i32
  }
}

</mosaic_0001>

<sc_bundles>
// kernel: kernel.5.cloned.1.call-start
scs
__scs_entry_jumppad:
0x0: {  	(pc) =	sbr.rel $0x88, $3  }
0x1: {  	(tag) =	ssettag $0x0;
	lr =	simm.s32 $0x1  }
0x2: {  	[smem:$0x3F96] =	sst lr;
	_ =	strace $0xD0000000  }
0x3: {  	_ = 	snop  }
0x4: {  	_ = 	snop  }
0x5: {  	_ = 	snop  }
0x6: {  	_ = 	snop  }
0x7: {  	_ = 	snop  }
__scs_overlays_trampoline_lowered:
0x8: {  	[smem:$0x3FA5] =	sst s0  }
0x9: {  	[smem:$0x3FA6] =	sst s1  }
0xa: {  	[smem:$0x3FA7] =	sst s2  }
0xb: {  	[smem:$0x3FA8] =	sst s3  }
0xc: {  	[smem:$0x3FA9] =	sst s4  }
0xd: {  	[smem:$0x3FAA] =	sst s5  }
0xe: {  	[smem:$0x3FAB] =	sst s6  }
0xf: {  	[smem:$0x3FAC] =	sst s7  }
0x10: {  	[smem:$0x3FAD] =	sst s8  }
0x11: {  	[smem:$0x3FAE] =	sst s9;
	s0 =	simm.s32 @!p0 $0x0  }
0x12: {  	s1 =	sld [smem:$0x3F94];
	s0 =	simm.s32 @p0 $0x1  }
0x13: {  	[smem:$0x3FAF] =	sst s0;
	s0 =	simm.s32 @!p1 $0x0  }
0x14: {  	s2 =	sld [smem:$0x3F93];
	s0 =	simm.s32 @p1 $0x1  }
0x15: {  	[smem:$0x3FB0] =	sst s0;
	s0 =	simm.s32 @!p2 $0x0  }
0x16: {  	s3 =	sld [smem:$0x3FDB];
	s0 =	simm.s32 @p2 $0x1  }
0x17: {  	s4 =	simm.s32 $0x1BF5;
	[smem:$0x3FB2] =	sst s0  }
0x18: {  	s0 =	sld [smem:$0x3F95];
	_ =	swait.ge [sflag:s4], $0x0  }
0x19: {  	s7 =	sld [smem:$0x3F96]  }
0x1a: {  	s8 =	sadd.s32 $0xFFFFE003, lr  }
0x1b: {  	s9 =	sadd.s32 $0xFFFFFEF7, lr;
	s5 =	simm.s32 $0xFFFFFFFF;
	p2 =	slt.u32 s8, $0xFFFFF086  }
0x1c: {  	p1 =	slt.u32 s9, $0xF7A;
	s5 =	simm.s32 @!p2 $0x0  }
0x1d: {  	s5 =	simm.s32 @p1 $0x1;
	p0 =	seq.s32 s7, s2  }
0x1e: {  	s7 =	smul.u32 @!p0 $0xF7A, s2;
	p2 =	seq.s32 @!p0 s5, $0x0  }
0x1f: {  	s9 =	smul.u32 $0xF7A, s1;
	s8 =	simm.s32 @!p0 $0x1BF5;
	p2 =	por !p2, p0  }
0x20: {  	[sflag:s8] =	ssyncset.s32 @!p0 $0xFFFFF086;
	s6 =	sadd.s32 @!p0 s3, s7;
	s7 =	simm.s32 @!p0 $0x108  }
0x21: {  	s3 =	sadd.s32 s3, s9;
	s6 =	sadd.s32 @!p0 $0x88, s6;
	s7 =	simm.s32 @p2 $0x1082  }
0x22: {  	[simem:s7], [sflag:s8] =	dma.local @!p0 [hbm:s6], $0xF7A  }
0x23: {  	s9 =	sor.u32 $0xD0000000, s2;
	s6 =	simm.s32 $0x108;
	_ =	swait.ge @!p0 [sflag:s8], $0x0  }
0x24: {  	s3 =	sadd.s32 $0x88, s3;
	s6 =	simm.s32 @!p1 $0x1082;
	[sflag:s4] =	ssyncset.s32 $0xFFFFF086  }
0x25: {  	[simem:s6], [sflag:s4] =	dma.local [hbm:s3], $0xF7A  }
0x26: {  	[smem:$0x3F96] =	sst s1;
	(tag) =	ssettag s2;
	_ =	strace s9  }
0x27: {  	s1 =	sld [smem:$0x3FA6]  }
0x28: {  	s2 =	sld [smem:$0x3FA7]  }
0x29: {  	s4 =	sld [smem:$0x3FA9]  }
0x2a: {  	p0 =	seq.s32 s5, $0x0;
	s5 =	sld [smem:$0x3FAA]  }
0x2b: {  	s6 =	sld [smem:$0x3FAB]  }
0x2c: {  	s7 =	sld [smem:$0x3FAC]  }
0x2d: {  	s3 =	simm.s32 $0x108;
	s8 =	sld [smem:$0x3FAD]  }
0x2e: {  	s3 =	simm.s32 @!p0 $0x1082;
	s9 =	sld [smem:$0x3FAE]  }
0x2f: {  	lr =	sadd.s32 s0, s3;
	s0 =	sld [smem:$0x3FA5]  }
0x30: {  	s3 =	sld [smem:$0x3FA8]  }
0x31: {  	[smem:$0x3FB1] =	sst s10  }
0x32: {  	s10 =	sld [smem:$0x3FAF];
	_ =	sdelay $0x3  }
0x33: {  	p0 =	seq.s32 s10, $0x1;
	s10 =	sld [smem:$0x3FB1];
	_ =	sdelay $0x3  }
0x34: {  	[smem:$0x3FB1] =	sst s10  }
0x35: {  	s10 =	sld [smem:$0x3FB0];
	_ =	sdelay $0x3  }
0x36: {  	p1 =	seq.s32 s10, $0x1;
	s10 =	sld [smem:$0x3FB1];
	_ =	sdelay $0x3  }
0x37: {  	[smem:$0x3FB1] =	sst s10  }
0x38: {  	s10 =	sld [smem:$0x3FB2]  }
0x39: {  	_ = 	snop;
	(pc) =	sbr.ind lr, $3  }
0x3a: {  	_ = 	snop  }
0x3b: {  	_ = 	snop  }
0x3c: {  	p2 =	seq.s32 s10, $0x1;
	s10 =	sld [smem:$0x3FB1]  }
0x3d: {  	_ =	shalt  }
0x3e: {  	_ =	shalt  }
0x3f: {  	_ =	shalt  }
0x40: {  	_ =	shalt  }
0x41: {  	_ =	shalt  }
0x42: {  	_ =	shalt  }
0x43: {  	_ =	shalt  }
0x44: {  	_ =	shalt  }
0x45: {  	_ =	shalt  }
0x46: {  	_ =	shalt  }
0x47: {  	_ =	shalt  }
0x48: {  	_ =	shalt  }
0x49: {  	_ =	shalt  }
0x4a: {  	_ =	shalt  }
0x4b: {  	_ =	shalt  }
0x4c: {  	_ =	shalt  }
0x4d: {  	_ =	shalt  }
0x4e: {  	_ =	shalt  }
0x4f: {  	_ =	shalt  }
0x50: {  	_ =	shalt  }
0x51: {  	_ =	shalt  }
0x52: {  	_ =	shalt  }
0x53: {  	_ =	shalt  }
0x54: {  	_ =	shalt  }
0x55: {  	_ =	shalt  }
0x56: {  	_ =	shalt  }
0x57: {  	_ =	shalt  }
0x58: {  	_ =	shalt  }
0x59: {  	_ =	shalt  }
0x5a: {  	_ =	shalt  }
0x5b: {  	_ =	shalt  }
0x5c: {  	_ =	shalt  }
0x5d: {  	_ =	shalt  }
0x5e: {  	_ =	shalt  }
0x5f: {  	_ =	shalt  }
0x60: {  	_ =	shalt  }
0x61: {  	_ =	shalt  }
0x62: {  	_ =	shalt  }
0x63: {  	_ =	shalt  }
0x64: {  	_ =	shalt  }
0x65: {  	_ =	shalt  }
0x66: {  	_ =	shalt  }
0x67: {  	_ =	shalt  }
0x68: {  	_ =	shalt  }
0x69: {  	_ =	shalt  }
0x6a: {  	_ =	shalt  }
0x6b: {  	_ =	shalt  }
0x6c: {  	_ =	shalt  }
0x6d: {  	_ =	shalt  }
0x6e: {  	_ =	shalt  }
0x6f: {  	_ =	shalt  }
0x70: {  	_ =	shalt  }
0x71: {  	_ =	shalt  }
0x72: {  	_ =	shalt  }
0x73: {  	_ =	shalt  }
0x74: {  	_ =	shalt  }
0x75: {  	_ =	shalt  }
0x76: {  	_ =	shalt  }
0x77: {  	_ =	shalt  }
0x78: {  	_ =	shalt  }
0x79: {  	_ =	shalt  }
0x7a: {  	_ =	shalt  }
0x7b: {  	_ =	shalt  }
0x7c: {  	_ =	shalt  }
0x7d: {  	_ =	shalt  }
0x7e: {  	_ =	shalt  }
0x7f: {  	_ =	shalt  }
0x80: {  	_ =	shalt  }
0x81: {  	_ =	shalt  }
0x82: {  	_ =	shalt  }
0x83: {  	_ =	shalt  }
0x84: {  	_ =	shalt  }
0x85: {  	_ =	shalt  }
0x86: {  	_ =	shalt  }
0x87: {  	_ =	shalt  }
.Lfunc_end0:
.L_simem_size_0:
called_computation_lowered:
.L_overlay_start_0:
0x88: {  	s2 =	sld [smem:$0x3FD9]  }
0x89: {  	s3 =	sld [smem:$0x3FFE];
	_ =	sdelay $0x1  }
0x8a: {  	s1 =	srdreg.scid  }
0x8b: {  	s0 =	sand.u32 $0x1, s1  }
0x8c: {  	s14 =	sshll.u32 s0, $0xA;
	s2 =	sadd.s32 s3, s2  }
0x8d: {  	s2 =	sadd.s32 s2, s14  }
0x8e: {  	[smem:$0x3FBD] =	sst s2  }
0x8f: {  	_ = 	snop  }
0x90: {  	s2 =	sld [smem:$0x3FD0];
	_ =	sdelay $0x2  }
0x91: {  	s15 =	simm.s32 $0xA;
	s4 =	simm.s32 $0x10  }
0x92: {  	[smem:s4], [sflag:s15] =	dma.local [hbm:s2], $0x1  }
0x93: {  	_ =	swait.eq [sflag:s15], $0x1  }
0x94: {  	[sflag:s15] =	ssyncset.done $0x0  }
0x95: {  	[sflag:s15] =	ssyncadd.s32 $0xFFFFFFFF  }
0x96: {  	s16 =	sld [smem:$0x10];
	(tm) =	ssettm $0x1  }
0x97: {  	s17 =	sld [smem:$0x3FFB];
	_ =	sdelay $0x3  }
0x98: {  	_ =	strace s17  }
0x99: {  	s3 =	sld [smem:$0x3FFC];
	_ =	sdelay $0x3  }
0x9a: {  	_ =	strace s3  }
0x9b: {  	s3 =	sld [smem:$0x3FFD];
	_ =	sdelay $0x3  }
0x9c: {  	_ =	strace s3  }
0x9d: {  	_ =	strace $0x8FFFFFFF  }
0x9e: {  	s18 =	sld [smem:$0x3FDB];
	_ =	sdelay $0x1  }
0x9f: {  	s19 =	simm.s32 $_scs_section_size  }
0xa0: {  	s5 =	simm.s32 $_size__tile_overlayer_lowered;
	s6 =	simm.s32 $_tile_overlayer_lowered  }
0xa1: {  	s22 =	simm.s32 $0x1BFF;
	s21 =	sshll.u32 s6, $0x1;
	s3 =	sadd.s32 s19, s18  }
0xa2: {  	s7 =	simm.s32 $0x0;
	s20 =	sshll.u32 s5, $0x1;
	s5 =	sadd.s32 s21, s3  }
0xa3: {  	[timem:s7], [sflag:s22] =	dma.local [hbm:s5], s20  }
0xa4: {  	_ =	swait.ge [sflag:s22], s20  }
0xa5: {  	s4 =	ssub.s32 $0x0, s20;
	[sflag:s22] =	ssyncset.done $0x0  }
0xa6: {  	[sflag:s22] =	ssyncadd.s32 s4;
	_ =	sdelay $0x1  }
0xa7: {  	s23 =	simm.s32 $0x1B8B  }
0xa8: {  	_ =	swait.ge [sflag:s23], $0x1  }
0xa9: {  	[sflag:s23] =	ssyncset.done $0x0  }
0xaa: {  	s25 =	simm.s32 $0x1B8E;
	s24 =	sld [smem:$0x3FFE];
	[sflag:s23] =	ssyncadd.s32 $0xFFFFFFFF  }
0xab: {  	s26 =	simm.s32 $execute0_lowered;
	[smem:$0x3FD2] =	sst s25  }
0xac: {  	s5 =	sshll.u32 s26, $0x1;
	_ =	strace $0x80000046;
	[dreg:$0x1] =	wrdreg $0xFFFFFFFF  }
0xad: {  	s28 =	simm.s32 $_size_execute0_lowered;
	s3 =	sadd.s32 s3, s5;
	[dreg:$0x0] =	wrdreg $0x0  }
0xae: {  	s5 =	sshll.u32 s28, $0x1;
	[dreg:$0x2] =	wrdreg s3  }
0xaf: {  	[dreg:$0x3] =	wrdreg s5  }
0xb0: {  	[dreg:$0x4] =	wrdreg $0xC0  }
0xb1: {  	_ =	task [dreg:s7], $0x5FFFF  }
0xb2: {  	[dreg:$0x1] =	wrdreg $0xFFFFFFFF  }
0xb3: {  	[dreg:$0x0] =	wrdreg $0x60  }
0xb4: {  	[dreg:$0x2] =	wrdreg s24  }
0xb5: {  	[dreg:$0x3] =	wrdreg s16  }
0xb6: {  	[dreg:$0x4] =	wrdreg $0x9  }
0xb7: {  	_ =	task.clear_ibuf [dreg:s7], $0x5FFFF;
	_ =	strace $0x90000046  }
0xb8: {  	s29 =	simm.s32 $0x9;
	_ =	strace $0x80000048  }
0xb9: {  	_ =	swait.ge [sflag:s29], $0x1  }
0xba: {  	[sflag:s29] =	ssyncadd.s32 $0xFFFFFFFF  }
0xbb: {  	_ =	strace $0x90000048  }
0xbc: {  	_ =	sfence  }
0xbd: {  	s30 =	sld [smem:$0x0];
	_ =	sdelay $0x2  }
0xbe: {  	s31 =	sshll.u32 s1, $0xD;
	s1 =	sshrl.u32 s1, $0x2  }
0xbf: {  	s3 =	sand.u32 $0x4000, s31;
	s1 =	sadd.s32 s1, s30  }
0xc0: {  	s0 =	sor.u32 s3, s0;
	s1 =	sshll.u32 s1, $0x11  }
0xc1: {  	s0 =	sor.u32 s1, s0  }
0xc2: {  	s0 =	sadd.s32 $0x8F2B, s0  }
0xc3: {  	[sflag:s0] =	ssyncadd.remote.s32 $0x1  }
0xc4: {  	_ =	sfence.sel $0xFFFF  }
0xc5: {  	[dreg:$0x0] =	wrdreg $0xFFFFFFFF;
	(pc) =	sbr.abs _section_cstart, $3  }
0xc6: {  	[dreg:$0x1] =	wrdreg $0xFFFFFFFF  }
0xc7: {  	_ =	task.clear_ibuf [dreg:s7], $0x2FFFF;
	_ =	strace $0x9FFFFFFF  }
0xc8: {  	(tm) =	ssettm $0x7FFFFFFF  }
0xc9: {  	_ =	shalt  }
tec
execute0_lowered:
.L_overlay_start_1:
0x0: {  	(tag) =	ssettag $0x1  }
0x1: {  	s0 =	rddreg [dreg:$0x0]  }
0x2: {  	s9 =	rddreg [dreg:$0x1]  }
0x3: {  	s3 =	srdreg.scid;
	s1 =	stileid.u32;
	s2 =	simm.s32 $0x0  }
0x4: {  	s14 =	simm.s32 $0x1;
	s17 =	simm.s32 $0x1100;
	s18 =	simm.s32 $0x2100  }
0x5: {  	s6 =	sand.u32 $0x1, s3;
	s31 =	sshll.u32 s1, $0x1;
	[smem:$0x7FF] =	sst s2  }
0x6: {  	s3 =	sadd.s32 $0xE00, s0;
	s5 =	sadd.s32 $0x1600, s0;
	s4 =	sor.u32 s6, s31  }
0x7: {  	s7 =	sadd.s32 $0x1200, s0;
	s8 =	ssub.s32 $0x2, s6;
	s10 =	smul.u32 $0x70, s4  }
0x8: {  	_ =	strace $0x80000047;
	s6 =	sadd.s32 $0x1400, s0;
	s12 =	sshrl.u32 s8, $0x1  }
0x9: {  	s4 =	sadd.s32 $0xC00, s0;
	s13 =	ssub.s32 s8, s12;
	s11 =	sshrl.u32 s10, $0x3  }
0xa: {  	s16 =	sadd.s32 $0x200, s10;
	s19 =	sadd.s32 $0x210, s10;
	s20 =	sadd.s32 $0x220, s10  }
0xb: {  	s21 =	sadd.s32 $0x230, s10;
	s22 =	sadd.s32 $0x240, s10;
	s23 =	sadd.s32 $0x250, s10  }
0xc: {  	v6 =	vlaneseq.u32;
	s24 =	sadd.s32 $0x260, s10;
	s13 =	smax.u32 s13, $0x1;
	s0 =	sadd.s32 s11, s0  }
0xd: {  	s9 =	sadd.s32 s9, s11;
	v0 =	vor.u32 s16, v6;
	s16 =	simm.s32 $0x100;
	v1 =	vor.u32 s19, v6;
	s19 =	simm.s32 $0x3100  }
0xe: {  	v2 =	vor.u32 s20, v6;
	v3 =	vor.u32 s21, v6;
	s20 =	simm.s32 $0x4100;
	s21 =	simm.s32 $0x5100;
	v4 =	vor.u32 s22, v6;
	s22 =	simm.s32 $0x5180  }
0xf: {  	v5 =	vor.u32 s23, v6;
	v6 =	vor.u32 s24, v6;
	s23 =	simm.s32 $0x5200;
	s24 =	simm.s32 $0x0;
	s8 =	sadd.s32 $0x1000, s0  }
0x10: {  	s10 =	sadd.s32 $0x1800, s0;
	s11 =	sadd.s32 $0x1A00, s0;
	s12 =	sadd.s32 $0x1C00, s0  }
.LBB2_1:
0x11: {  	[tilespmem:s2], [sflag:$0x1] =	stream.linear.gather [hbm4b:s8+s2], $0x70, $0x38;
	[tilespmem:$0x5280] =	vst v63  }
0x12: {  	_ =	swait.ge [sflag:s14], $0x70  }
0x13: {  	[sflag:s14] =	ssyncset.done $0x0  }
0x14: {  	s0 =	simm.s32 $0x80;
	[sflag:s14] =	ssyncadd.s32 $0xFFFFFF90  }
0x15: {  	[tilespmem:s0], [sflag:$0x1] =	stream.linear.gather [hbm4b:s9+s2], $0x70, $0x38;
	[tilespmem:$0x5280] =	vst v63  }
0x16: {  	_ =	swait.ge [sflag:s14], $0x70  }
0x17: {  	[sflag:s14] =	ssyncset.done $0x0  }
0x18: {  	[sflag:s14] =	ssyncadd.s32 $0xFFFFFF90  }
0x19: {  	[tilespmem:s16], [sflag:$0x1] =	stream.linear.gather [hbm4b:s3+s2], $0x1000, $0x38;
	[tilespmem:$0x5280] =	vst v63  }
0x1a: {  	_ =	swait.ge [sflag:s14], $0x1000  }
0x1b: {  	[sflag:s14] =	ssyncset.done $0x0  }
0x1c: {  	[sflag:s14] =	ssyncadd.s32 $0xFFFFF000  }
0x1d: {  	[tilespmem:s17], [sflag:$0x1] =	stream.linear.gather [hbm4b:s4+s2], $0x1000, $0x38;
	[tilespmem:$0x5280] =	vst v63  }
0x1e: {  	_ =	swait.ge [sflag:s14], $0x1000  }
0x1f: {  	[sflag:s14] =	ssyncset.done $0x0  }
0x20: {  	[sflag:s14] =	ssyncadd.s32 $0xFFFFF000  }
0x21: {  	[tilespmem:s18], [sflag:$0x1] =	stream.linear.gather [hbm4b:s5+s2], $0x1000, $0x38;
	[tilespmem:$0x5280] =	vst v63  }
0x22: {  	_ =	swait.ge [sflag:s14], $0x1000  }
0x23: {  	[sflag:s14] =	ssyncset.done $0x0  }
0x24: {  	[sflag:s14] =	ssyncadd.s32 $0xFFFFF000  }
0x25: {  	[tilespmem:s19], [sflag:$0x1] =	stream.linear.gather [hbm4b:s6+s2], $0x1000, $0x38;
	[tilespmem:$0x5280] =	vst v63  }
0x26: {  	_ =	swait.ge [sflag:s14], $0x1000  }
0x27: {  	[sflag:s14] =	ssyncset.done $0x0  }
0x28: {  	s28 =	simm.s32 $0x1;
	[sflag:s14] =	ssyncadd.s32 $0xFFFFF000  }
0x29: {  	[tilespmem:s20], [sflag:$0x1] =	stream.linear.gather [hbm4b:s7+s2], $0x1000, $0x38;
	[tilespmem:$0x5280] =	vst v63  }
0x2a: {  	v10 =	vmov s28;
	_ =	swait.ge [sflag:s14], $0x1000  }
0x2b: {  	[sflag:s14] =	ssyncset.done $0x0  }
0x2c: {  	v11 =	vmov s2;
	[sflag:s14] =	ssyncadd.s32 $0xFFFFF000  }
0x2d: {  	s25 =	simm.s32 $0x2;
	v9 =	vld [tilespmem:$0x0]  }
0x2e: {  	v12 =	vmov s25;
	v8 =	vld [tilespmem:$0x80]  }
0x2f: {  	v13 =	vld.idx.msk [tilespmem:v10+s17+$0x0], $0xffff  }
0x30: {  	v7 =	vld.idx.msk [tilespmem:v10+s16+$0x0], $0xffff  }
0x31: {  	v14 =	vld.idx.msk [tilespmem:v11+s16+$0x0], $0xffff  }
0x32: {  	v15 =	vld.idx.msk [tilespmem:v11+s17+$0x0], $0xffff  }
0x33: {  	v16 =	vld.idx.msk [tilespmem:v12+s16+$0x0], $0xffff  }
0x34: {  	v17 =	vld.idx.msk [tilespmem:v12+s17+$0x0], $0xffff;
	_ =	sdelay $0x1  }
0x35: {  	v18 =	vsub.f32 v7, v9  }
0x36: {  	s26 =	simm.s32 $0x3;
	v14 =	vsub.f32 v14, v9;
	v15 =	vsub.f32 v15, v8  }
0x37: {  	v7 =	vmov s26;
	v19 =	vsub.f32 v13, v8;
	v16 =	vsub.f32 v16, v9  }
0x38: {  	v17 =	vsub.f32 v17, v8;
	v14 =	vmul.f32 v14, v14;
	v15 =	vmul.f32 v15, v15  }
0x39: {  	v20 =	vmul.f32 v18, v18;
	v19 =	vmul.f32 v19, v19  }
0x3a: {  	vm0 =	veq.s32 v11, v0;
	v16 =	vmul.f32 v16, v16;
	v17 =	vmul.f32 v17, v17  }
0x3b: {  	vm1 =	veq.s32 v10, v0;
	v13 =	vimm.f32 $+Inf;
	v14 =	vadd.f32 v15, v14  }
0x3c: {  	v18 =	vimm.s32 $0x0;
	v15 =	vadd.f32 v19, v20;
	v16 =	vadd.f32 v17, v16;
	v19 =	vld.idx.msk [tilespmem:v7+s16+$0x0], $0xffff  }
0x3d: {  	v17 =	vimm.s32 $0x0;
	v14 =	vsel vm0, $0x7F800000, v14;
	vm0 =	veq.s32 v12, v0  }
0x3e: {  	v11 =	vsel vm1, $0x7F800000, v15;
	vm2 =	vlt.f32 v14, v13;
	v10 =	vsel vm0, $0x7F800000, v16  }
0x3f: {  	v21 =	vsel vm2, v13, v14;
	v12 =	vsel vm2, v14, v13;
	v15 =	vsel vm2, s2, v18  }
0x40: {  	v25 =	vnsel vm2, s2, v18;
	vm1 =	vmmov vm2;
	vm0 =	vlt.f32 v11, v12  }
0x41: {  	v14 =	vsel vm2, v25, v18;
	v29 =	vsel vm2, v25, v18;
	v24 =	vsub.f32 v19, v9  }
0x42: {  	v19 =	vsel vm2, v21, v13;
	v23 =	vsel vm0, v11, v12;
	v27 =	vnsel vm0, s28, v15  }
0x43: {  	v16 =	vsel vm0, v12, v11;
	v28 =	vsel vm0, s28, v15;
	vm3 =	vlt.f32 v10, v23  }
0x44: {  	vm0 =	vmmov vm2;
	vm4 =	vlt.f32 v11, v19;
	v12 =	vsel vm3, v10, v23  }
0x45: {  	s29 =	simm.s32 $0x0;
	s0 =	simm.s32 $0x4;
	v20 =	vld.idx.msk [tilespmem:v7+s17+$0x0], $0xffff;
	v15 =	vmovc v19;
	v22 =	vsel vm4, v19, v11;
	v26 =	vsel vm4, v16, v19;
	v16 =	vimm.s32 $0x0  }
.LBB2_2:
0x46: {  	s1 =	sadd.s32 $0x1, s0  }
0x47: {  	s31 =	sadd.s32 $0x2, s0;
	v18 =	vsel vm2, v25, v18;
	v25 =	vsel vm4, v27, v29;
	v24 =	vmul.f32 v24, v24;
	s15 =	smov.u32 s0;
	s30 =	sadd.s32 $0x4, s0  }
0x48: {  	p0 =	slt.u32 s0, $0xFFC;
	v31 =	vnsel vm3, s25, v28;
	v27 =	vmov s1;
	v30 =	vmov s31  }
0x49: {  	v29 =	vnsel vm4, s28, v29;
	vm2 =	vlt.f32 v10, v26;
	v23 =	vsel vm3, v23, v10  }
0x4a: {  	v28 =	vsel vm3, s25, v28;
	v20 =	vsub.f32 v20, v8;
	v32 =	vsel vm2, v26, v10  }
0x4b: {  	v23 =	vsel vm2, v23, v26;
	v26 =	vsel vm2, v31, v25  }
0x4c: {  	v17 =	vnsel vm1, s29, v17;
	v13 =	vsel vm1, v21, v13;
	vm1 =	vlt.f32 v11, v19;
	s29 =	smov.u32 s15  }
0x4d: {  	v16 =	vsel vm0, v17, v16;
	v17 =	vsel vm1, v22, v19;
	v21 =	vsel vm1, v29, v18  }
0x4e: {  	vm0 =	vlt.f32 v11, v13;
	v22 =	vnsel vm2, s25, v25;
	v20 =	vmul.f32 v20, v20  }
0x4f: {  	v19 =	vsel vm1, v19, v11;
	v25 =	vsel vm0, v13, v11;
	vm2 =	vlt.f32 v10, v17  }
0x50: {  	v18 =	vnsel vm1, s28, v18;
	v29 =	vnsel vm0, s28, v14;
	s28 =	smov.u32 s1;
	v22 =	vsel vm2, v22, v21  }
0x51: {  	vm1 =	veq.s32 v7, v0;
	s0 =	sadd.s32 $0x3, s29;
	v14 =	vsel vm0, v18, v14;
	v18 =	vsel vm2, v17, v10  }
0x52: {  	vm3 =	vlt.f32 v11, v15;
	v7 =	vmov s0;
	v11 =	vadd.f32 v20, v24  }
0x53: {  	v13 =	vsel vm0, v19, v13;
	v15 =	vsel vm3, v25, v15;
	v19 =	vnsel vm2, s25, v21;
	v20 =	vld.idx.msk [tilespmem:v30+s17+$0x0], $0xffff  }
0x54: {  	v21 =	vmov s29;
	vm4 =	vlt.f32 v10, v13;
	vm5 =	vlt.f32 v10, v15;
	v24 =	vld.idx.msk [tilespmem:v27+s17+$0x0], $0xffff  }
0x55: {  	v16 =	vsel vm3, v29, v16;
	v17 =	vsel vm2, v32, v17;
	v11 =	vsel vm1, $0x7F800000, v11;
	v25 =	vld.idx.msk [tilespmem:v27+s16+$0x0], $0xffff  }
0x56: {  	v10 =	vsel vm4, v13, v10;
	v13 =	vsel vm4, v18, v13;
	vm3 =	vlt.f32 v11, v12;
	v29 =	vld.idx.msk [tilespmem:v30+s16+$0x0], $0xffff  }
0x57: {  	v10 =	vsel vm5, v10, v15;
	vm0 =	vlt.f32 v11, v17;
	v15 =	vsel vm3, v11, v12  }
0x58: {  	v18 =	vnsel vm4, s25, v14;
	s25 =	smov.u32 s31;
	v31 =	vsel vm0, v17, v11;
	v32 =	vsel vm3, s26, v28  }
0x59: {  	v14 =	vsel vm4, v19, v14;
	v16 =	vsel vm5, v18, v16;
	v18 =	vnsel vm3, s26, v28;
	v33 =	vld.idx.msk [tilespmem:v21+s16+$0x0], $0xffff  }
0x5a: {  	vm4 =	vlt.f32 v11, v23;
	vm2 =	vlt.f32 v11, v13;
	vm1 =	vlt.f32 v11, v10;
	v19 =	vld.idx.msk [tilespmem:v21+s17+$0x0], $0xffff  }
0x5b: {  	v28 =	vsel vm4, v23, v11;
	v24 =	vsub.f32 v24, v8;
	v25 =	vsub.f32 v25, v9  }
0x5c: {  	v34 =	vsel vm4, v18, v26;
	v20 =	vsub.f32 v20, v8;
	v29 =	vsub.f32 v29, v9  }
0x5d: {  	v24 =	vmul.f32 v24, v24;
	v18 =	vmul.f32 v25, v25;
	v25 =	vnsel vm4, s26, v26  }
0x5e: {  	v12 =	vsel vm3, v12, v11;
	v20 =	vmul.f32 v20, v20;
	v26 =	vmul.f32 v29, v29  }
0x5f: {  	v12 =	vsel vm4, v12, v23;
	v29 =	vsub.f32 v33, v9;
	v24 =	vadd.f32 v24, v18  }
0x60: {  	v18 =	vsub.f32 v19, v8;
	v19 =	vadd.f32 v20, v26;
	v20 =	vnsel vm0, s26, v22  }
0x61: {  	v11 =	vsel vm2, v13, v11;
	v26 =	vnsel vm2, s26, v14;
	s26 =	smov.u32 s0;
	v23 =	vmul.f32 v29, v29  }
0x62: {  	v28 =	vsel vm0, v28, v17;
	v16 =	vsel vm1, v26, v16;
	v29 =	vmul.f32 v18, v18  }
0x63: {  	v13 =	vsel vm2, v31, v13;
	v17 =	vsel vm2, v20, v14;
	v18 =	vsel vm0, v25, v22  }
0x64: {  	vm0 =	veq.s32 v21, v0;
	v22 =	vsel vm1, v11, v10;
	v14 =	vadd.f32 v29, v23;
	v21 =	vld.idx.msk [tilespmem:v7+s16+$0x0], $0xffff  }
0x65: {  	vm2 =	veq.s32 v30, v0;
	vm1 =	veq.s32 v27, v0;
	v20 =	vld.idx.msk [tilespmem:v7+s17+$0x0], $0xffff  }
0x66: {  	v10 =	vsel vm2, $0x7F800000, v19;
	v11 =	vsel vm1, $0x7F800000, v24;
	v26 =	vsel vm0, $0x7F800000, v14  }
0x67: {  	vm3 =	vlt.f32 v26, v15;
	vm5 =	vlt.f32 v26, v12;
	vm0 =	vlt.f32 v26, v22  }
0x68: {  	v19 =	vsel vm5, v12, v26;
	v14 =	vsel vm3, v15, v26;
	v30 =	vsel vm3, s29, v32  }
0x69: {  	vm2 =	vlt.f32 v26, v28;
	vm1 =	vlt.f32 v26, v13;
	v29 =	vnsel vm3, s29, v32  }
0x6a: {  	v25 =	vnsel vm5, s29, v34;
	v15 =	vsel vm3, v26, v15;
	v24 =	vsub.f32 v21, v9  }
0x6b: {  	v31 =	vsel vm5, v14, v12;
	vm6 =	vlt.f32 v11, v15;
	v21 =	vnsel vm2, s29, v18  }
.Ltmp0:
0x6c: {  	v27 =	vnsel vm6, s28, v30;
	v23 =	vsel vm6, v11, v15;
	v14 =	vsel vm1, v21, v17;
	(pc) =	sbr.rel @p0 .LBB2_2-.Ltmp0, $4  }
0x6d: {  	v12 =	vsel vm1, v13, v26;
	v32 =	vsel vm6, v15, v11;
	vm3 =	vlt.f32 v10, v23  }
0x6e: {  	v15 =	vsel vm0, v12, v22;
	vm4 =	vlt.f32 v11, v31;
	v12 =	vsel vm3, v10, v23  }
0x6f: {  	v21 =	vsel vm2, v28, v26;
	v22 =	vsel vm4, v31, v11;
	v26 =	vsel vm4, v32, v31  }
0x70: {  	s0 =	smov.u32 s30;
	v19 =	vsel vm2, v19, v28;
	v29 =	vsel vm5, v29, v34;
	v28 =	vsel vm6, s28, v30  }
0x71: {  	v9 =	vsel vm2, v25, v18;
	v8 =	vsub.f32 v20, v8;
	v18 =	vsel vm4, v27, v29  }
0x72: {  	v20 =	vmul.f32 v24, v24;
	v24 =	vnsel vm3, s25, v28;
	v25 =	vnsel vm4, s28, v29  }
0x73: {  	vm2 =	vlt.f32 v10, v26;
	v23 =	vsel vm3, v23, v10;
	v8 =	vmul.f32 v8, v8  }
0x74: {  	v28 =	vsel vm3, s25, v28;
	v17 =	vnsel vm1, s29, v17;
	v13 =	vsel vm1, v21, v13  }
0x75: {  	vm1 =	veq.s32 v7, v0;
	vm3 =	vlt.f32 v11, v19;
	v8 =	vadd.f32 v8, v20  }
0x76: {  	v27 =	vsel vm2, v26, v10;
	v23 =	vsel vm2, v23, v26;
	v24 =	vsel vm2, v24, v18  }
0x77: {  	v7 =	vsel vm0, v17, v16;
	v16 =	vsel vm3, v22, v19;
	v8 =	vsel vm1, $0x7F800000, v8  }
0x78: {  	v17 =	vsel vm3, v25, v9;
	v19 =	vsel vm3, v19, v11;
	vm0 =	vlt.f32 v8, v12  }
0x79: {  	vm1 =	vlt.f32 v11, v13;
	v12 =	vnsel vm2, s25, v18;
	v18 =	vsel vm0, s26, v28  }
0x7a: {  	v9 =	vnsel vm3, s28, v9;
	v20 =	vsel vm1, v13, v11;
	vm2 =	vlt.f32 v10, v16  }
0x7b: {  	v25 =	vld.idx.msk [tilespmem:v0+s19+$0x0], $0xffff;
	v21 =	vnsel vm1, s28, v14;
	v22 =	vnsel vm0, s26, v28;
	vm0 =	vlt.f32 v8, v23  }
0x7c: {  	v26 =	vld.idx.msk [tilespmem:v0+s20+$0x0], $0xffff;
	v9 =	vsel vm1, v9, v14;
	v13 =	vsel vm1, v19, v13;
	v22 =	vsel vm0, v22, v24  }
0x7d: {  	v23 =	vld.idx.msk [tilespmem:v0+s18+$0x0], $0xffff;
	v12 =	vsel vm2, v12, v17;
	v14 =	vsel vm2, v16, v10;
	v16 =	vsel vm2, v27, v16  }
0x7e: {  	vm3 =	vlt.f32 v10, v13;
	vm1 =	vlt.f32 v8, v16;
	v16 =	vnsel vm0, s26, v24;
	v19 =	vld.idx.msk [tilespmem:v18+s18+$0x0], $0xffff  }
0x7f: {  	v17 =	vnsel vm2, s25, v17;
	vm0 =	vlt.f32 v11, v15;
	v11 =	vsel vm1, v16, v12;
	v16 =	vld.idx.msk [tilespmem:v18+s19+$0x0], $0xffff  }
0x80: {  	v14 =	vsel vm3, v14, v13;
	v17 =	vsel vm3, v17, v9;
	v18 =	vld.idx.msk [tilespmem:v18+s20+$0x0], $0xffff  }
0x81: {  	v15 =	vsel vm0, v20, v15;
	vm2 =	vlt.f32 v8, v14;
	v12 =	vnsel vm1, s26, v12;
	v14 =	vld.idx.msk [tilespmem:v22+s18+$0x0], $0xffff  }
0x82: {  	vm1 =	vlt.f32 v10, v15;
	v10 =	vsel vm3, v13, v10;
	v12 =	vsel vm2, v12, v17;
	v13 =	vld.idx.msk [tilespmem:v22+s19+$0x0], $0xffff  }
0x83: {  	v9 =	vnsel vm3, s25, v9;
	v7 =	vsel vm0, v21, v7;
	v10 =	vsel vm1, v10, v15;
	v15 =	vld.idx.msk [tilespmem:v22+s20+$0x0], $0xffff  }
0x84: {  	v7 =	vsel vm1, v9, v7;
	vm0 =	vlt.f32 v8, v10;
	v8 =	vnsel vm2, s26, v17;
	v9 =	vld.idx.msk [tilespmem:v11+s18+$0x0], $0xffff  }
0x85: {  	v7 =	vsel vm0, v8, v7;
	v8 =	vadd.f32 $0.0e+00, v23;
	v10 =	vld.idx.msk [tilespmem:v11+s19+$0x0], $0xffff  }
0x86: {  	v17 =	vadd.f32 $0.0e+00, v25;
	v11 =	vld.idx.msk [tilespmem:v11+s20+$0x0], $0xffff  }
0x87: {  	v20 =	vadd.f32 $0.0e+00, v26;
	v8 =	vadd.f32 v19, v8;
	v19 =	vld.idx.msk [tilespmem:v12+s18+$0x0], $0xffff  }
0x88: {  	v16 =	vadd.f32 v16, v17;
	v17 =	vld.idx.msk [tilespmem:v12+s19+$0x0], $0xffff  }
0x89: {  	v18 =	vadd.f32 v18, v20;
	v12 =	vld.idx.msk [tilespmem:v12+s20+$0x0], $0xffff;
	v8 =	vadd.f32 v14, v8  }
0x8a: {  	v13 =	vadd.f32 v13, v16;
	v14 =	vld.idx.msk [tilespmem:v7+s18+$0x0], $0xffff  }
0x8b: {  	v15 =	vadd.f32 v15, v18;
	v8 =	vadd.f32 v9, v8;
	v9 =	vld.idx.msk [tilespmem:v7+s19+$0x0], $0xffff  }
0x8c: {  	v10 =	vadd.f32 v10, v13;
	v7 =	vld.idx.msk [tilespmem:v7+s20+$0x0], $0xffff  }
0x8d: {  	v11 =	vadd.f32 v11, v15;
	v8 =	vadd.f32 v19, v8  }
0x8e: {  	s28 =	simm.s32 $0x1;
	v10 =	vadd.f32 v17, v10  }
0x8f: {  	v11 =	vadd.f32 v12, v11;
	v12 =	vmov s28;
	v8 =	vadd.f32 v14, v8  }
0x90: {  	s29 =	simm.s32 $0x0;
	v9 =	vadd.f32 v9, v10  }
0x91: {  	v7 =	vadd.f32 v7, v11;
	v10 =	vmov s29;
	[tilespmem:$0x5100] =	vst v8  }
0x92: {  	s25 =	simm.s32 $0x2;
	v8 =	vld [tilespmem:$0x10];
	[tilespmem:$0x5180] =	vst v9  }
0x93: {  	v11 =	vmov s25;
	[tilespmem:$0x5200] =	vst v7;
	v9 =	vld [tilespmem:$0x90]  }
0x94: {  	v13 =	vld.idx.msk [tilespmem:v12+s17+$0x0], $0xffff  }
0x95: {  	v7 =	vld.idx.msk [tilespmem:v12+s16+$0x0], $0xffff  }
0x96: {  	v14 =	vld.idx.msk [tilespmem:v10+s16+$0x0], $0xffff  }
0x97: {  	v15 =	vld.idx.msk [tilespmem:v10+s17+$0x0], $0xffff  }
0x98: {  	v16 =	vld.idx.msk [tilespmem:v11+s16+$0x0], $0xffff  }
0x99: {  	v17 =	vld.idx.msk [tilespmem:v11+s17+$0x0], $0xffff;
	_ =	sdelay $0x1  }
0x9a: {  	v18 =	vsub.f32 v7, v8  }
0x9b: {  	s26 =	simm.s32 $0x3;
	v19 =	vsub.f32 v13, v9;
	v14 =	vsub.f32 v14, v8  }
0x9c: {  	v7 =	vmov s26;
	v15 =	vsub.f32 v15, v9;
	v16 =	vsub.f32 v16, v8  }
0x9d: {  	v17 =	vsub.f32 v17, v9;
	v20 =	vmul.f32 v18, v18;
	v19 =	vmul.f32 v19, v19  }
0x9e: {  	v14 =	vmul.f32 v14, v14;
	v15 =	vmul.f32 v15, v15  }
0x9f: {  	vm1 =	veq.s32 v12, v1;
	v16 =	vmul.f32 v16, v16;
	v17 =	vmul.f32 v17, v17  }
0xa0: {  	vm0 =	veq.s32 v10, v1;
	v13 =	vimm.f32 $+Inf;
	v14 =	vadd.f32 v15, v14  }
0xa1: {  	v18 =	vimm.s32 $0x0;
	v15 =	vadd.f32 v19, v20;
	v19 =	vld.idx.msk [tilespmem:v7+s16+$0x0], $0xffff;
	v10 =	vadd.f32 v17, v16  }
0xa2: {  	v17 =	vimm.s32 $0x0;
	v12 =	vsel vm0, $0x7F800000, v14;
	vm0 =	veq.s32 v11, v1  }
0xa3: {  	v11 =	vsel vm1, $0x7F800000, v15;
	vm2 =	vlt.f32 v12, v13;
	v10 =	vsel vm0, $0x7F800000, v10  }
0xa4: {  	v21 =	vsel vm2, v13, v12;
	v12 =	vsel vm2, v12, v13;
	v15 =	vsel vm2, s29, v18  }
0xa5: {  	v25 =	vnsel vm2, s29, v18;
	vm1 =	vmmov vm2;
	vm0 =	vlt.f32 v11, v12  }
0xa6: {  	v24 =	vsub.f32 v19, v8;
	v19 =	vsel vm2, v21, v13;
	v14 =	vsel vm2, v25, v18  }
0xa7: {  	v29 =	vsel vm2, v25, v18;
	v23 =	vsel vm0, v11, v12;
	v27 =	vnsel vm0, s28, v15  }
0xa8: {  	v16 =	vsel vm0, v12, v11;
	vm4 =	vlt.f32 v11, v19;
	v28 =	vsel vm0, s28, v15  }
0xa9: {  	vm0 =	vmmov vm2;
	vm3 =	vlt.f32 v10, v23;
	v22 =	vsel vm4, v19, v11  }
0xaa: {  	s0 =	simm.s32 $0x4;
	v20 =	vld.idx.msk [tilespmem:v7+s17+$0x0], $0xffff;
	v26 =	vsel vm4, v16, v19;
	v16 =	vimm.s32 $0x0;
	v15 =	vmovc v19;
	v12 =	vsel vm3, v10, v23  }
.LBB2_4:
0xab: {  	s1 =	sadd.s32 $0x1, s0  }
0xac: {  	s31 =	sadd.s32 $0x2, s0;
	v18 =	vsel vm2, v25, v18;
	v25 =	vsel vm4, v27, v29;
	v24 =	vmul.f32 v24, v24;
	s15 =	smov.u32 s0;
	s30 =	sadd.s32 $0x4, s0  }
0xad: {  	p0 =	slt.u32 s0, $0xFFC;
	v31 =	vnsel vm3, s25, v28;
	v27 =	vmov s1;
	v30 =	vmov s31  }
0xae: {  	v29 =	vnsel vm4, s28, v29;
	vm2 =	vlt.f32 v10, v26;
	v23 =	vsel vm3, v23, v10  }
0xaf: {  	v28 =	vsel vm3, s25, v28;
	v20 =	vsub.f32 v20, v9;
	v32 =	vsel vm2, v26, v10  }
0xb0: {  	v23 =	vsel vm2, v23, v26;
	v26 =	vsel vm2, v31, v25  }
0xb1: {  	v17 =	vnsel vm1, s29, v17;
	v13 =	vsel vm1, v21, v13;
	vm1 =	vlt.f32 v11, v19;
	s29 =	smov.u32 s15  }
0xb2: {  	v16 =	vsel vm0, v17, v16;
	v17 =	vsel vm1, v22, v19;
	v21 =	vsel vm1, v29, v18  }
0xb3: {  	vm0 =	vlt.f32 v11, v13;
	v22 =	vnsel vm2, s25, v25;
	v20 =	vmul.f32 v20, v20  }
0xb4: {  	v19 =	vsel vm1, v19, v11;
	v25 =	vsel vm0, v13, v11;
	vm2 =	vlt.f32 v10, v17  }
0xb5: {  	v18 =	vnsel vm1, s28, v18;
	v29 =	vnsel vm0, s28, v14;
	s28 =	smov.u32 s1;
	v22 =	vsel vm2, v22, v21  }
0xb6: {  	vm1 =	veq.s32 v7, v1;
	s0 =	sadd.s32 $0x3, s29;
	v14 =	vsel vm0, v18, v14;
	v18 =	vsel vm2, v17, v10  }
0xb7: {  	vm3 =	vlt.f32 v11, v15;
	v7 =	vmov s0;
	v11 =	vadd.f32 v20, v24  }
0xb8: {  	v13 =	vsel vm0, v19, v13;
	v15 =	vsel vm3, v25, v15;
	v19 =	vnsel vm2, s25, v21;
	v20 =	vld.idx.msk [tilespmem:v30+s17+$0x0], $0xffff  }
0xb9: {  	v21 =	vmov s29;
	vm4 =	vlt.f32 v10, v13;
	vm5 =	vlt.f32 v10, v15;
	v24 =	vld.idx.msk [tilespmem:v27+s17+$0x0], $0xffff  }
0xba: {  	v16 =	vsel vm3, v29, v16;
	v17 =	vsel vm2, v32, v17;
	v11 =	vsel vm1, $0x7F800000, v11;
	v25 =	vld.idx.msk [tilespmem:v27+s16+$0x0], $0xffff  }
0xbb: {  	v10 =	vsel vm4, v13, v10;
	v13 =	vsel vm4, v18, v13;
	vm3 =	vlt.f32 v11, v12;
	v29 =	vld.idx.msk [tilespmem:v30+s16+$0x0], $0xffff  }
0xbc: {  	v10 =	vsel vm5, v10, v15;
	vm0 =	vlt.f32 v11, v17;
	v15 =	vsel vm3, v11, v12  }
0xbd: {  	v18 =	vnsel vm4, s25, v14;
	s25 =	smov.u32 s31;
	v31 =	vsel vm0, v17, v11;
	v32 =	vsel vm3, s26, v28  }
0xbe: {  	v14 =	vsel vm4, v19, v14;
	v16 =	vsel vm5, v18, v16;
	v18 =	vnsel vm3, s26, v28;
	v33 =	vld.idx.msk [tilespmem:v21+s16+$0x0], $0xffff  }
0xbf: {  	vm4 =	vlt.f32 v11, v23;
	vm2 =	vlt.f32 v11, v13;
	vm1 =	vlt.f32 v11, v10;
	v19 =	vld.idx.msk [tilespmem:v21+s17+$0x0], $0xffff  }
0xc0: {  	v28 =	vsel vm4, v23, v11;
	v24 =	vsub.f32 v24, v9;
	v25 =	vsub.f32 v25, v8  }
0xc1: {  	v34 =	vsel vm4, v18, v26;
	v20 =	vsub.f32 v20, v9;
	v29 =	vsub.f32 v29, v8  }
0xc2: {  	v24 =	vmul.f32 v24, v24;
	v18 =	vmul.f32 v25, v25;
	v25 =	vnsel vm4, s26, v26  }
0xc3: {  	v12 =	vsel vm3, v12, v11;
	v20 =	vmul.f32 v20, v20;
	v26 =	vmul.f32 v29, v29  }
0xc4: {  	v12 =	vsel vm4, v12, v23;
	v29 =	vsub.f32 v33, v8;
	v24 =	vadd.f32 v24, v18  }
0xc5: {  	v18 =	vsub.f32 v19, v9;
	v19 =	vadd.f32 v20, v26;
	v20 =	vnsel vm0, s26, v22  }
0xc6: {  	v11 =	vsel vm2, v13, v11;
	v26 =	vnsel vm2, s26, v14;
	s26 =	smov.u32 s0;
	v23 =	vmul.f32 v29, v29  }
0xc7: {  	v28 =	vsel vm0, v28, v17;
	v16 =	vsel vm1, v26, v16;
	v29 =	vmul.f32 v18, v18  }
0xc8: {  	v13 =	vsel vm2, v31, v13;
	v17 =	vsel vm2, v20, v14;
	v18 =	vsel vm0, v25, v22  }
0xc9: {  	vm0 =	veq.s32 v21, v1;
	v22 =	vsel vm1, v11, v10;
	v14 =	vadd.f32 v29, v23;
	v21 =	vld.idx.msk [tilespmem:v7+s16+$0x0], $0xffff  }
0xca: {  	vm2 =	veq.s32 v30, v1;
	vm1 =	veq.s32 v27, v1;
	v20 =	vld.idx.msk [tilespmem:v7+s17+$0x0], $0xffff  }
0xcb: {  	v10 =	vsel vm2, $0x7F800000, v19;
	v11 =	vsel vm1, $0x7F800000, v24;
	v26 =	vsel vm0, $0x7F800000, v14  }
0xcc: {  	vm3 =	vlt.f32 v26, v15;
	vm5 =	vlt.f32 v26, v12;
	vm0 =	vlt.f32 v26, v22  }
0xcd: {  	v19 =	vsel vm5, v12, v26;
	v14 =	vsel vm3, v15, v26;
	v30 =	vsel vm3, s29, v32  }
0xce: {  	vm2 =	vlt.f32 v26, v28;
	vm1 =	vlt.f32 v26, v13;
	v29 =	vnsel vm3, s29, v32  }
0xcf: {  	v25 =	vnsel vm5, s29, v34;
	v15 =	vsel vm3, v26, v15;
	v24 =	vsub.f32 v21, v8  }
0xd0: {  	v31 =	vsel vm5, v14, v12;
	vm6 =	vlt.f32 v11, v15;
	v21 =	vnsel vm2, s29, v18  }
.Ltmp1:
0xd1: {  	v27 =	vnsel vm6, s28, v30;
	v23 =	vsel vm6, v11, v15;
	v14 =	vsel vm1, v21, v17;
	(pc) =	sbr.rel @p0 .LBB2_4-.Ltmp1, $4  }
0xd2: {  	v12 =	vsel vm1, v13, v26;
	v32 =	vsel vm6, v15, v11;
	vm3 =	vlt.f32 v10, v23  }
0xd3: {  	v15 =	vsel vm0, v12, v22;
	vm4 =	vlt.f32 v11, v31;
	v12 =	vsel vm3, v10, v23  }
0xd4: {  	v21 =	vsel vm2, v28, v26;
	v22 =	vsel vm4, v31, v11;
	v26 =	vsel vm4, v32, v31  }
0xd5: {  	s0 =	smov.u32 s30;
	v19 =	vsel vm2, v19, v28;
	v29 =	vsel vm5, v29, v34;
	v28 =	vsel vm6, s28, v30  }
0xd6: {  	v8 =	vsel vm2, v25, v18;
	v9 =	vsub.f32 v20, v9;
	v18 =	vsel vm4, v27, v29  }
0xd7: {  	v20 =	vmul.f32 v24, v24;
	v24 =	vnsel vm3, s25, v28;
	v25 =	vnsel vm4, s28, v29  }
0xd8: {  	vm2 =	vlt.f32 v10, v26;
	v23 =	vsel vm3, v23, v10;
	v9 =	vmul.f32 v9, v9  }
0xd9: {  	v28 =	vsel vm3, s25, v28;
	v17 =	vnsel vm1, s29, v17;
	v13 =	vsel vm1, v21, v13  }
0xda: {  	vm1 =	veq.s32 v7, v1;
	vm3 =	vlt.f32 v11, v19;
	v9 =	vadd.f32 v9, v20  }
0xdb: {  	v27 =	vsel vm2, v26, v10;
	v23 =	vsel vm2, v23, v26;
	v24 =	vsel vm2, v24, v18  }
0xdc: {  	v7 =	vsel vm0, v17, v16;
	v16 =	vsel vm3, v22, v19;
	v9 =	vsel vm1, $0x7F800000, v9  }
0xdd: {  	v17 =	vsel vm3, v25, v8;
	v19 =	vsel vm3, v19, v11;
	vm0 =	vlt.f32 v9, v12  }
0xde: {  	vm1 =	vlt.f32 v11, v13;
	v12 =	vnsel vm2, s25, v18;
	v18 =	vsel vm0, s26, v28  }
0xdf: {  	v8 =	vnsel vm3, s28, v8;
	v20 =	vsel vm1, v13, v11;
	vm2 =	vlt.f32 v10, v16  }
0xe0: {  	v25 =	vld.idx.msk [tilespmem:v1+s19+$0x0], $0xffff;
	v21 =	vnsel vm1, s28, v14;
	v22 =	vnsel vm0, s26, v28;
	vm0 =	vlt.f32 v9, v23  }
0xe1: {  	v26 =	vld.idx.msk [tilespmem:v1+s20+$0x0], $0xffff;
	v8 =	vsel vm1, v8, v14;
	v13 =	vsel vm1, v19, v13;
	v22 =	vsel vm0, v22, v24  }
0xe2: {  	v23 =	vld.idx.msk [tilespmem:v1+s18+$0x0], $0xffff;
	v12 =	vsel vm2, v12, v17;
	v14 =	vsel vm2, v16, v10;
	v16 =	vsel vm2, v27, v16  }
0xe3: {  	vm3 =	vlt.f32 v10, v13;
	vm1 =	vlt.f32 v9, v16;
	v16 =	vnsel vm0, s26, v24;
	v19 =	vld.idx.msk [tilespmem:v18+s18+$0x0], $0xffff  }
0xe4: {  	v17 =	vnsel vm2, s25, v17;
	vm0 =	vlt.f32 v11, v15;
	v11 =	vsel vm1, v16, v12;
	v16 =	vld.idx.msk [tilespmem:v18+s19+$0x0], $0xffff  }
0xe5: {  	v14 =	vsel vm3, v14, v13;
	v17 =	vsel vm3, v17, v8;
	v18 =	vld.idx.msk [tilespmem:v18+s20+$0x0], $0xffff  }
0xe6: {  	v15 =	vsel vm0, v20, v15;
	vm2 =	vlt.f32 v9, v14;
	v12 =	vnsel vm1, s26, v12;
	v14 =	vld.idx.msk [tilespmem:v22+s18+$0x0], $0xffff  }
0xe7: {  	vm1 =	vlt.f32 v10, v15;
	v10 =	vsel vm3, v13, v10;
	v12 =	vsel vm2, v12, v17;
	v13 =	vld.idx.msk [tilespmem:v22+s19+$0x0], $0xffff  }
0xe8: {  	v8 =	vnsel vm3, s25, v8;
	v7 =	vsel vm0, v21, v7;
	v10 =	vsel vm1, v10, v15;
	v15 =	vld.idx.msk [tilespmem:v22+s20+$0x0], $0xffff  }
0xe9: {  	v7 =	vsel vm1, v8, v7;
	v8 =	vnsel vm2, s26, v17;
	vm0 =	vlt.f32 v9, v10;
	v9 =	vld.idx.msk [tilespmem:v11+s18+$0x0], $0xffff  }
0xea: {  	v7 =	vsel vm0, v8, v7;
	v8 =	vadd.f32 $0.0e+00, v23;
	v10 =	vld.idx.msk [tilespmem:v11+s19+$0x0], $0xffff  }
0xeb: {  	v17 =	vadd.f32 $0.0e+00, v25;
	v11 =	vld.idx.msk [tilespmem:v11+s20+$0x0], $0xffff  }
0xec: {  	v20 =	vadd.f32 $0.0e+00, v26;
	v8 =	vadd.f32 v19, v8;
	v19 =	vld.idx.msk [tilespmem:v12+s18+$0x0], $0xffff  }
0xed: {  	v16 =	vadd.f32 v16, v17;
	v17 =	vld.idx.msk [tilespmem:v12+s19+$0x0], $0xffff  }
0xee: {  	v18 =	vadd.f32 v18, v20;
	v12 =	vld.idx.msk [tilespmem:v12+s20+$0x0], $0xffff;
	v8 =	vadd.f32 v14, v8  }
0xef: {  	v13 =	vadd.f32 v13, v16;
	v14 =	vld.idx.msk [tilespmem:v7+s18+$0x0], $0xffff  }
0xf0: {  	v15 =	vadd.f32 v15, v18;
	v8 =	vadd.f32 v9, v8;
	v9 =	vld.idx.msk [tilespmem:v7+s19+$0x0], $0xffff  }
0xf1: {  	v10 =	vadd.f32 v10, v13;
	v7 =	vld.idx.msk [tilespmem:v7+s20+$0x0], $0xffff  }
0xf2: {  	v11 =	vadd.f32 v11, v15;
	v8 =	vadd.f32 v19, v8  }
0xf3: {  	s28 =	simm.s32 $0x1;
	v10 =	vadd.f32 v17, v10  }
0xf4: {  	v11 =	vadd.f32 v12, v11;
	v12 =	vmov s28;
	v8 =	vadd.f32 v14, v8  }
0xf5: {  	s29 =	simm.s32 $0x0;
	v9 =	vadd.f32 v9, v10  }
0xf6: {  	v7 =	vadd.f32 v7, v11;
	v10 =	vmov s29;
	[tilespmem:$0x5110] =	vst v8  }
0xf7: {  	s25 =	simm.s32 $0x2;
	v8 =	vld [tilespmem:$0x20];
	[tilespmem:$0x5190] =	vst v9  }
0xf8: {  	v11 =	vmov s25;
	[tilespmem:$0x5210] =	vst v7;
	v9 =	vld [tilespmem:$0xA0]  }
0xf9: {  	v13 =	vld.idx.msk [tilespmem:v12+s17+$0x0], $0xffff  }
0xfa: {  	v7 =	vld.idx.msk [tilespmem:v12+s16+$0x0], $0xffff  }
0xfb: {  	v14 =	vld.idx.msk [tilespmem:v10+s16+$0x0], $0xffff  }
0xfc: {  	v15 =	vld.idx.msk [tilespmem:v10+s17+$0x0], $0xffff  }
0xfd: {  	v16 =	vld.idx.msk [tilespmem:v11+s16+$0x0], $0xffff  }
0xfe: {  	v17 =	vld.idx.msk [tilespmem:v11+s17+$0x0], $0xffff;
	_ =	sdelay $0x1  }
0xff: {  	v18 =	vsub.f32 v7, v8  }
0x100: {  	s26 =	simm.s32 $0x3;
	v19 =	vsub.f32 v13, v9;
	v14 =	vsub.f32 v14, v8  }
0x101: {  	v7 =	vmov s26;
	v15 =	vsub.f32 v15, v9;
	v16 =	vsub.f32 v16, v8  }
0x102: {  	v17 =	vsub.f32 v17, v9;
	v20 =	vmul.f32 v18, v18;
	v19 =	vmul.f32 v19, v19  }
0x103: {  	v14 =	vmul.f32 v14, v14;
	v15 =	vmul.f32 v15, v15  }
0x104: {  	vm1 =	veq.s32 v12, v2;
	v16 =	vmul.f32 v16, v16;
	v17 =	vmul.f32 v17, v17  }
0x105: {  	vm0 =	veq.s32 v10, v2;
	v13 =	vimm.f32 $+Inf;
	v14 =	vadd.f32 v15, v14  }
0x106: {  	v18 =	vimm.s32 $0x0;
	v15 =	vadd.f32 v19, v20;
	v19 =	vld.idx.msk [tilespmem:v7+s16+$0x0], $0xffff;
	v10 =	vadd.f32 v17, v16  }
0x107: {  	v17 =	vimm.s32 $0x0;
	v12 =	vsel vm0, $0x7F800000, v14;
	vm0 =	veq.s32 v11, v2  }
0x108: {  	v11 =	vsel vm1, $0x7F800000, v15;
	vm2 =	vlt.f32 v12, v13;
	v10 =	vsel vm0, $0x7F800000, v10  }
0x109: {  	v21 =	vsel vm2, v13, v12;
	v12 =	vsel vm2, v12, v13;
	v15 =	vsel vm2, s29, v18  }
0x10a: {  	v25 =	vnsel vm2, s29, v18;
	vm1 =	vmmov vm2;
	vm0 =	vlt.f32 v11, v12  }
0x10b: {  	v24 =	vsub.f32 v19, v8;
	v19 =	vsel vm2, v21, v13;
	v14 =	vsel vm2, v25, v18  }
0x10c: {  	v29 =	vsel vm2, v25, v18;
	v23 =	vsel vm0, v11, v12;
	v27 =	vnsel vm0, s28, v15  }
0x10d: {  	v16 =	vsel vm0, v12, v11;
	vm4 =	vlt.f32 v11, v19;
	v28 =	vsel vm0, s28, v15  }
0x10e: {  	vm0 =	vmmov vm2;
	vm3 =	vlt.f32 v10, v23;
	v22 =	vsel vm4, v19, v11  }
0x10f: {  	s0 =	simm.s32 $0x4;
	v20 =	vld.idx.msk [tilespmem:v7+s17+$0x0], $0xffff;
	v26 =	vsel vm4, v16, v19;
	v16 =	vimm.s32 $0x0;
	v15 =	vmovc v19;
	v12 =	vsel vm3, v10, v23  }
.LBB2_6:
0x110: {  	s1 =	sadd.s32 $0x1, s0  }
0x111: {  	s31 =	sadd.s32 $0x2, s0;
	v18 =	vsel vm2, v25, v18;
	v25 =	vsel vm4, v27, v29;
	v24 =	vmul.f32 v24, v24;
	s15 =	smov.u32 s0;
	s30 =	sadd.s32 $0x4, s0  }
0x112: {  	p0 =	slt.u32 s0, $0xFFC;
	v31 =	vnsel vm3, s25, v28;
	v27 =	vmov s1;
	v30 =	vmov s31  }
0x113: {  	v29 =	vnsel vm4, s28, v29;
	vm2 =	vlt.f32 v10, v26;
	v23 =	vsel vm3, v23, v10  }
0x114: {  	v28 =	vsel vm3, s25, v28;
	v20 =	vsub.f32 v20, v9;
	v32 =	vsel vm2, v26, v10  }
0x115: {  	v23 =	vsel vm2, v23, v26;
	v26 =	vsel vm2, v31, v25  }
0x116: {  	v17 =	vnsel vm1, s29, v17;
	v13 =	vsel vm1, v21, v13;
	vm1 =	vlt.f32 v11, v19;
	s29 =	smov.u32 s15  }
0x117: {  	v16 =	vsel vm0, v17, v16;
	v17 =	vsel vm1, v22, v19;
	v21 =	vsel vm1, v29, v18  }
0x118: {  	vm0 =	vlt.f32 v11, v13;
	v22 =	vnsel vm2, s25, v25;
	v20 =	vmul.f32 v20, v20  }
0x119: {  	v19 =	vsel vm1, v19, v11;
	v25 =	vsel vm0, v13, v11;
	vm2 =	vlt.f32 v10, v17  }
0x11a: {  	v18 =	vnsel vm1, s28, v18;
	v29 =	vnsel vm0, s28, v14;
	s28 =	smov.u32 s1;
	v22 =	vsel vm2, v22, v21  }
0x11b: {  	vm1 =	veq.s32 v7, v2;
	s0 =	sadd.s32 $0x3, s29;
	v14 =	vsel vm0, v18, v14;
	v18 =	vsel vm2, v17, v10  }
0x11c: {  	vm3 =	vlt.f32 v11, v15;
	v7 =	vmov s0;
	v11 =	vadd.f32 v20, v24  }
0x11d: {  	v13 =	vsel vm0, v19, v13;
	v15 =	vsel vm3, v25, v15;
	v19 =	vnsel vm2, s25, v21;
	v20 =	vld.idx.msk [tilespmem:v30+s17+$0x0], $0xffff  }
0x11e: {  	v21 =	vmov s29;
	vm4 =	vlt.f32 v10, v13;
	vm5 =	vlt.f32 v10, v15;
	v24 =	vld.idx.msk [tilespmem:v27+s17+$0x0], $0xffff  }
0x11f: {  	v16 =	vsel vm3, v29, v16;
	v17 =	vsel vm2, v32, v17;
	v11 =	vsel vm1, $0x7F800000, v11;
	v25 =	vld.idx.msk [tilespmem:v27+s16+$0x0], $0xffff  }
0x120: {  	v10 =	vsel vm4, v13, v10;
	v13 =	vsel vm4, v18, v13;
	vm3 =	vlt.f32 v11, v12;
	v29 =	vld.idx.msk [tilespmem:v30+s16+$0x0], $0xffff  }
0x121: {  	v10 =	vsel vm5, v10, v15;
	vm0 =	vlt.f32 v11, v17;
	v15 =	vsel vm3, v11, v12  }
0x122: {  	v18 =	vnsel vm4, s25, v14;
	s25 =	smov.u32 s31;
	v31 =	vsel vm0, v17, v11;
	v32 =	vsel vm3, s26, v28  }
0x123: {  	v14 =	vsel vm4, v19, v14;
	v16 =	vsel vm5, v18, v16;
	v18 =	vnsel vm3, s26, v28;
	v33 =	vld.idx.msk [tilespmem:v21+s16+$0x0], $0xffff  }
0x124: {  	vm4 =	vlt.f32 v11, v23;
	vm2 =	vlt.f32 v11, v13;
	vm1 =	vlt.f32 v11, v10;
	v19 =	vld.idx.msk [tilespmem:v21+s17+$0x0], $0xffff  }
0x125: {  	v28 =	vsel vm4, v23, v11;
	v24 =	vsub.f32 v24, v9;
	v25 =	vsub.f32 v25, v8  }
0x126: {  	v34 =	vsel vm4, v18, v26;
	v20 =	vsub.f32 v20, v9;
	v29 =	vsub.f32 v29, v8  }
0x127: {  	v24 =	vmul.f32 v24, v24;
	v18 =	vmul.f32 v25, v25;
	v25 =	vnsel vm4, s26, v26  }
0x128: {  	v12 =	vsel vm3, v12, v11;
	v20 =	vmul.f32 v20, v20;
	v26 =	vmul.f32 v29, v29  }
0x129: {  	v12 =	vsel vm4, v12, v23;
	v29 =	vsub.f32 v33, v8;
	v24 =	vadd.f32 v24, v18  }
0x12a: {  	v18 =	vsub.f32 v19, v9;
	v19 =	vadd.f32 v20, v26;
	v20 =	vnsel vm0, s26, v22  }
0x12b: {  	v11 =	vsel vm2, v13, v11;
	v26 =	vnsel vm2, s26, v14;
	s26 =	smov.u32 s0;
	v23 =	vmul.f32 v29, v29  }
0x12c: {  	v28 =	vsel vm0, v28, v17;
	v16 =	vsel vm1, v26, v16;
	v29 =	vmul.f32 v18, v18  }
0x12d: {  	v13 =	vsel vm2, v31, v13;
	v17 =	vsel vm2, v20, v14;
	v18 =	vsel vm0, v25, v22  }
0x12e: {  	vm0 =	veq.s32 v21, v2;
	v22 =	vsel vm1, v11, v10;
	v14 =	vadd.f32 v29, v23;
	v21 =	vld.idx.msk [tilespmem:v7+s16+$0x0], $0xffff  }
0x12f: {  	vm2 =	veq.s32 v30, v2;
	vm1 =	veq.s32 v27, v2;
	v20 =	vld.idx.msk [tilespmem:v7+s17+$0x0], $0xffff  }
0x130: {  	v10 =	vsel vm2, $0x7F800000, v19;
	v11 =	vsel vm1, $0x7F800000, v24;
	v26 =	vsel vm0, $0x7F800000, v14  }
0x131: {  	vm3 =	vlt.f32 v26, v15;
	vm5 =	vlt.f32 v26, v12;
	vm0 =	vlt.f32 v26, v22  }
0x132: {  	v19 =	vsel vm5, v12, v26;
	v14 =	vsel vm3, v15, v26;
	v30 =	vsel vm3, s29, v32  }
0x133: {  	vm2 =	vlt.f32 v26, v28;
	vm1 =	vlt.f32 v26, v13;
	v29 =	vnsel vm3, s29, v32  }
0x134: {  	v25 =	vnsel vm5, s29, v34;
	v15 =	vsel vm3, v26, v15;
	v24 =	vsub.f32 v21, v8  }
0x135: {  	v31 =	vsel vm5, v14, v12;
	vm6 =	vlt.f32 v11, v15;
	v21 =	vnsel vm2, s29, v18  }
.Ltmp2:
0x136: {  	v27 =	vnsel vm6, s28, v30;
	v23 =	vsel vm6, v11, v15;
	v14 =	vsel vm1, v21, v17;
	(pc) =	sbr.rel @p0 .LBB2_6-.Ltmp2, $4  }
0x137: {  	v12 =	vsel vm1, v13, v26;
	v32 =	vsel vm6, v15, v11;
	vm3 =	vlt.f32 v10, v23  }
0x138: {  	v15 =	vsel vm0, v12, v22;
	vm4 =	vlt.f32 v11, v31;
	v12 =	vsel vm3, v10, v23  }
0x139: {  	v21 =	vsel vm2, v28, v26;
	v22 =	vsel vm4, v31, v11;
	v26 =	vsel vm4, v32, v31  }
0x13a: {  	s0 =	smov.u32 s30;
	v19 =	vsel vm2, v19, v28;
	v29 =	vsel vm5, v29, v34;
	v28 =	vsel vm6, s28, v30  }
0x13b: {  	v8 =	vsel vm2, v25, v18;
	v9 =	vsub.f32 v20, v9;
	v18 =	vsel vm4, v27, v29  }
0x13c: {  	v20 =	vmul.f32 v24, v24;
	v24 =	vnsel vm3, s25, v28;
	v25 =	vnsel vm4, s28, v29  }
0x13d: {  	vm2 =	vlt.f32 v10, v26;
	v23 =	vsel vm3, v23, v10;
	v9 =	vmul.f32 v9, v9  }
0x13e: {  	v28 =	vsel vm3, s25, v28;
	v17 =	vnsel vm1, s29, v17;
	v13 =	vsel vm1, v21, v13  }
0x13f: {  	vm1 =	veq.s32 v7, v2;
	vm3 =	vlt.f32 v11, v19;
	v9 =	vadd.f32 v9, v20  }
0x140: {  	v27 =	vsel vm2, v26, v10;
	v23 =	vsel vm2, v23, v26;
	v24 =	vsel vm2, v24, v18  }
0x141: {  	v7 =	vsel vm0, v17, v16;
	v16 =	vsel vm3, v22, v19;
	v9 =	vsel vm1, $0x7F800000, v9  }
0x142: {  	v17 =	vsel vm3, v25, v8;
	v19 =	vsel vm3, v19, v11;
	vm0 =	vlt.f32 v9, v12  }
0x143: {  	vm1 =	vlt.f32 v11, v13;
	v12 =	vnsel vm2, s25, v18;
	v18 =	vsel vm0, s26, v28  }
0x144: {  	v8 =	vnsel vm3, s28, v8;
	v20 =	vsel vm1, v13, v11;
	vm2 =	vlt.f32 v10, v16  }
0x145: {  	v25 =	vld.idx.msk [tilespmem:v2+s19+$0x0], $0xffff;
	v21 =	vnsel vm1, s28, v14;
	v22 =	vnsel vm0, s26, v28;
	vm0 =	vlt.f32 v9, v23  }
0x146: {  	v26 =	vld.idx.msk [tilespmem:v2+s20+$0x0], $0xffff;
	v8 =	vsel vm1, v8, v14;
	v13 =	vsel vm1, v19, v13;
	v22 =	vsel vm0, v22, v24  }
0x147: {  	v23 =	vld.idx.msk [tilespmem:v2+s18+$0x0], $0xffff;
	v12 =	vsel vm2, v12, v17;
	v14 =	vsel vm2, v16, v10;
	v16 =	vsel vm2, v27, v16  }
0x148: {  	vm3 =	vlt.f32 v10, v13;
	vm1 =	vlt.f32 v9, v16;
	v16 =	vnsel vm0, s26, v24;
	v19 =	vld.idx.msk [tilespmem:v18+s18+$0x0], $0xffff  }
0x149: {  	v17 =	vnsel vm2, s25, v17;
	vm0 =	vlt.f32 v11, v15;
	v11 =	vsel vm1, v16, v12;
	v16 =	vld.idx.msk [tilespmem:v18+s19+$0x0], $0xffff  }
0x14a: {  	v14 =	vsel vm3, v14, v13;
	v17 =	vsel vm3, v17, v8;
	v18 =	vld.idx.msk [tilespmem:v18+s20+$0x0], $0xffff  }
0x14b: {  	v15 =	vsel vm0, v20, v15;
	vm2 =	vlt.f32 v9, v14;
	v12 =	vnsel vm1, s26, v12;
	v14 =	vld.idx.msk [tilespmem:v22+s18+$0x0], $0xffff  }
0x14c: {  	vm1 =	vlt.f32 v10, v15;
	v10 =	vsel vm3, v13, v10;
	v12 =	vsel vm2, v12, v17;
	v13 =	vld.idx.msk [tilespmem:v22+s19+$0x0], $0xffff  }
0x14d: {  	v8 =	vnsel vm3, s25, v8;
	v7 =	vsel vm0, v21, v7;
	v10 =	vsel vm1, v10, v15;
	v15 =	vld.idx.msk [tilespmem:v22+s20+$0x0], $0xffff  }
0x14e: {  	v7 =	vsel vm1, v8, v7;
	v8 =	vnsel vm2, s26, v17;
	vm0 =	vlt.f32 v9, v10;
	v9 =	vld.idx.msk [tilespmem:v11+s18+$0x0], $0xffff  }
0x14f: {  	v7 =	vsel vm0, v8, v7;
	v8 =	vadd.f32 $0.0e+00, v23;
	v10 =	vld.idx.msk [tilespmem:v11+s19+$0x0], $0xffff  }
0x150: {  	v17 =	vadd.f32 $0.0e+00, v25;
	v11 =	vld.idx.msk [tilespmem:v11+s20+$0x0], $0xffff  }
0x151: {  	v20 =	vadd.f32 $0.0e+00, v26;
	v8 =	vadd.f32 v19, v8;
	v19 =	vld.idx.msk [tilespmem:v12+s18+$0x0], $0xffff  }
0x152: {  	v16 =	vadd.f32 v16, v17;
	v17 =	vld.idx.msk [tilespmem:v12+s19+$0x0], $0xffff  }
0x153: {  	v18 =	vadd.f32 v18, v20;
	v12 =	vld.idx.msk [tilespmem:v12+s20+$0x0], $0xffff;
	v8 =	vadd.f32 v14, v8  }
0x154: {  	v13 =	vadd.f32 v13, v16;
	v14 =	vld.idx.msk [tilespmem:v7+s18+$0x0], $0xffff  }
0x155: {  	v15 =	vadd.f32 v15, v18;
	v8 =	vadd.f32 v9, v8;
	v9 =	vld.idx.msk [tilespmem:v7+s19+$0x0], $0xffff  }
0x156: {  	v10 =	vadd.f32 v10, v13;
	v7 =	vld.idx.msk [tilespmem:v7+s20+$0x0], $0xffff  }
0x157: {  	v11 =	vadd.f32 v11, v15;
	v8 =	vadd.f32 v19, v8  }
0x158: {  	s28 =	simm.s32 $0x1;
	v10 =	vadd.f32 v17, v10  }
0x159: {  	v11 =	vadd.f32 v12, v11;
	v12 =	vmov s28;
	v8 =	vadd.f32 v14, v8  }
0x15a: {  	s29 =	simm.s32 $0x0;
	v9 =	vadd.f32 v9, v10  }
0x15b: {  	v7 =	vadd.f32 v7, v11;
	v10 =	vmov s29;
	[tilespmem:$0x5120] =	vst v8  }
0x15c: {  	s25 =	simm.s32 $0x2;
	v8 =	vld [tilespmem:$0x30];
	[tilespmem:$0x51A0] =	vst v9  }
0x15d: {  	v11 =	vmov s25;
	[tilespmem:$0x5220] =	vst v7;
	v9 =	vld [tilespmem:$0xB0]  }
0x15e: {  	v13 =	vld.idx.msk [tilespmem:v12+s17+$0x0], $0xffff  }
0x15f: {  	v7 =	vld.idx.msk [tilespmem:v12+s16+$0x0], $0xffff  }
0x160: {  	v14 =	vld.idx.msk [tilespmem:v10+s16+$0x0], $0xffff  }
0x161: {  	v15 =	vld.idx.msk [tilespmem:v10+s17+$0x0], $0xffff  }
0x162: {  	v16 =	vld.idx.msk [tilespmem:v11+s16+$0x0], $0xffff  }
0x163: {  	v17 =	vld.idx.msk [tilespmem:v11+s17+$0x0], $0xffff;
	_ =	sdelay $0x1  }
0x164: {  	v18 =	vsub.f32 v7, v8  }
0x165: {  	s26 =	simm.s32 $0x3;
	v19 =	vsub.f32 v13, v9;
	v14 =	vsub.f32 v14, v8  }
0x166: {  	v7 =	vmov s26;
	v15 =	vsub.f32 v15, v9;
	v16 =	vsub.f32 v16, v8  }
0x167: {  	v17 =	vsub.f32 v17, v9;
	v20 =	vmul.f32 v18, v18;
	v19 =	vmul.f32 v19, v19  }
0x168: {  	v14 =	vmul.f32 v14, v14;
	v15 =	vmul.f32 v15, v15  }
0x169: {  	vm1 =	veq.s32 v12, v3;
	v16 =	vmul.f32 v16, v16;
	v17 =	vmul.f32 v17, v17  }
0x16a: {  	vm0 =	veq.s32 v10, v3;
	v13 =	vimm.f32 $+Inf;
	v14 =	vadd.f32 v15, v14  }
0x16b: {  	v18 =	vimm.s32 $0x0;
	v15 =	vadd.f32 v19, v20;
	v19 =	vld.idx.msk [tilespmem:v7+s16+$0x0], $0xffff;
	v10 =	vadd.f32 v17, v16  }
0x16c: {  	v17 =	vimm.s32 $0x0;
	v12 =	vsel vm0, $0x7F800000, v14;
	vm0 =	veq.s32 v11, v3  }
0x16d: {  	v11 =	vsel vm1, $0x7F800000, v15;
	vm2 =	vlt.f32 v12, v13;
	v10 =	vsel vm0, $0x7F800000, v10  }
0x16e: {  	v21 =	vsel vm2, v13, v12;
	v12 =	vsel vm2, v12, v13;
	v15 =	vsel vm2, s29, v18  }
0x16f: {  	v25 =	vnsel vm2, s29, v18;
	vm1 =	vmmov vm2;
	vm0 =	vlt.f32 v11, v12  }
0x170: {  	v24 =	vsub.f32 v19, v8;
	v19 =	vsel vm2, v21, v13;
	v14 =	vsel vm2, v25, v18  }
0x171: {  	v29 =	vsel vm2, v25, v18;
	v23 =	vsel vm0, v11, v12;
	v27 =	vnsel vm0, s28, v15  }
0x172: {  	v16 =	vsel vm0, v12, v11;
	vm4 =	vlt.f32 v11, v19;
	v28 =	vsel vm0, s28, v15  }
0x173: {  	vm0 =	vmmov vm2;
	vm3 =	vlt.f32 v10, v23;
	v22 =	vsel vm4, v19, v11  }
0x174: {  	s0 =	simm.s32 $0x4;
	v20 =	vld.idx.msk [tilespmem:v7+s17+$0x0], $0xffff;
	v26 =	vsel vm4, v16, v19;
	v16 =	vimm.s32 $0x0;
	v15 =	vmovc v19;
	v12 =	vsel vm3, v10, v23  }
.LBB2_8:
0x175: {  	s1 =	sadd.s32 $0x1, s0  }
0x176: {  	s31 =	sadd.s32 $0x2, s0;
	v18 =	vsel vm2, v25, v18;
	v25 =	vsel vm4, v27, v29;
	v24 =	vmul.f32 v24, v24;
	s15 =	smov.u32 s0;
	s30 =	sadd.s32 $0x4, s0  }
0x177: {  	p0 =	slt.u32 s0, $0xFFC;
	v31 =	vnsel vm3, s25, v28;
	v27 =	vmov s1;
	v30 =	vmov s31  }
0x178: {  	v29 =	vnsel vm4, s28, v29;
	vm2 =	vlt.f32 v10, v26;
	v23 =	vsel vm3, v23, v10  }
0x179: {  	v28 =	vsel vm3, s25, v28;
	v20 =	vsub.f32 v20, v9;
	v32 =	vsel vm2, v26, v10  }
0x17a: {  	v23 =	vsel vm2, v23, v26;
	v26 =	vsel vm2, v31, v25  }
0x17b: {  	v17 =	vnsel vm1, s29, v17;
	v13 =	vsel vm1, v21, v13;
	vm1 =	vlt.f32 v11, v19;
	s29 =	smov.u32 s15  }
0x17c: {  	v16 =	vsel vm0, v17, v16;
	v17 =	vsel vm1, v22, v19;
	v21 =	vsel vm1, v29, v18  }
0x17d: {  	vm0 =	vlt.f32 v11, v13;
	v22 =	vnsel vm2, s25, v25;
	v20 =	vmul.f32 v20, v20  }
0x17e: {  	v19 =	vsel vm1, v19, v11;
	v25 =	vsel vm0, v13, v11;
	vm2 =	vlt.f32 v10, v17  }
0x17f: {  	v18 =	vnsel vm1, s28, v18;
	v29 =	vnsel vm0, s28, v14;
	s28 =	smov.u32 s1;
	v22 =	vsel vm2, v22, v21  }
0x180: {  	vm1 =	veq.s32 v7, v3;
	s0 =	sadd.s32 $0x3, s29;
	v14 =	vsel vm0, v18, v14;
	v18 =	vsel vm2, v17, v10  }
0x181: {  	vm3 =	vlt.f32 v11, v15;
	v7 =	vmov s0;
	v11 =	vadd.f32 v20, v24  }
0x182: {  	v13 =	vsel vm0, v19, v13;
	v15 =	vsel vm3, v25, v15;
	v19 =	vnsel vm2, s25, v21;
	v20 =	vld.idx.msk [tilespmem:v30+s17+$0x0], $0xffff  }
0x183: {  	v21 =	vmov s29;
	vm4 =	vlt.f32 v10, v13;
	vm5 =	vlt.f32 v10, v15;
	v24 =	vld.idx.msk [tilespmem:v27+s17+$0x0], $0xffff  }
0x184: {  	v16 =	vsel vm3, v29, v16;
	v17 =	vsel vm2, v32, v17;
	v11 =	vsel vm1, $0x7F800000, v11;
	v25 =	vld.idx.msk [tilespmem:v27+s16+$0x0], $0xffff  }
0x185: {  	v10 =	vsel vm4, v13, v10;
	v13 =	vsel vm4, v18, v13;
	vm3 =	vlt.f32 v11, v12;
	v29 =	vld.idx.msk [tilespmem:v30+s16+$0x0], $0xffff  }
0x186: {  	v10 =	vsel vm5, v10, v15;
	vm0 =	vlt.f32 v11, v17;
	v15 =	vsel vm3, v11, v12  }
0x187: {  	v18 =	vnsel vm4, s25, v14;
	s25 =	smov.u32 s31;
	v31 =	vsel vm0, v17, v11;
	v32 =	vsel vm3, s26, v28  }
0x188: {  	v14 =	vsel vm4, v19, v14;
	v16 =	vsel vm5, v18, v16;
	v18 =	vnsel vm3, s26, v28;
	v33 =	vld.idx.msk [tilespmem:v21+s16+$0x0], $0xffff  }
0x189: {  	vm4 =	vlt.f32 v11, v23;
	vm2 =	vlt.f32 v11, v13;
	vm1 =	vlt.f32 v11, v10;
	v19 =	vld.idx.msk [tilespmem:v21+s17+$0x0], $0xffff  }
0x18a: {  	v28 =	vsel vm4, v23, v11;
	v24 =	vsub.f32 v24, v9;
	v25 =	vsub.f32 v25, v8  }
0x18b: {  	v34 =	vsel vm4, v18, v26;
	v20 =	vsub.f32 v20, v9;
	v29 =	vsub.f32 v29, v8  }
0x18c: {  	v24 =	vmul.f32 v24, v24;
	v18 =	vmul.f32 v25, v25;
	v25 =	vnsel vm4, s26, v26  }
0x18d: {  	v12 =	vsel vm3, v12, v11;
	v20 =	vmul.f32 v20, v20;
	v26 =	vmul.f32 v29, v29  }
0x18e: {  	v12 =	vsel vm4, v12, v23;
	v29 =	vsub.f32 v33, v8;
	v24 =	vadd.f32 v24, v18  }
0x18f: {  	v18 =	vsub.f32 v19, v9;
	v19 =	vadd.f32 v20, v26;
	v20 =	vnsel vm0, s26, v22  }
0x190: {  	v11 =	vsel vm2, v13, v11;
	v26 =	vnsel vm2, s26, v14;
	s26 =	smov.u32 s0;
	v23 =	vmul.f32 v29, v29  }
0x191: {  	v28 =	vsel vm0, v28, v17;
	v16 =	vsel vm1, v26, v16;
	v29 =	vmul.f32 v18, v18  }
0x192: {  	v13 =	vsel vm2, v31, v13;
	v17 =	vsel vm2, v20, v14;
	v18 =	vsel vm0, v25, v22  }
0x193: {  	vm0 =	veq.s32 v21, v3;
	v22 =	vsel vm1, v11, v10;
	v14 =	vadd.f32 v29, v23;
	v21 =	vld.idx.msk [tilespmem:v7+s16+$0x0], $0xffff  }
0x194: {  	vm2 =	veq.s32 v30, v3;
	vm1 =	veq.s32 v27, v3;
	v20 =	vld.idx.msk [tilespmem:v7+s17+$0x0], $0xffff  }
0x195: {  	v10 =	vsel vm2, $0x7F800000, v19;
	v11 =	vsel vm1, $0x7F800000, v24;
	v26 =	vsel vm0, $0x7F800000, v14  }
0x196: {  	vm3 =	vlt.f32 v26, v15;
	vm5 =	vlt.f32 v26, v12;
	vm0 =	vlt.f32 v26, v22  }
0x197: {  	v19 =	vsel vm5, v12, v26;
	v14 =	vsel vm3, v15, v26;
	v30 =	vsel vm3, s29, v32  }
0x198: {  	vm2 =	vlt.f32 v26, v28;
	vm1 =	vlt.f32 v26, v13;
	v29 =	vnsel vm3, s29, v32  }
0x199: {  	v25 =	vnsel vm5, s29, v34;
	v15 =	vsel vm3, v26, v15;
	v24 =	vsub.f32 v21, v8  }
0x19a: {  	v31 =	vsel vm5, v14, v12;
	vm6 =	vlt.f32 v11, v15;
	v21 =	vnsel vm2, s29, v18  }
.Ltmp3:
0x19b: {  	v27 =	vnsel vm6, s28, v30;
	v23 =	vsel vm6, v11, v15;
	v14 =	vsel vm1, v21, v17;
	(pc) =	sbr.rel @p0 .LBB2_8-.Ltmp3, $4  }
0x19c: {  	v12 =	vsel vm1, v13, v26;
	v32 =	vsel vm6, v15, v11;
	vm3 =	vlt.f32 v10, v23  }
0x19d: {  	v15 =	vsel vm0, v12, v22;
	vm4 =	vlt.f32 v11, v31;
	v12 =	vsel vm3, v10, v23  }
0x19e: {  	v21 =	vsel vm2, v28, v26;
	v22 =	vsel vm4, v31, v11;
	v26 =	vsel vm4, v32, v31  }
0x19f: {  	s0 =	smov.u32 s30;
	v19 =	vsel vm2, v19, v28;
	v29 =	vsel vm5, v29, v34;
	v28 =	vsel vm6, s28, v30  }
0x1a0: {  	v8 =	vsel vm2, v25, v18;
	v9 =	vsub.f32 v20, v9;
	v18 =	vsel vm4, v27, v29  }
0x1a1: {  	v20 =	vmul.f32 v24, v24;
	v24 =	vnsel vm3, s25, v28;
	v25 =	vnsel vm4, s28, v29  }
0x1a2: {  	vm2 =	vlt.f32 v10, v26;
	v23 =	vsel vm3, v23, v10;
	v9 =	vmul.f32 v9, v9  }
0x1a3: {  	v28 =	vsel vm3, s25, v28;
	v17 =	vnsel vm1, s29, v17;
	v13 =	vsel vm1, v21, v13  }
0x1a4: {  	vm1 =	veq.s32 v7, v3;
	vm3 =	vlt.f32 v11, v19;
	v9 =	vadd.f32 v9, v20  }
0x1a5: {  	v27 =	vsel vm2, v26, v10;
	v23 =	vsel vm2, v23, v26;
	v24 =	vsel vm2, v24, v18  }
0x1a6: {  	v7 =	vsel vm0, v17, v16;
	v16 =	vsel vm3, v22, v19;
	v9 =	vsel vm1, $0x7F800000, v9  }
0x1a7: {  	v17 =	vsel vm3, v25, v8;
	v19 =	vsel vm3, v19, v11;
	vm0 =	vlt.f32 v9, v12  }
0x1a8: {  	vm1 =	vlt.f32 v11, v13;
	v12 =	vnsel vm2, s25, v18;
	v18 =	vsel vm0, s26, v28  }
0x1a9: {  	v8 =	vnsel vm3, s28, v8;
	v20 =	vsel vm1, v13, v11;
	vm2 =	vlt.f32 v10, v16  }
0x1aa: {  	v25 =	vld.idx.msk [tilespmem:v3+s19+$0x0], $0xffff;
	v21 =	vnsel vm1, s28, v14;
	v22 =	vnsel vm0, s26, v28;
	vm0 =	vlt.f32 v9, v23  }
0x1ab: {  	v26 =	vld.idx.msk [tilespmem:v3+s20+$0x0], $0xffff;
	v8 =	vsel vm1, v8, v14;
	v13 =	vsel vm1, v19, v13;
	v22 =	vsel vm0, v22, v24  }
0x1ac: {  	v23 =	vld.idx.msk [tilespmem:v3+s18+$0x0], $0xffff;
	v12 =	vsel vm2, v12, v17;
	v14 =	vsel vm2, v16, v10;
	v16 =	vsel vm2, v27, v16  }
0x1ad: {  	vm3 =	vlt.f32 v10, v13;
	vm1 =	vlt.f32 v9, v16;
	v16 =	vnsel vm0, s26, v24;
	v19 =	vld.idx.msk [tilespmem:v18+s18+$0x0], $0xffff  }
0x1ae: {  	v17 =	vnsel vm2, s25, v17;
	vm0 =	vlt.f32 v11, v15;
	v11 =	vsel vm1, v16, v12;
	v16 =	vld.idx.msk [tilespmem:v18+s19+$0x0], $0xffff  }
0x1af: {  	v14 =	vsel vm3, v14, v13;
	v17 =	vsel vm3, v17, v8;
	v18 =	vld.idx.msk [tilespmem:v18+s20+$0x0], $0xffff  }
0x1b0: {  	v15 =	vsel vm0, v20, v15;
	vm2 =	vlt.f32 v9, v14;
	v12 =	vnsel vm1, s26, v12;
	v14 =	vld.idx.msk [tilespmem:v22+s18+$0x0], $0xffff  }
0x1b1: {  	vm1 =	vlt.f32 v10, v15;
	v10 =	vsel vm3, v13, v10;
	v12 =	vsel vm2, v12, v17;
	v13 =	vld.idx.msk [tilespmem:v22+s19+$0x0], $0xffff  }
0x1b2: {  	v8 =	vnsel vm3, s25, v8;
	v7 =	vsel vm0, v21, v7;
	v10 =	vsel vm1, v10, v15;
	v15 =	vld.idx.msk [tilespmem:v22+s20+$0x0], $0xffff  }
0x1b3: {  	v7 =	vsel vm1, v8, v7;
	v8 =	vnsel vm2, s26, v17;
	vm0 =	vlt.f32 v9, v10;
	v9 =	vld.idx.msk [tilespmem:v11+s18+$0x0], $0xffff  }
0x1b4: {  	v7 =	vsel vm0, v8, v7;
	v8 =	vadd.f32 $0.0e+00, v23;
	v10 =	vld.idx.msk [tilespmem:v11+s19+$0x0], $0xffff  }
0x1b5: {  	v17 =	vadd.f32 $0.0e+00, v25;
	v11 =	vld.idx.msk [tilespmem:v11+s20+$0x0], $0xffff  }
0x1b6: {  	v20 =	vadd.f32 $0.0e+00, v26;
	v8 =	vadd.f32 v19, v8;
	v19 =	vld.idx.msk [tilespmem:v12+s18+$0x0], $0xffff  }
0x1b7: {  	v16 =	vadd.f32 v16, v17;
	v17 =	vld.idx.msk [tilespmem:v12+s19+$0x0], $0xffff  }
0x1b8: {  	v18 =	vadd.f32 v18, v20;
	v12 =	vld.idx.msk [tilespmem:v12+s20+$0x0], $0xffff;
	v8 =	vadd.f32 v14, v8  }
0x1b9: {  	v13 =	vadd.f32 v13, v16;
	v14 =	vld.idx.msk [tilespmem:v7+s18+$0x0], $0xffff  }
0x1ba: {  	v15 =	vadd.f32 v15, v18;
	v8 =	vadd.f32 v9, v8;
	v9 =	vld.idx.msk [tilespmem:v7+s19+$0x0], $0xffff  }
0x1bb: {  	v10 =	vadd.f32 v10, v13;
	v7 =	vld.idx.msk [tilespmem:v7+s20+$0x0], $0xffff  }
0x1bc: {  	v11 =	vadd.f32 v11, v15;
	v8 =	vadd.f32 v19, v8  }
0x1bd: {  	s28 =	simm.s32 $0x1;
	v10 =	vadd.f32 v17, v10  }
0x1be: {  	v11 =	vadd.f32 v12, v11;
	v12 =	vmov s28;
	v8 =	vadd.f32 v14, v8  }
0x1bf: {  	s29 =	simm.s32 $0x0;
	v9 =	vadd.f32 v9, v10  }
0x1c0: {  	v7 =	vadd.f32 v7, v11;
	v10 =	vmov s29;
	[tilespmem:$0x5130] =	vst v8  }
0x1c1: {  	s25 =	simm.s32 $0x2;
	v8 =	vld [tilespmem:$0x40];
	[tilespmem:$0x51B0] =	vst v9  }
0x1c2: {  	v11 =	vmov s25;
	[tilespmem:$0x5230] =	vst v7;
	v9 =	vld [tilespmem:$0xC0]  }
0x1c3: {  	v13 =	vld.idx.msk [tilespmem:v12+s17+$0x0], $0xffff  }
0x1c4: {  	v7 =	vld.idx.msk [tilespmem:v12+s16+$0x0], $0xffff  }
0x1c5: {  	v14 =	vld.idx.msk [tilespmem:v10+s16+$0x0], $0xffff  }
0x1c6: {  	v15 =	vld.idx.msk [tilespmem:v10+s17+$0x0], $0xffff  }
0x1c7: {  	v16 =	vld.idx.msk [tilespmem:v11+s16+$0x0], $0xffff  }
0x1c8: {  	v17 =	vld.idx.msk [tilespmem:v11+s17+$0x0], $0xffff;
	_ =	sdelay $0x1  }
0x1c9: {  	v18 =	vsub.f32 v7, v8  }
0x1ca: {  	s26 =	simm.s32 $0x3;
	v19 =	vsub.f32 v13, v9;
	v14 =	vsub.f32 v14, v8  }
0x1cb: {  	v7 =	vmov s26;
	v15 =	vsub.f32 v15, v9;
	v16 =	vsub.f32 v16, v8  }
0x1cc: {  	v17 =	vsub.f32 v17, v9;
	v20 =	vmul.f32 v18, v18;
	v19 =	vmul.f32 v19, v19  }
0x1cd: {  	v14 =	vmul.f32 v14, v14;
	v15 =	vmul.f32 v15, v15  }
0x1ce: {  	vm1 =	veq.s32 v12, v4;
	v16 =	vmul.f32 v16, v16;
	v17 =	vmul.f32 v17, v17  }
0x1cf: {  	vm0 =	veq.s32 v10, v4;
	v13 =	vimm.f32 $+Inf;
	v14 =	vadd.f32 v15, v14  }
0x1d0: {  	v18 =	vimm.s32 $0x0;
	v15 =	vadd.f32 v19, v20;
	v19 =	vld.idx.msk [tilespmem:v7+s16+$0x0], $0xffff;
	v10 =	vadd.f32 v17, v16  }
0x1d1: {  	v17 =	vimm.s32 $0x0;
	v12 =	vsel vm0, $0x7F800000, v14;
	vm0 =	veq.s32 v11, v4  }
0x1d2: {  	v11 =	vsel vm1, $0x7F800000, v15;
	vm2 =	vlt.f32 v12, v13;
	v10 =	vsel vm0, $0x7F800000, v10  }
0x1d3: {  	v21 =	vsel vm2, v13, v12;
	v12 =	vsel vm2, v12, v13;
	v15 =	vsel vm2, s29, v18  }
0x1d4: {  	v25 =	vnsel vm2, s29, v18;
	vm1 =	vmmov vm2;
	vm0 =	vlt.f32 v11, v12  }
0x1d5: {  	v24 =	vsub.f32 v19, v8;
	v19 =	vsel vm2, v21, v13;
	v14 =	vsel vm2, v25, v18  }
0x1d6: {  	v29 =	vsel vm2, v25, v18;
	v23 =	vsel vm0, v11, v12;
	v27 =	vnsel vm0, s28, v15  }
0x1d7: {  	v16 =	vsel vm0, v12, v11;
	vm4 =	vlt.f32 v11, v19;
	v28 =	vsel vm0, s28, v15  }
0x1d8: {  	vm0 =	vmmov vm2;
	vm3 =	vlt.f32 v10, v23;
	v22 =	vsel vm4, v19, v11  }
0x1d9: {  	s0 =	simm.s32 $0x4;
	v20 =	vld.idx.msk [tilespmem:v7+s17+$0x0], $0xffff;
	v26 =	vsel vm4, v16, v19;
	v16 =	vimm.s32 $0x0;
	v15 =	vmovc v19;
	v12 =	vsel vm3, v10, v23  }
.LBB2_10:
0x1da: {  	s1 =	sadd.s32 $0x1, s0  }
0x1db: {  	s31 =	sadd.s32 $0x2, s0;
	v18 =	vsel vm2, v25, v18;
	v25 =	vsel vm4, v27, v29;
	v24 =	vmul.f32 v24, v24;
	s15 =	smov.u32 s0;
	s30 =	sadd.s32 $0x4, s0  }
0x1dc: {  	p0 =	slt.u32 s0, $0xFFC;
	v31 =	vnsel vm3, s25, v28;
	v27 =	vmov s1;
	v30 =	vmov s31  }
0x1dd: {  	v29 =	vnsel vm4, s28, v29;
	vm2 =	vlt.f32 v10, v26;
	v23 =	vsel vm3, v23, v10  }
0x1de: {  	v28 =	vsel vm3, s25, v28;
	v20 =	vsub.f32 v20, v9;
	v32 =	vsel vm2, v26, v10  }
0x1df: {  	v23 =	vsel vm2, v23, v26;
	v26 =	vsel vm2, v31, v25  }
0x1e0: {  	v17 =	vnsel vm1, s29, v17;
	v13 =	vsel vm1, v21, v13;
	vm1 =	vlt.f32 v11, v19;
	s29 =	smov.u32 s15  }
0x1e1: {  	v16 =	vsel vm0, v17, v16;
	v17 =	vsel vm1, v22, v19;
	v21 =	vsel vm1, v29, v18  }
0x1e2: {  	vm0 =	vlt.f32 v11, v13;
	v22 =	vnsel vm2, s25, v25;
	v20 =	vmul.f32 v20, v20  }
0x1e3: {  	v19 =	vsel vm1, v19, v11;
	v25 =	vsel vm0, v13, v11;
	vm2 =	vlt.f32 v10, v17  }
0x1e4: {  	v18 =	vnsel vm1, s28, v18;
	v29 =	vnsel vm0, s28, v14;
	s28 =	smov.u32 s1;
	v22 =	vsel vm2, v22, v21  }
0x1e5: {  	vm1 =	veq.s32 v7, v4;
	s0 =	sadd.s32 $0x3, s29;
	v14 =	vsel vm0, v18, v14;
	v18 =	vsel vm2, v17, v10  }
0x1e6: {  	vm3 =	vlt.f32 v11, v15;
	v7 =	vmov s0;
	v11 =	vadd.f32 v20, v24  }
0x1e7: {  	v13 =	vsel vm0, v19, v13;
	v15 =	vsel vm3, v25, v15;
	v19 =	vnsel vm2, s25, v21;
	v20 =	vld.idx.msk [tilespmem:v30+s17+$0x0], $0xffff  }
0x1e8: {  	v21 =	vmov s29;
	vm4 =	vlt.f32 v10, v13;
	vm5 =	vlt.f32 v10, v15;
	v24 =	vld.idx.msk [tilespmem:v27+s17+$0x0], $0xffff  }
0x1e9: {  	v16 =	vsel vm3, v29, v16;
	v17 =	vsel vm2, v32, v17;
	v11 =	vsel vm1, $0x7F800000, v11;
	v25 =	vld.idx.msk [tilespmem:v27+s16+$0x0], $0xffff  }
0x1ea: {  	v10 =	vsel vm4, v13, v10;
	v13 =	vsel vm4, v18, v13;
	vm3 =	vlt.f32 v11, v12;
	v29 =	vld.idx.msk [tilespmem:v30+s16+$0x0], $0xffff  }
0x1eb: {  	v10 =	vsel vm5, v10, v15;
	vm0 =	vlt.f32 v11, v17;
	v15 =	vsel vm3, v11, v12  }
0x1ec: {  	v18 =	vnsel vm4, s25, v14;
	s25 =	smov.u32 s31;
	v31 =	vsel vm0, v17, v11;
	v32 =	vsel vm3, s26, v28  }
0x1ed: {  	v14 =	vsel vm4, v19, v14;
	v16 =	vsel vm5, v18, v16;
	v18 =	vnsel vm3, s26, v28;
	v33 =	vld.idx.msk [tilespmem:v21+s16+$0x0], $0xffff  }
0x1ee: {  	vm4 =	vlt.f32 v11, v23;
	vm2 =	vlt.f32 v11, v13;
	vm1 =	vlt.f32 v11, v10;
	v19 =	vld.idx.msk [tilespmem:v21+s17+$0x0], $0xffff  }
0x1ef: {  	v28 =	vsel vm4, v23, v11;
	v24 =	vsub.f32 v24, v9;
	v25 =	vsub.f32 v25, v8  }
0x1f0: {  	v34 =	vsel vm4, v18, v26;
	v20 =	vsub.f32 v20, v9;
	v29 =	vsub.f32 v29, v8  }
0x1f1: {  	v24 =	vmul.f32 v24, v24;
	v18 =	vmul.f32 v25, v25;
	v25 =	vnsel vm4, s26, v26  }
0x1f2: {  	v12 =	vsel vm3, v12, v11;
	v20 =	vmul.f32 v20, v20;
	v26 =	vmul.f32 v29, v29  }
0x1f3: {  	v12 =	vsel vm4, v12, v23;
	v29 =	vsub.f32 v33, v8;
	v24 =	vadd.f32 v24, v18  }
0x1f4: {  	v18 =	vsub.f32 v19, v9;
	v19 =	vadd.f32 v20, v26;
	v20 =	vnsel vm0, s26, v22  }
0x1f5: {  	v11 =	vsel vm2, v13, v11;
	v26 =	vnsel vm2, s26, v14;
	s26 =	smov.u32 s0;
	v23 =	vmul.f32 v29, v29  }
0x1f6: {  	v28 =	vsel vm0, v28, v17;
	v16 =	vsel vm1, v26, v16;
	v29 =	vmul.f32 v18, v18  }
0x1f7: {  	v13 =	vsel vm2, v31, v13;
	v17 =	vsel vm2, v20, v14;
	v18 =	vsel vm0, v25, v22  }
0x1f8: {  	vm0 =	veq.s32 v21, v4;
	v22 =	vsel vm1, v11, v10;
	v14 =	vadd.f32 v29, v23;
	v21 =	vld.idx.msk [tilespmem:v7+s16+$0x0], $0xffff  }
0x1f9: {  	vm2 =	veq.s32 v30, v4;
	vm1 =	veq.s32 v27, v4;
	v20 =	vld.idx.msk [tilespmem:v7+s17+$0x0], $0xffff  }
0x1fa: {  	v10 =	vsel vm2, $0x7F800000, v19;
	v11 =	vsel vm1, $0x7F800000, v24;
	v26 =	vsel vm0, $0x7F800000, v14  }
0x1fb: {  	vm3 =	vlt.f32 v26, v15;
	vm5 =	vlt.f32 v26, v12;
	vm0 =	vlt.f32 v26, v22  }
0x1fc: {  	v19 =	vsel vm5, v12, v26;
	v14 =	vsel vm3, v15, v26;
	v30 =	vsel vm3, s29, v32  }
0x1fd: {  	vm2 =	vlt.f32 v26, v28;
	vm1 =	vlt.f32 v26, v13;
	v29 =	vnsel vm3, s29, v32  }
0x1fe: {  	v25 =	vnsel vm5, s29, v34;
	v15 =	vsel vm3, v26, v15;
	v24 =	vsub.f32 v21, v8  }
0x1ff: {  	v31 =	vsel vm5, v14, v12;
	vm6 =	vlt.f32 v11, v15;
	v21 =	vnsel vm2, s29, v18  }
.Ltmp4:
0x200: {  	v27 =	vnsel vm6, s28, v30;
	v23 =	vsel vm6, v11, v15;
	v14 =	vsel vm1, v21, v17;
	(pc) =	sbr.rel @p0 .LBB2_10-.Ltmp4, $4  }
0x201: {  	v12 =	vsel vm1, v13, v26;
	v32 =	vsel vm6, v15, v11;
	vm3 =	vlt.f32 v10, v23  }
0x202: {  	v15 =	vsel vm0, v12, v22;
	vm4 =	vlt.f32 v11, v31;
	v12 =	vsel vm3, v10, v23  }
0x203: {  	v21 =	vsel vm2, v28, v26;
	v22 =	vsel vm4, v31, v11;
	v26 =	vsel vm4, v32, v31  }
0x204: {  	s0 =	smov.u32 s30;
	v19 =	vsel vm2, v19, v28;
	v29 =	vsel vm5, v29, v34;
	v28 =	vsel vm6, s28, v30  }
0x205: {  	v8 =	vsel vm2, v25, v18;
	v9 =	vsub.f32 v20, v9;
	v18 =	vsel vm4, v27, v29  }
0x206: {  	v20 =	vmul.f32 v24, v24;
	v24 =	vnsel vm3, s25, v28;
	v25 =	vnsel vm4, s28, v29  }
0x207: {  	vm2 =	vlt.f32 v10, v26;
	v23 =	vsel vm3, v23, v10;
	v9 =	vmul.f32 v9, v9  }
0x208: {  	v28 =	vsel vm3, s25, v28;
	v17 =	vnsel vm1, s29, v17;
	v13 =	vsel vm1, v21, v13  }
0x209: {  	vm1 =	veq.s32 v7, v4;
	vm3 =	vlt.f32 v11, v19;
	v9 =	vadd.f32 v9, v20  }
0x20a: {  	v27 =	vsel vm2, v26, v10;
	v23 =	vsel vm2, v23, v26;
	v24 =	vsel vm2, v24, v18  }
0x20b: {  	v7 =	vsel vm0, v17, v16;
	v16 =	vsel vm3, v22, v19;
	v9 =	vsel vm1, $0x7F800000, v9  }
0x20c: {  	v17 =	vsel vm3, v25, v8;
	v19 =	vsel vm3, v19, v11;
	vm0 =	vlt.f32 v9, v12  }
0x20d: {  	vm1 =	vlt.f32 v11, v13;
	v12 =	vnsel vm2, s25, v18;
	v18 =	vsel vm0, s26, v28  }
0x20e: {  	v8 =	vnsel vm3, s28, v8;
	v20 =	vsel vm1, v13, v11;
	vm2 =	vlt.f32 v10, v16  }
0x20f: {  	v25 =	vld.idx.msk [tilespmem:v4+s19+$0x0], $0xffff;
	v21 =	vnsel vm1, s28, v14;
	v22 =	vnsel vm0, s26, v28;
	vm0 =	vlt.f32 v9, v23  }
0x210: {  	v26 =	vld.idx.msk [tilespmem:v4+s20+$0x0], $0xffff;
	v8 =	vsel vm1, v8, v14;
	v13 =	vsel vm1, v19, v13;
	v22 =	vsel vm0, v22, v24  }
0x211: {  	v23 =	vld.idx.msk [tilespmem:v4+s18+$0x0], $0xffff;
	v12 =	vsel vm2, v12, v17;
	v14 =	vsel vm2, v16, v10;
	v16 =	vsel vm2, v27, v16  }
0x212: {  	vm3 =	vlt.f32 v10, v13;
	vm1 =	vlt.f32 v9, v16;
	v16 =	vnsel vm0, s26, v24;
	v19 =	vld.idx.msk [tilespmem:v18+s18+$0x0], $0xffff  }
0x213: {  	v17 =	vnsel vm2, s25, v17;
	vm0 =	vlt.f32 v11, v15;
	v11 =	vsel vm1, v16, v12;
	v16 =	vld.idx.msk [tilespmem:v18+s19+$0x0], $0xffff  }
0x214: {  	v14 =	vsel vm3, v14, v13;
	v17 =	vsel vm3, v17, v8;
	v18 =	vld.idx.msk [tilespmem:v18+s20+$0x0], $0xffff  }
0x215: {  	v15 =	vsel vm0, v20, v15;
	vm2 =	vlt.f32 v9, v14;
	v12 =	vnsel vm1, s26, v12;
	v14 =	vld.idx.msk [tilespmem:v22+s18+$0x0], $0xffff  }
0x216: {  	vm1 =	vlt.f32 v10, v15;
	v10 =	vsel vm3, v13, v10;
	v12 =	vsel vm2, v12, v17;
	v13 =	vld.idx.msk [tilespmem:v22+s19+$0x0], $0xffff  }
0x217: {  	v8 =	vnsel vm3, s25, v8;
	v7 =	vsel vm0, v21, v7;
	v10 =	vsel vm1, v10, v15;
	v15 =	vld.idx.msk [tilespmem:v22+s20+$0x0], $0xffff  }
0x218: {  	v7 =	vsel vm1, v8, v7;
	v8 =	vnsel vm2, s26, v17;
	vm0 =	vlt.f32 v9, v10;
	v9 =	vld.idx.msk [tilespmem:v11+s18+$0x0], $0xffff  }
0x219: {  	v7 =	vsel vm0, v8, v7;
	v8 =	vadd.f32 $0.0e+00, v23;
	v10 =	vld.idx.msk [tilespmem:v11+s19+$0x0], $0xffff  }
0x21a: {  	v17 =	vadd.f32 $0.0e+00, v25;
	v11 =	vld.idx.msk [tilespmem:v11+s20+$0x0], $0xffff  }
0x21b: {  	v20 =	vadd.f32 $0.0e+00, v26;
	v8 =	vadd.f32 v19, v8;
	v19 =	vld.idx.msk [tilespmem:v12+s18+$0x0], $0xffff  }
0x21c: {  	v16 =	vadd.f32 v16, v17;
	v17 =	vld.idx.msk [tilespmem:v12+s19+$0x0], $0xffff  }
0x21d: {  	v18 =	vadd.f32 v18, v20;
	v12 =	vld.idx.msk [tilespmem:v12+s20+$0x0], $0xffff;
	v8 =	vadd.f32 v14, v8  }
0x21e: {  	v13 =	vadd.f32 v13, v16;
	v14 =	vld.idx.msk [tilespmem:v7+s18+$0x0], $0xffff  }
0x21f: {  	v15 =	vadd.f32 v15, v18;
	v8 =	vadd.f32 v9, v8;
	v9 =	vld.idx.msk [tilespmem:v7+s19+$0x0], $0xffff  }
0x220: {  	v10 =	vadd.f32 v10, v13;
	v7 =	vld.idx.msk [tilespmem:v7+s20+$0x0], $0xffff  }
0x221: {  	v11 =	vadd.f32 v11, v15;
	v8 =	vadd.f32 v19, v8  }
0x222: {  	s28 =	simm.s32 $0x1;
	v10 =	vadd.f32 v17, v10  }
0x223: {  	v11 =	vadd.f32 v12, v11;
	v12 =	vmov s28;
	v8 =	vadd.f32 v14, v8  }
0x224: {  	s29 =	simm.s32 $0x0;
	v9 =	vadd.f32 v9, v10  }
0x225: {  	v7 =	vadd.f32 v7, v11;
	v10 =	vmov s29;
	[tilespmem:$0x5140] =	vst v8  }
0x226: {  	s25 =	simm.s32 $0x2;
	v8 =	vld [tilespmem:$0x50];
	[tilespmem:$0x51C0] =	vst v9  }
0x227: {  	v11 =	vmov s25;
	[tilespmem:$0x5240] =	vst v7;
	v9 =	vld [tilespmem:$0xD0]  }
0x228: {  	v13 =	vld.idx.msk [tilespmem:v12+s17+$0x0], $0xffff  }
0x229: {  	v7 =	vld.idx.msk [tilespmem:v12+s16+$0x0], $0xffff  }
0x22a: {  	v14 =	vld.idx.msk [tilespmem:v10+s16+$0x0], $0xffff  }
0x22b: {  	v15 =	vld.idx.msk [tilespmem:v10+s17+$0x0], $0xffff  }
0x22c: {  	v16 =	vld.idx.msk [tilespmem:v11+s16+$0x0], $0xffff  }
0x22d: {  	v17 =	vld.idx.msk [tilespmem:v11+s17+$0x0], $0xffff;
	_ =	sdelay $0x1  }
0x22e: {  	v18 =	vsub.f32 v7, v8  }
0x22f: {  	s26 =	simm.s32 $0x3;
	v19 =	vsub.f32 v13, v9;
	v14 =	vsub.f32 v14, v8  }
0x230: {  	v7 =	vmov s26;
	v15 =	vsub.f32 v15, v9;
	v16 =	vsub.f32 v16, v8  }
0x231: {  	v17 =	vsub.f32 v17, v9;
	v20 =	vmul.f32 v18, v18;
	v19 =	vmul.f32 v19, v19  }
0x232: {  	v14 =	vmul.f32 v14, v14;
	v15 =	vmul.f32 v15, v15  }
0x233: {  	vm1 =	veq.s32 v12, v5;
	v16 =	vmul.f32 v16, v16;
	v17 =	vmul.f32 v17, v17  }
0x234: {  	vm0 =	veq.s32 v10, v5;
	v13 =	vimm.f32 $+Inf;
	v14 =	vadd.f32 v15, v14  }
0x235: {  	v18 =	vimm.s32 $0x0;
	v15 =	vadd.f32 v19, v20;
	v19 =	vld.idx.msk [tilespmem:v7+s16+$0x0], $0xffff;
	v10 =	vadd.f32 v17, v16  }
0x236: {  	v17 =	vimm.s32 $0x0;
	v12 =	vsel vm0, $0x7F800000, v14;
	vm0 =	veq.s32 v11, v5  }
0x237: {  	v11 =	vsel vm1, $0x7F800000, v15;
	vm2 =	vlt.f32 v12, v13;
	v10 =	vsel vm0, $0x7F800000, v10  }
0x238: {  	v21 =	vsel vm2, v13, v12;
	v12 =	vsel vm2, v12, v13;
	v15 =	vsel vm2, s29, v18  }
0x239: {  	v25 =	vnsel vm2, s29, v18;
	vm1 =	vmmov vm2;
	vm0 =	vlt.f32 v11, v12  }
0x23a: {  	v24 =	vsub.f32 v19, v8;
	v19 =	vsel vm2, v21, v13;
	v14 =	vsel vm2, v25, v18  }
0x23b: {  	v29 =	vsel vm2, v25, v18;
	v23 =	vsel vm0, v11, v12;
	v27 =	vnsel vm0, s28, v15  }
0x23c: {  	v16 =	vsel vm0, v12, v11;
	vm4 =	vlt.f32 v11, v19;
	v28 =	vsel vm0, s28, v15  }
0x23d: {  	vm0 =	vmmov vm2;
	vm3 =	vlt.f32 v10, v23;
	v22 =	vsel vm4, v19, v11  }
0x23e: {  	s0 =	simm.s32 $0x4;
	v20 =	vld.idx.msk [tilespmem:v7+s17+$0x0], $0xffff;
	v26 =	vsel vm4, v16, v19;
	v16 =	vimm.s32 $0x0;
	v15 =	vmovc v19;
	v12 =	vsel vm3, v10, v23  }
.LBB2_12:
0x23f: {  	s1 =	sadd.s32 $0x1, s0  }
0x240: {  	s31 =	sadd.s32 $0x2, s0;
	v18 =	vsel vm2, v25, v18;
	v25 =	vsel vm4, v27, v29;
	v24 =	vmul.f32 v24, v24;
	s15 =	smov.u32 s0;
	s30 =	sadd.s32 $0x4, s0  }
0x241: {  	p0 =	slt.u32 s0, $0xFFC;
	v31 =	vnsel vm3, s25, v28;
	v27 =	vmov s1;
	v30 =	vmov s31  }
0x242: {  	v29 =	vnsel vm4, s28, v29;
	vm2 =	vlt.f32 v10, v26;
	v23 =	vsel vm3, v23, v10  }
0x243: {  	v28 =	vsel vm3, s25, v28;
	v20 =	vsub.f32 v20, v9;
	v32 =	vsel vm2, v26, v10  }
0x244: {  	v23 =	vsel vm2, v23, v26;
	v26 =	vsel vm2, v31, v25  }
0x245: {  	v17 =	vnsel vm1, s29, v17;
	v13 =	vsel vm1, v21, v13;
	vm1 =	vlt.f32 v11, v19;
	s29 =	smov.u32 s15  }
0x246: {  	v16 =	vsel vm0, v17, v16;
	v17 =	vsel vm1, v22, v19;
	v21 =	vsel vm1, v29, v18  }
0x247: {  	vm0 =	vlt.f32 v11, v13;
	v22 =	vnsel vm2, s25, v25;
	v20 =	vmul.f32 v20, v20  }
0x248: {  	v19 =	vsel vm1, v19, v11;
	v25 =	vsel vm0, v13, v11;
	vm2 =	vlt.f32 v10, v17  }
0x249: {  	v18 =	vnsel vm1, s28, v18;
	v29 =	vnsel vm0, s28, v14;
	s28 =	smov.u32 s1;
	v22 =	vsel vm2, v22, v21  }
0x24a: {  	vm1 =	veq.s32 v7, v5;
	s0 =	sadd.s32 $0x3, s29;
	v14 =	vsel vm0, v18, v14;
	v18 =	vsel vm2, v17, v10  }
0x24b: {  	vm3 =	vlt.f32 v11, v15;
	v7 =	vmov s0;
	v11 =	vadd.f32 v20, v24  }
0x24c: {  	v13 =	vsel vm0, v19, v13;
	v15 =	vsel vm3, v25, v15;
	v19 =	vnsel vm2, s25, v21;
	v20 =	vld.idx.msk [tilespmem:v30+s17+$0x0], $0xffff  }
0x24d: {  	v21 =	vmov s29;
	vm4 =	vlt.f32 v10, v13;
	vm5 =	vlt.f32 v10, v15;
	v24 =	vld.idx.msk [tilespmem:v27+s17+$0x0], $0xffff  }
0x24e: {  	v16 =	vsel vm3, v29, v16;
	v17 =	vsel vm2, v32, v17;
	v11 =	vsel vm1, $0x7F800000, v11;
	v25 =	vld.idx.msk [tilespmem:v27+s16+$0x0], $0xffff  }
0x24f: {  	v10 =	vsel vm4, v13, v10;
	v13 =	vsel vm4, v18, v13;
	vm3 =	vlt.f32 v11, v12;
	v29 =	vld.idx.msk [tilespmem:v30+s16+$0x0], $0xffff  }
0x250: {  	v10 =	vsel vm5, v10, v15;
	vm0 =	vlt.f32 v11, v17;
	v15 =	vsel vm3, v11, v12  }
0x251: {  	v18 =	vnsel vm4, s25, v14;
	s25 =	smov.u32 s31;
	v31 =	vsel vm0, v17, v11;
	v32 =	vsel vm3, s26, v28  }
0x252: {  	v14 =	vsel vm4, v19, v14;
	v16 =	vsel vm5, v18, v16;
	v18 =	vnsel vm3, s26, v28;
	v33 =	vld.idx.msk [tilespmem:v21+s16+$0x0], $0xffff  }
0x253: {  	vm4 =	vlt.f32 v11, v23;
	vm2 =	vlt.f32 v11, v13;
	vm1 =	vlt.f32 v11, v10;
	v19 =	vld.idx.msk [tilespmem:v21+s17+$0x0], $0xffff  }
0x254: {  	v28 =	vsel vm4, v23, v11;
	v24 =	vsub.f32 v24, v9;
	v25 =	vsub.f32 v25, v8  }
0x255: {  	v34 =	vsel vm4, v18, v26;
	v20 =	vsub.f32 v20, v9;
	v29 =	vsub.f32 v29, v8  }
0x256: {  	v24 =	vmul.f32 v24, v24;
	v18 =	vmul.f32 v25, v25;
	v25 =	vnsel vm4, s26, v26  }
0x257: {  	v12 =	vsel vm3, v12, v11;
	v20 =	vmul.f32 v20, v20;
	v26 =	vmul.f32 v29, v29  }
0x258: {  	v12 =	vsel vm4, v12, v23;
	v29 =	vsub.f32 v33, v8;
	v24 =	vadd.f32 v24, v18  }
0x259: {  	v18 =	vsub.f32 v19, v9;
	v19 =	vadd.f32 v20, v26;
	v20 =	vnsel vm0, s26, v22  }
0x25a: {  	v11 =	vsel vm2, v13, v11;
	v26 =	vnsel vm2, s26, v14;
	s26 =	smov.u32 s0;
	v23 =	vmul.f32 v29, v29  }
0x25b: {  	v28 =	vsel vm0, v28, v17;
	v16 =	vsel vm1, v26, v16;
	v29 =	vmul.f32 v18, v18  }
0x25c: {  	v13 =	vsel vm2, v31, v13;
	v17 =	vsel vm2, v20, v14;
	v18 =	vsel vm0, v25, v22  }
0x25d: {  	vm0 =	veq.s32 v21, v5;
	v22 =	vsel vm1, v11, v10;
	v14 =	vadd.f32 v29, v23;
	v21 =	vld.idx.msk [tilespmem:v7+s16+$0x0], $0xffff  }
0x25e: {  	vm2 =	veq.s32 v30, v5;
	vm1 =	veq.s32 v27, v5;
	v20 =	vld.idx.msk [tilespmem:v7+s17+$0x0], $0xffff  }
0x25f: {  	v10 =	vsel vm2, $0x7F800000, v19;
	v11 =	vsel vm1, $0x7F800000, v24;
	v26 =	vsel vm0, $0x7F800000, v14  }
0x260: {  	vm3 =	vlt.f32 v26, v15;
	vm5 =	vlt.f32 v26, v12;
	vm0 =	vlt.f32 v26, v22  }
0x261: {  	v19 =	vsel vm5, v12, v26;
	v14 =	vsel vm3, v15, v26;
	v30 =	vsel vm3, s29, v32  }
0x262: {  	vm2 =	vlt.f32 v26, v28;
	vm1 =	vlt.f32 v26, v13;
	v29 =	vnsel vm3, s29, v32  }
0x263: {  	v25 =	vnsel vm5, s29, v34;
	v15 =	vsel vm3, v26, v15;
	v24 =	vsub.f32 v21, v8  }
0x264: {  	v31 =	vsel vm5, v14, v12;
	vm6 =	vlt.f32 v11, v15;
	v21 =	vnsel vm2, s29, v18  }
.Ltmp5:
0x265: {  	v27 =	vnsel vm6, s28, v30;
	v23 =	vsel vm6, v11, v15;
	v14 =	vsel vm1, v21, v17;
	(pc) =	sbr.rel @p0 .LBB2_12-.Ltmp5, $4  }
0x266: {  	v12 =	vsel vm1, v13, v26;
	v32 =	vsel vm6, v15, v11;
	vm3 =	vlt.f32 v10, v23  }
0x267: {  	v15 =	vsel vm0, v12, v22;
	vm4 =	vlt.f32 v11, v31;
	v12 =	vsel vm3, v10, v23  }
0x268: {  	v21 =	vsel vm2, v28, v26;
	v22 =	vsel vm4, v31, v11;
	v26 =	vsel vm4, v32, v31  }
0x269: {  	s0 =	smov.u32 s30;
	v19 =	vsel vm2, v19, v28;
	v29 =	vsel vm5, v29, v34;
	v28 =	vsel vm6, s28, v30  }
0x26a: {  	v8 =	vsel vm2, v25, v18;
	v9 =	vsub.f32 v20, v9;
	v18 =	vsel vm4, v27, v29  }
0x26b: {  	v20 =	vmul.f32 v24, v24;
	v24 =	vnsel vm3, s25, v28;
	v25 =	vnsel vm4, s28, v29  }
0x26c: {  	vm2 =	vlt.f32 v10, v26;
	v23 =	vsel vm3, v23, v10;
	v9 =	vmul.f32 v9, v9  }
0x26d: {  	v28 =	vsel vm3, s25, v28;
	v17 =	vnsel vm1, s29, v17;
	v13 =	vsel vm1, v21, v13  }
0x26e: {  	vm1 =	veq.s32 v7, v5;
	vm3 =	vlt.f32 v11, v19;
	v9 =	vadd.f32 v9, v20  }
0x26f: {  	v27 =	vsel vm2, v26, v10;
	v23 =	vsel vm2, v23, v26;
	v24 =	vsel vm2, v24, v18  }
0x270: {  	v7 =	vsel vm0, v17, v16;
	v16 =	vsel vm3, v22, v19;
	v9 =	vsel vm1, $0x7F800000, v9  }
0x271: {  	v17 =	vsel vm3, v25, v8;
	v19 =	vsel vm3, v19, v11;
	vm0 =	vlt.f32 v9, v12  }
0x272: {  	vm1 =	vlt.f32 v11, v13;
	v12 =	vnsel vm2, s25, v18;
	v18 =	vsel vm0, s26, v28  }
0x273: {  	v8 =	vnsel vm3, s28, v8;
	v20 =	vsel vm1, v13, v11;
	vm2 =	vlt.f32 v10, v16  }
0x274: {  	v25 =	vld.idx.msk [tilespmem:v5+s19+$0x0], $0xffff;
	v21 =	vnsel vm1, s28, v14;
	v22 =	vnsel vm0, s26, v28;
	vm0 =	vlt.f32 v9, v23  }
0x275: {  	v26 =	vld.idx.msk [tilespmem:v5+s20+$0x0], $0xffff;
	v8 =	vsel vm1, v8, v14;
	v13 =	vsel vm1, v19, v13;
	v22 =	vsel vm0, v22, v24  }
0x276: {  	v23 =	vld.idx.msk [tilespmem:v5+s18+$0x0], $0xffff;
	v12 =	vsel vm2, v12, v17;
	v14 =	vsel vm2, v16, v10;
	v16 =	vsel vm2, v27, v16  }
0x277: {  	vm3 =	vlt.f32 v10, v13;
	vm1 =	vlt.f32 v9, v16;
	v16 =	vnsel vm0, s26, v24;
	v19 =	vld.idx.msk [tilespmem:v18+s18+$0x0], $0xffff  }
0x278: {  	v17 =	vnsel vm2, s25, v17;
	vm0 =	vlt.f32 v11, v15;
	v11 =	vsel vm1, v16, v12;
	v16 =	vld.idx.msk [tilespmem:v18+s19+$0x0], $0xffff  }
0x279: {  	v14 =	vsel vm3, v14, v13;
	v17 =	vsel vm3, v17, v8;
	v18 =	vld.idx.msk [tilespmem:v18+s20+$0x0], $0xffff  }
0x27a: {  	v15 =	vsel vm0, v20, v15;
	vm2 =	vlt.f32 v9, v14;
	v12 =	vnsel vm1, s26, v12;
	v14 =	vld.idx.msk [tilespmem:v22+s18+$0x0], $0xffff  }
0x27b: {  	vm1 =	vlt.f32 v10, v15;
	v10 =	vsel vm3, v13, v10;
	v12 =	vsel vm2, v12, v17;
	v13 =	vld.idx.msk [tilespmem:v22+s19+$0x0], $0xffff  }
0x27c: {  	v8 =	vnsel vm3, s25, v8;
	v7 =	vsel vm0, v21, v7;
	v10 =	vsel vm1, v10, v15;
	v15 =	vld.idx.msk [tilespmem:v22+s20+$0x0], $0xffff  }
0x27d: {  	v7 =	vsel vm1, v8, v7;
	v8 =	vnsel vm2, s26, v17;
	vm0 =	vlt.f32 v9, v10;
	v9 =	vld.idx.msk [tilespmem:v11+s18+$0x0], $0xffff  }
0x27e: {  	v7 =	vsel vm0, v8, v7;
	v8 =	vadd.f32 $0.0e+00, v23;
	v10 =	vld.idx.msk [tilespmem:v11+s19+$0x0], $0xffff  }
0x27f: {  	v17 =	vadd.f32 $0.0e+00, v25;
	v11 =	vld.idx.msk [tilespmem:v11+s20+$0x0], $0xffff  }
0x280: {  	v20 =	vadd.f32 $0.0e+00, v26;
	v8 =	vadd.f32 v19, v8;
	v19 =	vld.idx.msk [tilespmem:v12+s18+$0x0], $0xffff  }
0x281: {  	v16 =	vadd.f32 v16, v17;
	v17 =	vld.idx.msk [tilespmem:v12+s19+$0x0], $0xffff  }
0x282: {  	v18 =	vadd.f32 v18, v20;
	v12 =	vld.idx.msk [tilespmem:v12+s20+$0x0], $0xffff;
	v8 =	vadd.f32 v14, v8  }
0x283: {  	v13 =	vadd.f32 v13, v16;
	v14 =	vld.idx.msk [tilespmem:v7+s18+$0x0], $0xffff  }
0x284: {  	v15 =	vadd.f32 v15, v18;
	v8 =	vadd.f32 v9, v8;
	v9 =	vld.idx.msk [tilespmem:v7+s19+$0x0], $0xffff  }
0x285: {  	v10 =	vadd.f32 v10, v13;
	v7 =	vld.idx.msk [tilespmem:v7+s20+$0x0], $0xffff  }
0x286: {  	v11 =	vadd.f32 v11, v15;
	v8 =	vadd.f32 v19, v8  }
0x287: {  	s28 =	simm.s32 $0x1;
	v10 =	vadd.f32 v17, v10  }
0x288: {  	v11 =	vadd.f32 v12, v11;
	v12 =	vmov s28;
	v8 =	vadd.f32 v14, v8  }
0x289: {  	s29 =	simm.s32 $0x0;
	v9 =	vadd.f32 v9, v10  }
0x28a: {  	v7 =	vadd.f32 v7, v11;
	v10 =	vmov s29;
	[tilespmem:$0x5150] =	vst v8  }
0x28b: {  	s25 =	simm.s32 $0x2;
	v8 =	vld [tilespmem:$0x60];
	[tilespmem:$0x51D0] =	vst v9  }
0x28c: {  	v11 =	vmov s25;
	[tilespmem:$0x5250] =	vst v7;
	v9 =	vld [tilespmem:$0xE0]  }
0x28d: {  	v13 =	vld.idx.msk [tilespmem:v12+s17+$0x0], $0xffff  }
0x28e: {  	v7 =	vld.idx.msk [tilespmem:v12+s16+$0x0], $0xffff  }
0x28f: {  	v14 =	vld.idx.msk [tilespmem:v10+s16+$0x0], $0xffff  }
0x290: {  	v15 =	vld.idx.msk [tilespmem:v10+s17+$0x0], $0xffff  }
0x291: {  	v16 =	vld.idx.msk [tilespmem:v11+s16+$0x0], $0xffff  }
0x292: {  	v17 =	vld.idx.msk [tilespmem:v11+s17+$0x0], $0xffff;
	_ =	sdelay $0x1  }
0x293: {  	v18 =	vsub.f32 v7, v8  }
0x294: {  	s26 =	simm.s32 $0x3;
	v19 =	vsub.f32 v13, v9;
	v14 =	vsub.f32 v14, v8  }
0x295: {  	v7 =	vmov s26;
	v15 =	vsub.f32 v15, v9;
	v16 =	vsub.f32 v16, v8  }
0x296: {  	v17 =	vsub.f32 v17, v9;
	v20 =	vmul.f32 v18, v18;
	v19 =	vmul.f32 v19, v19  }
0x297: {  	v14 =	vmul.f32 v14, v14;
	v15 =	vmul.f32 v15, v15  }
0x298: {  	vm1 =	veq.s32 v12, v6;
	v16 =	vmul.f32 v16, v16;
	v17 =	vmul.f32 v17, v17  }
0x299: {  	vm0 =	veq.s32 v10, v6;
	v13 =	vimm.f32 $+Inf;
	v14 =	vadd.f32 v15, v14  }
0x29a: {  	v18 =	vimm.s32 $0x0;
	v15 =	vadd.f32 v19, v20;
	v19 =	vld.idx.msk [tilespmem:v7+s16+$0x0], $0xffff;
	v10 =	vadd.f32 v17, v16  }
0x29b: {  	v17 =	vimm.s32 $0x0;
	v12 =	vsel vm0, $0x7F800000, v14;
	vm0 =	veq.s32 v11, v6  }
0x29c: {  	v11 =	vsel vm1, $0x7F800000, v15;
	vm2 =	vlt.f32 v12, v13;
	v10 =	vsel vm0, $0x7F800000, v10  }
0x29d: {  	v21 =	vsel vm2, v13, v12;
	v12 =	vsel vm2, v12, v13;
	v15 =	vsel vm2, s29, v18  }
0x29e: {  	v25 =	vnsel vm2, s29, v18;
	vm1 =	vmmov vm2;
	vm0 =	vlt.f32 v11, v12  }
0x29f: {  	v24 =	vsub.f32 v19, v8;
	v19 =	vsel vm2, v21, v13;
	v14 =	vsel vm2, v25, v18  }
0x2a0: {  	v29 =	vsel vm2, v25, v18;
	v23 =	vsel vm0, v11, v12;
	v27 =	vnsel vm0, s28, v15  }
0x2a1: {  	v16 =	vsel vm0, v12, v11;
	vm4 =	vlt.f32 v11, v19;
	v28 =	vsel vm0, s28, v15  }
0x2a2: {  	vm0 =	vmmov vm2;
	vm3 =	vlt.f32 v10, v23;
	v22 =	vsel vm4, v19, v11  }
0x2a3: {  	s0 =	simm.s32 $0x4;
	v20 =	vld.idx.msk [tilespmem:v7+s17+$0x0], $0xffff;
	v26 =	vsel vm4, v16, v19;
	v16 =	vimm.s32 $0x0;
	v15 =	vmovc v19;
	v12 =	vsel vm3, v10, v23  }
.LBB2_14:
0x2a4: {  	s1 =	sadd.s32 $0x1, s0  }
0x2a5: {  	s31 =	sadd.s32 $0x2, s0;
	v18 =	vsel vm2, v25, v18;
	v25 =	vsel vm4, v27, v29;
	v24 =	vmul.f32 v24, v24;
	s15 =	smov.u32 s0;
	s30 =	sadd.s32 $0x4, s0  }
0x2a6: {  	p0 =	slt.u32 s0, $0xFFC;
	v31 =	vnsel vm3, s25, v28;
	v27 =	vmov s1;
	v30 =	vmov s31  }
0x2a7: {  	v29 =	vnsel vm4, s28, v29;
	vm2 =	vlt.f32 v10, v26;
	v23 =	vsel vm3, v23, v10  }
0x2a8: {  	v28 =	vsel vm3, s25, v28;
	v20 =	vsub.f32 v20, v9;
	v32 =	vsel vm2, v26, v10  }
0x2a9: {  	v23 =	vsel vm2, v23, v26;
	v26 =	vsel vm2, v31, v25  }
0x2aa: {  	v17 =	vnsel vm1, s29, v17;
	v13 =	vsel vm1, v21, v13;
	vm1 =	vlt.f32 v11, v19;
	s29 =	smov.u32 s15  }
0x2ab: {  	v16 =	vsel vm0, v17, v16;
	v17 =	vsel vm1, v22, v19;
	v21 =	vsel vm1, v29, v18  }
0x2ac: {  	vm0 =	vlt.f32 v11, v13;
	v22 =	vnsel vm2, s25, v25;
	v20 =	vmul.f32 v20, v20  }
0x2ad: {  	v19 =	vsel vm1, v19, v11;
	v25 =	vsel vm0, v13, v11;
	vm2 =	vlt.f32 v10, v17  }
0x2ae: {  	v18 =	vnsel vm1, s28, v18;
	v29 =	vnsel vm0, s28, v14;
	s28 =	smov.u32 s1;
	v22 =	vsel vm2, v22, v21  }
0x2af: {  	vm1 =	veq.s32 v7, v6;
	s0 =	sadd.s32 $0x3, s29;
	v14 =	vsel vm0, v18, v14;
	v18 =	vsel vm2, v17, v10  }
0x2b0: {  	vm3 =	vlt.f32 v11, v15;
	v7 =	vmov s0;
	v11 =	vadd.f32 v20, v24  }
0x2b1: {  	v13 =	vsel vm0, v19, v13;
	v15 =	vsel vm3, v25, v15;
	v19 =	vnsel vm2, s25, v21;
	v20 =	vld.idx.msk [tilespmem:v30+s17+$0x0], $0xffff  }
0x2b2: {  	v21 =	vmov s29;
	vm4 =	vlt.f32 v10, v13;
	vm5 =	vlt.f32 v10, v15;
	v24 =	vld.idx.msk [tilespmem:v27+s17+$0x0], $0xffff  }
0x2b3: {  	v16 =	vsel vm3, v29, v16;
	v17 =	vsel vm2, v32, v17;
	v11 =	vsel vm1, $0x7F800000, v11;
	v25 =	vld.idx.msk [tilespmem:v27+s16+$0x0], $0xffff  }
0x2b4: {  	v10 =	vsel vm4, v13, v10;
	v13 =	vsel vm4, v18, v13;
	vm3 =	vlt.f32 v11, v12;
	v29 =	vld.idx.msk [tilespmem:v30+s16+$0x0], $0xffff  }
0x2b5: {  	v10 =	vsel vm5, v10, v15;
	vm0 =	vlt.f32 v11, v17;
	v15 =	vsel vm3, v11, v12  }
0x2b6: {  	v18 =	vnsel vm4, s25, v14;
	s25 =	smov.u32 s31;
	v31 =	vsel vm0, v17, v11;
	v32 =	vsel vm3, s26, v28  }
0x2b7: {  	v14 =	vsel vm4, v19, v14;
	v16 =	vsel vm5, v18, v16;
	v18 =	vnsel vm3, s26, v28;
	v33 =	vld.idx.msk [tilespmem:v21+s16+$0x0], $0xffff  }
0x2b8: {  	vm4 =	vlt.f32 v11, v23;
	vm2 =	vlt.f32 v11, v13;
	vm1 =	vlt.f32 v11, v10;
	v19 =	vld.idx.msk [tilespmem:v21+s17+$0x0], $0xffff  }
0x2b9: {  	v28 =	vsel vm4, v23, v11;
	v24 =	vsub.f32 v24, v9;
	v25 =	vsub.f32 v25, v8  }
0x2ba: {  	v34 =	vsel vm4, v18, v26;
	v20 =	vsub.f32 v20, v9;
	v29 =	vsub.f32 v29, v8  }
0x2bb: {  	v24 =	vmul.f32 v24, v24;
	v18 =	vmul.f32 v25, v25;
	v25 =	vnsel vm4, s26, v26  }
0x2bc: {  	v12 =	vsel vm3, v12, v11;
	v20 =	vmul.f32 v20, v20;
	v26 =	vmul.f32 v29, v29  }
0x2bd: {  	v12 =	vsel vm4, v12, v23;
	v29 =	vsub.f32 v33, v8;
	v24 =	vadd.f32 v24, v18  }
0x2be: {  	v18 =	vsub.f32 v19, v9;
	v19 =	vadd.f32 v20, v26;
	v20 =	vnsel vm0, s26, v22  }
0x2bf: {  	v11 =	vsel vm2, v13, v11;
	v26 =	vnsel vm2, s26, v14;
	s26 =	smov.u32 s0;
	v23 =	vmul.f32 v29, v29  }
0x2c0: {  	v28 =	vsel vm0, v28, v17;
	v16 =	vsel vm1, v26, v16;
	v29 =	vmul.f32 v18, v18  }
0x2c1: {  	v13 =	vsel vm2, v31, v13;
	v17 =	vsel vm2, v20, v14;
	v18 =	vsel vm0, v25, v22  }
0x2c2: {  	vm0 =	veq.s32 v21, v6;
	v22 =	vsel vm1, v11, v10;
	v14 =	vadd.f32 v29, v23;
	v21 =	vld.idx.msk [tilespmem:v7+s16+$0x0], $0xffff  }
0x2c3: {  	vm2 =	veq.s32 v30, v6;
	vm1 =	veq.s32 v27, v6;
	v20 =	vld.idx.msk [tilespmem:v7+s17+$0x0], $0xffff  }
0x2c4: {  	v10 =	vsel vm2, $0x7F800000, v19;
	v11 =	vsel vm1, $0x7F800000, v24;
	v26 =	vsel vm0, $0x7F800000, v14  }
0x2c5: {  	vm3 =	vlt.f32 v26, v15;
	vm5 =	vlt.f32 v26, v12;
	vm0 =	vlt.f32 v26, v22  }
0x2c6: {  	v19 =	vsel vm5, v12, v26;
	v14 =	vsel vm3, v15, v26;
	v30 =	vsel vm3, s29, v32  }
0x2c7: {  	vm2 =	vlt.f32 v26, v28;
	vm1 =	vlt.f32 v26, v13;
	v29 =	vnsel vm3, s29, v32  }
0x2c8: {  	v25 =	vnsel vm5, s29, v34;
	v15 =	vsel vm3, v26, v15;
	v24 =	vsub.f32 v21, v8  }
0x2c9: {  	v31 =	vsel vm5, v14, v12;
	vm6 =	vlt.f32 v11, v15;
	v21 =	vnsel vm2, s29, v18  }
.Ltmp6:
0x2ca: {  	v27 =	vnsel vm6, s28, v30;
	v23 =	vsel vm6, v11, v15;
	v14 =	vsel vm1, v21, v17;
	(pc) =	sbr.rel @p0 .LBB2_14-.Ltmp6, $4  }
0x2cb: {  	v12 =	vsel vm1, v13, v26;
	v32 =	vsel vm6, v15, v11;
	vm3 =	vlt.f32 v10, v23  }
0x2cc: {  	v15 =	vsel vm0, v12, v22;
	vm4 =	vlt.f32 v11, v31;
	v12 =	vsel vm3, v10, v23  }
0x2cd: {  	v21 =	vsel vm2, v28, v26;
	v22 =	vsel vm4, v31, v11;
	v26 =	vsel vm4, v32, v31  }
0x2ce: {  	s0 =	smov.u32 s30;
	v19 =	vsel vm2, v19, v28;
	v29 =	vsel vm5, v29, v34;
	v28 =	vsel vm6, s28, v30  }
0x2cf: {  	v8 =	vsel vm2, v25, v18;
	v9 =	vsub.f32 v20, v9;
	v62 =	vsel vm4, v27, v29  }
0x2d0: {  	v63 =	vmul.f32 v24, v24;
	v32 =	vnsel vm3, s25, v28;
	v33 =	vnsel vm4, s28, v29  }
0x2d1: {  	vm13 =	vlt.f32 v10, v26;
	v23 =	vsel vm3, v23, v10;
	v35 =	vsel vm3, s25, v28  }
0x2d2: {  	v17 =	vnsel vm1, s29, v17;
	v13 =	vsel vm1, v21, v13;
	vm14 =	veq.s32 v7, v6  }
0x2d3: {  	vm15 =	vlt.f32 v11, v19;
	vm11 =	vlt.f32 v11, v15;
	v9 =	vmul.f32 v9, v9  }
0x2d4: {  	v34 =	vsel vm13, v26, v10;
	v23 =	vsel vm13, v23, v26;
	v24 =	vsel vm13, v32, v62  }
0x2d5: {  	v7 =	vsel vm0, v17, v16;
	v36 =	vsel vm15, v22, v19;
	v9 =	vadd.f32 v9, v63  }
0x2d6: {  	v37 =	vsel vm15, v33, v8;
	vm7 =	vlt.f32 v11, v13;
	v38 =	vnsel vm13, s25, v62  }
0x2d7: {  	v41 =	vsel vm15, v19, v11;
	v8 =	vnsel vm15, s28, v8;
	v9 =	vsel vm14, $0x7F800000, v9  }
0x2d8: {  	v40 =	vsel vm7, v13, v11;
	vm8 =	vlt.f32 v10, v36;
	vm6 =	vlt.f32 v9, v12  }
0x2d9: {  	v42 =	vnsel vm7, s28, v14;
	v8 =	vsel vm7, v8, v14;
	v39 =	vsel vm6, s26, v35  }
0x2da: {  	v13 =	vsel vm7, v41, v13;
	v46 =	vsel vm8, v36, v10;
	v16 =	vsel vm8, v34, v36  }
0x2db: {  	v44 =	vld.idx.msk [tilespmem:v6+s18+$0x0], $0xffff;
	vm12 =	vlt.f32 v10, v13;
	vm9 =	vlt.f32 v9, v23;
	v43 =	vnsel vm6, s26, v35  }
0x2dc: {  	v45 =	vld.idx.msk [tilespmem:v6+s19+$0x0], $0xffff;
	v15 =	vsel vm11, v40, v15;
	v17 =	vnsel vm8, s25, v37;
	v22 =	vsel vm9, v43, v24  }
0x2dd: {  	v47 =	vld.idx.msk [tilespmem:v6+s20+$0x0], $0xffff;
	v7 =	vsel vm11, v42, v7;
	v14 =	vsel vm12, v46, v13;
	v17 =	vsel vm12, v17, v8  }
0x2de: {  	v12 =	vsel vm8, v38, v37;
	vm10 =	vlt.f32 v9, v16;
	v48 =	vnsel vm9, s26, v24;
	v49 =	vld.idx.msk [tilespmem:v39+s18+$0x0], $0xffff  }
0x2df: {  	v53 =	vsel vm12, v13, v10;
	vm14 =	vlt.f32 v10, v15;
	v50 =	vsel vm10, v48, v12;
	v51 =	vld.idx.msk [tilespmem:v39+s19+$0x0], $0xffff  }
0x2e0: {  	v8 =	vnsel vm12, s25, v8;
	vm13 =	vlt.f32 v9, v14;
	v10 =	vsel vm14, v53, v15;
	v18 =	vld.idx.msk [tilespmem:v39+s20+$0x0], $0xffff  }
0x2e1: {  	v7 =	vsel vm14, v8, v7;
	vm15 =	vlt.f32 v9, v10;
	v8 =	vnsel vm13, s26, v17;
	v52 =	vld.idx.msk [tilespmem:v22+s18+$0x0], $0xffff  }
0x2e2: {  	v12 =	vnsel vm10, s26, v12;
	v7 =	vsel vm15, v8, v7;
	v54 =	vld.idx.msk [tilespmem:v22+s19+$0x0], $0xffff  }
0x2e3: {  	v12 =	vsel vm13, v12, v17;
	v55 =	vld.idx.msk [tilespmem:v22+s20+$0x0], $0xffff  }
0x2e4: {  	v56 =	vld.idx.msk [tilespmem:v50+s18+$0x0], $0xffff  }
0x2e5: {  	v8 =	vadd.f32 $0.0e+00, v44;
	v57 =	vld.idx.msk [tilespmem:v50+s19+$0x0], $0xffff  }
0x2e6: {  	v58 =	vadd.f32 $0.0e+00, v45;
	v11 =	vld.idx.msk [tilespmem:v50+s20+$0x0], $0xffff  }
0x2e7: {  	v59 =	vadd.f32 $0.0e+00, v47;
	v62 =	vld.idx.msk [tilespmem:v7+s18+$0x0], $0xffff;
	v8 =	vadd.f32 v49, v8  }
0x2e8: {  	v60 =	vld.idx.msk [tilespmem:v12+s18+$0x0], $0xffff;
	v16 =	vadd.f32 v51, v58  }
0x2e9: {  	v61 =	vld.idx.msk [tilespmem:v12+s19+$0x0], $0xffff;
	v18 =	vadd.f32 v18, v59;
	v8 =	vadd.f32 v52, v8  }
0x2ea: {  	v12 =	vld.idx.msk [tilespmem:v12+s20+$0x0], $0xffff;
	v13 =	vadd.f32 v54, v16  }
0x2eb: {  	v63 =	vld.idx.msk [tilespmem:v7+s19+$0x0], $0xffff;
	v15 =	vadd.f32 v55, v18;
	v8 =	vadd.f32 v56, v8  }
0x2ec: {  	v7 =	vld.idx.msk [tilespmem:v7+s20+$0x0], $0xffff;
	v10 =	vadd.f32 v57, v13  }
0x2ed: {  	v11 =	vadd.f32 v11, v15;
	v8 =	vadd.f32 v60, v8  }
0x2ee: {  	v10 =	vadd.f32 v61, v10  }
0x2ef: {  	v11 =	vadd.f32 v12, v11;
	v8 =	vadd.f32 v62, v8  }
0x2f0: {  	v9 =	vadd.f32 v63, v10  }
0x2f1: {  	v7 =	vadd.f32 v7, v11;
	[tilespmem:$0x5160] =	vst v8  }
0x2f2: {  	[tilespmem:$0x51E0] =	vst v9  }
0x2f3: {  	[tilespmem:$0x5260] =	vst v7  }
0x2f4: {  	[hbm4b:s10+s2] =	stream.linear.scatter [tilespmem:s21], [sflag:$0x1], $0x70, $0x38;
	[tilespmem:$0x5280] =	vst v63  }
0x2f5: {  	_ =	swait.ge [sflag:s14], $0x70  }
0x2f6: {  	[sflag:s14] =	ssyncset.done $0x0  }
0x2f7: {  	[sflag:s14] =	ssyncadd.s32 $0xFFFFFF90  }
0x2f8: {  	[hbm4b:s11+s2] =	stream.linear.scatter [tilespmem:s22], [sflag:$0x1], $0x70, $0x38;
	[tilespmem:$0x5280] =	vst v63  }
0x2f9: {  	s24 =	sadd.s32 $0x1, s24;
	_ =	swait.ge [sflag:s14], $0x70  }
0x2fa: {  	p0 =	sne.s32 s24, s13;
	[sflag:s14] =	ssyncset.done $0x0  }
.Ltmp7:
0x2fb: {  	[sflag:s14] =	ssyncadd.s32 $0xFFFFFF90;
	(pc) =	sbr.rel @p0 .LBB2_1-.Ltmp7, $4  }
0x2fc: {  	[hbm4b:s12+s2] =	stream.linear.scatter [tilespmem:s23], [sflag:$0x1], $0x70, $0x38;
	[tilespmem:$0x5280] =	vst v63  }
0x2fd: {  	_ =	swait.ge [sflag:s14], $0x70  }
0x2fe: {  	[sflag:s14] =	ssyncset.done $0x0  }
0x2ff: {  	[sflag:s14] =	ssyncadd.s32 $0xFFFFFF90  }
0x300: {  	_ =	sfence.sel $0x180000  }
0x301: {  	[bflag:$0x0] =	sbarrier.arrive $0xFFFF  }
0x302: {  	_ =	strace $0x90000047  }
0x303: {  	s0 =	stileid.u32;
	[bflag:$0x2] =	sbarrier.arrive $0xFFFF  }
0x304: {  	p0 =	sne.s32 s0, $0x0;
	s0 =	rddreg [dreg:$0x2]  }
0x305: {  	s0 =	sadd.s32 @!p0 $0x100000, s0  }
0x306: {  	[sflag:s0] =	ssyncadd.tile.s32 @!p0 $0x1;
	_ =	shalt  }
.Lfunc_end2:
_tile_overlayer_lowered:
.L_overlay_start_2:
0x307: {  	(tag) =	ssettag $0x2  }
0x308: {  	s0 =	rddreg [dreg:$0x0];
	s2 =	stileid.u32  }
0x309: {  	s1 =	rddreg [dreg:$0x1];
	p0 =	sne.s32 s2, $0x0  }
0x30a: {  	s3 =	rddreg [dreg:$0x2];
	[bflag:$0x3] =	sbarrier.arrive $0xFFFF;
	s2 =	simm.s32 @!p0 $0x1C01  }
0x30b: {  	[timem:s3], [sflag:s2] =	dma.local @!p0 [hbm:s0], s1  }
0x30c: {  	s0 =	simm.s32 @!p0 $0x1  }
0x30d: {  	_ =	swait.ge @!p0 [sflag:s0], s1  }
0x30e: {  	s1 =	ssub.s32 @!p0 $0x0, s1;
	[sflag:s0] =	ssyncset.done @!p0 $0x0  }
0x30f: {  	[sflag:s0] =	ssyncadd.s32 @!p0 s1  }
0x310: {  	[bflag:$0x3] =	sbarrier.arrive $0xFFFF  }
0x311: {  	_ =	shalt  }

</sc_bundles>
